<compile_context>
chip_gen: v7x
topology: tpu7x:2x2x1
jax: 0.10.2.dev20260603
libtpu: 0.0.44.dev20260713+nightly
codegen_flags: <defaults>
</compile_context>

<pallas_src>
import jax
import jax.numpy as jnp
from jax import lax
from jax.experimental import pallas as pl
from jax.experimental.pallas import tpu as pltpu
from jax.experimental.pallas import tpu_sc as plsc

N_NODES = 10000
N_EDGES = 320000
D_FEAT = 128
N_GRAPHS = 64
AUG_RATIO = 0.4

_NS = 16
_ROWS_PT = 632
_NP = _NS * _ROWS_PT
_CHUNK = 128
_CAP_CH = 2560
_ECAP = _CAP_CH * _CHUNK


def _seg_body(xt_hbm, yt_hbm, zt_hbm, src_hbm, dst_hbm, meta_hbm,
              aggx_hbm, aggy_hbm, meta_v, src_a, dst_a, src_b, dst_b,
              rows_a, rows_b, sem_a, sem_b, acc_sh):
    c = lax.axis_index("c")
    s = lax.axis_index("s")
    pltpu.sync_copy(meta_hbm.at[s], meta_v)
    mv = meta_v[pl.ds(0, 16)]
    start_c = mv[0]
    n_c = mv[1]
    row0 = s * _ROWS_PT

    def run(tab_hbm, out_hbm):
        pltpu.sync_copy(zt_hbm.at[pl.ds(row0, _ROWS_PT)],
                        acc_sh.at[pl.ds(row0, _ROWS_PT)])

        def fetch(j, src_v, dst_v, rows_v, sem):
            off = pl.multiple_of((start_c + j) * _CHUNK, 8)
            pltpu.sync_copy(src_hbm.at[pl.ds(off, _CHUNK)], src_v)
            pltpu.sync_copy(dst_hbm.at[pl.ds(off, _CHUNK)], dst_v)
            pltpu.async_copy(tab_hbm.at[src_v], rows_v, sem)

        @pl.when(n_c > 0)
        def _():
            fetch(0, src_a, dst_a, rows_a, sem_a)

        def chunk(j, carry):
            def step(src_c, dst_c, rows_c, sem_c, src_n, dst_n, rows_n,
                     sem_n):
                @pl.when(j + 1 < n_c)
                def _():
                    fetch(j + 1, src_n, dst_n, rows_n, sem_n)
                pltpu.make_async_copy(tab_hbm.at[src_c], rows_c,
                                      sem_c).wait()
                pltpu.sync_copy(rows_c, acc_sh.at[dst_c], add=True)

            @pl.when(j % 2 == 0)
            def _():
                step(src_a, dst_a, rows_a, sem_a, src_b, dst_b, rows_b,
                     sem_b)

            @pl.when(j % 2 == 1)
            def _():
                step(src_b, dst_b, rows_b, sem_b, src_a, dst_a, rows_a,
                     sem_a)

            return carry

        lax.fori_loop(0, n_c, chunk, 0)
        pltpu.sync_copy(acc_sh.at[pl.ds(row0, _ROWS_PT)],
                        out_hbm.at[pl.ds(row0, _ROWS_PT)])

    @pl.when(c == 0)
    def _():
        run(xt_hbm, aggx_hbm)

    @pl.when(c == 1)
    def _():
        run(yt_hbm, aggy_hbm)


_seg_call = pl.kernel(
    _seg_body,
    out_type=[jax.ShapeDtypeStruct((_NP, D_FEAT), jnp.float32)] * 2,
    mesh=plsc.VectorSubcoreMesh(core_axis_name="c", subcore_axis_name="s"),
    scratch_types=[
        pltpu.VMEM((_CHUNK,), jnp.int32),
        pltpu.VMEM((_CHUNK,), jnp.int32),
        pltpu.VMEM((_CHUNK,), jnp.int32),
        pltpu.VMEM((_CHUNK,), jnp.int32),
        pltpu.VMEM((_CHUNK,), jnp.int32),
        pltpu.VMEM((_CHUNK, D_FEAT), jnp.float32),
        pltpu.VMEM((_CHUNK, D_FEAT), jnp.float32),
        pltpu.SemaphoreType.DMA,
        pltpu.SemaphoreType.DMA,
        pltpu.VMEM_SHARED((_NP, D_FEAT), jnp.float32),
    ],
)


def _prep_edges(src, dst):
    bucket = dst // _ROWS_PT
    onehot = (bucket[:, None] == jnp.arange(_NS, dtype=jnp.int32)[None, :]
              ).astype(jnp.float32)
    ob = onehot.reshape(N_EDGES // _CHUNK, _CHUNK, _NS)
    hist = ob.sum(axis=1)
    blk_pre = jnp.cumsum(hist, axis=0) - hist
    lt = jnp.tril(jnp.ones((_CHUNK, _CHUNK), jnp.float32), -1)
    within = jnp.einsum("ij,bjk->bik", lt, ob)
    pre = (blk_pre[:, None, :] + within).reshape(N_EDGES, _NS)
    rank = jnp.take_along_axis(pre, bucket[:, None].astype(jnp.int32), axis=1
                               )[:, 0].astype(jnp.int32)
    cnts = (blk_pre[-1] + hist[-1]).astype(jnp.int32)
    nch = (cnts + _CHUNK - 1) // _CHUNK
    c_starts = jnp.cumsum(nch) - nch
    slot = c_starts[bucket] * _CHUNK + rank
    tile_of_chunk = (jnp.searchsorted(c_starts, jnp.arange(_CAP_CH),
                                      side="right") - 1).astype(jnp.int32)
    pad_dst = jnp.repeat(tile_of_chunk * _ROWS_PT, _CHUNK)
    src_f = (jnp.full((_ECAP,), N_NODES, jnp.int32)
             .at[slot].add(src - N_NODES, unique_indices=True))
    dst_f = pad_dst.at[slot].add(dst - pad_dst[slot], unique_indices=True)
    meta = (jnp.zeros((_NS, 128), jnp.int32)
            .at[:, 0].set(c_starts.astype(jnp.int32))
            .at[:, 1].set(nch.astype(jnp.int32)))
    return src_f, dst_f, meta


def _gru_dir(seq, Wih, Whh, bih, bhh):
    H = Whh.shape[1]
    h0 = jnp.zeros((seq.shape[1], H), dtype=seq.dtype)

    def step(h, x_t):
        gi = x_t @ Wih.T + bih
        gh = h @ Whh.T + bhh
        ir, iz, inn = jnp.split(gi, 3, axis=-1)
        hr, hz, hn = jnp.split(gh, 3, axis=-1)
        r = jax.nn.sigmoid(ir + hr)
        z = jax.nn.sigmoid(iz + hz)
        n = jnp.tanh(inn + r * hn)
        h_new = (1.0 - z) * n + z * h
        return h_new, h_new

    _, out = jax.lax.scan(step, h0, seq)
    return out


def kernel(x, smi_em, edge_index, batch, Wih_f, Whh_f, bih_f, bhh_f,
           Wih_r, Whh_r, bih_r, bhh_r, fc1_w, fc1_b, fc2_w, fc2_b,
           lin1_w, lin1_b, lin2_w, lin2_b, g1_w, g1_b, g2_w, g2_b,
           f1_w, f1_b, f2_w, f2_b, c1_w, c1_b, c2_w, c2_b):
    s = smi_em.reshape(-1, 100, 100)
    fwd = _gru_dir(s, Wih_f, Whh_f, bih_f, bhh_f)
    rev = _gru_dir(s[::-1], Wih_r, Whh_r, bih_r, bhh_r)[::-1]
    h = jax.nn.relu(jnp.concatenate([fwd, rev], axis=-1))
    t = jax.nn.relu(h @ fc1_w.T + fc1_b) @ fc2_w.T + fc2_b
    att = jax.nn.softmax(jnp.tanh(t), axis=1)
    smi = jnp.sum(jnp.matmul(att.transpose(0, 2, 1), h), axis=1) / 10.0
    smi = (smi @ lin1_w.T + lin1_b) @ lin2_w.T + lin2_b

    src = edge_index[0].astype(jnp.int32)
    dst = edge_index[1].astype(jnp.int32)
    src_f, dst_f, meta = _prep_edges(src, dst)

    keep = (jax.random.uniform(jax.random.key(42), (N_NODES,)) < AUG_RATIO
            ).astype(x.dtype)
    y = x * keep[:, None]
    zpad = jnp.zeros((_NP - N_NODES, D_FEAT), jnp.float32)
    x_t = jnp.concatenate([x, zpad])
    y_t = jnp.concatenate([y, zpad])

    z_t = jnp.zeros((_NP, D_FEAT), jnp.float32)

    sx1, sy1 = _seg_call(x_t, y_t, z_t, src_f, dst_f, meta)
    h1x = jax.nn.relu((x + sx1[:N_NODES]) @ c1_w.T + c1_b)
    h1y = jax.nn.relu((y + sy1[:N_NODES]) @ c1_w.T + c1_b)

    sx2, sy2 = _seg_call(jnp.concatenate([h1x, zpad]),
                         jnp.concatenate([h1y, zpad]), z_t, src_f, dst_f, meta)
    h2x = jax.nn.relu((h1x + sx2[:N_NODES]) @ c2_w.T + c2_b)
    h2y = jax.nn.relu((h1y + sy2[:N_NODES]) @ c2_w.T + c2_b)

    def pool_mlp(h2):
        gmax = jax.ops.segment_max(h2, batch, num_segments=N_GRAPHS)
        ssum = jax.ops.segment_sum(h2, batch, num_segments=N_GRAPHS)
        cnt = jax.ops.segment_sum(jnp.ones((N_NODES, 1), h2.dtype), batch,
                                  num_segments=N_GRAPHS)
        gmean = ssum / jnp.maximum(cnt, 1.0)
        g = jnp.concatenate([gmax, gmean], axis=1)
        return jax.nn.relu(g @ g1_w.T + g1_b) @ g2_w.T + g2_b

    x_g = pool_mlp(h2x)
    y_g = pool_mlp(h2y)

    z = jnp.concatenate([x_g, smi], axis=1)
    z = jax.nn.relu(z @ f1_w.T + f1_b) @ f2_w.T + f2_b
    return (z, x_g, y_g)

# --- scband reference (transcript-rebuilt; emitter-appended) ---
"""Pipeline reference for scband-cmms-gcl-15848429322904 (READ-ONLY COPY).

The authoritative reference and input builder live on the scoring server;
editing this copy changes nothing except your own understanding.
"""

import jax, jax.numpy as jnp
import numpy as np

N_NODES = 10000
N_EDGES = 320000
D_FEAT = 128
N_GRAPHS = 64
AUG_RATIO = 0.4


def _gru_dir(seq, Wih, Whh, bih, bhh):
    H = Whh.shape[1]
    h0 = jnp.zeros((seq.shape[1], H), dtype=seq.dtype)
    def step(h, x_t):
        gi = x_t @ Wih.T + bih
        gh = h @ Whh.T + bhh
        ir, iz, inn = jnp.split(gi, 3, axis=-1)
        hr, hz, hn = jnp.split(gh, 3, axis=-1)
        r = jax.nn.sigmoid(ir + hr)
        z = jax.nn.sigmoid(iz + hz)
        n = jnp.tanh(inn + r * hn)
        h_new = (1.0 - z) * n + z * h
        return h_new, h_new
    _, out = jax.lax.scan(step, h0, seq)
    return out


def _forward(x, smi_em, Wih_f, Whh_f, bih_f, bhh_f, Wih_r, Whh_r, bih_r, bhh_r,
             fc1_w, fc1_b, fc2_w, fc2_b, lin1_w, lin1_b, lin2_w, lin2_b,
             g1_w, g1_b, g2_w, g2_b, f1_w, f1_b, f2_w, f2_b,
             c1_w, c1_b, c2_w, c2_b, edge_index, batch):
    s = smi_em.reshape(-1, 100, 100)
    fwd = _gru_dir(s, Wih_f, Whh_f, bih_f, bhh_f)
    rev = _gru_dir(s[::-1], Wih_r, Whh_r, bih_r, bhh_r)[::-1]
    h = jax.nn.relu(jnp.concatenate([fwd, rev], axis=-1))
    t = jax.nn.relu(h @ fc1_w.T + fc1_b) @ fc2_w.T + fc2_b
    att = jax.nn.softmax(jnp.tanh(t), axis=1)
    smi = jnp.sum(jnp.matmul(att.transpose(0, 2, 1), h), axis=1) / 10.0
    smi = (smi @ lin1_w.T + lin1_b) @ lin2_w.T + lin2_b
    src, dst = edge_index[0], edge_index[1]
    def gin(h_in, w, b):
        agg = jax.ops.segment_sum(h_in[src], dst, num_segments=N_NODES)
        return (h_in + agg) @ w.T + b
    def graph_branch(feat):
        h1 = jax.nn.relu(gin(feat, c1_w, c1_b))
        h2 = jax.nn.relu(gin(h1, c2_w, c2_b))
        gmax = jax.ops.segment_max(h2, batch, num_segments=N_GRAPHS)
        ssum = jax.ops.segment_sum(h2, batch, num_segments=N_GRAPHS)
        cnt = jax.ops.segment_sum(jnp.ones((N_NODES, 1), h2.dtype), batch, num_segments=N_GRAPHS)
        gmean = ssum / jnp.maximum(cnt, 1.0)
        g = jnp.concatenate([gmax, gmean], axis=1)
        return jax.nn.relu(g @ g1_w.T + g1_b) @ g2_w.T + g2_b
    x_g = graph_branch(x)
    keep = (jax.random.uniform(jax.random.key(42), (N_NODES,)) < AUG_RATIO).astype(x.dtype)
    y = x * keep[:, None]
    y_g = graph_branch(y)
    z = jnp.concatenate([x_g, smi], axis=1)
    z = jax.nn.relu(z @ f1_w.T + f1_b) @ f2_w.T + f2_b
    return (z, x_g, y_g)


def setup_inputs(seed: int = 0):
    key = jax.random.key(seed)
    ks = jax.random.split(key, 32)
    def p(i, shape):
        return jax.random.normal(ks[i], shape, jnp.float32) * 0.05
    inp = {}
    inp['x'] = jax.random.normal(ks[0], (N_NODES, D_FEAT), jnp.float32)
    inp['smi_em'] = jax.random.normal(ks[1], (N_GRAPHS, 100, 100), jnp.float32)
    inp['edge_index'] = jax.random.randint(ks[2], (2, N_EDGES), 0, N_NODES)
    inp['batch'] = jnp.sort(jax.random.randint(ks[3], (N_NODES,), 0, N_GRAPHS))
    inp['Wih_f'] = p(4, (300, 100)); inp['Whh_f'] = p(5, (300, 100)); inp['bih_f'] = p(6, (300,)); inp['bhh_f'] = p(7, (300,))
    inp['Wih_r'] = p(8, (300, 100)); inp['Whh_r'] = p(9, (300, 100)); inp['bih_r'] = p(10, (300,)); inp['bhh_r'] = p(11, (300,))
    inp['fc1_w'] = p(12, (512, 200)); inp['fc1_b'] = p(13, (512,)); inp['fc2_w'] = p(14, (256, 512)); inp['fc2_b'] = p(15, (256,))
    inp['lin1_w'] = p(16, (512, 200)); inp['lin1_b'] = p(17, (512,)); inp['lin2_w'] = p(18, (256, 512)); inp['lin2_b'] = p(19, (256,))
    inp['g1_w'] = p(20, (1024, 2560)); inp['g1_b'] = p(21, (1024,)); inp['g2_w'] = p(22, (512, 1024)); inp['g2_b'] = p(23, (512,))
    inp['f1_w'] = p(24, (256, 768)); inp['f1_b'] = p(25, (256,)); inp['f2_w'] = p(26, (1, 256)); inp['f2_b'] = p(27, (1,))
    inp['c1_w'] = p(28, (D_FEAT, D_FEAT)); inp['c1_b'] = p(29, (D_FEAT,))
    inp['c2_w'] = p(30, (D_FEAT * 10, D_FEAT)); inp['c2_b'] = p(31, (D_FEAT * 10,))
    return inp


def reference(x, smi_em, edge_index, batch, Wih_f, Whh_f, bih_f, bhh_f, Wih_r, Whh_r, bih_r, bhh_r,
              fc1_w, fc1_b, fc2_w, fc2_b, lin1_w, lin1_b, lin2_w, lin2_b,
              g1_w, g1_b, g2_w, g2_b, f1_w, f1_b, f2_w, f2_b, c1_w, c1_b, c2_w, c2_b):
    return _forward(x, smi_em, Wih_f, Whh_f, bih_f, bhh_f, Wih_r, Whh_r, bih_r, bhh_r,
                    fc1_w, fc1_b, fc2_w, fc2_b, lin1_w, lin1_b, lin2_w, lin2_b,
                    g1_w, g1_b, g2_w, g2_b, f1_w, f1_b, f2_w, f2_b,
                    c1_w, c1_b, c2_w, c2_b, edge_index, batch)

if __name__ == "__main__":
    import jax
    _d = setup_inputs()
    print(jax.jit(kernel)(*tuple(_d.values())))

</pallas_src>

<mosaic_0001>
#map = affine_map<(d0, d1) -> (0, 0)>
#map1 = affine_map<(d0, d1) -> (0)>
module attributes {stable_mosaic.version = 14 : i64} {
  func.func @_seg_body(%arg0: i32, %arg1: i32, %arg2: memref<10112x128xf32, #tpu.memory_space<hbm>>, %arg3: memref<10112x128xf32, #tpu.memory_space<hbm>>, %arg4: memref<10112x128xf32, #tpu.memory_space<hbm>>, %arg5: memref<327680xi32, #tpu.memory_space<hbm>>, %arg6: memref<327680xi32, #tpu.memory_space<hbm>>, %arg7: memref<16x128xi32, #tpu.memory_space<hbm>>, %arg8: memref<10112x128xf32, #tpu.memory_space<hbm>>, %arg9: memref<10112x128xf32, #tpu.memory_space<hbm>>, %arg10: memref<128xi32, #tpu.memory_space<vmem>>, %arg11: memref<128xi32, #tpu.memory_space<vmem>>, %arg12: memref<128xi32, #tpu.memory_space<vmem>>, %arg13: memref<128xi32, #tpu.memory_space<vmem>>, %arg14: memref<128xi32, #tpu.memory_space<vmem>>, %arg15: memref<128x128xf32, #tpu.memory_space<vmem>>, %arg16: memref<128x128xf32, #tpu.memory_space<vmem>>, %arg17: memref<!tpu.dma_semaphore, #tpu.memory_space<semaphore_mem>>, %arg18: memref<!tpu.dma_semaphore, #tpu.memory_space<semaphore_mem>>, %arg19: memref<10112x128xf32, #tpu.memory_space<vmem_shared>>) attributes {dimension_semantics = [#tpu.dimension_semantics<core_parallel>, #tpu.dimension_semantics<subcore_parallel>], iteration_bounds = array<i64: 2, 16>, scalar_prefetch = 0 : i64, scratch_operands = 10 : i64, tpu.core_type = #tpu.core_type<sc_vector_subcore>, window_params = [{transform_indices = #map}, {transform_indices = #map}, {transform_indices = #map}, {transform_indices = #map1}, {transform_indices = #map1}, {transform_indices = #map}, {transform_indices = #map}, {transform_indices = #map}]} {
    "tpu.region"() ({
      %run_scoped3A = tpu.sem_alloc : memref<!tpu.dma_semaphore, #tpu.memory_space<semaphore_mem>>
      %dma_start3A = arith.constant 0 : i32
      %dma_start3A_12 = tpu.memref_slice %arg7[%arg1, %dma_start3A] : memref<16x128xi32, #tpu.memory_space<hbm>> -> memref<1x128xi32, #tpu.memory_space<hbm>>
      %dma_start3A_13 = tpu.memref_squeeze %dma_start3A_12 : memref<1x128xi32, #tpu.memory_space<hbm>> -> memref<128xi32, #tpu.memory_space<hbm>>
      %dma_start3A_14 = arith.constant 0 : i32
      %dma_start3A_15 = tpu.memref_slice %arg7[%arg1, %dma_start3A_14] : memref<16x128xi32, #tpu.memory_space<hbm>> -> memref<1x128xi32, #tpu.memory_space<hbm>>
      %dma_start3A_16 = tpu.memref_squeeze %dma_start3A_15 : memref<1x128xi32, #tpu.memory_space<hbm>> -> memref<128xi32, #tpu.memory_space<hbm>>
      tpu.enqueue_dma source(%dma_start3A_16 : memref<128xi32, #tpu.memory_space<hbm>>) target(%arg10 : memref<128xi32, #tpu.memory_space<vmem>>) target_semaphore(%run_scoped3A : memref<!tpu.dma_semaphore, #tpu.memory_space<semaphore_mem>>)
      %dma_wait3A = arith.constant 0 : i32
      %dma_wait3A_17 = tpu.memref_slice %arg7[%arg1, %dma_wait3A] : memref<16x128xi32, #tpu.memory_space<hbm>> -> memref<1x128xi32, #tpu.memory_space<hbm>>
      %dma_wait3A_18 = tpu.memref_squeeze %dma_wait3A_17 : memref<1x128xi32, #tpu.memory_space<hbm>> -> memref<128xi32, #tpu.memory_space<hbm>>
      %dma_wait3A_19 = arith.constant 0 : i32
      %dma_wait3A_20 = tpu.memref_slice %arg7[%arg1, %dma_wait3A_19] : memref<16x128xi32, #tpu.memory_space<hbm>> -> memref<1x128xi32, #tpu.memory_space<hbm>>
      %dma_wait3A_21 = tpu.memref_squeeze %dma_wait3A_20 : memref<1x128xi32, #tpu.memory_space<hbm>> -> memref<128xi32, #tpu.memory_space<hbm>>
      tpu.wait_dma2 semaphore(%run_scoped3A : memref<!tpu.dma_semaphore, #tpu.memory_space<semaphore_mem>>) src(%dma_wait3A_21 : memref<128xi32, #tpu.memory_space<hbm>>) dst(%arg10 : memref<128xi32, #tpu.memory_space<vmem>>)
      tpu.yield
    }) : () -> ()
    %get3A = arith.constant 0 : index
    %get3A_0 = tpu.vector_load %arg10[%get3A] {strides = array<i32>} : memref<128xi32, #tpu.memory_space<vmem>>, vector<16xi32>,
    %get3A_1 = vector.shape_cast %get3A_0 : vector<16xi32> to vector<16xi32>
    %slice3A = vector.extract_strided_slice %get3A_1 {offsets = [0], sizes = [1], strides = [1]} : vector<16xi32> to vector<1xi32>
    %squeeze3A = vector.extract %slice3A[0] : i32 from vector<1xi32>
    %slice3A_2 = vector.extract_strided_slice %get3A_1 {offsets = [1], sizes = [1], strides = [1]} : vector<16xi32> to vector<1xi32>
    %squeeze3A_3 = vector.extract %slice3A_2[0] : i32 from vector<1xi32>
    %mul3A = arith.constant 632 : i32
    %mul3A_4 = arith.muli %arg1, %mul3A : i32
    %eq3A = arith.constant 0 : i32
    %eq3A_5 = arith.cmpi eq, %arg0, %eq3A : i32
    %convert_element_type3A = arith.extui %eq3A_5 : i1 to i32
    %cond3A = arith.constant 0 : i32
    %cond3A_6 = arith.cmpi ne, %convert_element_type3A, %cond3A : i32
    scf.if %cond3A_6 {
      "tpu.region"() ({
        %run_scoped3A = tpu.sem_alloc : memref<!tpu.dma_semaphore, #tpu.memory_space<semaphore_mem>>
        %dma_start3A = arith.constant 0 : i32
        %dma_start3A_25 = tpu.memref_slice %arg19[%mul3A_4, %dma_start3A] : memref<10112x128xf32, #tpu.memory_space<vmem_shared>> -> memref<632x128xf32, #tpu.memory_space<vmem_shared>>
        %dma_start3A_26 = arith.constant 0 : i32
        %dma_start3A_27 = tpu.memref_slice %arg4[%mul3A_4, %dma_start3A_26] : memref<10112x128xf32, #tpu.memory_space<hbm>> -> memref<632x128xf32, #tpu.memory_space<hbm>>
        tpu.enqueue_dma source(%dma_start3A_27 : memref<632x128xf32, #tpu.memory_space<hbm>>) target(%dma_start3A_25 : memref<632x128xf32, #tpu.memory_space<vmem_shared>>) target_semaphore(%run_scoped3A : memref<!tpu.dma_semaphore, #tpu.memory_space<semaphore_mem>>)
        %dma_wait3A = arith.constant 0 : i32
        %dma_wait3A_28 = tpu.memref_slice %arg19[%mul3A_4, %dma_wait3A] : memref<10112x128xf32, #tpu.memory_space<vmem_shared>> -> memref<632x128xf32, #tpu.memory_space<vmem_shared>>
        %dma_wait3A_29 = arith.constant 0 : i32
        %dma_wait3A_30 = tpu.memref_slice %arg4[%mul3A_4, %dma_wait3A_29] : memref<10112x128xf32, #tpu.memory_space<hbm>> -> memref<632x128xf32, #tpu.memory_space<hbm>>
        tpu.wait_dma2 semaphore(%run_scoped3A : memref<!tpu.dma_semaphore, #tpu.memory_space<semaphore_mem>>) src(%dma_wait3A_30 : memref<632x128xf32, #tpu.memory_space<hbm>>) dst(%dma_wait3A_28 : memref<632x128xf32, #tpu.memory_space<vmem_shared>>)
        tpu.yield
      }) : () -> ()
      %gt3A = arith.constant 0 : i32
      %gt3A_12 = arith.cmpi sgt, %squeeze3A_3, %gt3A : i32
      %convert_element_type3A_13 = arith.extui %gt3A_12 : i1 to i32
      %cond3A_14 = arith.constant 0 : i32
      %cond3A_15 = arith.cmpi ne, %convert_element_type3A_13, %cond3A_14 : i32
      scf.if %cond3A_15 {
        %add3A = arith.constant 0 : i32
        %add3A_25 = arith.addi %squeeze3A, %add3A : i32
        %mul3A_26 = arith.constant 128 : i32
        %mul3A_27 = arith.muli %add3A_25, %mul3A_26 : i32
        %multiple_of3A = tpu.assume_multiple %mul3A_27, 8 : i32
        "tpu.region"() ({
          %run_scoped3A = tpu.sem_alloc : memref<!tpu.dma_semaphore, #tpu.memory_space<semaphore_mem>>
          %dma_start3A_30 = tpu.memref_slice %arg5[%multiple_of3A] : memref<327680xi32, #tpu.memory_space<hbm>> -> memref<128xi32, #tpu.memory_space<hbm>>
          %dma_start3A_31 = tpu.memref_slice %arg5[%multiple_of3A] : memref<327680xi32, #tpu.memory_space<hbm>> -> memref<128xi32, #tpu.memory_space<hbm>>
          tpu.enqueue_dma source(%dma_start3A_31 : memref<128xi32, #tpu.memory_space<hbm>>) target(%arg11 : memref<128xi32, #tpu.memory_space<vmem>>) target_semaphore(%run_scoped3A : memref<!tpu.dma_semaphore, #tpu.memory_space<semaphore_mem>>)
          %dma_wait3A = tpu.memref_slice %arg5[%multiple_of3A] : memref<327680xi32, #tpu.memory_space<hbm>> -> memref<128xi32, #tpu.memory_space<hbm>>
          %dma_wait3A_32 = tpu.memref_slice %arg5[%multiple_of3A] : memref<327680xi32, #tpu.memory_space<hbm>> -> memref<128xi32, #tpu.memory_space<hbm>>
          tpu.wait_dma2 semaphore(%run_scoped3A : memref<!tpu.dma_semaphore, #tpu.memory_space<semaphore_mem>>) src(%dma_wait3A_32 : memref<128xi32, #tpu.memory_space<hbm>>) dst(%arg11 : memref<128xi32, #tpu.memory_space<vmem>>)
          tpu.yield
        }) : () -> ()
        "tpu.region"() ({
          %run_scoped3A = tpu.sem_alloc : memref<!tpu.dma_semaphore, #tpu.memory_space<semaphore_mem>>
          %dma_start3A_30 = tpu.memref_slice %arg6[%multiple_of3A] : memref<327680xi32, #tpu.memory_space<hbm>> -> memref<128xi32, #tpu.memory_space<hbm>>
          %dma_start3A_31 = tpu.memref_slice %arg6[%multiple_of3A] : memref<327680xi32, #tpu.memory_space<hbm>> -> memref<128xi32, #tpu.memory_space<hbm>>
          tpu.enqueue_dma source(%dma_start3A_31 : memref<128xi32, #tpu.memory_space<hbm>>) target(%arg12 : memref<128xi32, #tpu.memory_space<vmem>>) target_semaphore(%run_scoped3A : memref<!tpu.dma_semaphore, #tpu.memory_space<semaphore_mem>>)
          %dma_wait3A = tpu.memref_slice %arg6[%multiple_of3A] : memref<327680xi32, #tpu.memory_space<hbm>> -> memref<128xi32, #tpu.memory_space<hbm>>
          %dma_wait3A_32 = tpu.memref_slice %arg6[%multiple_of3A] : memref<327680xi32, #tpu.memory_space<hbm>> -> memref<128xi32, #tpu.memory_space<hbm>>
          tpu.wait_dma2 semaphore(%run_scoped3A : memref<!tpu.dma_semaphore, #tpu.memory_space<semaphore_mem>>) src(%dma_wait3A_32 : memref<128xi32, #tpu.memory_space<hbm>>) dst(%arg12 : memref<128xi32, #tpu.memory_space<vmem>>)
          tpu.yield
        }) : () -> ()
        %dma_start3A = arith.constant 0 : i32
        %dma_start3A_28 = arith.constant 0 : i32
        %dma_start3A_29 = tpu.memref_slice %arg2[%dma_start3A, %dma_start3A_28] : memref<10112x128xf32, #tpu.memory_space<hbm>> -> memref<10112x128xf32, #tpu.memory_space<hbm>>
        tpu.enqueue_indirect_dma source(%dma_start3A_29 : memref<10112x128xf32, #tpu.memory_space<hbm>>) target(%arg15 : memref<128x128xf32, #tpu.memory_space<vmem>>) offsets(%arg11 : memref<128xi32, #tpu.memory_space<vmem>>) semaphore(%arg17 : memref<!tpu.dma_semaphore, #tpu.memory_space<semaphore_mem>>)
      } else {
      }
      %while3A = arith.constant 0 : i32
      %while3A_16 = arith.constant 0 : i32
      %while3A_17 = arith.subi %squeeze3A_3, %while3A_16 : i32
      %while3A_18 = arith.addi %while3A_16, %while3A_17 : i32
      %while3A_19 = arith.constant 1 : i32
      %while3A_20 = arith.divsi %while3A_17, %while3A_19 : i32
      %while3A_21 = arith.muli %while3A_20, %while3A_19 : i32
      %while3A_22 = arith.addi %while3A_16, %while3A_21 : i32
      %while3A_23 = arith.constant 1 : i32
      scf.for %while3A_25 = %while3A_16 to %while3A_22 step %while3A_23  : i32 {
        %jit3A = arith.constant 2 : i32
        %eq3A_26 = arith.constant 0 : i32
        %eq3A_27 = arith.cmpi eq, %jit3A, %eq3A_26 : i32
        %jit3A_28 = arith.constant 1 : i32
        %select_n3A = arith.select %eq3A_27, %jit3A_28, %jit3A : i32
        %rem3A = arith.remsi %while3A_25, %select_n3A : i32
        %ne3A = arith.constant 0 : i32
        %ne3A_29 = arith.cmpi ne, %rem3A, %ne3A : i32
        %lt3A = arith.constant 0 : i32
        %lt3A_30 = arith.cmpi slt, %rem3A, %lt3A : i32
        %lt3A_31 = arith.constant 0 : i32
        %lt3A_32 = arith.cmpi slt, %select_n3A, %lt3A_31 : i32
        %ne3A_33 = arith.xori %lt3A_30, %lt3A_32 : i1
        %and3A = arith.andi %ne3A_33, %ne3A_29 : i1
        %add3A = arith.addi %rem3A, %select_n3A : i32
        %select_n3A_34 = arith.select %and3A, %add3A, %rem3A : i32
        %eq3A_35 = arith.constant 0 : i32
        %eq3A_36 = arith.cmpi eq, %select_n3A_34, %eq3A_35 : i32
        %convert_element_type3A_37 = arith.extui %eq3A_36 : i1 to i32
        %cond3A_38 = arith.constant 0 : i32
        %cond3A_39 = arith.cmpi ne, %convert_element_type3A_37, %cond3A_38 : i32
        scf.if %cond3A_39 {
          %add3A_61 = arith.constant 1 : i32
          %add3A_62 = arith.addi %while3A_25, %add3A_61 : i32
          %lt3A_63 = arith.cmpi slt, %add3A_62, %squeeze3A_3 : i32
          %convert_element_type3A_64 = arith.extui %lt3A_63 : i1 to i32
          %cond3A_65 = arith.constant 0 : i32
          %cond3A_66 = arith.cmpi ne, %convert_element_type3A_64, %cond3A_65 : i32
          scf.if %cond3A_66 {
            %add3A_69 = arith.constant 1 : i32
            %add3A_70 = arith.addi %while3A_25, %add3A_69 : i32
            %add3A_71 = arith.addi %squeeze3A, %add3A_70 : i32
            %mul3A_72 = arith.constant 128 : i32
            %mul3A_73 = arith.muli %add3A_71, %mul3A_72 : i32
            %multiple_of3A = tpu.assume_multiple %mul3A_73, 8 : i32
            "tpu.region"() ({
              %run_scoped3A = tpu.sem_alloc : memref<!tpu.dma_semaphore, #tpu.memory_space<semaphore_mem>>
              %dma_start3A_76 = tpu.memref_slice %arg5[%multiple_of3A] : memref<327680xi32, #tpu.memory_space<hbm>> -> memref<128xi32, #tpu.memory_space<hbm>>
              %dma_start3A_77 = tpu.memref_slice %arg5[%multiple_of3A] : memref<327680xi32, #tpu.memory_space<hbm>> -> memref<128xi32, #tpu.memory_space<hbm>>
              tpu.enqueue_dma source(%dma_start3A_77 : memref<128xi32, #tpu.memory_space<hbm>>) target(%arg13 : memref<128xi32, #tpu.memory_space<vmem>>) target_semaphore(%run_scoped3A : memref<!tpu.dma_semaphore, #tpu.memory_space<semaphore_mem>>)
              %dma_wait3A_78 = tpu.memref_slice %arg5[%multiple_of3A] : memref<327680xi32, #tpu.memory_space<hbm>> -> memref<128xi32, #tpu.memory_space<hbm>>
              %dma_wait3A_79 = tpu.memref_slice %arg5[%multiple_of3A] : memref<327680xi32, #tpu.memory_space<hbm>> -> memref<128xi32, #tpu.memory_space<hbm>>
              tpu.wait_dma2 semaphore(%run_scoped3A : memref<!tpu.dma_semaphore, #tpu.memory_space<semaphore_mem>>) src(%dma_wait3A_79 : memref<128xi32, #tpu.memory_space<hbm>>) dst(%arg13 : memref<128xi32, #tpu.memory_space<vmem>>)
              tpu.yield
            }) : () -> ()
            "tpu.region"() ({
              %run_scoped3A = tpu.sem_alloc : memref<!tpu.dma_semaphore, #tpu.memory_space<semaphore_mem>>
              %dma_start3A_76 = tpu.memref_slice %arg6[%multiple_of3A] : memref<327680xi32, #tpu.memory_space<hbm>> -> memref<128xi32, #tpu.memory_space<hbm>>
              %dma_start3A_77 = tpu.memref_slice %arg6[%multiple_of3A] : memref<327680xi32, #tpu.memory_space<hbm>> -> memref<128xi32, #tpu.memory_space<hbm>>
              tpu.enqueue_dma source(%dma_start3A_77 : memref<128xi32, #tpu.memory_space<hbm>>) target(%arg14 : memref<128xi32, #tpu.memory_space<vmem>>) target_semaphore(%run_scoped3A : memref<!tpu.dma_semaphore, #tpu.memory_space<semaphore_mem>>)
              %dma_wait3A_78 = tpu.memref_slice %arg6[%multiple_of3A] : memref<327680xi32, #tpu.memory_space<hbm>> -> memref<128xi32, #tpu.memory_space<hbm>>
              %dma_wait3A_79 = tpu.memref_slice %arg6[%multiple_of3A] : memref<327680xi32, #tpu.memory_space<hbm>> -> memref<128xi32, #tpu.memory_space<hbm>>
              tpu.wait_dma2 semaphore(%run_scoped3A : memref<!tpu.dma_semaphore, #tpu.memory_space<semaphore_mem>>) src(%dma_wait3A_79 : memref<128xi32, #tpu.memory_space<hbm>>) dst(%arg14 : memref<128xi32, #tpu.memory_space<vmem>>)
              tpu.yield
            }) : () -> ()
            %dma_start3A = arith.constant 0 : i32
            %dma_start3A_74 = arith.constant 0 : i32
            %dma_start3A_75 = tpu.memref_slice %arg2[%dma_start3A, %dma_start3A_74] : memref<10112x128xf32, #tpu.memory_space<hbm>> -> memref<10112x128xf32, #tpu.memory_space<hbm>>
            tpu.enqueue_indirect_dma source(%dma_start3A_75 : memref<10112x128xf32, #tpu.memory_space<hbm>>) target(%arg16 : memref<128x128xf32, #tpu.memory_space<vmem>>) offsets(%arg13 : memref<128xi32, #tpu.memory_space<vmem>>) semaphore(%arg18 : memref<!tpu.dma_semaphore, #tpu.memory_space<semaphore_mem>>)
          } else {
          }
          %dma_wait3A = arith.constant 0 : i32
          %dma_wait3A_67 = arith.constant 0 : i32
          %dma_wait3A_68 = tpu.memref_slice %arg2[%dma_wait3A, %dma_wait3A_67] : memref<10112x128xf32, #tpu.memory_space<hbm>> -> memref<10112x128xf32, #tpu.memory_space<hbm>>
          tpu.wait_indirect_dma semaphore(%arg17 : memref<!tpu.dma_semaphore, #tpu.memory_space<semaphore_mem>>) src(%dma_wait3A_68 : memref<10112x128xf32, #tpu.memory_space<hbm>>) dst(%arg15 : memref<128x128xf32, #tpu.memory_space<vmem>>)
          "tpu.region"() ({
            %run_scoped3A = tpu.sem_alloc : memref<!tpu.dma_semaphore, #tpu.memory_space<semaphore_mem>>
            %dma_start3A = arith.constant 0 : i32
            %dma_start3A_69 = arith.constant 0 : i32
            %dma_start3A_70 = tpu.memref_slice %arg19[%dma_start3A, %dma_start3A_69] : memref<10112x128xf32, #tpu.memory_space<vmem_shared>> -> memref<10112x128xf32, #tpu.memory_space<vmem_shared>>
            tpu.enqueue_indirect_dma source(%arg15 : memref<128x128xf32, #tpu.memory_space<vmem>>) target(%dma_start3A_70 : memref<10112x128xf32, #tpu.memory_space<vmem_shared>>) offsets(%arg12 : memref<128xi32, #tpu.memory_space<vmem>>) semaphore(%run_scoped3A : memref<!tpu.dma_semaphore, #tpu.memory_space<semaphore_mem>>) {add = true}
            %dma_wait3A_71 = arith.constant 0 : i32
            %dma_wait3A_72 = arith.constant 0 : i32
            %dma_wait3A_73 = tpu.memref_slice %arg19[%dma_wait3A_71, %dma_wait3A_72] : memref<10112x128xf32, #tpu.memory_space<vmem_shared>> -> memref<10112x128xf32, #tpu.memory_space<vmem_shared>>
            tpu.wait_indirect_dma semaphore(%run_scoped3A : memref<!tpu.dma_semaphore, #tpu.memory_space<semaphore_mem>>) src(%arg15 : memref<128x128xf32, #tpu.memory_space<vmem>>) dst(%dma_wait3A_73 : memref<10112x128xf32, #tpu.memory_space<vmem_shared>>)
            tpu.yield
          }) : () -> ()
        } else {
        }
        %jit3A_40 = arith.constant 2 : i32
        %eq3A_41 = arith.constant 0 : i32
        %eq3A_42 = arith.cmpi eq, %jit3A_40, %eq3A_41 : i32
        %jit3A_43 = arith.constant 1 : i32
        %select_n3A_44 = arith.select %eq3A_42, %jit3A_43, %jit3A_40 : i32
        %rem3A_45 = arith.remsi %while3A_25, %select_n3A_44 : i32
        %ne3A_46 = arith.constant 0 : i32
        %ne3A_47 = arith.cmpi ne, %rem3A_45, %ne3A_46 : i32
        %lt3A_48 = arith.constant 0 : i32
        %lt3A_49 = arith.cmpi slt, %rem3A_45, %lt3A_48 : i32
        %lt3A_50 = arith.constant 0 : i32
        %lt3A_51 = arith.cmpi slt, %select_n3A_44, %lt3A_50 : i32
        %ne3A_52 = arith.xori %lt3A_49, %lt3A_51 : i1
        %and3A_53 = arith.andi %ne3A_52, %ne3A_47 : i1
        %add3A_54 = arith.addi %rem3A_45, %select_n3A_44 : i32
        %select_n3A_55 = arith.select %and3A_53, %add3A_54, %rem3A_45 : i32
        %eq3A_56 = arith.constant 1 : i32
        %eq3A_57 = arith.cmpi eq, %select_n3A_55, %eq3A_56 : i32
        %convert_element_type3A_58 = arith.extui %eq3A_57 : i1 to i32
        %cond3A_59 = arith.constant 0 : i32
        %cond3A_60 = arith.cmpi ne, %convert_element_type3A_58, %cond3A_59 : i32
        scf.if %cond3A_60 {
          %add3A_61 = arith.constant 1 : i32
          %add3A_62 = arith.addi %while3A_25, %add3A_61 : i32
          %lt3A_63 = arith.cmpi slt, %add3A_62, %squeeze3A_3 : i32
          %convert_element_type3A_64 = arith.extui %lt3A_63 : i1 to i32
          %cond3A_65 = arith.constant 0 : i32
          %cond3A_66 = arith.cmpi ne, %convert_element_type3A_64, %cond3A_65 : i32
          scf.if %cond3A_66 {
            %add3A_69 = arith.constant 1 : i32
            %add3A_70 = arith.addi %while3A_25, %add3A_69 : i32
            %add3A_71 = arith.addi %squeeze3A, %add3A_70 : i32
            %mul3A_72 = arith.constant 128 : i32
            %mul3A_73 = arith.muli %add3A_71, %mul3A_72 : i32
            %multiple_of3A = tpu.assume_multiple %mul3A_73, 8 : i32
            "tpu.region"() ({
              %run_scoped3A = tpu.sem_alloc : memref<!tpu.dma_semaphore, #tpu.memory_space<semaphore_mem>>
              %dma_start3A_76 = tpu.memref_slice %arg5[%multiple_of3A] : memref<327680xi32, #tpu.memory_space<hbm>> -> memref<128xi32, #tpu.memory_space<hbm>>
              %dma_start3A_77 = tpu.memref_slice %arg5[%multiple_of3A] : memref<327680xi32, #tpu.memory_space<hbm>> -> memref<128xi32, #tpu.memory_space<hbm>>
              tpu.enqueue_dma source(%dma_start3A_77 : memref<128xi32, #tpu.memory_space<hbm>>) target(%arg11 : memref<128xi32, #tpu.memory_space<vmem>>) target_semaphore(%run_scoped3A : memref<!tpu.dma_semaphore, #tpu.memory_space<semaphore_mem>>)
              %dma_wait3A_78 = tpu.memref_slice %arg5[%multiple_of3A] : memref<327680xi32, #tpu.memory_space<hbm>> -> memref<128xi32, #tpu.memory_space<hbm>>
              %dma_wait3A_79 = tpu.memref_slice %arg5[%multiple_of3A] : memref<327680xi32, #tpu.memory_space<hbm>> -> memref<128xi32, #tpu.memory_space<hbm>>
              tpu.wait_dma2 semaphore(%run_scoped3A : memref<!tpu.dma_semaphore, #tpu.memory_space<semaphore_mem>>) src(%dma_wait3A_79 : memref<128xi32, #tpu.memory_space<hbm>>) dst(%arg11 : memref<128xi32, #tpu.memory_space<vmem>>)
              tpu.yield
            }) : () -> ()
            "tpu.region"() ({
              %run_scoped3A = tpu.sem_alloc : memref<!tpu.dma_semaphore, #tpu.memory_space<semaphore_mem>>
              %dma_start3A_76 = tpu.memref_slice %arg6[%multiple_of3A] : memref<327680xi32, #tpu.memory_space<hbm>> -> memref<128xi32, #tpu.memory_space<hbm>>
              %dma_start3A_77 = tpu.memref_slice %arg6[%multiple_of3A] : memref<327680xi32, #tpu.memory_space<hbm>> -> memref<128xi32, #tpu.memory_space<hbm>>
              tpu.enqueue_dma source(%dma_start3A_77 : memref<128xi32, #tpu.memory_space<hbm>>) target(%arg12 : memref<128xi32, #tpu.memory_space<vmem>>) target_semaphore(%run_scoped3A : memref<!tpu.dma_semaphore, #tpu.memory_space<semaphore_mem>>)
              %dma_wait3A_78 = tpu.memref_slice %arg6[%multiple_of3A] : memref<327680xi32, #tpu.memory_space<hbm>> -> memref<128xi32, #tpu.memory_space<hbm>>
              %dma_wait3A_79 = tpu.memref_slice %arg6[%multiple_of3A] : memref<327680xi32, #tpu.memory_space<hbm>> -> memref<128xi32, #tpu.memory_space<hbm>>
              tpu.wait_dma2 semaphore(%run_scoped3A : memref<!tpu.dma_semaphore, #tpu.memory_space<semaphore_mem>>) src(%dma_wait3A_79 : memref<128xi32, #tpu.memory_space<hbm>>) dst(%arg12 : memref<128xi32, #tpu.memory_space<vmem>>)
              tpu.yield
            }) : () -> ()
            %dma_start3A = arith.constant 0 : i32
            %dma_start3A_74 = arith.constant 0 : i32
            %dma_start3A_75 = tpu.memref_slice %arg2[%dma_start3A, %dma_start3A_74] : memref<10112x128xf32, #tpu.memory_space<hbm>> -> memref<10112x128xf32, #tpu.memory_space<hbm>>
            tpu.enqueue_indirect_dma source(%dma_start3A_75 : memref<10112x128xf32, #tpu.memory_space<hbm>>) target(%arg15 : memref<128x128xf32, #tpu.memory_space<vmem>>) offsets(%arg11 : memref<128xi32, #tpu.memory_space<vmem>>) semaphore(%arg17 : memref<!tpu.dma_semaphore, #tpu.memory_space<semaphore_mem>>)
          } else {
          }
          %dma_wait3A = arith.constant 0 : i32
          %dma_wait3A_67 = arith.constant 0 : i32
          %dma_wait3A_68 = tpu.memref_slice %arg2[%dma_wait3A, %dma_wait3A_67] : memref<10112x128xf32, #tpu.memory_space<hbm>> -> memref<10112x128xf32, #tpu.memory_space<hbm>>
          tpu.wait_indirect_dma semaphore(%arg18 : memref<!tpu.dma_semaphore, #tpu.memory_space<semaphore_mem>>) src(%dma_wait3A_68 : memref<10112x128xf32, #tpu.memory_space<hbm>>) dst(%arg16 : memref<128x128xf32, #tpu.memory_space<vmem>>)
          "tpu.region"() ({
            %run_scoped3A = tpu.sem_alloc : memref<!tpu.dma_semaphore, #tpu.memory_space<semaphore_mem>>
            %dma_start3A = arith.constant 0 : i32
            %dma_start3A_69 = arith.constant 0 : i32
            %dma_start3A_70 = tpu.memref_slice %arg19[%dma_start3A, %dma_start3A_69] : memref<10112x128xf32, #tpu.memory_space<vmem_shared>> -> memref<10112x128xf32, #tpu.memory_space<vmem_shared>>
            tpu.enqueue_indirect_dma source(%arg16 : memref<128x128xf32, #tpu.memory_space<vmem>>) target(%dma_start3A_70 : memref<10112x128xf32, #tpu.memory_space<vmem_shared>>) offsets(%arg14 : memref<128xi32, #tpu.memory_space<vmem>>) semaphore(%run_scoped3A : memref<!tpu.dma_semaphore, #tpu.memory_space<semaphore_mem>>) {add = true}
            %dma_wait3A_71 = arith.constant 0 : i32
            %dma_wait3A_72 = arith.constant 0 : i32
            %dma_wait3A_73 = tpu.memref_slice %arg19[%dma_wait3A_71, %dma_wait3A_72] : memref<10112x128xf32, #tpu.memory_space<vmem_shared>> -> memref<10112x128xf32, #tpu.memory_space<vmem_shared>>
            tpu.wait_indirect_dma semaphore(%run_scoped3A : memref<!tpu.dma_semaphore, #tpu.memory_space<semaphore_mem>>) src(%arg16 : memref<128x128xf32, #tpu.memory_space<vmem>>) dst(%dma_wait3A_73 : memref<10112x128xf32, #tpu.memory_space<vmem_shared>>)
            tpu.yield
          }) : () -> ()
        } else {
        }
      }
      %while3A_24 = arith.constant 1 : i32
      scf.for %while3A_25 = %while3A_22 to %while3A_18 step %while3A_24  : i32 {
        %jit3A = arith.constant 2 : i32
        %eq3A_26 = arith.constant 0 : i32
        %eq3A_27 = arith.cmpi eq, %jit3A, %eq3A_26 : i32
        %jit3A_28 = arith.constant 1 : i32
        %select_n3A = arith.select %eq3A_27, %jit3A_28, %jit3A : i32
        %rem3A = arith.remsi %while3A_25, %select_n3A : i32
        %ne3A = arith.constant 0 : i32
        %ne3A_29 = arith.cmpi ne, %rem3A, %ne3A : i32
        %lt3A = arith.constant 0 : i32
        %lt3A_30 = arith.cmpi slt, %rem3A, %lt3A : i32
        %lt3A_31 = arith.constant 0 : i32
        %lt3A_32 = arith.cmpi slt, %select_n3A, %lt3A_31 : i32
        %ne3A_33 = arith.xori %lt3A_30, %lt3A_32 : i1
        %and3A = arith.andi %ne3A_33, %ne3A_29 : i1
        %add3A = arith.addi %rem3A, %select_n3A : i32
        %select_n3A_34 = arith.select %and3A, %add3A, %rem3A : i32
        %eq3A_35 = arith.constant 0 : i32
        %eq3A_36 = arith.cmpi eq, %select_n3A_34, %eq3A_35 : i32
        %convert_element_type3A_37 = arith.extui %eq3A_36 : i1 to i32
        %cond3A_38 = arith.constant 0 : i32
        %cond3A_39 = arith.cmpi ne, %convert_element_type3A_37, %cond3A_38 : i32
        scf.if %cond3A_39 {
          %add3A_61 = arith.constant 1 : i32
          %add3A_62 = arith.addi %while3A_25, %add3A_61 : i32
          %lt3A_63 = arith.cmpi slt, %add3A_62, %squeeze3A_3 : i32
          %convert_element_type3A_64 = arith.extui %lt3A_63 : i1 to i32
          %cond3A_65 = arith.constant 0 : i32
          %cond3A_66 = arith.cmpi ne, %convert_element_type3A_64, %cond3A_65 : i32
          scf.if %cond3A_66 {
            %add3A_69 = arith.constant 1 : i32
            %add3A_70 = arith.addi %while3A_25, %add3A_69 : i32
            %add3A_71 = arith.addi %squeeze3A, %add3A_70 : i32
            %mul3A_72 = arith.constant 128 : i32
            %mul3A_73 = arith.muli %add3A_71, %mul3A_72 : i32
            %multiple_of3A = tpu.assume_multiple %mul3A_73, 8 : i32
            "tpu.region"() ({
              %run_scoped3A = tpu.sem_alloc : memref<!tpu.dma_semaphore, #tpu.memory_space<semaphore_mem>>
              %dma_start3A_76 = tpu.memref_slice %arg5[%multiple_of3A] : memref<327680xi32, #tpu.memory_space<hbm>> -> memref<128xi32, #tpu.memory_space<hbm>>
              %dma_start3A_77 = tpu.memref_slice %arg5[%multiple_of3A] : memref<327680xi32, #tpu.memory_space<hbm>> -> memref<128xi32, #tpu.memory_space<hbm>>
              tpu.enqueue_dma source(%dma_start3A_77 : memref<128xi32, #tpu.memory_space<hbm>>) target(%arg13 : memref<128xi32, #tpu.memory_space<vmem>>) target_semaphore(%run_scoped3A : memref<!tpu.dma_semaphore, #tpu.memory_space<semaphore_mem>>)
              %dma_wait3A_78 = tpu.memref_slice %arg5[%multiple_of3A] : memref<327680xi32, #tpu.memory_space<hbm>> -> memref<128xi32, #tpu.memory_space<hbm>>
              %dma_wait3A_79 = tpu.memref_slice %arg5[%multiple_of3A] : memref<327680xi32, #tpu.memory_space<hbm>> -> memref<128xi32, #tpu.memory_space<hbm>>
              tpu.wait_dma2 semaphore(%run_scoped3A : memref<!tpu.dma_semaphore, #tpu.memory_space<semaphore_mem>>) src(%dma_wait3A_79 : memref<128xi32, #tpu.memory_space<hbm>>) dst(%arg13 : memref<128xi32, #tpu.memory_space<vmem>>)
              tpu.yield
            }) : () -> ()
            "tpu.region"() ({
              %run_scoped3A = tpu.sem_alloc : memref<!tpu.dma_semaphore, #tpu.memory_space<semaphore_mem>>
              %dma_start3A_76 = tpu.memref_slice %arg6[%multiple_of3A] : memref<327680xi32, #tpu.memory_space<hbm>> -> memref<128xi32, #tpu.memory_space<hbm>>
              %dma_start3A_77 = tpu.memref_slice %arg6[%multiple_of3A] : memref<327680xi32, #tpu.memory_space<hbm>> -> memref<128xi32, #tpu.memory_space<hbm>>
              tpu.enqueue_dma source(%dma_start3A_77 : memref<128xi32, #tpu.memory_space<hbm>>) target(%arg14 : memref<128xi32, #tpu.memory_space<vmem>>) target_semaphore(%run_scoped3A : memref<!tpu.dma_semaphore, #tpu.memory_space<semaphore_mem>>)
              %dma_wait3A_78 = tpu.memref_slice %arg6[%multiple_of3A] : memref<327680xi32, #tpu.memory_space<hbm>> -> memref<128xi32, #tpu.memory_space<hbm>>
              %dma_wait3A_79 = tpu.memref_slice %arg6[%multiple_of3A] : memref<327680xi32, #tpu.memory_space<hbm>> -> memref<128xi32, #tpu.memory_space<hbm>>
              tpu.wait_dma2 semaphore(%run_scoped3A : memref<!tpu.dma_semaphore, #tpu.memory_space<semaphore_mem>>) src(%dma_wait3A_79 : memref<128xi32, #tpu.memory_space<hbm>>) dst(%arg14 : memref<128xi32, #tpu.memory_space<vmem>>)
              tpu.yield
            }) : () -> ()
            %dma_start3A = arith.constant 0 : i32
            %dma_start3A_74 = arith.constant 0 : i32
            %dma_start3A_75 = tpu.memref_slice %arg2[%dma_start3A, %dma_start3A_74] : memref<10112x128xf32, #tpu.memory_space<hbm>> -> memref<10112x128xf32, #tpu.memory_space<hbm>>
            tpu.enqueue_indirect_dma source(%dma_start3A_75 : memref<10112x128xf32, #tpu.memory_space<hbm>>) target(%arg16 : memref<128x128xf32, #tpu.memory_space<vmem>>) offsets(%arg13 : memref<128xi32, #tpu.memory_space<vmem>>) semaphore(%arg18 : memref<!tpu.dma_semaphore, #tpu.memory_space<semaphore_mem>>)
          } else {
          }
          %dma_wait3A = arith.constant 0 : i32
          %dma_wait3A_67 = arith.constant 0 : i32
          %dma_wait3A_68 = tpu.memref_slice %arg2[%dma_wait3A, %dma_wait3A_67] : memref<10112x128xf32, #tpu.memory_space<hbm>> -> memref<10112x128xf32, #tpu.memory_space<hbm>>
          tpu.wait_indirect_dma semaphore(%arg17 : memref<!tpu.dma_semaphore, #tpu.memory_space<semaphore_mem>>) src(%dma_wait3A_68 : memref<10112x128xf32, #tpu.memory_space<hbm>>) dst(%arg15 : memref<128x128xf32, #tpu.memory_space<vmem>>)
          "tpu.region"() ({
            %run_scoped3A = tpu.sem_alloc : memref<!tpu.dma_semaphore, #tpu.memory_space<semaphore_mem>>
            %dma_start3A = arith.constant 0 : i32
            %dma_start3A_69 = arith.constant 0 : i32
            %dma_start3A_70 = tpu.memref_slice %arg19[%dma_start3A, %dma_start3A_69] : memref<10112x128xf32, #tpu.memory_space<vmem_shared>> -> memref<10112x128xf32, #tpu.memory_space<vmem_shared>>
            tpu.enqueue_indirect_dma source(%arg15 : memref<128x128xf32, #tpu.memory_space<vmem>>) target(%dma_start3A_70 : memref<10112x128xf32, #tpu.memory_space<vmem_shared>>) offsets(%arg12 : memref<128xi32, #tpu.memory_space<vmem>>) semaphore(%run_scoped3A : memref<!tpu.dma_semaphore, #tpu.memory_space<semaphore_mem>>) {add = true}
            %dma_wait3A_71 = arith.constant 0 : i32
            %dma_wait3A_72 = arith.constant 0 : i32
            %dma_wait3A_73 = tpu.memref_slice %arg19[%dma_wait3A_71, %dma_wait3A_72] : memref<10112x128xf32, #tpu.memory_space<vmem_shared>> -> memref<10112x128xf32, #tpu.memory_space<vmem_shared>>
            tpu.wait_indirect_dma semaphore(%run_scoped3A : memref<!tpu.dma_semaphore, #tpu.memory_space<semaphore_mem>>) src(%arg15 : memref<128x128xf32, #tpu.memory_space<vmem>>) dst(%dma_wait3A_73 : memref<10112x128xf32, #tpu.memory_space<vmem_shared>>)
            tpu.yield
          }) : () -> ()
        } else {
        }
        %jit3A_40 = arith.constant 2 : i32
        %eq3A_41 = arith.constant 0 : i32
        %eq3A_42 = arith.cmpi eq, %jit3A_40, %eq3A_41 : i32
        %jit3A_43 = arith.constant 1 : i32
        %select_n3A_44 = arith.select %eq3A_42, %jit3A_43, %jit3A_40 : i32
        %rem3A_45 = arith.remsi %while3A_25, %select_n3A_44 : i32
        %ne3A_46 = arith.constant 0 : i32
        %ne3A_47 = arith.cmpi ne, %rem3A_45, %ne3A_46 : i32
        %lt3A_48 = arith.constant 0 : i32
        %lt3A_49 = arith.cmpi slt, %rem3A_45, %lt3A_48 : i32
        %lt3A_50 = arith.constant 0 : i32
        %lt3A_51 = arith.cmpi slt, %select_n3A_44, %lt3A_50 : i32
        %ne3A_52 = arith.xori %lt3A_49, %lt3A_51 : i1
        %and3A_53 = arith.andi %ne3A_52, %ne3A_47 : i1
        %add3A_54 = arith.addi %rem3A_45, %select_n3A_44 : i32
        %select_n3A_55 = arith.select %and3A_53, %add3A_54, %rem3A_45 : i32
        %eq3A_56 = arith.constant 1 : i32
        %eq3A_57 = arith.cmpi eq, %select_n3A_55, %eq3A_56 : i32
        %convert_element_type3A_58 = arith.extui %eq3A_57 : i1 to i32
        %cond3A_59 = arith.constant 0 : i32
        %cond3A_60 = arith.cmpi ne, %convert_element_type3A_58, %cond3A_59 : i32
        scf.if %cond3A_60 {
          %add3A_61 = arith.constant 1 : i32
          %add3A_62 = arith.addi %while3A_25, %add3A_61 : i32
          %lt3A_63 = arith.cmpi slt, %add3A_62, %squeeze3A_3 : i32
          %convert_element_type3A_64 = arith.extui %lt3A_63 : i1 to i32
          %cond3A_65 = arith.constant 0 : i32
          %cond3A_66 = arith.cmpi ne, %convert_element_type3A_64, %cond3A_65 : i32
          scf.if %cond3A_66 {
            %add3A_69 = arith.constant 1 : i32
            %add3A_70 = arith.addi %while3A_25, %add3A_69 : i32
            %add3A_71 = arith.addi %squeeze3A, %add3A_70 : i32
            %mul3A_72 = arith.constant 128 : i32
            %mul3A_73 = arith.muli %add3A_71, %mul3A_72 : i32
            %multiple_of3A = tpu.assume_multiple %mul3A_73, 8 : i32
            "tpu.region"() ({
              %run_scoped3A = tpu.sem_alloc : memref<!tpu.dma_semaphore, #tpu.memory_space<semaphore_mem>>
              %dma_start3A_76 = tpu.memref_slice %arg5[%multiple_of3A] : memref<327680xi32, #tpu.memory_space<hbm>> -> memref<128xi32, #tpu.memory_space<hbm>>
              %dma_start3A_77 = tpu.memref_slice %arg5[%multiple_of3A] : memref<327680xi32, #tpu.memory_space<hbm>> -> memref<128xi32, #tpu.memory_space<hbm>>
              tpu.enqueue_dma source(%dma_start3A_77 : memref<128xi32, #tpu.memory_space<hbm>>) target(%arg11 : memref<128xi32, #tpu.memory_space<vmem>>) target_semaphore(%run_scoped3A : memref<!tpu.dma_semaphore, #tpu.memory_space<semaphore_mem>>)
              %dma_wait3A_78 = tpu.memref_slice %arg5[%multiple_of3A] : memref<327680xi32, #tpu.memory_space<hbm>> -> memref<128xi32, #tpu.memory_space<hbm>>
              %dma_wait3A_79 = tpu.memref_slice %arg5[%multiple_of3A] : memref<327680xi32, #tpu.memory_space<hbm>> -> memref<128xi32, #tpu.memory_space<hbm>>
              tpu.wait_dma2 semaphore(%run_scoped3A : memref<!tpu.dma_semaphore, #tpu.memory_space<semaphore_mem>>) src(%dma_wait3A_79 : memref<128xi32, #tpu.memory_space<hbm>>) dst(%arg11 : memref<128xi32, #tpu.memory_space<vmem>>)
              tpu.yield
            }) : () -> ()
            "tpu.region"() ({
              %run_scoped3A = tpu.sem_alloc : memref<!tpu.dma_semaphore, #tpu.memory_space<semaphore_mem>>
              %dma_start3A_76 = tpu.memref_slice %arg6[%multiple_of3A] : memref<327680xi32, #tpu.memory_space<hbm>> -> memref<128xi32, #tpu.memory_space<hbm>>
              %dma_start3A_77 = tpu.memref_slice %arg6[%multiple_of3A] : memref<327680xi32, #tpu.memory_space<hbm>> -> memref<128xi32, #tpu.memory_space<hbm>>
              tpu.enqueue_dma source(%dma_start3A_77 : memref<128xi32, #tpu.memory_space<hbm>>) target(%arg12 : memref<128xi32, #tpu.memory_space<vmem>>) target_semaphore(%run_scoped3A : memref<!tpu.dma_semaphore, #tpu.memory_space<semaphore_mem>>)
              %dma_wait3A_78 = tpu.memref_slice %arg6[%multiple_of3A] : memref<327680xi32, #tpu.memory_space<hbm>> -> memref<128xi32, #tpu.memory_space<hbm>>
              %dma_wait3A_79 = tpu.memref_slice %arg6[%multiple_of3A] : memref<327680xi32, #tpu.memory_space<hbm>> -> memref<128xi32, #tpu.memory_space<hbm>>
              tpu.wait_dma2 semaphore(%run_scoped3A : memref<!tpu.dma_semaphore, #tpu.memory_space<semaphore_mem>>) src(%dma_wait3A_79 : memref<128xi32, #tpu.memory_space<hbm>>) dst(%arg12 : memref<128xi32, #tpu.memory_space<vmem>>)
              tpu.yield
            }) : () -> ()
            %dma_start3A = arith.constant 0 : i32
            %dma_start3A_74 = arith.constant 0 : i32
            %dma_start3A_75 = tpu.memref_slice %arg2[%dma_start3A, %dma_start3A_74] : memref<10112x128xf32, #tpu.memory_space<hbm>> -> memref<10112x128xf32, #tpu.memory_space<hbm>>
            tpu.enqueue_indirect_dma source(%dma_start3A_75 : memref<10112x128xf32, #tpu.memory_space<hbm>>) target(%arg15 : memref<128x128xf32, #tpu.memory_space<vmem>>) offsets(%arg11 : memref<128xi32, #tpu.memory_space<vmem>>) semaphore(%arg17 : memref<!tpu.dma_semaphore, #tpu.memory_space<semaphore_mem>>)
          } else {
          }
          %dma_wait3A = arith.constant 0 : i32
          %dma_wait3A_67 = arith.constant 0 : i32
          %dma_wait3A_68 = tpu.memref_slice %arg2[%dma_wait3A, %dma_wait3A_67] : memref<10112x128xf32, #tpu.memory_space<hbm>> -> memref<10112x128xf32, #tpu.memory_space<hbm>>
          tpu.wait_indirect_dma semaphore(%arg18 : memref<!tpu.dma_semaphore, #tpu.memory_space<semaphore_mem>>) src(%dma_wait3A_68 : memref<10112x128xf32, #tpu.memory_space<hbm>>) dst(%arg16 : memref<128x128xf32, #tpu.memory_space<vmem>>)
          "tpu.region"() ({
            %run_scoped3A = tpu.sem_alloc : memref<!tpu.dma_semaphore, #tpu.memory_space<semaphore_mem>>
            %dma_start3A = arith.constant 0 : i32
            %dma_start3A_69 = arith.constant 0 : i32
            %dma_start3A_70 = tpu.memref_slice %arg19[%dma_start3A, %dma_start3A_69] : memref<10112x128xf32, #tpu.memory_space<vmem_shared>> -> memref<10112x128xf32, #tpu.memory_space<vmem_shared>>
            tpu.enqueue_indirect_dma source(%arg16 : memref<128x128xf32, #tpu.memory_space<vmem>>) target(%dma_start3A_70 : memref<10112x128xf32, #tpu.memory_space<vmem_shared>>) offsets(%arg14 : memref<128xi32, #tpu.memory_space<vmem>>) semaphore(%run_scoped3A : memref<!tpu.dma_semaphore, #tpu.memory_space<semaphore_mem>>) {add = true}
            %dma_wait3A_71 = arith.constant 0 : i32
            %dma_wait3A_72 = arith.constant 0 : i32
            %dma_wait3A_73 = tpu.memref_slice %arg19[%dma_wait3A_71, %dma_wait3A_72] : memref<10112x128xf32, #tpu.memory_space<vmem_shared>> -> memref<10112x128xf32, #tpu.memory_space<vmem_shared>>
            tpu.wait_indirect_dma semaphore(%run_scoped3A : memref<!tpu.dma_semaphore, #tpu.memory_space<semaphore_mem>>) src(%arg16 : memref<128x128xf32, #tpu.memory_space<vmem>>) dst(%dma_wait3A_73 : memref<10112x128xf32, #tpu.memory_space<vmem_shared>>)
            tpu.yield
          }) : () -> ()
        } else {
        }
      }
      "tpu.region"() ({
        %run_scoped3A = tpu.sem_alloc : memref<!tpu.dma_semaphore, #tpu.memory_space<semaphore_mem>>
        %dma_start3A = arith.constant 0 : i32
        %dma_start3A_25 = tpu.memref_slice %arg8[%mul3A_4, %dma_start3A] : memref<10112x128xf32, #tpu.memory_space<hbm>> -> memref<632x128xf32, #tpu.memory_space<hbm>>
        %dma_start3A_26 = arith.constant 0 : i32
        %dma_start3A_27 = tpu.memref_slice %arg19[%mul3A_4, %dma_start3A_26] : memref<10112x128xf32, #tpu.memory_space<vmem_shared>> -> memref<632x128xf32, #tpu.memory_space<vmem_shared>>
        tpu.enqueue_dma source(%dma_start3A_27 : memref<632x128xf32, #tpu.memory_space<vmem_shared>>) target(%dma_start3A_25 : memref<632x128xf32, #tpu.memory_space<hbm>>) target_semaphore(%run_scoped3A : memref<!tpu.dma_semaphore, #tpu.memory_space<semaphore_mem>>)
        %dma_wait3A = arith.constant 0 : i32
        %dma_wait3A_28 = tpu.memref_slice %arg8[%mul3A_4, %dma_wait3A] : memref<10112x128xf32, #tpu.memory_space<hbm>> -> memref<632x128xf32, #tpu.memory_space<hbm>>
        %dma_wait3A_29 = arith.constant 0 : i32
        %dma_wait3A_30 = tpu.memref_slice %arg19[%mul3A_4, %dma_wait3A_29] : memref<10112x128xf32, #tpu.memory_space<vmem_shared>> -> memref<632x128xf32, #tpu.memory_space<vmem_shared>>
        tpu.wait_dma2 semaphore(%run_scoped3A : memref<!tpu.dma_semaphore, #tpu.memory_space<semaphore_mem>>) src(%dma_wait3A_30 : memref<632x128xf32, #tpu.memory_space<vmem_shared>>) dst(%dma_wait3A_28 : memref<632x128xf32, #tpu.memory_space<hbm>>)
        tpu.yield
      }) : () -> ()
    } else {
    }
    %eq3A_7 = arith.constant 1 : i32
    %eq3A_8 = arith.cmpi eq, %arg0, %eq3A_7 : i32
    %convert_element_type3A_9 = arith.extui %eq3A_8 : i1 to i32
    %cond3A_10 = arith.constant 0 : i32
    %cond3A_11 = arith.cmpi ne, %convert_element_type3A_9, %cond3A_10 : i32
    scf.if %cond3A_11 {
      "tpu.region"() ({
        %run_scoped3A = tpu.sem_alloc : memref<!tpu.dma_semaphore, #tpu.memory_space<semaphore_mem>>
        %dma_start3A = arith.constant 0 : i32
        %dma_start3A_25 = tpu.memref_slice %arg19[%mul3A_4, %dma_start3A] : memref<10112x128xf32, #tpu.memory_space<vmem_shared>> -> memref<632x128xf32, #tpu.memory_space<vmem_shared>>
        %dma_start3A_26 = arith.constant 0 : i32
        %dma_start3A_27 = tpu.memref_slice %arg4[%mul3A_4, %dma_start3A_26] : memref<10112x128xf32, #tpu.memory_space<hbm>> -> memref<632x128xf32, #tpu.memory_space<hbm>>
        tpu.enqueue_dma source(%dma_start3A_27 : memref<632x128xf32, #tpu.memory_space<hbm>>) target(%dma_start3A_25 : memref<632x128xf32, #tpu.memory_space<vmem_shared>>) target_semaphore(%run_scoped3A : memref<!tpu.dma_semaphore, #tpu.memory_space<semaphore_mem>>)
        %dma_wait3A = arith.constant 0 : i32
        %dma_wait3A_28 = tpu.memref_slice %arg19[%mul3A_4, %dma_wait3A] : memref<10112x128xf32, #tpu.memory_space<vmem_shared>> -> memref<632x128xf32, #tpu.memory_space<vmem_shared>>
        %dma_wait3A_29 = arith.constant 0 : i32
        %dma_wait3A_30 = tpu.memref_slice %arg4[%mul3A_4, %dma_wait3A_29] : memref<10112x128xf32, #tpu.memory_space<hbm>> -> memref<632x128xf32, #tpu.memory_space<hbm>>
        tpu.wait_dma2 semaphore(%run_scoped3A : memref<!tpu.dma_semaphore, #tpu.memory_space<semaphore_mem>>) src(%dma_wait3A_30 : memref<632x128xf32, #tpu.memory_space<hbm>>) dst(%dma_wait3A_28 : memref<632x128xf32, #tpu.memory_space<vmem_shared>>)
        tpu.yield
      }) : () -> ()
      %gt3A = arith.constant 0 : i32
      %gt3A_12 = arith.cmpi sgt, %squeeze3A_3, %gt3A : i32
      %convert_element_type3A_13 = arith.extui %gt3A_12 : i1 to i32
      %cond3A_14 = arith.constant 0 : i32
      %cond3A_15 = arith.cmpi ne, %convert_element_type3A_13, %cond3A_14 : i32
      scf.if %cond3A_15 {
        %add3A = arith.constant 0 : i32
        %add3A_25 = arith.addi %squeeze3A, %add3A : i32
        %mul3A_26 = arith.constant 128 : i32
        %mul3A_27 = arith.muli %add3A_25, %mul3A_26 : i32
        %multiple_of3A = tpu.assume_multiple %mul3A_27, 8 : i32
        "tpu.region"() ({
          %run_scoped3A = tpu.sem_alloc : memref<!tpu.dma_semaphore, #tpu.memory_space<semaphore_mem>>
          %dma_start3A_30 = tpu.memref_slice %arg5[%multiple_of3A] : memref<327680xi32, #tpu.memory_space<hbm>> -> memref<128xi32, #tpu.memory_space<hbm>>
          %dma_start3A_31 = tpu.memref_slice %arg5[%multiple_of3A] : memref<327680xi32, #tpu.memory_space<hbm>> -> memref<128xi32, #tpu.memory_space<hbm>>
          tpu.enqueue_dma source(%dma_start3A_31 : memref<128xi32, #tpu.memory_space<hbm>>) target(%arg11 : memref<128xi32, #tpu.memory_space<vmem>>) target_semaphore(%run_scoped3A : memref<!tpu.dma_semaphore, #tpu.memory_space<semaphore_mem>>)
          %dma_wait3A = tpu.memref_slice %arg5[%multiple_of3A] : memref<327680xi32, #tpu.memory_space<hbm>> -> memref<128xi32, #tpu.memory_space<hbm>>
          %dma_wait3A_32 = tpu.memref_slice %arg5[%multiple_of3A] : memref<327680xi32, #tpu.memory_space<hbm>> -> memref<128xi32, #tpu.memory_space<hbm>>
          tpu.wait_dma2 semaphore(%run_scoped3A : memref<!tpu.dma_semaphore, #tpu.memory_space<semaphore_mem>>) src(%dma_wait3A_32 : memref<128xi32, #tpu.memory_space<hbm>>) dst(%arg11 : memref<128xi32, #tpu.memory_space<vmem>>)
          tpu.yield
        }) : () -> ()
        "tpu.region"() ({
          %run_scoped3A = tpu.sem_alloc : memref<!tpu.dma_semaphore, #tpu.memory_space<semaphore_mem>>
          %dma_start3A_30 = tpu.memref_slice %arg6[%multiple_of3A] : memref<327680xi32, #tpu.memory_space<hbm>> -> memref<128xi32, #tpu.memory_space<hbm>>
          %dma_start3A_31 = tpu.memref_slice %arg6[%multiple_of3A] : memref<327680xi32, #tpu.memory_space<hbm>> -> memref<128xi32, #tpu.memory_space<hbm>>
          tpu.enqueue_dma source(%dma_start3A_31 : memref<128xi32, #tpu.memory_space<hbm>>) target(%arg12 : memref<128xi32, #tpu.memory_space<vmem>>) target_semaphore(%run_scoped3A : memref<!tpu.dma_semaphore, #tpu.memory_space<semaphore_mem>>)
          %dma_wait3A = tpu.memref_slice %arg6[%multiple_of3A] : memref<327680xi32, #tpu.memory_space<hbm>> -> memref<128xi32, #tpu.memory_space<hbm>>
          %dma_wait3A_32 = tpu.memref_slice %arg6[%multiple_of3A] : memref<327680xi32, #tpu.memory_space<hbm>> -> memref<128xi32, #tpu.memory_space<hbm>>
          tpu.wait_dma2 semaphore(%run_scoped3A : memref<!tpu.dma_semaphore, #tpu.memory_space<semaphore_mem>>) src(%dma_wait3A_32 : memref<128xi32, #tpu.memory_space<hbm>>) dst(%arg12 : memref<128xi32, #tpu.memory_space<vmem>>)
          tpu.yield
        }) : () -> ()
        %dma_start3A = arith.constant 0 : i32
        %dma_start3A_28 = arith.constant 0 : i32
        %dma_start3A_29 = tpu.memref_slice %arg3[%dma_start3A, %dma_start3A_28] : memref<10112x128xf32, #tpu.memory_space<hbm>> -> memref<10112x128xf32, #tpu.memory_space<hbm>>
        tpu.enqueue_indirect_dma source(%dma_start3A_29 : memref<10112x128xf32, #tpu.memory_space<hbm>>) target(%arg15 : memref<128x128xf32, #tpu.memory_space<vmem>>) offsets(%arg11 : memref<128xi32, #tpu.memory_space<vmem>>) semaphore(%arg17 : memref<!tpu.dma_semaphore, #tpu.memory_space<semaphore_mem>>)
      } else {
      }
      %while3A = arith.constant 0 : i32
      %while3A_16 = arith.constant 0 : i32
      %while3A_17 = arith.subi %squeeze3A_3, %while3A_16 : i32
      %while3A_18 = arith.addi %while3A_16, %while3A_17 : i32
      %while3A_19 = arith.constant 1 : i32
      %while3A_20 = arith.divsi %while3A_17, %while3A_19 : i32
      %while3A_21 = arith.muli %while3A_20, %while3A_19 : i32
      %while3A_22 = arith.addi %while3A_16, %while3A_21 : i32
      %while3A_23 = arith.constant 1 : i32
      scf.for %while3A_25 = %while3A_16 to %while3A_22 step %while3A_23  : i32 {
        %jit3A = arith.constant 2 : i32
        %eq3A_26 = arith.constant 0 : i32
        %eq3A_27 = arith.cmpi eq, %jit3A, %eq3A_26 : i32
        %jit3A_28 = arith.constant 1 : i32
        %select_n3A = arith.select %eq3A_27, %jit3A_28, %jit3A : i32
        %rem3A = arith.remsi %while3A_25, %select_n3A : i32
        %ne3A = arith.constant 0 : i32
        %ne3A_29 = arith.cmpi ne, %rem3A, %ne3A : i32
        %lt3A = arith.constant 0 : i32
        %lt3A_30 = arith.cmpi slt, %rem3A, %lt3A : i32
        %lt3A_31 = arith.constant 0 : i32
        %lt3A_32 = arith.cmpi slt, %select_n3A, %lt3A_31 : i32
        %ne3A_33 = arith.xori %lt3A_30, %lt3A_32 : i1
        %and3A = arith.andi %ne3A_33, %ne3A_29 : i1
        %add3A = arith.addi %rem3A, %select_n3A : i32
        %select_n3A_34 = arith.select %and3A, %add3A, %rem3A : i32
        %eq3A_35 = arith.constant 0 : i32
        %eq3A_36 = arith.cmpi eq, %select_n3A_34, %eq3A_35 : i32
        %convert_element_type3A_37 = arith.extui %eq3A_36 : i1 to i32
        %cond3A_38 = arith.constant 0 : i32
        %cond3A_39 = arith.cmpi ne, %convert_element_type3A_37, %cond3A_38 : i32
        scf.if %cond3A_39 {
          %add3A_61 = arith.constant 1 : i32
          %add3A_62 = arith.addi %while3A_25, %add3A_61 : i32
          %lt3A_63 = arith.cmpi slt, %add3A_62, %squeeze3A_3 : i32
          %convert_element_type3A_64 = arith.extui %lt3A_63 : i1 to i32
          %cond3A_65 = arith.constant 0 : i32
          %cond3A_66 = arith.cmpi ne, %convert_element_type3A_64, %cond3A_65 : i32
          scf.if %cond3A_66 {
            %add3A_69 = arith.constant 1 : i32
            %add3A_70 = arith.addi %while3A_25, %add3A_69 : i32
            %add3A_71 = arith.addi %squeeze3A, %add3A_70 : i32
            %mul3A_72 = arith.constant 128 : i32
            %mul3A_73 = arith.muli %add3A_71, %mul3A_72 : i32
            %multiple_of3A = tpu.assume_multiple %mul3A_73, 8 : i32
            "tpu.region"() ({
              %run_scoped3A = tpu.sem_alloc : memref<!tpu.dma_semaphore, #tpu.memory_space<semaphore_mem>>
              %dma_start3A_76 = tpu.memref_slice %arg5[%multiple_of3A] : memref<327680xi32, #tpu.memory_space<hbm>> -> memref<128xi32, #tpu.memory_space<hbm>>
              %dma_start3A_77 = tpu.memref_slice %arg5[%multiple_of3A] : memref<327680xi32, #tpu.memory_space<hbm>> -> memref<128xi32, #tpu.memory_space<hbm>>
              tpu.enqueue_dma source(%dma_start3A_77 : memref<128xi32, #tpu.memory_space<hbm>>) target(%arg13 : memref<128xi32, #tpu.memory_space<vmem>>) target_semaphore(%run_scoped3A : memref<!tpu.dma_semaphore, #tpu.memory_space<semaphore_mem>>)
              %dma_wait3A_78 = tpu.memref_slice %arg5[%multiple_of3A] : memref<327680xi32, #tpu.memory_space<hbm>> -> memref<128xi32, #tpu.memory_space<hbm>>
              %dma_wait3A_79 = tpu.memref_slice %arg5[%multiple_of3A] : memref<327680xi32, #tpu.memory_space<hbm>> -> memref<128xi32, #tpu.memory_space<hbm>>
              tpu.wait_dma2 semaphore(%run_scoped3A : memref<!tpu.dma_semaphore, #tpu.memory_space<semaphore_mem>>) src(%dma_wait3A_79 : memref<128xi32, #tpu.memory_space<hbm>>) dst(%arg13 : memref<128xi32, #tpu.memory_space<vmem>>)
              tpu.yield
            }) : () -> ()
            "tpu.region"() ({
              %run_scoped3A = tpu.sem_alloc : memref<!tpu.dma_semaphore, #tpu.memory_space<semaphore_mem>>
              %dma_start3A_76 = tpu.memref_slice %arg6[%multiple_of3A] : memref<327680xi32, #tpu.memory_space<hbm>> -> memref<128xi32, #tpu.memory_space<hbm>>
              %dma_start3A_77 = tpu.memref_slice %arg6[%multiple_of3A] : memref<327680xi32, #tpu.memory_space<hbm>> -> memref<128xi32, #tpu.memory_space<hbm>>
              tpu.enqueue_dma source(%dma_start3A_77 : memref<128xi32, #tpu.memory_space<hbm>>) target(%arg14 : memref<128xi32, #tpu.memory_space<vmem>>) target_semaphore(%run_scoped3A : memref<!tpu.dma_semaphore, #tpu.memory_space<semaphore_mem>>)
              %dma_wait3A_78 = tpu.memref_slice %arg6[%multiple_of3A] : memref<327680xi32, #tpu.memory_space<hbm>> -> memref<128xi32, #tpu.memory_space<hbm>>
              %dma_wait3A_79 = tpu.memref_slice %arg6[%multiple_of3A] : memref<327680xi32, #tpu.memory_space<hbm>> -> memref<128xi32, #tpu.memory_space<hbm>>
              tpu.wait_dma2 semaphore(%run_scoped3A : memref<!tpu.dma_semaphore, #tpu.memory_space<semaphore_mem>>) src(%dma_wait3A_79 : memref<128xi32, #tpu.memory_space<hbm>>) dst(%arg14 : memref<128xi32, #tpu.memory_space<vmem>>)
              tpu.yield
            }) : () -> ()
            %dma_start3A = arith.constant 0 : i32
            %dma_start3A_74 = arith.constant 0 : i32
            %dma_start3A_75 = tpu.memref_slice %arg3[%dma_start3A, %dma_start3A_74] : memref<10112x128xf32, #tpu.memory_space<hbm>> -> memref<10112x128xf32, #tpu.memory_space<hbm>>
            tpu.enqueue_indirect_dma source(%dma_start3A_75 : memref<10112x128xf32, #tpu.memory_space<hbm>>) target(%arg16 : memref<128x128xf32, #tpu.memory_space<vmem>>) offsets(%arg13 : memref<128xi32, #tpu.memory_space<vmem>>) semaphore(%arg18 : memref<!tpu.dma_semaphore, #tpu.memory_space<semaphore_mem>>)
          } else {
          }
          %dma_wait3A = arith.constant 0 : i32
          %dma_wait3A_67 = arith.constant 0 : i32
          %dma_wait3A_68 = tpu.memref_slice %arg3[%dma_wait3A, %dma_wait3A_67] : memref<10112x128xf32, #tpu.memory_space<hbm>> -> memref<10112x128xf32, #tpu.memory_space<hbm>>
          tpu.wait_indirect_dma semaphore(%arg17 : memref<!tpu.dma_semaphore, #tpu.memory_space<semaphore_mem>>) src(%dma_wait3A_68 : memref<10112x128xf32, #tpu.memory_space<hbm>>) dst(%arg15 : memref<128x128xf32, #tpu.memory_space<vmem>>)
          "tpu.region"() ({
            %run_scoped3A = tpu.sem_alloc : memref<!tpu.dma_semaphore, #tpu.memory_space<semaphore_mem>>
            %dma_start3A = arith.constant 0 : i32
            %dma_start3A_69 = arith.constant 0 : i32
            %dma_start3A_70 = tpu.memref_slice %arg19[%dma_start3A, %dma_start3A_69] : memref<10112x128xf32, #tpu.memory_space<vmem_shared>> -> memref<10112x128xf32, #tpu.memory_space<vmem_shared>>
            tpu.enqueue_indirect_dma source(%arg15 : memref<128x128xf32, #tpu.memory_space<vmem>>) target(%dma_start3A_70 : memref<10112x128xf32, #tpu.memory_space<vmem_shared>>) offsets(%arg12 : memref<128xi32, #tpu.memory_space<vmem>>) semaphore(%run_scoped3A : memref<!tpu.dma_semaphore, #tpu.memory_space<semaphore_mem>>) {add = true}
            %dma_wait3A_71 = arith.constant 0 : i32
            %dma_wait3A_72 = arith.constant 0 : i32
            %dma_wait3A_73 = tpu.memref_slice %arg19[%dma_wait3A_71, %dma_wait3A_72] : memref<10112x128xf32, #tpu.memory_space<vmem_shared>> -> memref<10112x128xf32, #tpu.memory_space<vmem_shared>>
            tpu.wait_indirect_dma semaphore(%run_scoped3A : memref<!tpu.dma_semaphore, #tpu.memory_space<semaphore_mem>>) src(%arg15 : memref<128x128xf32, #tpu.memory_space<vmem>>) dst(%dma_wait3A_73 : memref<10112x128xf32, #tpu.memory_space<vmem_shared>>)
            tpu.yield
          }) : () -> ()
        } else {
        }
        %jit3A_40 = arith.constant 2 : i32
        %eq3A_41 = arith.constant 0 : i32
        %eq3A_42 = arith.cmpi eq, %jit3A_40, %eq3A_41 : i32
        %jit3A_43 = arith.constant 1 : i32
        %select_n3A_44 = arith.select %eq3A_42, %jit3A_43, %jit3A_40 : i32
        %rem3A_45 = arith.remsi %while3A_25, %select_n3A_44 : i32
        %ne3A_46 = arith.constant 0 : i32
        %ne3A_47 = arith.cmpi ne, %rem3A_45, %ne3A_46 : i32
        %lt3A_48 = arith.constant 0 : i32
        %lt3A_49 = arith.cmpi slt, %rem3A_45, %lt3A_48 : i32
        %lt3A_50 = arith.constant 0 : i32
        %lt3A_51 = arith.cmpi slt, %select_n3A_44, %lt3A_50 : i32
        %ne3A_52 = arith.xori %lt3A_49, %lt3A_51 : i1
        %and3A_53 = arith.andi %ne3A_52, %ne3A_47 : i1
        %add3A_54 = arith.addi %rem3A_45, %select_n3A_44 : i32
        %select_n3A_55 = arith.select %and3A_53, %add3A_54, %rem3A_45 : i32
        %eq3A_56 = arith.constant 1 : i32
        %eq3A_57 = arith.cmpi eq, %select_n3A_55, %eq3A_56 : i32
        %convert_element_type3A_58 = arith.extui %eq3A_57 : i1 to i32
        %cond3A_59 = arith.constant 0 : i32
        %cond3A_60 = arith.cmpi ne, %convert_element_type3A_58, %cond3A_59 : i32
        scf.if %cond3A_60 {
          %add3A_61 = arith.constant 1 : i32
          %add3A_62 = arith.addi %while3A_25, %add3A_61 : i32
          %lt3A_63 = arith.cmpi slt, %add3A_62, %squeeze3A_3 : i32
          %convert_element_type3A_64 = arith.extui %lt3A_63 : i1 to i32
          %cond3A_65 = arith.constant 0 : i32
          %cond3A_66 = arith.cmpi ne, %convert_element_type3A_64, %cond3A_65 : i32
          scf.if %cond3A_66 {
            %add3A_69 = arith.constant 1 : i32
            %add3A_70 = arith.addi %while3A_25, %add3A_69 : i32
            %add3A_71 = arith.addi %squeeze3A, %add3A_70 : i32
            %mul3A_72 = arith.constant 128 : i32
            %mul3A_73 = arith.muli %add3A_71, %mul3A_72 : i32
            %multiple_of3A = tpu.assume_multiple %mul3A_73, 8 : i32
            "tpu.region"() ({
              %run_scoped3A = tpu.sem_alloc : memref<!tpu.dma_semaphore, #tpu.memory_space<semaphore_mem>>
              %dma_start3A_76 = tpu.memref_slice %arg5[%multiple_of3A] : memref<327680xi32, #tpu.memory_space<hbm>> -> memref<128xi32, #tpu.memory_space<hbm>>
              %dma_start3A_77 = tpu.memref_slice %arg5[%multiple_of3A] : memref<327680xi32, #tpu.memory_space<hbm>> -> memref<128xi32, #tpu.memory_space<hbm>>
              tpu.enqueue_dma source(%dma_start3A_77 : memref<128xi32, #tpu.memory_space<hbm>>) target(%arg11 : memref<128xi32, #tpu.memory_space<vmem>>) target_semaphore(%run_scoped3A : memref<!tpu.dma_semaphore, #tpu.memory_space<semaphore_mem>>)
              %dma_wait3A_78 = tpu.memref_slice %arg5[%multiple_of3A] : memref<327680xi32, #tpu.memory_space<hbm>> -> memref<128xi32, #tpu.memory_space<hbm>>
              %dma_wait3A_79 = tpu.memref_slice %arg5[%multiple_of3A] : memref<327680xi32, #tpu.memory_space<hbm>> -> memref<128xi32, #tpu.memory_space<hbm>>
              tpu.wait_dma2 semaphore(%run_scoped3A : memref<!tpu.dma_semaphore, #tpu.memory_space<semaphore_mem>>) src(%dma_wait3A_79 : memref<128xi32, #tpu.memory_space<hbm>>) dst(%arg11 : memref<128xi32, #tpu.memory_space<vmem>>)
              tpu.yield
            }) : () -> ()
            "tpu.region"() ({
              %run_scoped3A = tpu.sem_alloc : memref<!tpu.dma_semaphore, #tpu.memory_space<semaphore_mem>>
              %dma_start3A_76 = tpu.memref_slice %arg6[%multiple_of3A] : memref<327680xi32, #tpu.memory_space<hbm>> -> memref<128xi32, #tpu.memory_space<hbm>>
              %dma_start3A_77 = tpu.memref_slice %arg6[%multiple_of3A] : memref<327680xi32, #tpu.memory_space<hbm>> -> memref<128xi32, #tpu.memory_space<hbm>>
              tpu.enqueue_dma source(%dma_start3A_77 : memref<128xi32, #tpu.memory_space<hbm>>) target(%arg12 : memref<128xi32, #tpu.memory_space<vmem>>) target_semaphore(%run_scoped3A : memref<!tpu.dma_semaphore, #tpu.memory_space<semaphore_mem>>)
              %dma_wait3A_78 = tpu.memref_slice %arg6[%multiple_of3A] : memref<327680xi32, #tpu.memory_space<hbm>> -> memref<128xi32, #tpu.memory_space<hbm>>
              %dma_wait3A_79 = tpu.memref_slice %arg6[%multiple_of3A] : memref<327680xi32, #tpu.memory_space<hbm>> -> memref<128xi32, #tpu.memory_space<hbm>>
              tpu.wait_dma2 semaphore(%run_scoped3A : memref<!tpu.dma_semaphore, #tpu.memory_space<semaphore_mem>>) src(%dma_wait3A_79 : memref<128xi32, #tpu.memory_space<hbm>>) dst(%arg12 : memref<128xi32, #tpu.memory_space<vmem>>)
              tpu.yield
            }) : () -> ()
            %dma_start3A = arith.constant 0 : i32
            %dma_start3A_74 = arith.constant 0 : i32
            %dma_start3A_75 = tpu.memref_slice %arg3[%dma_start3A, %dma_start3A_74] : memref<10112x128xf32, #tpu.memory_space<hbm>> -> memref<10112x128xf32, #tpu.memory_space<hbm>>
            tpu.enqueue_indirect_dma source(%dma_start3A_75 : memref<10112x128xf32, #tpu.memory_space<hbm>>) target(%arg15 : memref<128x128xf32, #tpu.memory_space<vmem>>) offsets(%arg11 : memref<128xi32, #tpu.memory_space<vmem>>) semaphore(%arg17 : memref<!tpu.dma_semaphore, #tpu.memory_space<semaphore_mem>>)
          } else {
          }
          %dma_wait3A = arith.constant 0 : i32
          %dma_wait3A_67 = arith.constant 0 : i32
          %dma_wait3A_68 = tpu.memref_slice %arg3[%dma_wait3A, %dma_wait3A_67] : memref<10112x128xf32, #tpu.memory_space<hbm>> -> memref<10112x128xf32, #tpu.memory_space<hbm>>
          tpu.wait_indirect_dma semaphore(%arg18 : memref<!tpu.dma_semaphore, #tpu.memory_space<semaphore_mem>>) src(%dma_wait3A_68 : memref<10112x128xf32, #tpu.memory_space<hbm>>) dst(%arg16 : memref<128x128xf32, #tpu.memory_space<vmem>>)
          "tpu.region"() ({
            %run_scoped3A = tpu.sem_alloc : memref<!tpu.dma_semaphore, #tpu.memory_space<semaphore_mem>>
            %dma_start3A = arith.constant 0 : i32
            %dma_start3A_69 = arith.constant 0 : i32
            %dma_start3A_70 = tpu.memref_slice %arg19[%dma_start3A, %dma_start3A_69] : memref<10112x128xf32, #tpu.memory_space<vmem_shared>> -> memref<10112x128xf32, #tpu.memory_space<vmem_shared>>
            tpu.enqueue_indirect_dma source(%arg16 : memref<128x128xf32, #tpu.memory_space<vmem>>) target(%dma_start3A_70 : memref<10112x128xf32, #tpu.memory_space<vmem_shared>>) offsets(%arg14 : memref<128xi32, #tpu.memory_space<vmem>>) semaphore(%run_scoped3A : memref<!tpu.dma_semaphore, #tpu.memory_space<semaphore_mem>>) {add = true}
            %dma_wait3A_71 = arith.constant 0 : i32
            %dma_wait3A_72 = arith.constant 0 : i32
            %dma_wait3A_73 = tpu.memref_slice %arg19[%dma_wait3A_71, %dma_wait3A_72] : memref<10112x128xf32, #tpu.memory_space<vmem_shared>> -> memref<10112x128xf32, #tpu.memory_space<vmem_shared>>
            tpu.wait_indirect_dma semaphore(%run_scoped3A : memref<!tpu.dma_semaphore, #tpu.memory_space<semaphore_mem>>) src(%arg16 : memref<128x128xf32, #tpu.memory_space<vmem>>) dst(%dma_wait3A_73 : memref<10112x128xf32, #tpu.memory_space<vmem_shared>>)
            tpu.yield
          }) : () -> ()
        } else {
        }
      }
      %while3A_24 = arith.constant 1 : i32
      scf.for %while3A_25 = %while3A_22 to %while3A_18 step %while3A_24  : i32 {
        %jit3A = arith.constant 2 : i32
        %eq3A_26 = arith.constant 0 : i32
        %eq3A_27 = arith.cmpi eq, %jit3A, %eq3A_26 : i32
        %jit3A_28 = arith.constant 1 : i32
        %select_n3A = arith.select %eq3A_27, %jit3A_28, %jit3A : i32
        %rem3A = arith.remsi %while3A_25, %select_n3A : i32
        %ne3A = arith.constant 0 : i32
        %ne3A_29 = arith.cmpi ne, %rem3A, %ne3A : i32
        %lt3A = arith.constant 0 : i32
        %lt3A_30 = arith.cmpi slt, %rem3A, %lt3A : i32
        %lt3A_31 = arith.constant 0 : i32
        %lt3A_32 = arith.cmpi slt, %select_n3A, %lt3A_31 : i32
        %ne3A_33 = arith.xori %lt3A_30, %lt3A_32 : i1
        %and3A = arith.andi %ne3A_33, %ne3A_29 : i1
        %add3A = arith.addi %rem3A, %select_n3A : i32
        %select_n3A_34 = arith.select %and3A, %add3A, %rem3A : i32
        %eq3A_35 = arith.constant 0 : i32
        %eq3A_36 = arith.cmpi eq, %select_n3A_34, %eq3A_35 : i32
        %convert_element_type3A_37 = arith.extui %eq3A_36 : i1 to i32
        %cond3A_38 = arith.constant 0 : i32
        %cond3A_39 = arith.cmpi ne, %convert_element_type3A_37, %cond3A_38 : i32
        scf.if %cond3A_39 {
          %add3A_61 = arith.constant 1 : i32
          %add3A_62 = arith.addi %while3A_25, %add3A_61 : i32
          %lt3A_63 = arith.cmpi slt, %add3A_62, %squeeze3A_3 : i32
          %convert_element_type3A_64 = arith.extui %lt3A_63 : i1 to i32
          %cond3A_65 = arith.constant 0 : i32
          %cond3A_66 = arith.cmpi ne, %convert_element_type3A_64, %cond3A_65 : i32
          scf.if %cond3A_66 {
            %add3A_69 = arith.constant 1 : i32
            %add3A_70 = arith.addi %while3A_25, %add3A_69 : i32
            %add3A_71 = arith.addi %squeeze3A, %add3A_70 : i32
            %mul3A_72 = arith.constant 128 : i32
            %mul3A_73 = arith.muli %add3A_71, %mul3A_72 : i32
            %multiple_of3A = tpu.assume_multiple %mul3A_73, 8 : i32
            "tpu.region"() ({
              %run_scoped3A = tpu.sem_alloc : memref<!tpu.dma_semaphore, #tpu.memory_space<semaphore_mem>>
              %dma_start3A_76 = tpu.memref_slice %arg5[%multiple_of3A] : memref<327680xi32, #tpu.memory_space<hbm>> -> memref<128xi32, #tpu.memory_space<hbm>>
              %dma_start3A_77 = tpu.memref_slice %arg5[%multiple_of3A] : memref<327680xi32, #tpu.memory_space<hbm>> -> memref<128xi32, #tpu.memory_space<hbm>>
              tpu.enqueue_dma source(%dma_start3A_77 : memref<128xi32, #tpu.memory_space<hbm>>) target(%arg13 : memref<128xi32, #tpu.memory_space<vmem>>) target_semaphore(%run_scoped3A : memref<!tpu.dma_semaphore, #tpu.memory_space<semaphore_mem>>)
              %dma_wait3A_78 = tpu.memref_slice %arg5[%multiple_of3A] : memref<327680xi32, #tpu.memory_space<hbm>> -> memref<128xi32, #tpu.memory_space<hbm>>
              %dma_wait3A_79 = tpu.memref_slice %arg5[%multiple_of3A] : memref<327680xi32, #tpu.memory_space<hbm>> -> memref<128xi32, #tpu.memory_space<hbm>>
              tpu.wait_dma2 semaphore(%run_scoped3A : memref<!tpu.dma_semaphore, #tpu.memory_space<semaphore_mem>>) src(%dma_wait3A_79 : memref<128xi32, #tpu.memory_space<hbm>>) dst(%arg13 : memref<128xi32, #tpu.memory_space<vmem>>)
              tpu.yield
            }) : () -> ()
            "tpu.region"() ({
              %run_scoped3A = tpu.sem_alloc : memref<!tpu.dma_semaphore, #tpu.memory_space<semaphore_mem>>
              %dma_start3A_76 = tpu.memref_slice %arg6[%multiple_of3A] : memref<327680xi32, #tpu.memory_space<hbm>> -> memref<128xi32, #tpu.memory_space<hbm>>
              %dma_start3A_77 = tpu.memref_slice %arg6[%multiple_of3A] : memref<327680xi32, #tpu.memory_space<hbm>> -> memref<128xi32, #tpu.memory_space<hbm>>
              tpu.enqueue_dma source(%dma_start3A_77 : memref<128xi32, #tpu.memory_space<hbm>>) target(%arg14 : memref<128xi32, #tpu.memory_space<vmem>>) target_semaphore(%run_scoped3A : memref<!tpu.dma_semaphore, #tpu.memory_space<semaphore_mem>>)
              %dma_wait3A_78 = tpu.memref_slice %arg6[%multiple_of3A] : memref<327680xi32, #tpu.memory_space<hbm>> -> memref<128xi32, #tpu.memory_space<hbm>>
              %dma_wait3A_79 = tpu.memref_slice %arg6[%multiple_of3A] : memref<327680xi32, #tpu.memory_space<hbm>> -> memref<128xi32, #tpu.memory_space<hbm>>
              tpu.wait_dma2 semaphore(%run_scoped3A : memref<!tpu.dma_semaphore, #tpu.memory_space<semaphore_mem>>) src(%dma_wait3A_79 : memref<128xi32, #tpu.memory_space<hbm>>) dst(%arg14 : memref<128xi32, #tpu.memory_space<vmem>>)
              tpu.yield
            }) : () -> ()
            %dma_start3A = arith.constant 0 : i32
            %dma_start3A_74 = arith.constant 0 : i32
            %dma_start3A_75 = tpu.memref_slice %arg3[%dma_start3A, %dma_start3A_74] : memref<10112x128xf32, #tpu.memory_space<hbm>> -> memref<10112x128xf32, #tpu.memory_space<hbm>>
            tpu.enqueue_indirect_dma source(%dma_start3A_75 : memref<10112x128xf32, #tpu.memory_space<hbm>>) target(%arg16 : memref<128x128xf32, #tpu.memory_space<vmem>>) offsets(%arg13 : memref<128xi32, #tpu.memory_space<vmem>>) semaphore(%arg18 : memref<!tpu.dma_semaphore, #tpu.memory_space<semaphore_mem>>)
          } else {
          }
          %dma_wait3A = arith.constant 0 : i32
          %dma_wait3A_67 = arith.constant 0 : i32
          %dma_wait3A_68 = tpu.memref_slice %arg3[%dma_wait3A, %dma_wait3A_67] : memref<10112x128xf32, #tpu.memory_space<hbm>> -> memref<10112x128xf32, #tpu.memory_space<hbm>>
          tpu.wait_indirect_dma semaphore(%arg17 : memref<!tpu.dma_semaphore, #tpu.memory_space<semaphore_mem>>) src(%dma_wait3A_68 : memref<10112x128xf32, #tpu.memory_space<hbm>>) dst(%arg15 : memref<128x128xf32, #tpu.memory_space<vmem>>)
          "tpu.region"() ({
            %run_scoped3A = tpu.sem_alloc : memref<!tpu.dma_semaphore, #tpu.memory_space<semaphore_mem>>
            %dma_start3A = arith.constant 0 : i32
            %dma_start3A_69 = arith.constant 0 : i32
            %dma_start3A_70 = tpu.memref_slice %arg19[%dma_start3A, %dma_start3A_69] : memref<10112x128xf32, #tpu.memory_space<vmem_shared>> -> memref<10112x128xf32, #tpu.memory_space<vmem_shared>>
            tpu.enqueue_indirect_dma source(%arg15 : memref<128x128xf32, #tpu.memory_space<vmem>>) target(%dma_start3A_70 : memref<10112x128xf32, #tpu.memory_space<vmem_shared>>) offsets(%arg12 : memref<128xi32, #tpu.memory_space<vmem>>) semaphore(%run_scoped3A : memref<!tpu.dma_semaphore, #tpu.memory_space<semaphore_mem>>) {add = true}
            %dma_wait3A_71 = arith.constant 0 : i32
            %dma_wait3A_72 = arith.constant 0 : i32
            %dma_wait3A_73 = tpu.memref_slice %arg19[%dma_wait3A_71, %dma_wait3A_72] : memref<10112x128xf32, #tpu.memory_space<vmem_shared>> -> memref<10112x128xf32, #tpu.memory_space<vmem_shared>>
            tpu.wait_indirect_dma semaphore(%run_scoped3A : memref<!tpu.dma_semaphore, #tpu.memory_space<semaphore_mem>>) src(%arg15 : memref<128x128xf32, #tpu.memory_space<vmem>>) dst(%dma_wait3A_73 : memref<10112x128xf32, #tpu.memory_space<vmem_shared>>)
            tpu.yield
          }) : () -> ()
        } else {
        }
        %jit3A_40 = arith.constant 2 : i32
        %eq3A_41 = arith.constant 0 : i32
        %eq3A_42 = arith.cmpi eq, %jit3A_40, %eq3A_41 : i32
        %jit3A_43 = arith.constant 1 : i32
        %select_n3A_44 = arith.select %eq3A_42, %jit3A_43, %jit3A_40 : i32
        %rem3A_45 = arith.remsi %while3A_25, %select_n3A_44 : i32
        %ne3A_46 = arith.constant 0 : i32
        %ne3A_47 = arith.cmpi ne, %rem3A_45, %ne3A_46 : i32
        %lt3A_48 = arith.constant 0 : i32
        %lt3A_49 = arith.cmpi slt, %rem3A_45, %lt3A_48 : i32
        %lt3A_50 = arith.constant 0 : i32
        %lt3A_51 = arith.cmpi slt, %select_n3A_44, %lt3A_50 : i32
        %ne3A_52 = arith.xori %lt3A_49, %lt3A_51 : i1
        %and3A_53 = arith.andi %ne3A_52, %ne3A_47 : i1
        %add3A_54 = arith.addi %rem3A_45, %select_n3A_44 : i32
        %select_n3A_55 = arith.select %and3A_53, %add3A_54, %rem3A_45 : i32
        %eq3A_56 = arith.constant 1 : i32
        %eq3A_57 = arith.cmpi eq, %select_n3A_55, %eq3A_56 : i32
        %convert_element_type3A_58 = arith.extui %eq3A_57 : i1 to i32
        %cond3A_59 = arith.constant 0 : i32
        %cond3A_60 = arith.cmpi ne, %convert_element_type3A_58, %cond3A_59 : i32
        scf.if %cond3A_60 {
          %add3A_61 = arith.constant 1 : i32
          %add3A_62 = arith.addi %while3A_25, %add3A_61 : i32
          %lt3A_63 = arith.cmpi slt, %add3A_62, %squeeze3A_3 : i32
          %convert_element_type3A_64 = arith.extui %lt3A_63 : i1 to i32
          %cond3A_65 = arith.constant 0 : i32
          %cond3A_66 = arith.cmpi ne, %convert_element_type3A_64, %cond3A_65 : i32
          scf.if %cond3A_66 {
            %add3A_69 = arith.constant 1 : i32
            %add3A_70 = arith.addi %while3A_25, %add3A_69 : i32
            %add3A_71 = arith.addi %squeeze3A, %add3A_70 : i32
            %mul3A_72 = arith.constant 128 : i32
            %mul3A_73 = arith.muli %add3A_71, %mul3A_72 : i32
            %multiple_of3A = tpu.assume_multiple %mul3A_73, 8 : i32
            "tpu.region"() ({
              %run_scoped3A = tpu.sem_alloc : memref<!tpu.dma_semaphore, #tpu.memory_space<semaphore_mem>>
              %dma_start3A_76 = tpu.memref_slice %arg5[%multiple_of3A] : memref<327680xi32, #tpu.memory_space<hbm>> -> memref<128xi32, #tpu.memory_space<hbm>>
              %dma_start3A_77 = tpu.memref_slice %arg5[%multiple_of3A] : memref<327680xi32, #tpu.memory_space<hbm>> -> memref<128xi32, #tpu.memory_space<hbm>>
              tpu.enqueue_dma source(%dma_start3A_77 : memref<128xi32, #tpu.memory_space<hbm>>) target(%arg11 : memref<128xi32, #tpu.memory_space<vmem>>) target_semaphore(%run_scoped3A : memref<!tpu.dma_semaphore, #tpu.memory_space<semaphore_mem>>)
              %dma_wait3A_78 = tpu.memref_slice %arg5[%multiple_of3A] : memref<327680xi32, #tpu.memory_space<hbm>> -> memref<128xi32, #tpu.memory_space<hbm>>
              %dma_wait3A_79 = tpu.memref_slice %arg5[%multiple_of3A] : memref<327680xi32, #tpu.memory_space<hbm>> -> memref<128xi32, #tpu.memory_space<hbm>>
              tpu.wait_dma2 semaphore(%run_scoped3A : memref<!tpu.dma_semaphore, #tpu.memory_space<semaphore_mem>>) src(%dma_wait3A_79 : memref<128xi32, #tpu.memory_space<hbm>>) dst(%arg11 : memref<128xi32, #tpu.memory_space<vmem>>)
              tpu.yield
            }) : () -> ()
            "tpu.region"() ({
              %run_scoped3A = tpu.sem_alloc : memref<!tpu.dma_semaphore, #tpu.memory_space<semaphore_mem>>
              %dma_start3A_76 = tpu.memref_slice %arg6[%multiple_of3A] : memref<327680xi32, #tpu.memory_space<hbm>> -> memref<128xi32, #tpu.memory_space<hbm>>
              %dma_start3A_77 = tpu.memref_slice %arg6[%multiple_of3A] : memref<327680xi32, #tpu.memory_space<hbm>> -> memref<128xi32, #tpu.memory_space<hbm>>
              tpu.enqueue_dma source(%dma_start3A_77 : memref<128xi32, #tpu.memory_space<hbm>>) target(%arg12 : memref<128xi32, #tpu.memory_space<vmem>>) target_semaphore(%run_scoped3A : memref<!tpu.dma_semaphore, #tpu.memory_space<semaphore_mem>>)
              %dma_wait3A_78 = tpu.memref_slice %arg6[%multiple_of3A] : memref<327680xi32, #tpu.memory_space<hbm>> -> memref<128xi32, #tpu.memory_space<hbm>>
              %dma_wait3A_79 = tpu.memref_slice %arg6[%multiple_of3A] : memref<327680xi32, #tpu.memory_space<hbm>> -> memref<128xi32, #tpu.memory_space<hbm>>
              tpu.wait_dma2 semaphore(%run_scoped3A : memref<!tpu.dma_semaphore, #tpu.memory_space<semaphore_mem>>) src(%dma_wait3A_79 : memref<128xi32, #tpu.memory_space<hbm>>) dst(%arg12 : memref<128xi32, #tpu.memory_space<vmem>>)
              tpu.yield
            }) : () -> ()
            %dma_start3A = arith.constant 0 : i32
            %dma_start3A_74 = arith.constant 0 : i32
            %dma_start3A_75 = tpu.memref_slice %arg3[%dma_start3A, %dma_start3A_74] : memref<10112x128xf32, #tpu.memory_space<hbm>> -> memref<10112x128xf32, #tpu.memory_space<hbm>>
            tpu.enqueue_indirect_dma source(%dma_start3A_75 : memref<10112x128xf32, #tpu.memory_space<hbm>>) target(%arg15 : memref<128x128xf32, #tpu.memory_space<vmem>>) offsets(%arg11 : memref<128xi32, #tpu.memory_space<vmem>>) semaphore(%arg17 : memref<!tpu.dma_semaphore, #tpu.memory_space<semaphore_mem>>)
          } else {
          }
          %dma_wait3A = arith.constant 0 : i32
          %dma_wait3A_67 = arith.constant 0 : i32
          %dma_wait3A_68 = tpu.memref_slice %arg3[%dma_wait3A, %dma_wait3A_67] : memref<10112x128xf32, #tpu.memory_space<hbm>> -> memref<10112x128xf32, #tpu.memory_space<hbm>>
          tpu.wait_indirect_dma semaphore(%arg18 : memref<!tpu.dma_semaphore, #tpu.memory_space<semaphore_mem>>) src(%dma_wait3A_68 : memref<10112x128xf32, #tpu.memory_space<hbm>>) dst(%arg16 : memref<128x128xf32, #tpu.memory_space<vmem>>)
          "tpu.region"() ({
            %run_scoped3A = tpu.sem_alloc : memref<!tpu.dma_semaphore, #tpu.memory_space<semaphore_mem>>
            %dma_start3A = arith.constant 0 : i32
            %dma_start3A_69 = arith.constant 0 : i32
            %dma_start3A_70 = tpu.memref_slice %arg19[%dma_start3A, %dma_start3A_69] : memref<10112x128xf32, #tpu.memory_space<vmem_shared>> -> memref<10112x128xf32, #tpu.memory_space<vmem_shared>>
            tpu.enqueue_indirect_dma source(%arg16 : memref<128x128xf32, #tpu.memory_space<vmem>>) target(%dma_start3A_70 : memref<10112x128xf32, #tpu.memory_space<vmem_shared>>) offsets(%arg14 : memref<128xi32, #tpu.memory_space<vmem>>) semaphore(%run_scoped3A : memref<!tpu.dma_semaphore, #tpu.memory_space<semaphore_mem>>) {add = true}
            %dma_wait3A_71 = arith.constant 0 : i32
            %dma_wait3A_72 = arith.constant 0 : i32
            %dma_wait3A_73 = tpu.memref_slice %arg19[%dma_wait3A_71, %dma_wait3A_72] : memref<10112x128xf32, #tpu.memory_space<vmem_shared>> -> memref<10112x128xf32, #tpu.memory_space<vmem_shared>>
            tpu.wait_indirect_dma semaphore(%run_scoped3A : memref<!tpu.dma_semaphore, #tpu.memory_space<semaphore_mem>>) src(%arg16 : memref<128x128xf32, #tpu.memory_space<vmem>>) dst(%dma_wait3A_73 : memref<10112x128xf32, #tpu.memory_space<vmem_shared>>)
            tpu.yield
          }) : () -> ()
        } else {
        }
      }
      "tpu.region"() ({
        %run_scoped3A = tpu.sem_alloc : memref<!tpu.dma_semaphore, #tpu.memory_space<semaphore_mem>>
        %dma_start3A = arith.constant 0 : i32
        %dma_start3A_25 = tpu.memref_slice %arg9[%mul3A_4, %dma_start3A] : memref<10112x128xf32, #tpu.memory_space<hbm>> -> memref<632x128xf32, #tpu.memory_space<hbm>>
        %dma_start3A_26 = arith.constant 0 : i32
        %dma_start3A_27 = tpu.memref_slice %arg19[%mul3A_4, %dma_start3A_26] : memref<10112x128xf32, #tpu.memory_space<vmem_shared>> -> memref<632x128xf32, #tpu.memory_space<vmem_shared>>
        tpu.enqueue_dma source(%dma_start3A_27 : memref<632x128xf32, #tpu.memory_space<vmem_shared>>) target(%dma_start3A_25 : memref<632x128xf32, #tpu.memory_space<hbm>>) target_semaphore(%run_scoped3A : memref<!tpu.dma_semaphore, #tpu.memory_space<semaphore_mem>>)
        %dma_wait3A = arith.constant 0 : i32
        %dma_wait3A_28 = tpu.memref_slice %arg9[%mul3A_4, %dma_wait3A] : memref<10112x128xf32, #tpu.memory_space<hbm>> -> memref<632x128xf32, #tpu.memory_space<hbm>>
        %dma_wait3A_29 = arith.constant 0 : i32
        %dma_wait3A_30 = tpu.memref_slice %arg19[%mul3A_4, %dma_wait3A_29] : memref<10112x128xf32, #tpu.memory_space<vmem_shared>> -> memref<632x128xf32, #tpu.memory_space<vmem_shared>>
        tpu.wait_dma2 semaphore(%run_scoped3A : memref<!tpu.dma_semaphore, #tpu.memory_space<semaphore_mem>>) src(%dma_wait3A_30 : memref<632x128xf32, #tpu.memory_space<vmem_shared>>) dst(%dma_wait3A_28 : memref<632x128xf32, #tpu.memory_space<hbm>>)
        tpu.yield
      }) : () -> ()
    } else {
    }
    return
  }
}

#map = affine_map<(d0, d1) -> (0, 0)>
#map1 = affine_map<(d0, d1) -> (0)>
module attributes {stable_mosaic.version = 14 : i64} {
  func.func @_seg_body(%arg0: i32, %arg1: i32, %arg2: memref<10112x128xf32, #tpu.memory_space<hbm>>, %arg3: memref<10112x128xf32, #tpu.memory_space<hbm>>, %arg4: memref<10112x128xf32, #tpu.memory_space<hbm>>, %arg5: memref<327680xi32, #tpu.memory_space<hbm>>, %arg6: memref<327680xi32, #tpu.memory_space<hbm>>, %arg7: memref<16x128xi32, #tpu.memory_space<hbm>>, %arg8: memref<10112x128xf32, #tpu.memory_space<hbm>>, %arg9: memref<10112x128xf32, #tpu.memory_space<hbm>>, %arg10: memref<128xi32, #tpu.memory_space<vmem>>, %arg11: memref<128xi32, #tpu.memory_space<vmem>>, %arg12: memref<128xi32, #tpu.memory_space<vmem>>, %arg13: memref<128xi32, #tpu.memory_space<vmem>>, %arg14: memref<128xi32, #tpu.memory_space<vmem>>, %arg15: memref<128x128xf32, #tpu.memory_space<vmem>>, %arg16: memref<128x128xf32, #tpu.memory_space<vmem>>, %arg17: memref<!tpu.dma_semaphore, #tpu.memory_space<semaphore_mem>>, %arg18: memref<!tpu.dma_semaphore, #tpu.memory_space<semaphore_mem>>, %arg19: memref<10112x128xf32, #tpu.memory_space<vmem_shared>>) attributes {dimension_semantics = [#tpu.dimension_semantics<core_parallel>, #tpu.dimension_semantics<subcore_parallel>], iteration_bounds = array<i64: 2, 16>, scalar_prefetch = 0 : i64, scratch_operands = 10 : i64, tpu.core_type = #tpu.core_type<sc_vector_subcore>, window_params = [{transform_indices = #map}, {transform_indices = #map}, {transform_indices = #map}, {transform_indices = #map1}, {transform_indices = #map1}, {transform_indices = #map}, {transform_indices = #map}, {transform_indices = #map}]} {
    "tpu.region"() ({
      %run_scoped3A = tpu.sem_alloc : memref<!tpu.dma_semaphore, #tpu.memory_space<semaphore_mem>>
      %dma_start3A = arith.constant 0 : i32
      %dma_start3A_12 = tpu.memref_slice %arg7[%arg1, %dma_start3A] : memref<16x128xi32, #tpu.memory_space<hbm>> -> memref<1x128xi32, #tpu.memory_space<hbm>>
      %dma_start3A_13 = tpu.memref_squeeze %dma_start3A_12 : memref<1x128xi32, #tpu.memory_space<hbm>> -> memref<128xi32, #tpu.memory_space<hbm>>
      %dma_start3A_14 = arith.constant 0 : i32
      %dma_start3A_15 = tpu.memref_slice %arg7[%arg1, %dma_start3A_14] : memref<16x128xi32, #tpu.memory_space<hbm>> -> memref<1x128xi32, #tpu.memory_space<hbm>>
      %dma_start3A_16 = tpu.memref_squeeze %dma_start3A_15 : memref<1x128xi32, #tpu.memory_space<hbm>> -> memref<128xi32, #tpu.memory_space<hbm>>
      tpu.enqueue_dma source(%dma_start3A_16 : memref<128xi32, #tpu.memory_space<hbm>>) target(%arg10 : memref<128xi32, #tpu.memory_space<vmem>>) target_semaphore(%run_scoped3A : memref<!tpu.dma_semaphore, #tpu.memory_space<semaphore_mem>>)
      %dma_wait3A = arith.constant 0 : i32
      %dma_wait3A_17 = tpu.memref_slice %arg7[%arg1, %dma_wait3A] : memref<16x128xi32, #tpu.memory_space<hbm>> -> memref<1x128xi32, #tpu.memory_space<hbm>>
      %dma_wait3A_18 = tpu.memref_squeeze %dma_wait3A_17 : memref<1x128xi32, #tpu.memory_space<hbm>> -> memref<128xi32, #tpu.memory_space<hbm>>
      %dma_wait3A_19 = arith.constant 0 : i32
      %dma_wait3A_20 = tpu.memref_slice %arg7[%arg1, %dma_wait3A_19] : memref<16x128xi32, #tpu.memory_space<hbm>> -> memref<1x128xi32, #tpu.memory_space<hbm>>
      %dma_wait3A_21 = tpu.memref_squeeze %dma_wait3A_20 : memref<1x128xi32, #tpu.memory_space<hbm>> -> memref<128xi32, #tpu.memory_space<hbm>>
      tpu.wait_dma2 semaphore(%run_scoped3A : memref<!tpu.dma_semaphore, #tpu.memory_space<semaphore_mem>>) src(%dma_wait3A_21 : memref<128xi32, #tpu.memory_space<hbm>>) dst(%arg10 : memref<128xi32, #tpu.memory_space<vmem>>)
      tpu.yield
    }) : () -> ()
    %get3A = arith.constant 0 : index
    %get3A_0 = tpu.vector_load %arg10[%get3A] {strides = array<i32>} : memref<128xi32, #tpu.memory_space<vmem>>, vector<16xi32>,
    %get3A_1 = vector.shape_cast %get3A_0 : vector<16xi32> to vector<16xi32>
    %slice3A = vector.extract_strided_slice %get3A_1 {offsets = [0], sizes = [1], strides = [1]} : vector<16xi32> to vector<1xi32>
    %squeeze3A = vector.extract %slice3A[0] : i32 from vector<1xi32>
    %slice3A_2 = vector.extract_strided_slice %get3A_1 {offsets = [1], sizes = [1], strides = [1]} : vector<16xi32> to vector<1xi32>
    %squeeze3A_3 = vector.extract %slice3A_2[0] : i32 from vector<1xi32>
    %mul3A = arith.constant 632 : i32
    %mul3A_4 = arith.muli %arg1, %mul3A : i32
    %eq3A = arith.constant 0 : i32
    %eq3A_5 = arith.cmpi eq, %arg0, %eq3A : i32
    %convert_element_type3A = arith.extui %eq3A_5 : i1 to i32
    %cond3A = arith.constant 0 : i32
    %cond3A_6 = arith.cmpi ne, %convert_element_type3A, %cond3A : i32
    scf.if %cond3A_6 {
      "tpu.region"() ({
        %run_scoped3A = tpu.sem_alloc : memref<!tpu.dma_semaphore, #tpu.memory_space<semaphore_mem>>
        %dma_start3A = arith.constant 0 : i32
        %dma_start3A_25 = tpu.memref_slice %arg19[%mul3A_4, %dma_start3A] : memref<10112x128xf32, #tpu.memory_space<vmem_shared>> -> memref<632x128xf32, #tpu.memory_space<vmem_shared>>
        %dma_start3A_26 = arith.constant 0 : i32
        %dma_start3A_27 = tpu.memref_slice %arg4[%mul3A_4, %dma_start3A_26] : memref<10112x128xf32, #tpu.memory_space<hbm>> -> memref<632x128xf32, #tpu.memory_space<hbm>>
        tpu.enqueue_dma source(%dma_start3A_27 : memref<632x128xf32, #tpu.memory_space<hbm>>) target(%dma_start3A_25 : memref<632x128xf32, #tpu.memory_space<vmem_shared>>) target_semaphore(%run_scoped3A : memref<!tpu.dma_semaphore, #tpu.memory_space<semaphore_mem>>)
        %dma_wait3A = arith.constant 0 : i32
        %dma_wait3A_28 = tpu.memref_slice %arg19[%mul3A_4, %dma_wait3A] : memref<10112x128xf32, #tpu.memory_space<vmem_shared>> -> memref<632x128xf32, #tpu.memory_space<vmem_shared>>
        %dma_wait3A_29 = arith.constant 0 : i32
        %dma_wait3A_30 = tpu.memref_slice %arg4[%mul3A_4, %dma_wait3A_29] : memref<10112x128xf32, #tpu.memory_space<hbm>> -> memref<632x128xf32, #tpu.memory_space<hbm>>
        tpu.wait_dma2 semaphore(%run_scoped3A : memref<!tpu.dma_semaphore, #tpu.memory_space<semaphore_mem>>) src(%dma_wait3A_30 : memref<632x128xf32, #tpu.memory_space<hbm>>) dst(%dma_wait3A_28 : memref<632x128xf32, #tpu.memory_space<vmem_shared>>)
        tpu.yield
      }) : () -> ()
      %gt3A = arith.constant 0 : i32
      %gt3A_12 = arith.cmpi sgt, %squeeze3A_3, %gt3A : i32
      %convert_element_type3A_13 = arith.extui %gt3A_12 : i1 to i32
      %cond3A_14 = arith.constant 0 : i32
      %cond3A_15 = arith.cmpi ne, %convert_element_type3A_13, %cond3A_14 : i32
      scf.if %cond3A_15 {
        %add3A = arith.constant 0 : i32
        %add3A_25 = arith.addi %squeeze3A, %add3A : i32
        %mul3A_26 = arith.constant 128 : i32
        %mul3A_27 = arith.muli %add3A_25, %mul3A_26 : i32
        %multiple_of3A = tpu.assume_multiple %mul3A_27, 8 : i32
        "tpu.region"() ({
          %run_scoped3A = tpu.sem_alloc : memref<!tpu.dma_semaphore, #tpu.memory_space<semaphore_mem>>
          %dma_start3A_30 = tpu.memref_slice %arg5[%multiple_of3A] : memref<327680xi32, #tpu.memory_space<hbm>> -> memref<128xi32, #tpu.memory_space<hbm>>
          %dma_start3A_31 = tpu.memref_slice %arg5[%multiple_of3A] : memref<327680xi32, #tpu.memory_space<hbm>> -> memref<128xi32, #tpu.memory_space<hbm>>
          tpu.enqueue_dma source(%dma_start3A_31 : memref<128xi32, #tpu.memory_space<hbm>>) target(%arg11 : memref<128xi32, #tpu.memory_space<vmem>>) target_semaphore(%run_scoped3A : memref<!tpu.dma_semaphore, #tpu.memory_space<semaphore_mem>>)
          %dma_wait3A = tpu.memref_slice %arg5[%multiple_of3A] : memref<327680xi32, #tpu.memory_space<hbm>> -> memref<128xi32, #tpu.memory_space<hbm>>
          %dma_wait3A_32 = tpu.memref_slice %arg5[%multiple_of3A] : memref<327680xi32, #tpu.memory_space<hbm>> -> memref<128xi32, #tpu.memory_space<hbm>>
          tpu.wait_dma2 semaphore(%run_scoped3A : memref<!tpu.dma_semaphore, #tpu.memory_space<semaphore_mem>>) src(%dma_wait3A_32 : memref<128xi32, #tpu.memory_space<hbm>>) dst(%arg11 : memref<128xi32, #tpu.memory_space<vmem>>)
          tpu.yield
        }) : () -> ()
        "tpu.region"() ({
          %run_scoped3A = tpu.sem_alloc : memref<!tpu.dma_semaphore, #tpu.memory_space<semaphore_mem>>
          %dma_start3A_30 = tpu.memref_slice %arg6[%multiple_of3A] : memref<327680xi32, #tpu.memory_space<hbm>> -> memref<128xi32, #tpu.memory_space<hbm>>
          %dma_start3A_31 = tpu.memref_slice %arg6[%multiple_of3A] : memref<327680xi32, #tpu.memory_space<hbm>> -> memref<128xi32, #tpu.memory_space<hbm>>
          tpu.enqueue_dma source(%dma_start3A_31 : memref<128xi32, #tpu.memory_space<hbm>>) target(%arg12 : memref<128xi32, #tpu.memory_space<vmem>>) target_semaphore(%run_scoped3A : memref<!tpu.dma_semaphore, #tpu.memory_space<semaphore_mem>>)
          %dma_wait3A = tpu.memref_slice %arg6[%multiple_of3A] : memref<327680xi32, #tpu.memory_space<hbm>> -> memref<128xi32, #tpu.memory_space<hbm>>
          %dma_wait3A_32 = tpu.memref_slice %arg6[%multiple_of3A] : memref<327680xi32, #tpu.memory_space<hbm>> -> memref<128xi32, #tpu.memory_space<hbm>>
          tpu.wait_dma2 semaphore(%run_scoped3A : memref<!tpu.dma_semaphore, #tpu.memory_space<semaphore_mem>>) src(%dma_wait3A_32 : memref<128xi32, #tpu.memory_space<hbm>>) dst(%arg12 : memref<128xi32, #tpu.memory_space<vmem>>)
          tpu.yield
        }) : () -> ()
        %dma_start3A = arith.constant 0 : i32
        %dma_start3A_28 = arith.constant 0 : i32
        %dma_start3A_29 = tpu.memref_slice %arg2[%dma_start3A, %dma_start3A_28] : memref<10112x128xf32, #tpu.memory_space<hbm>> -> memref<10112x128xf32, #tpu.memory_space<hbm>>
        tpu.enqueue_indirect_dma source(%dma_start3A_29 : memref<10112x128xf32, #tpu.memory_space<hbm>>) target(%arg15 : memref<128x128xf32, #tpu.memory_space<vmem>>) offsets(%arg11 : memref<128xi32, #tpu.memory_space<vmem>>) semaphore(%arg17 : memref<!tpu.dma_semaphore, #tpu.memory_space<semaphore_mem>>)
      } else {
      }
      %while3A = arith.constant 0 : i32
      %while3A_16 = arith.constant 0 : i32
      %while3A_17 = arith.subi %squeeze3A_3, %while3A_16 : i32
      %while3A_18 = arith.addi %while3A_16, %while3A_17 : i32
      %while3A_19 = arith.constant 1 : i32
      %while3A_20 = arith.divsi %while3A_17, %while3A_19 : i32
      %while3A_21 = arith.muli %while3A_20, %while3A_19 : i32
      %while3A_22 = arith.addi %while3A_16, %while3A_21 : i32
      %while3A_23 = arith.constant 1 : i32
      scf.for %while3A_25 = %while3A_16 to %while3A_22 step %while3A_23  : i32 {
        %jit3A = arith.constant 2 : i32
        %eq3A_26 = arith.constant 0 : i32
        %eq3A_27 = arith.cmpi eq, %jit3A, %eq3A_26 : i32
        %jit3A_28 = arith.constant 1 : i32
        %select_n3A = arith.select %eq3A_27, %jit3A_28, %jit3A : i32
        %rem3A = arith.remsi %while3A_25, %select_n3A : i32
        %ne3A = arith.constant 0 : i32
        %ne3A_29 = arith.cmpi ne, %rem3A, %ne3A : i32
        %lt3A = arith.constant 0 : i32
        %lt3A_30 = arith.cmpi slt, %rem3A, %lt3A : i32
        %lt3A_31 = arith.constant 0 : i32
        %lt3A_32 = arith.cmpi slt, %select_n3A, %lt3A_31 : i32
        %ne3A_33 = arith.xori %lt3A_30, %lt3A_32 : i1
        %and3A = arith.andi %ne3A_33, %ne3A_29 : i1
        %add3A = arith.addi %rem3A, %select_n3A : i32
        %select_n3A_34 = arith.select %and3A, %add3A, %rem3A : i32
        %eq3A_35 = arith.constant 0 : i32
        %eq3A_36 = arith.cmpi eq, %select_n3A_34, %eq3A_35 : i32
        %convert_element_type3A_37 = arith.extui %eq3A_36 : i1 to i32
        %cond3A_38 = arith.constant 0 : i32
        %cond3A_39 = arith.cmpi ne, %convert_element_type3A_37, %cond3A_38 : i32
        scf.if %cond3A_39 {
          %add3A_61 = arith.constant 1 : i32
          %add3A_62 = arith.addi %while3A_25, %add3A_61 : i32
          %lt3A_63 = arith.cmpi slt, %add3A_62, %squeeze3A_3 : i32
          %convert_element_type3A_64 = arith.extui %lt3A_63 : i1 to i32
          %cond3A_65 = arith.constant 0 : i32
          %cond3A_66 = arith.cmpi ne, %convert_element_type3A_64, %cond3A_65 : i32
          scf.if %cond3A_66 {
            %add3A_69 = arith.constant 1 : i32
            %add3A_70 = arith.addi %while3A_25, %add3A_69 : i32
            %add3A_71 = arith.addi %squeeze3A, %add3A_70 : i32
            %mul3A_72 = arith.constant 128 : i32
            %mul3A_73 = arith.muli %add3A_71, %mul3A_72 : i32
            %multiple_of3A = tpu.assume_multiple %mul3A_73, 8 : i32
            "tpu.region"() ({
              %run_scoped3A = tpu.sem_alloc : memref<!tpu.dma_semaphore, #tpu.memory_space<semaphore_mem>>
              %dma_start3A_76 = tpu.memref_slice %arg5[%multiple_of3A] : memref<327680xi32, #tpu.memory_space<hbm>> -> memref<128xi32, #tpu.memory_space<hbm>>
              %dma_start3A_77 = tpu.memref_slice %arg5[%multiple_of3A] : memref<327680xi32, #tpu.memory_space<hbm>> -> memref<128xi32, #tpu.memory_space<hbm>>
              tpu.enqueue_dma source(%dma_start3A_77 : memref<128xi32, #tpu.memory_space<hbm>>) target(%arg13 : memref<128xi32, #tpu.memory_space<vmem>>) target_semaphore(%run_scoped3A : memref<!tpu.dma_semaphore, #tpu.memory_space<semaphore_mem>>)
              %dma_wait3A_78 = tpu.memref_slice %arg5[%multiple_of3A] : memref<327680xi32, #tpu.memory_space<hbm>> -> memref<128xi32, #tpu.memory_space<hbm>>
              %dma_wait3A_79 = tpu.memref_slice %arg5[%multiple_of3A] : memref<327680xi32, #tpu.memory_space<hbm>> -> memref<128xi32, #tpu.memory_space<hbm>>
              tpu.wait_dma2 semaphore(%run_scoped3A : memref<!tpu.dma_semaphore, #tpu.memory_space<semaphore_mem>>) src(%dma_wait3A_79 : memref<128xi32, #tpu.memory_space<hbm>>) dst(%arg13 : memref<128xi32, #tpu.memory_space<vmem>>)
              tpu.yield
            }) : () -> ()
            "tpu.region"() ({
              %run_scoped3A = tpu.sem_alloc : memref<!tpu.dma_semaphore, #tpu.memory_space<semaphore_mem>>
              %dma_start3A_76 = tpu.memref_slice %arg6[%multiple_of3A] : memref<327680xi32, #tpu.memory_space<hbm>> -> memref<128xi32, #tpu.memory_space<hbm>>
              %dma_start3A_77 = tpu.memref_slice %arg6[%multiple_of3A] : memref<327680xi32, #tpu.memory_space<hbm>> -> memref<128xi32, #tpu.memory_space<hbm>>
              tpu.enqueue_dma source(%dma_start3A_77 : memref<128xi32, #tpu.memory_space<hbm>>) target(%arg14 : memref<128xi32, #tpu.memory_space<vmem>>) target_semaphore(%run_scoped3A : memref<!tpu.dma_semaphore, #tpu.memory_space<semaphore_mem>>)
              %dma_wait3A_78 = tpu.memref_slice %arg6[%multiple_of3A] : memref<327680xi32, #tpu.memory_space<hbm>> -> memref<128xi32, #tpu.memory_space<hbm>>
              %dma_wait3A_79 = tpu.memref_slice %arg6[%multiple_of3A] : memref<327680xi32, #tpu.memory_space<hbm>> -> memref<128xi32, #tpu.memory_space<hbm>>
              tpu.wait_dma2 semaphore(%run_scoped3A : memref<!tpu.dma_semaphore, #tpu.memory_space<semaphore_mem>>) src(%dma_wait3A_79 : memref<128xi32, #tpu.memory_space<hbm>>) dst(%arg14 : memref<128xi32, #tpu.memory_space<vmem>>)
              tpu.yield
            }) : () -> ()
            %dma_start3A = arith.constant 0 : i32
            %dma_start3A_74 = arith.constant 0 : i32
            %dma_start3A_75 = tpu.memref_slice %arg2[%dma_start3A, %dma_start3A_74] : memref<10112x128xf32, #tpu.memory_space<hbm>> -> memref<10112x128xf32, #tpu.memory_space<hbm>>
            tpu.enqueue_indirect_dma source(%dma_start3A_75 : memref<10112x128xf32, #tpu.memory_space<hbm>>) target(%arg16 : memref<128x128xf32, #tpu.memory_space<vmem>>) offsets(%arg13 : memref<128xi32, #tpu.memory_space<vmem>>) semaphore(%arg18 : memref<!tpu.dma_semaphore, #tpu.memory_space<semaphore_mem>>)
          } else {
          }
          %dma_wait3A = arith.constant 0 : i32
          %dma_wait3A_67 = arith.constant 0 : i32
          %dma_wait3A_68 = tpu.memref_slice %arg2[%dma_wait3A, %dma_wait3A_67] : memref<10112x128xf32, #tpu.memory_space<hbm>> -> memref<10112x128xf32, #tpu.memory_space<hbm>>
          tpu.wait_indirect_dma semaphore(%arg17 : memref<!tpu.dma_semaphore, #tpu.memory_space<semaphore_mem>>) src(%dma_wait3A_68 : memref<10112x128xf32, #tpu.memory_space<hbm>>) dst(%arg15 : memref<128x128xf32, #tpu.memory_space<vmem>>)
          "tpu.region"() ({
            %run_scoped3A = tpu.sem_alloc : memref<!tpu.dma_semaphore, #tpu.memory_space<semaphore_mem>>
            %dma_start3A = arith.constant 0 : i32
            %dma_start3A_69 = arith.constant 0 : i32
            %dma_start3A_70 = tpu.memref_slice %arg19[%dma_start3A, %dma_start3A_69] : memref<10112x128xf32, #tpu.memory_space<vmem_shared>> -> memref<10112x128xf32, #tpu.memory_space<vmem_shared>>
            tpu.enqueue_indirect_dma source(%arg15 : memref<128x128xf32, #tpu.memory_space<vmem>>) target(%dma_start3A_70 : memref<10112x128xf32, #tpu.memory_space<vmem_shared>>) offsets(%arg12 : memref<128xi32, #tpu.memory_space<vmem>>) semaphore(%run_scoped3A : memref<!tpu.dma_semaphore, #tpu.memory_space<semaphore_mem>>) {add = true}
            %dma_wait3A_71 = arith.constant 0 : i32
            %dma_wait3A_72 = arith.constant 0 : i32
            %dma_wait3A_73 = tpu.memref_slice %arg19[%dma_wait3A_71, %dma_wait3A_72] : memref<10112x128xf32, #tpu.memory_space<vmem_shared>> -> memref<10112x128xf32, #tpu.memory_space<vmem_shared>>
            tpu.wait_indirect_dma semaphore(%run_scoped3A : memref<!tpu.dma_semaphore, #tpu.memory_space<semaphore_mem>>) src(%arg15 : memref<128x128xf32, #tpu.memory_space<vmem>>) dst(%dma_wait3A_73 : memref<10112x128xf32, #tpu.memory_space<vmem_shared>>)
            tpu.yield
          }) : () -> ()
        } else {
        }
        %jit3A_40 = arith.constant 2 : i32
        %eq3A_41 = arith.constant 0 : i32
        %eq3A_42 = arith.cmpi eq, %jit3A_40, %eq3A_41 : i32
        %jit3A_43 = arith.constant 1 : i32
        %select_n3A_44 = arith.select %eq3A_42, %jit3A_43, %jit3A_40 : i32
        %rem3A_45 = arith.remsi %while3A_25, %select_n3A_44 : i32
        %ne3A_46 = arith.constant 0 : i32
        %ne3A_47 = arith.cmpi ne, %rem3A_45, %ne3A_46 : i32
        %lt3A_48 = arith.constant 0 : i32
        %lt3A_49 = arith.cmpi slt, %rem3A_45, %lt3A_48 : i32
        %lt3A_50 = arith.constant 0 : i32
        %lt3A_51 = arith.cmpi slt, %select_n3A_44, %lt3A_50 : i32
        %ne3A_52 = arith.xori %lt3A_49, %lt3A_51 : i1
        %and3A_53 = arith.andi %ne3A_52, %ne3A_47 : i1
        %add3A_54 = arith.addi %rem3A_45, %select_n3A_44 : i32
        %select_n3A_55 = arith.select %and3A_53, %add3A_54, %rem3A_45 : i32
        %eq3A_56 = arith.constant 1 : i32
        %eq3A_57 = arith.cmpi eq, %select_n3A_55, %eq3A_56 : i32
        %convert_element_type3A_58 = arith.extui %eq3A_57 : i1 to i32
        %cond3A_59 = arith.constant 0 : i32
        %cond3A_60 = arith.cmpi ne, %convert_element_type3A_58, %cond3A_59 : i32
        scf.if %cond3A_60 {
          %add3A_61 = arith.constant 1 : i32
          %add3A_62 = arith.addi %while3A_25, %add3A_61 : i32
          %lt3A_63 = arith.cmpi slt, %add3A_62, %squeeze3A_3 : i32
          %convert_element_type3A_64 = arith.extui %lt3A_63 : i1 to i32
          %cond3A_65 = arith.constant 0 : i32
          %cond3A_66 = arith.cmpi ne, %convert_element_type3A_64, %cond3A_65 : i32
          scf.if %cond3A_66 {
            %add3A_69 = arith.constant 1 : i32
            %add3A_70 = arith.addi %while3A_25, %add3A_69 : i32
            %add3A_71 = arith.addi %squeeze3A, %add3A_70 : i32
            %mul3A_72 = arith.constant 128 : i32
            %mul3A_73 = arith.muli %add3A_71, %mul3A_72 : i32
            %multiple_of3A = tpu.assume_multiple %mul3A_73, 8 : i32
            "tpu.region"() ({
              %run_scoped3A = tpu.sem_alloc : memref<!tpu.dma_semaphore, #tpu.memory_space<semaphore_mem>>
              %dma_start3A_76 = tpu.memref_slice %arg5[%multiple_of3A] : memref<327680xi32, #tpu.memory_space<hbm>> -> memref<128xi32, #tpu.memory_space<hbm>>
              %dma_start3A_77 = tpu.memref_slice %arg5[%multiple_of3A] : memref<327680xi32, #tpu.memory_space<hbm>> -> memref<128xi32, #tpu.memory_space<hbm>>
              tpu.enqueue_dma source(%dma_start3A_77 : memref<128xi32, #tpu.memory_space<hbm>>) target(%arg11 : memref<128xi32, #tpu.memory_space<vmem>>) target_semaphore(%run_scoped3A : memref<!tpu.dma_semaphore, #tpu.memory_space<semaphore_mem>>)
              %dma_wait3A_78 = tpu.memref_slice %arg5[%multiple_of3A] : memref<327680xi32, #tpu.memory_space<hbm>> -> memref<128xi32, #tpu.memory_space<hbm>>
              %dma_wait3A_79 = tpu.memref_slice %arg5[%multiple_of3A] : memref<327680xi32, #tpu.memory_space<hbm>> -> memref<128xi32, #tpu.memory_space<hbm>>
              tpu.wait_dma2 semaphore(%run_scoped3A : memref<!tpu.dma_semaphore, #tpu.memory_space<semaphore_mem>>) src(%dma_wait3A_79 : memref<128xi32, #tpu.memory_space<hbm>>) dst(%arg11 : memref<128xi32, #tpu.memory_space<vmem>>)
              tpu.yield
            }) : () -> ()
            "tpu.region"() ({
              %run_scoped3A = tpu.sem_alloc : memref<!tpu.dma_semaphore, #tpu.memory_space<semaphore_mem>>
              %dma_start3A_76 = tpu.memref_slice %arg6[%multiple_of3A] : memref<327680xi32, #tpu.memory_space<hbm>> -> memref<128xi32, #tpu.memory_space<hbm>>
              %dma_start3A_77 = tpu.memref_slice %arg6[%multiple_of3A] : memref<327680xi32, #tpu.memory_space<hbm>> -> memref<128xi32, #tpu.memory_space<hbm>>
              tpu.enqueue_dma source(%dma_start3A_77 : memref<128xi32, #tpu.memory_space<hbm>>) target(%arg12 : memref<128xi32, #tpu.memory_space<vmem>>) target_semaphore(%run_scoped3A : memref<!tpu.dma_semaphore, #tpu.memory_space<semaphore_mem>>)
              %dma_wait3A_78 = tpu.memref_slice %arg6[%multiple_of3A] : memref<327680xi32, #tpu.memory_space<hbm>> -> memref<128xi32, #tpu.memory_space<hbm>>
              %dma_wait3A_79 = tpu.memref_slice %arg6[%multiple_of3A] : memref<327680xi32, #tpu.memory_space<hbm>> -> memref<128xi32, #tpu.memory_space<hbm>>
              tpu.wait_dma2 semaphore(%run_scoped3A : memref<!tpu.dma_semaphore, #tpu.memory_space<semaphore_mem>>) src(%dma_wait3A_79 : memref<128xi32, #tpu.memory_space<hbm>>) dst(%arg12 : memref<128xi32, #tpu.memory_space<vmem>>)
              tpu.yield
            }) : () -> ()
            %dma_start3A = arith.constant 0 : i32
            %dma_start3A_74 = arith.constant 0 : i32
            %dma_start3A_75 = tpu.memref_slice %arg2[%dma_start3A, %dma_start3A_74] : memref<10112x128xf32, #tpu.memory_space<hbm>> -> memref<10112x128xf32, #tpu.memory_space<hbm>>
            tpu.enqueue_indirect_dma source(%dma_start3A_75 : memref<10112x128xf32, #tpu.memory_space<hbm>>) target(%arg15 : memref<128x128xf32, #tpu.memory_space<vmem>>) offsets(%arg11 : memref<128xi32, #tpu.memory_space<vmem>>) semaphore(%arg17 : memref<!tpu.dma_semaphore, #tpu.memory_space<semaphore_mem>>)
          } else {
          }
          %dma_wait3A = arith.constant 0 : i32
          %dma_wait3A_67 = arith.constant 0 : i32
          %dma_wait3A_68 = tpu.memref_slice %arg2[%dma_wait3A, %dma_wait3A_67] : memref<10112x128xf32, #tpu.memory_space<hbm>> -> memref<10112x128xf32, #tpu.memory_space<hbm>>
          tpu.wait_indirect_dma semaphore(%arg18 : memref<!tpu.dma_semaphore, #tpu.memory_space<semaphore_mem>>) src(%dma_wait3A_68 : memref<10112x128xf32, #tpu.memory_space<hbm>>) dst(%arg16 : memref<128x128xf32, #tpu.memory_space<vmem>>)
          "tpu.region"() ({
            %run_scoped3A = tpu.sem_alloc : memref<!tpu.dma_semaphore, #tpu.memory_space<semaphore_mem>>
            %dma_start3A = arith.constant 0 : i32
            %dma_start3A_69 = arith.constant 0 : i32
            %dma_start3A_70 = tpu.memref_slice %arg19[%dma_start3A, %dma_start3A_69] : memref<10112x128xf32, #tpu.memory_space<vmem_shared>> -> memref<10112x128xf32, #tpu.memory_space<vmem_shared>>
            tpu.enqueue_indirect_dma source(%arg16 : memref<128x128xf32, #tpu.memory_space<vmem>>) target(%dma_start3A_70 : memref<10112x128xf32, #tpu.memory_space<vmem_shared>>) offsets(%arg14 : memref<128xi32, #tpu.memory_space<vmem>>) semaphore(%run_scoped3A : memref<!tpu.dma_semaphore, #tpu.memory_space<semaphore_mem>>) {add = true}
            %dma_wait3A_71 = arith.constant 0 : i32
            %dma_wait3A_72 = arith.constant 0 : i32
            %dma_wait3A_73 = tpu.memref_slice %arg19[%dma_wait3A_71, %dma_wait3A_72] : memref<10112x128xf32, #tpu.memory_space<vmem_shared>> -> memref<10112x128xf32, #tpu.memory_space<vmem_shared>>
            tpu.wait_indirect_dma semaphore(%run_scoped3A : memref<!tpu.dma_semaphore, #tpu.memory_space<semaphore_mem>>) src(%arg16 : memref<128x128xf32, #tpu.memory_space<vmem>>) dst(%dma_wait3A_73 : memref<10112x128xf32, #tpu.memory_space<vmem_shared>>)
            tpu.yield
          }) : () -> ()
        } else {
        }
      }
      %while3A_24 = arith.constant 1 : i32
      scf.for %while3A_25 = %while3A_22 to %while3A_18 step %while3A_24  : i32 {
        %jit3A = arith.constant 2 : i32
        %eq3A_26 = arith.constant 0 : i32
        %eq3A_27 = arith.cmpi eq, %jit3A, %eq3A_26 : i32
        %jit3A_28 = arith.constant 1 : i32
        %select_n3A = arith.select %eq3A_27, %jit3A_28, %jit3A : i32
        %rem3A = arith.remsi %while3A_25, %select_n3A : i32
        %ne3A = arith.constant 0 : i32
        %ne3A_29 = arith.cmpi ne, %rem3A, %ne3A : i32
        %lt3A = arith.constant 0 : i32
        %lt3A_30 = arith.cmpi slt, %rem3A, %lt3A : i32
        %lt3A_31 = arith.constant 0 : i32
        %lt3A_32 = arith.cmpi slt, %select_n3A, %lt3A_31 : i32
        %ne3A_33 = arith.xori %lt3A_30, %lt3A_32 : i1
        %and3A = arith.andi %ne3A_33, %ne3A_29 : i1
        %add3A = arith.addi %rem3A, %select_n3A : i32
        %select_n3A_34 = arith.select %and3A, %add3A, %rem3A : i32
        %eq3A_35 = arith.constant 0 : i32
        %eq3A_36 = arith.cmpi eq, %select_n3A_34, %eq3A_35 : i32
        %convert_element_type3A_37 = arith.extui %eq3A_36 : i1 to i32
        %cond3A_38 = arith.constant 0 : i32
        %cond3A_39 = arith.cmpi ne, %convert_element_type3A_37, %cond3A_38 : i32
        scf.if %cond3A_39 {
          %add3A_61 = arith.constant 1 : i32
          %add3A_62 = arith.addi %while3A_25, %add3A_61 : i32
          %lt3A_63 = arith.cmpi slt, %add3A_62, %squeeze3A_3 : i32
          %convert_element_type3A_64 = arith.extui %lt3A_63 : i1 to i32
          %cond3A_65 = arith.constant 0 : i32
          %cond3A_66 = arith.cmpi ne, %convert_element_type3A_64, %cond3A_65 : i32
          scf.if %cond3A_66 {
            %add3A_69 = arith.constant 1 : i32
            %add3A_70 = arith.addi %while3A_25, %add3A_69 : i32
            %add3A_71 = arith.addi %squeeze3A, %add3A_70 : i32
            %mul3A_72 = arith.constant 128 : i32
            %mul3A_73 = arith.muli %add3A_71, %mul3A_72 : i32
            %multiple_of3A = tpu.assume_multiple %mul3A_73, 8 : i32
            "tpu.region"() ({
              %run_scoped3A = tpu.sem_alloc : memref<!tpu.dma_semaphore, #tpu.memory_space<semaphore_mem>>
              %dma_start3A_76 = tpu.memref_slice %arg5[%multiple_of3A] : memref<327680xi32, #tpu.memory_space<hbm>> -> memref<128xi32, #tpu.memory_space<hbm>>
              %dma_start3A_77 = tpu.memref_slice %arg5[%multiple_of3A] : memref<327680xi32, #tpu.memory_space<hbm>> -> memref<128xi32, #tpu.memory_space<hbm>>
              tpu.enqueue_dma source(%dma_start3A_77 : memref<128xi32, #tpu.memory_space<hbm>>) target(%arg13 : memref<128xi32, #tpu.memory_space<vmem>>) target_semaphore(%run_scoped3A : memref<!tpu.dma_semaphore, #tpu.memory_space<semaphore_mem>>)
              %dma_wait3A_78 = tpu.memref_slice %arg5[%multiple_of3A] : memref<327680xi32, #tpu.memory_space<hbm>> -> memref<128xi32, #tpu.memory_space<hbm>>
              %dma_wait3A_79 = tpu.memref_slice %arg5[%multiple_of3A] : memref<327680xi32, #tpu.memory_space<hbm>> -> memref<128xi32, #tpu.memory_space<hbm>>
              tpu.wait_dma2 semaphore(%run_scoped3A : memref<!tpu.dma_semaphore, #tpu.memory_space<semaphore_mem>>) src(%dma_wait3A_79 : memref<128xi32, #tpu.memory_space<hbm>>) dst(%arg13 : memref<128xi32, #tpu.memory_space<vmem>>)
              tpu.yield
            }) : () -> ()
            "tpu.region"() ({
              %run_scoped3A = tpu.sem_alloc : memref<!tpu.dma_semaphore, #tpu.memory_space<semaphore_mem>>
              %dma_start3A_76 = tpu.memref_slice %arg6[%multiple_of3A] : memref<327680xi32, #tpu.memory_space<hbm>> -> memref<128xi32, #tpu.memory_space<hbm>>
              %dma_start3A_77 = tpu.memref_slice %arg6[%multiple_of3A] : memref<327680xi32, #tpu.memory_space<hbm>> -> memref<128xi32, #tpu.memory_space<hbm>>
              tpu.enqueue_dma source(%dma_start3A_77 : memref<128xi32, #tpu.memory_space<hbm>>) target(%arg14 : memref<128xi32, #tpu.memory_space<vmem>>) target_semaphore(%run_scoped3A : memref<!tpu.dma_semaphore, #tpu.memory_space<semaphore_mem>>)
              %dma_wait3A_78 = tpu.memref_slice %arg6[%multiple_of3A] : memref<327680xi32, #tpu.memory_space<hbm>> -> memref<128xi32, #tpu.memory_space<hbm>>
              %dma_wait3A_79 = tpu.memref_slice %arg6[%multiple_of3A] : memref<327680xi32, #tpu.memory_space<hbm>> -> memref<128xi32, #tpu.memory_space<hbm>>
              tpu.wait_dma2 semaphore(%run_scoped3A : memref<!tpu.dma_semaphore, #tpu.memory_space<semaphore_mem>>) src(%dma_wait3A_79 : memref<128xi32, #tpu.memory_space<hbm>>) dst(%arg14 : memref<128xi32, #tpu.memory_space<vmem>>)
              tpu.yield
            }) : () -> ()
            %dma_start3A = arith.constant 0 : i32
            %dma_start3A_74 = arith.constant 0 : i32
            %dma_start3A_75 = tpu.memref_slice %arg2[%dma_start3A, %dma_start3A_74] : memref<10112x128xf32, #tpu.memory_space<hbm>> -> memref<10112x128xf32, #tpu.memory_space<hbm>>
            tpu.enqueue_indirect_dma source(%dma_start3A_75 : memref<10112x128xf32, #tpu.memory_space<hbm>>) target(%arg16 : memref<128x128xf32, #tpu.memory_space<vmem>>) offsets(%arg13 : memref<128xi32, #tpu.memory_space<vmem>>) semaphore(%arg18 : memref<!tpu.dma_semaphore, #tpu.memory_space<semaphore_mem>>)
          } else {
          }
          %dma_wait3A = arith.constant 0 : i32
          %dma_wait3A_67 = arith.constant 0 : i32
          %dma_wait3A_68 = tpu.memref_slice %arg2[%dma_wait3A, %dma_wait3A_67] : memref<10112x128xf32, #tpu.memory_space<hbm>> -> memref<10112x128xf32, #tpu.memory_space<hbm>>
          tpu.wait_indirect_dma semaphore(%arg17 : memref<!tpu.dma_semaphore, #tpu.memory_space<semaphore_mem>>) src(%dma_wait3A_68 : memref<10112x128xf32, #tpu.memory_space<hbm>>) dst(%arg15 : memref<128x128xf32, #tpu.memory_space<vmem>>)
          "tpu.region"() ({
            %run_scoped3A = tpu.sem_alloc : memref<!tpu.dma_semaphore, #tpu.memory_space<semaphore_mem>>
            %dma_start3A = arith.constant 0 : i32
            %dma_start3A_69 = arith.constant 0 : i32
            %dma_start3A_70 = tpu.memref_slice %arg19[%dma_start3A, %dma_start3A_69] : memref<10112x128xf32, #tpu.memory_space<vmem_shared>> -> memref<10112x128xf32, #tpu.memory_space<vmem_shared>>
            tpu.enqueue_indirect_dma source(%arg15 : memref<128x128xf32, #tpu.memory_space<vmem>>) target(%dma_start3A_70 : memref<10112x128xf32, #tpu.memory_space<vmem_shared>>) offsets(%arg12 : memref<128xi32, #tpu.memory_space<vmem>>) semaphore(%run_scoped3A : memref<!tpu.dma_semaphore, #tpu.memory_space<semaphore_mem>>) {add = true}
            %dma_wait3A_71 = arith.constant 0 : i32
            %dma_wait3A_72 = arith.constant 0 : i32
            %dma_wait3A_73 = tpu.memref_slice %arg19[%dma_wait3A_71, %dma_wait3A_72] : memref<10112x128xf32, #tpu.memory_space<vmem_shared>> -> memref<10112x128xf32, #tpu.memory_space<vmem_shared>>
            tpu.wait_indirect_dma semaphore(%run_scoped3A : memref<!tpu.dma_semaphore, #tpu.memory_space<semaphore_mem>>) src(%arg15 : memref<128x128xf32, #tpu.memory_space<vmem>>) dst(%dma_wait3A_73 : memref<10112x128xf32, #tpu.memory_space<vmem_shared>>)
            tpu.yield
          }) : () -> ()
        } else {
        }
        %jit3A_40 = arith.constant 2 : i32
        %eq3A_41 = arith.constant 0 : i32
        %eq3A_42 = arith.cmpi eq, %jit3A_40, %eq3A_41 : i32
        %jit3A_43 = arith.constant 1 : i32
        %select_n3A_44 = arith.select %eq3A_42, %jit3A_43, %jit3A_40 : i32
        %rem3A_45 = arith.remsi %while3A_25, %select_n3A_44 : i32
        %ne3A_46 = arith.constant 0 : i32
        %ne3A_47 = arith.cmpi ne, %rem3A_45, %ne3A_46 : i32
        %lt3A_48 = arith.constant 0 : i32
        %lt3A_49 = arith.cmpi slt, %rem3A_45, %lt3A_48 : i32
        %lt3A_50 = arith.constant 0 : i32
        %lt3A_51 = arith.cmpi slt, %select_n3A_44, %lt3A_50 : i32
        %ne3A_52 = arith.xori %lt3A_49, %lt3A_51 : i1
        %and3A_53 = arith.andi %ne3A_52, %ne3A_47 : i1
        %add3A_54 = arith.addi %rem3A_45, %select_n3A_44 : i32
        %select_n3A_55 = arith.select %and3A_53, %add3A_54, %rem3A_45 : i32
        %eq3A_56 = arith.constant 1 : i32
        %eq3A_57 = arith.cmpi eq, %select_n3A_55, %eq3A_56 : i32
        %convert_element_type3A_58 = arith.extui %eq3A_57 : i1 to i32
        %cond3A_59 = arith.constant 0 : i32
        %cond3A_60 = arith.cmpi ne, %convert_element_type3A_58, %cond3A_59 : i32
        scf.if %cond3A_60 {
          %add3A_61 = arith.constant 1 : i32
          %add3A_62 = arith.addi %while3A_25, %add3A_61 : i32
          %lt3A_63 = arith.cmpi slt, %add3A_62, %squeeze3A_3 : i32
          %convert_element_type3A_64 = arith.extui %lt3A_63 : i1 to i32
          %cond3A_65 = arith.constant 0 : i32
          %cond3A_66 = arith.cmpi ne, %convert_element_type3A_64, %cond3A_65 : i32
          scf.if %cond3A_66 {
            %add3A_69 = arith.constant 1 : i32
            %add3A_70 = arith.addi %while3A_25, %add3A_69 : i32
            %add3A_71 = arith.addi %squeeze3A, %add3A_70 : i32
            %mul3A_72 = arith.constant 128 : i32
            %mul3A_73 = arith.muli %add3A_71, %mul3A_72 : i32
            %multiple_of3A = tpu.assume_multiple %mul3A_73, 8 : i32
            "tpu.region"() ({
              %run_scoped3A = tpu.sem_alloc : memref<!tpu.dma_semaphore, #tpu.memory_space<semaphore_mem>>
              %dma_start3A_76 = tpu.memref_slice %arg5[%multiple_of3A] : memref<327680xi32, #tpu.memory_space<hbm>> -> memref<128xi32, #tpu.memory_space<hbm>>
              %dma_start3A_77 = tpu.memref_slice %arg5[%multiple_of3A] : memref<327680xi32, #tpu.memory_space<hbm>> -> memref<128xi32, #tpu.memory_space<hbm>>
              tpu.enqueue_dma source(%dma_start3A_77 : memref<128xi32, #tpu.memory_space<hbm>>) target(%arg11 : memref<128xi32, #tpu.memory_space<vmem>>) target_semaphore(%run_scoped3A : memref<!tpu.dma_semaphore, #tpu.memory_space<semaphore_mem>>)
              %dma_wait3A_78 = tpu.memref_slice %arg5[%multiple_of3A] : memref<327680xi32, #tpu.memory_space<hbm>> -> memref<128xi32, #tpu.memory_space<hbm>>
              %dma_wait3A_79 = tpu.memref_slice %arg5[%multiple_of3A] : memref<327680xi32, #tpu.memory_space<hbm>> -> memref<128xi32, #tpu.memory_space<hbm>>
              tpu.wait_dma2 semaphore(%run_scoped3A : memref<!tpu.dma_semaphore, #tpu.memory_space<semaphore_mem>>) src(%dma_wait3A_79 : memref<128xi32, #tpu.memory_space<hbm>>) dst(%arg11 : memref<128xi32, #tpu.memory_space<vmem>>)
              tpu.yield
            }) : () -> ()
            "tpu.region"() ({
              %run_scoped3A = tpu.sem_alloc : memref<!tpu.dma_semaphore, #tpu.memory_space<semaphore_mem>>
              %dma_start3A_76 = tpu.memref_slice %arg6[%multiple_of3A] : memref<327680xi32, #tpu.memory_space<hbm>> -> memref<128xi32, #tpu.memory_space<hbm>>
              %dma_start3A_77 = tpu.memref_slice %arg6[%multiple_of3A] : memref<327680xi32, #tpu.memory_space<hbm>> -> memref<128xi32, #tpu.memory_space<hbm>>
              tpu.enqueue_dma source(%dma_start3A_77 : memref<128xi32, #tpu.memory_space<hbm>>) target(%arg12 : memref<128xi32, #tpu.memory_space<vmem>>) target_semaphore(%run_scoped3A : memref<!tpu.dma_semaphore, #tpu.memory_space<semaphore_mem>>)
              %dma_wait3A_78 = tpu.memref_slice %arg6[%multiple_of3A] : memref<327680xi32, #tpu.memory_space<hbm>> -> memref<128xi32, #tpu.memory_space<hbm>>
              %dma_wait3A_79 = tpu.memref_slice %arg6[%multiple_of3A] : memref<327680xi32, #tpu.memory_space<hbm>> -> memref<128xi32, #tpu.memory_space<hbm>>
              tpu.wait_dma2 semaphore(%run_scoped3A : memref<!tpu.dma_semaphore, #tpu.memory_space<semaphore_mem>>) src(%dma_wait3A_79 : memref<128xi32, #tpu.memory_space<hbm>>) dst(%arg12 : memref<128xi32, #tpu.memory_space<vmem>>)
              tpu.yield
            }) : () -> ()
            %dma_start3A = arith.constant 0 : i32
            %dma_start3A_74 = arith.constant 0 : i32
            %dma_start3A_75 = tpu.memref_slice %arg2[%dma_start3A, %dma_start3A_74] : memref<10112x128xf32, #tpu.memory_space<hbm>> -> memref<10112x128xf32, #tpu.memory_space<hbm>>
            tpu.enqueue_indirect_dma source(%dma_start3A_75 : memref<10112x128xf32, #tpu.memory_space<hbm>>) target(%arg15 : memref<128x128xf32, #tpu.memory_space<vmem>>) offsets(%arg11 : memref<128xi32, #tpu.memory_space<vmem>>) semaphore(%arg17 : memref<!tpu.dma_semaphore, #tpu.memory_space<semaphore_mem>>)
          } else {
          }
          %dma_wait3A = arith.constant 0 : i32
          %dma_wait3A_67 = arith.constant 0 : i32
          %dma_wait3A_68 = tpu.memref_slice %arg2[%dma_wait3A, %dma_wait3A_67] : memref<10112x128xf32, #tpu.memory_space<hbm>> -> memref<10112x128xf32, #tpu.memory_space<hbm>>
          tpu.wait_indirect_dma semaphore(%arg18 : memref<!tpu.dma_semaphore, #tpu.memory_space<semaphore_mem>>) src(%dma_wait3A_68 : memref<10112x128xf32, #tpu.memory_space<hbm>>) dst(%arg16 : memref<128x128xf32, #tpu.memory_space<vmem>>)
          "tpu.region"() ({
            %run_scoped3A = tpu.sem_alloc : memref<!tpu.dma_semaphore, #tpu.memory_space<semaphore_mem>>
            %dma_start3A = arith.constant 0 : i32
            %dma_start3A_69 = arith.constant 0 : i32
            %dma_start3A_70 = tpu.memref_slice %arg19[%dma_start3A, %dma_start3A_69] : memref<10112x128xf32, #tpu.memory_space<vmem_shared>> -> memref<10112x128xf32, #tpu.memory_space<vmem_shared>>
            tpu.enqueue_indirect_dma source(%arg16 : memref<128x128xf32, #tpu.memory_space<vmem>>) target(%dma_start3A_70 : memref<10112x128xf32, #tpu.memory_space<vmem_shared>>) offsets(%arg14 : memref<128xi32, #tpu.memory_space<vmem>>) semaphore(%run_scoped3A : memref<!tpu.dma_semaphore, #tpu.memory_space<semaphore_mem>>) {add = true}
            %dma_wait3A_71 = arith.constant 0 : i32
            %dma_wait3A_72 = arith.constant 0 : i32
            %dma_wait3A_73 = tpu.memref_slice %arg19[%dma_wait3A_71, %dma_wait3A_72] : memref<10112x128xf32, #tpu.memory_space<vmem_shared>> -> memref<10112x128xf32, #tpu.memory_space<vmem_shared>>
            tpu.wait_indirect_dma semaphore(%run_scoped3A : memref<!tpu.dma_semaphore, #tpu.memory_space<semaphore_mem>>) src(%arg16 : memref<128x128xf32, #tpu.memory_space<vmem>>) dst(%dma_wait3A_73 : memref<10112x128xf32, #tpu.memory_space<vmem_shared>>)
            tpu.yield
          }) : () -> ()
        } else {
        }
      }
      "tpu.region"() ({
        %run_scoped3A = tpu.sem_alloc : memref<!tpu.dma_semaphore, #tpu.memory_space<semaphore_mem>>
        %dma_start3A = arith.constant 0 : i32
        %dma_start3A_25 = tpu.memref_slice %arg8[%mul3A_4, %dma_start3A] : memref<10112x128xf32, #tpu.memory_space<hbm>> -> memref<632x128xf32, #tpu.memory_space<hbm>>
        %dma_start3A_26 = arith.constant 0 : i32
        %dma_start3A_27 = tpu.memref_slice %arg19[%mul3A_4, %dma_start3A_26] : memref<10112x128xf32, #tpu.memory_space<vmem_shared>> -> memref<632x128xf32, #tpu.memory_space<vmem_shared>>
        tpu.enqueue_dma source(%dma_start3A_27 : memref<632x128xf32, #tpu.memory_space<vmem_shared>>) target(%dma_start3A_25 : memref<632x128xf32, #tpu.memory_space<hbm>>) target_semaphore(%run_scoped3A : memref<!tpu.dma_semaphore, #tpu.memory_space<semaphore_mem>>)
        %dma_wait3A = arith.constant 0 : i32
        %dma_wait3A_28 = tpu.memref_slice %arg8[%mul3A_4, %dma_wait3A] : memref<10112x128xf32, #tpu.memory_space<hbm>> -> memref<632x128xf32, #tpu.memory_space<hbm>>
        %dma_wait3A_29 = arith.constant 0 : i32
        %dma_wait3A_30 = tpu.memref_slice %arg19[%mul3A_4, %dma_wait3A_29] : memref<10112x128xf32, #tpu.memory_space<vmem_shared>> -> memref<632x128xf32, #tpu.memory_space<vmem_shared>>
        tpu.wait_dma2 semaphore(%run_scoped3A : memref<!tpu.dma_semaphore, #tpu.memory_space<semaphore_mem>>) src(%dma_wait3A_30 : memref<632x128xf32, #tpu.memory_space<vmem_shared>>) dst(%dma_wait3A_28 : memref<632x128xf32, #tpu.memory_space<hbm>>)
        tpu.yield
      }) : () -> ()
    } else {
    }
    %eq3A_7 = arith.constant 1 : i32
    %eq3A_8 = arith.cmpi eq, %arg0, %eq3A_7 : i32
    %convert_element_type3A_9 = arith.extui %eq3A_8 : i1 to i32
    %cond3A_10 = arith.constant 0 : i32
    %cond3A_11 = arith.cmpi ne, %convert_element_type3A_9, %cond3A_10 : i32
    scf.if %cond3A_11 {
      "tpu.region"() ({
        %run_scoped3A = tpu.sem_alloc : memref<!tpu.dma_semaphore, #tpu.memory_space<semaphore_mem>>
        %dma_start3A = arith.constant 0 : i32
        %dma_start3A_25 = tpu.memref_slice %arg19[%mul3A_4, %dma_start3A] : memref<10112x128xf32, #tpu.memory_space<vmem_shared>> -> memref<632x128xf32, #tpu.memory_space<vmem_shared>>
        %dma_start3A_26 = arith.constant 0 : i32
        %dma_start3A_27 = tpu.memref_slice %arg4[%mul3A_4, %dma_start3A_26] : memref<10112x128xf32, #tpu.memory_space<hbm>> -> memref<632x128xf32, #tpu.memory_space<hbm>>
        tpu.enqueue_dma source(%dma_start3A_27 : memref<632x128xf32, #tpu.memory_space<hbm>>) target(%dma_start3A_25 : memref<632x128xf32, #tpu.memory_space<vmem_shared>>) target_semaphore(%run_scoped3A : memref<!tpu.dma_semaphore, #tpu.memory_space<semaphore_mem>>)
        %dma_wait3A = arith.constant 0 : i32
        %dma_wait3A_28 = tpu.memref_slice %arg19[%mul3A_4, %dma_wait3A] : memref<10112x128xf32, #tpu.memory_space<vmem_shared>> -> memref<632x128xf32, #tpu.memory_space<vmem_shared>>
        %dma_wait3A_29 = arith.constant 0 : i32
        %dma_wait3A_30 = tpu.memref_slice %arg4[%mul3A_4, %dma_wait3A_29] : memref<10112x128xf32, #tpu.memory_space<hbm>> -> memref<632x128xf32, #tpu.memory_space<hbm>>
        tpu.wait_dma2 semaphore(%run_scoped3A : memref<!tpu.dma_semaphore, #tpu.memory_space<semaphore_mem>>) src(%dma_wait3A_30 : memref<632x128xf32, #tpu.memory_space<hbm>>) dst(%dma_wait3A_28 : memref<632x128xf32, #tpu.memory_space<vmem_shared>>)
        tpu.yield
      }) : () -> ()
      %gt3A = arith.constant 0 : i32
      %gt3A_12 = arith.cmpi sgt, %squeeze3A_3, %gt3A : i32
      %convert_element_type3A_13 = arith.extui %gt3A_12 : i1 to i32
      %cond3A_14 = arith.constant 0 : i32
      %cond3A_15 = arith.cmpi ne, %convert_element_type3A_13, %cond3A_14 : i32
      scf.if %cond3A_15 {
        %add3A = arith.constant 0 : i32
        %add3A_25 = arith.addi %squeeze3A, %add3A : i32
        %mul3A_26 = arith.constant 128 : i32
        %mul3A_27 = arith.muli %add3A_25, %mul3A_26 : i32
        %multiple_of3A = tpu.assume_multiple %mul3A_27, 8 : i32
        "tpu.region"() ({
          %run_scoped3A = tpu.sem_alloc : memref<!tpu.dma_semaphore, #tpu.memory_space<semaphore_mem>>
          %dma_start3A_30 = tpu.memref_slice %arg5[%multiple_of3A] : memref<327680xi32, #tpu.memory_space<hbm>> -> memref<128xi32, #tpu.memory_space<hbm>>
          %dma_start3A_31 = tpu.memref_slice %arg5[%multiple_of3A] : memref<327680xi32, #tpu.memory_space<hbm>> -> memref<128xi32, #tpu.memory_space<hbm>>
          tpu.enqueue_dma source(%dma_start3A_31 : memref<128xi32, #tpu.memory_space<hbm>>) target(%arg11 : memref<128xi32, #tpu.memory_space<vmem>>) target_semaphore(%run_scoped3A : memref<!tpu.dma_semaphore, #tpu.memory_space<semaphore_mem>>)
          %dma_wait3A = tpu.memref_slice %arg5[%multiple_of3A] : memref<327680xi32, #tpu.memory_space<hbm>> -> memref<128xi32, #tpu.memory_space<hbm>>
          %dma_wait3A_32 = tpu.memref_slice %arg5[%multiple_of3A] : memref<327680xi32, #tpu.memory_space<hbm>> -> memref<128xi32, #tpu.memory_space<hbm>>
          tpu.wait_dma2 semaphore(%run_scoped3A : memref<!tpu.dma_semaphore, #tpu.memory_space<semaphore_mem>>) src(%dma_wait3A_32 : memref<128xi32, #tpu.memory_space<hbm>>) dst(%arg11 : memref<128xi32, #tpu.memory_space<vmem>>)
          tpu.yield
        }) : () -> ()
        "tpu.region"() ({
          %run_scoped3A = tpu.sem_alloc : memref<!tpu.dma_semaphore, #tpu.memory_space<semaphore_mem>>
          %dma_start3A_30 = tpu.memref_slice %arg6[%multiple_of3A] : memref<327680xi32, #tpu.memory_space<hbm>> -> memref<128xi32, #tpu.memory_space<hbm>>
          %dma_start3A_31 = tpu.memref_slice %arg6[%multiple_of3A] : memref<327680xi32, #tpu.memory_space<hbm>> -> memref<128xi32, #tpu.memory_space<hbm>>
          tpu.enqueue_dma source(%dma_start3A_31 : memref<128xi32, #tpu.memory_space<hbm>>) target(%arg12 : memref<128xi32, #tpu.memory_space<vmem>>) target_semaphore(%run_scoped3A : memref<!tpu.dma_semaphore, #tpu.memory_space<semaphore_mem>>)
          %dma_wait3A = tpu.memref_slice %arg6[%multiple_of3A] : memref<327680xi32, #tpu.memory_space<hbm>> -> memref<128xi32, #tpu.memory_space<hbm>>
          %dma_wait3A_32 = tpu.memref_slice %arg6[%multiple_of3A] : memref<327680xi32, #tpu.memory_space<hbm>> -> memref<128xi32, #tpu.memory_space<hbm>>
          tpu.wait_dma2 semaphore(%run_scoped3A : memref<!tpu.dma_semaphore, #tpu.memory_space<semaphore_mem>>) src(%dma_wait3A_32 : memref<128xi32, #tpu.memory_space<hbm>>) dst(%arg12 : memref<128xi32, #tpu.memory_space<vmem>>)
          tpu.yield
        }) : () -> ()
        %dma_start3A = arith.constant 0 : i32
        %dma_start3A_28 = arith.constant 0 : i32
        %dma_start3A_29 = tpu.memref_slice %arg3[%dma_start3A, %dma_start3A_28] : memref<10112x128xf32, #tpu.memory_space<hbm>> -> memref<10112x128xf32, #tpu.memory_space<hbm>>
        tpu.enqueue_indirect_dma source(%dma_start3A_29 : memref<10112x128xf32, #tpu.memory_space<hbm>>) target(%arg15 : memref<128x128xf32, #tpu.memory_space<vmem>>) offsets(%arg11 : memref<128xi32, #tpu.memory_space<vmem>>) semaphore(%arg17 : memref<!tpu.dma_semaphore, #tpu.memory_space<semaphore_mem>>)
      } else {
      }
      %while3A = arith.constant 0 : i32
      %while3A_16 = arith.constant 0 : i32
      %while3A_17 = arith.subi %squeeze3A_3, %while3A_16 : i32
      %while3A_18 = arith.addi %while3A_16, %while3A_17 : i32
      %while3A_19 = arith.constant 1 : i32
      %while3A_20 = arith.divsi %while3A_17, %while3A_19 : i32
      %while3A_21 = arith.muli %while3A_20, %while3A_19 : i32
      %while3A_22 = arith.addi %while3A_16, %while3A_21 : i32
      %while3A_23 = arith.constant 1 : i32
      scf.for %while3A_25 = %while3A_16 to %while3A_22 step %while3A_23  : i32 {
        %jit3A = arith.constant 2 : i32
        %eq3A_26 = arith.constant 0 : i32
        %eq3A_27 = arith.cmpi eq, %jit3A, %eq3A_26 : i32
        %jit3A_28 = arith.constant 1 : i32
        %select_n3A = arith.select %eq3A_27, %jit3A_28, %jit3A : i32
        %rem3A = arith.remsi %while3A_25, %select_n3A : i32
        %ne3A = arith.constant 0 : i32
        %ne3A_29 = arith.cmpi ne, %rem3A, %ne3A : i32
        %lt3A = arith.constant 0 : i32
        %lt3A_30 = arith.cmpi slt, %rem3A, %lt3A : i32
        %lt3A_31 = arith.constant 0 : i32
        %lt3A_32 = arith.cmpi slt, %select_n3A, %lt3A_31 : i32
        %ne3A_33 = arith.xori %lt3A_30, %lt3A_32 : i1
        %and3A = arith.andi %ne3A_33, %ne3A_29 : i1
        %add3A = arith.addi %rem3A, %select_n3A : i32
        %select_n3A_34 = arith.select %and3A, %add3A, %rem3A : i32
        %eq3A_35 = arith.constant 0 : i32
        %eq3A_36 = arith.cmpi eq, %select_n3A_34, %eq3A_35 : i32
        %convert_element_type3A_37 = arith.extui %eq3A_36 : i1 to i32
        %cond3A_38 = arith.constant 0 : i32
        %cond3A_39 = arith.cmpi ne, %convert_element_type3A_37, %cond3A_38 : i32
        scf.if %cond3A_39 {
          %add3A_61 = arith.constant 1 : i32
          %add3A_62 = arith.addi %while3A_25, %add3A_61 : i32
          %lt3A_63 = arith.cmpi slt, %add3A_62, %squeeze3A_3 : i32
          %convert_element_type3A_64 = arith.extui %lt3A_63 : i1 to i32
          %cond3A_65 = arith.constant 0 : i32
          %cond3A_66 = arith.cmpi ne, %convert_element_type3A_64, %cond3A_65 : i32
          scf.if %cond3A_66 {
            %add3A_69 = arith.constant 1 : i32
            %add3A_70 = arith.addi %while3A_25, %add3A_69 : i32
            %add3A_71 = arith.addi %squeeze3A, %add3A_70 : i32
            %mul3A_72 = arith.constant 128 : i32
            %mul3A_73 = arith.muli %add3A_71, %mul3A_72 : i32
            %multiple_of3A = tpu.assume_multiple %mul3A_73, 8 : i32
            "tpu.region"() ({
              %run_scoped3A = tpu.sem_alloc : memref<!tpu.dma_semaphore, #tpu.memory_space<semaphore_mem>>
              %dma_start3A_76 = tpu.memref_slice %arg5[%multiple_of3A] : memref<327680xi32, #tpu.memory_space<hbm>> -> memref<128xi32, #tpu.memory_space<hbm>>
              %dma_start3A_77 = tpu.memref_slice %arg5[%multiple_of3A] : memref<327680xi32, #tpu.memory_space<hbm>> -> memref<128xi32, #tpu.memory_space<hbm>>
              tpu.enqueue_dma source(%dma_start3A_77 : memref<128xi32, #tpu.memory_space<hbm>>) target(%arg13 : memref<128xi32, #tpu.memory_space<vmem>>) target_semaphore(%run_scoped3A : memref<!tpu.dma_semaphore, #tpu.memory_space<semaphore_mem>>)
              %dma_wait3A_78 = tpu.memref_slice %arg5[%multiple_of3A] : memref<327680xi32, #tpu.memory_space<hbm>> -> memref<128xi32, #tpu.memory_space<hbm>>
              %dma_wait3A_79 = tpu.memref_slice %arg5[%multiple_of3A] : memref<327680xi32, #tpu.memory_space<hbm>> -> memref<128xi32, #tpu.memory_space<hbm>>
              tpu.wait_dma2 semaphore(%run_scoped3A : memref<!tpu.dma_semaphore, #tpu.memory_space<semaphore_mem>>) src(%dma_wait3A_79 : memref<128xi32, #tpu.memory_space<hbm>>) dst(%arg13 : memref<128xi32, #tpu.memory_space<vmem>>)
              tpu.yield
            }) : () -> ()
            "tpu.region"() ({
              %run_scoped3A = tpu.sem_alloc : memref<!tpu.dma_semaphore, #tpu.memory_space<semaphore_mem>>
              %dma_start3A_76 = tpu.memref_slice %arg6[%multiple_of3A] : memref<327680xi32, #tpu.memory_space<hbm>> -> memref<128xi32, #tpu.memory_space<hbm>>
              %dma_start3A_77 = tpu.memref_slice %arg6[%multiple_of3A] : memref<327680xi32, #tpu.memory_space<hbm>> -> memref<128xi32, #tpu.memory_space<hbm>>
              tpu.enqueue_dma source(%dma_start3A_77 : memref<128xi32, #tpu.memory_space<hbm>>) target(%arg14 : memref<128xi32, #tpu.memory_space<vmem>>) target_semaphore(%run_scoped3A : memref<!tpu.dma_semaphore, #tpu.memory_space<semaphore_mem>>)
              %dma_wait3A_78 = tpu.memref_slice %arg6[%multiple_of3A] : memref<327680xi32, #tpu.memory_space<hbm>> -> memref<128xi32, #tpu.memory_space<hbm>>
              %dma_wait3A_79 = tpu.memref_slice %arg6[%multiple_of3A] : memref<327680xi32, #tpu.memory_space<hbm>> -> memref<128xi32, #tpu.memory_space<hbm>>
              tpu.wait_dma2 semaphore(%run_scoped3A : memref<!tpu.dma_semaphore, #tpu.memory_space<semaphore_mem>>) src(%dma_wait3A_79 : memref<128xi32, #tpu.memory_space<hbm>>) dst(%arg14 : memref<128xi32, #tpu.memory_space<vmem>>)
              tpu.yield
            }) : () -> ()
            %dma_start3A = arith.constant 0 : i32
            %dma_start3A_74 = arith.constant 0 : i32
            %dma_start3A_75 = tpu.memref_slice %arg3[%dma_start3A, %dma_start3A_74] : memref<10112x128xf32, #tpu.memory_space<hbm>> -> memref<10112x128xf32, #tpu.memory_space<hbm>>
            tpu.enqueue_indirect_dma source(%dma_start3A_75 : memref<10112x128xf32, #tpu.memory_space<hbm>>) target(%arg16 : memref<128x128xf32, #tpu.memory_space<vmem>>) offsets(%arg13 : memref<128xi32, #tpu.memory_space<vmem>>) semaphore(%arg18 : memref<!tpu.dma_semaphore, #tpu.memory_space<semaphore_mem>>)
          } else {
          }
          %dma_wait3A = arith.constant 0 : i32
          %dma_wait3A_67 = arith.constant 0 : i32
          %dma_wait3A_68 = tpu.memref_slice %arg3[%dma_wait3A, %dma_wait3A_67] : memref<10112x128xf32, #tpu.memory_space<hbm>> -> memref<10112x128xf32, #tpu.memory_space<hbm>>
          tpu.wait_indirect_dma semaphore(%arg17 : memref<!tpu.dma_semaphore, #tpu.memory_space<semaphore_mem>>) src(%dma_wait3A_68 : memref<10112x128xf32, #tpu.memory_space<hbm>>) dst(%arg15 : memref<128x128xf32, #tpu.memory_space<vmem>>)
          "tpu.region"() ({
            %run_scoped3A = tpu.sem_alloc : memref<!tpu.dma_semaphore, #tpu.memory_space<semaphore_mem>>
            %dma_start3A = arith.constant 0 : i32
            %dma_start3A_69 = arith.constant 0 : i32
            %dma_start3A_70 = tpu.memref_slice %arg19[%dma_start3A, %dma_start3A_69] : memref<10112x128xf32, #tpu.memory_space<vmem_shared>> -> memref<10112x128xf32, #tpu.memory_space<vmem_shared>>
            tpu.enqueue_indirect_dma source(%arg15 : memref<128x128xf32, #tpu.memory_space<vmem>>) target(%dma_start3A_70 : memref<10112x128xf32, #tpu.memory_space<vmem_shared>>) offsets(%arg12 : memref<128xi32, #tpu.memory_space<vmem>>) semaphore(%run_scoped3A : memref<!tpu.dma_semaphore, #tpu.memory_space<semaphore_mem>>) {add = true}
            %dma_wait3A_71 = arith.constant 0 : i32
            %dma_wait3A_72 = arith.constant 0 : i32
            %dma_wait3A_73 = tpu.memref_slice %arg19[%dma_wait3A_71, %dma_wait3A_72] : memref<10112x128xf32, #tpu.memory_space<vmem_shared>> -> memref<10112x128xf32, #tpu.memory_space<vmem_shared>>
            tpu.wait_indirect_dma semaphore(%run_scoped3A : memref<!tpu.dma_semaphore, #tpu.memory_space<semaphore_mem>>) src(%arg15 : memref<128x128xf32, #tpu.memory_space<vmem>>) dst(%dma_wait3A_73 : memref<10112x128xf32, #tpu.memory_space<vmem_shared>>)
            tpu.yield
          }) : () -> ()
        } else {
        }
        %jit3A_40 = arith.constant 2 : i32
        %eq3A_41 = arith.constant 0 : i32
        %eq3A_42 = arith.cmpi eq, %jit3A_40, %eq3A_41 : i32
        %jit3A_43 = arith.constant 1 : i32
        %select_n3A_44 = arith.select %eq3A_42, %jit3A_43, %jit3A_40 : i32
        %rem3A_45 = arith.remsi %while3A_25, %select_n3A_44 : i32
        %ne3A_46 = arith.constant 0 : i32
        %ne3A_47 = arith.cmpi ne, %rem3A_45, %ne3A_46 : i32
        %lt3A_48 = arith.constant 0 : i32
        %lt3A_49 = arith.cmpi slt, %rem3A_45, %lt3A_48 : i32
        %lt3A_50 = arith.constant 0 : i32
        %lt3A_51 = arith.cmpi slt, %select_n3A_44, %lt3A_50 : i32
        %ne3A_52 = arith.xori %lt3A_49, %lt3A_51 : i1
        %and3A_53 = arith.andi %ne3A_52, %ne3A_47 : i1
        %add3A_54 = arith.addi %rem3A_45, %select_n3A_44 : i32
        %select_n3A_55 = arith.select %and3A_53, %add3A_54, %rem3A_45 : i32
        %eq3A_56 = arith.constant 1 : i32
        %eq3A_57 = arith.cmpi eq, %select_n3A_55, %eq3A_56 : i32
        %convert_element_type3A_58 = arith.extui %eq3A_57 : i1 to i32
        %cond3A_59 = arith.constant 0 : i32
        %cond3A_60 = arith.cmpi ne, %convert_element_type3A_58, %cond3A_59 : i32
        scf.if %cond3A_60 {
          %add3A_61 = arith.constant 1 : i32
          %add3A_62 = arith.addi %while3A_25, %add3A_61 : i32
          %lt3A_63 = arith.cmpi slt, %add3A_62, %squeeze3A_3 : i32
          %convert_element_type3A_64 = arith.extui %lt3A_63 : i1 to i32
          %cond3A_65 = arith.constant 0 : i32
          %cond3A_66 = arith.cmpi ne, %convert_element_type3A_64, %cond3A_65 : i32
          scf.if %cond3A_66 {
            %add3A_69 = arith.constant 1 : i32
            %add3A_70 = arith.addi %while3A_25, %add3A_69 : i32
            %add3A_71 = arith.addi %squeeze3A, %add3A_70 : i32
            %mul3A_72 = arith.constant 128 : i32
            %mul3A_73 = arith.muli %add3A_71, %mul3A_72 : i32
            %multiple_of3A = tpu.assume_multiple %mul3A_73, 8 : i32
            "tpu.region"() ({
              %run_scoped3A = tpu.sem_alloc : memref<!tpu.dma_semaphore, #tpu.memory_space<semaphore_mem>>
              %dma_start3A_76 = tpu.memref_slice %arg5[%multiple_of3A] : memref<327680xi32, #tpu.memory_space<hbm>> -> memref<128xi32, #tpu.memory_space<hbm>>
              %dma_start3A_77 = tpu.memref_slice %arg5[%multiple_of3A] : memref<327680xi32, #tpu.memory_space<hbm>> -> memref<128xi32, #tpu.memory_space<hbm>>
              tpu.enqueue_dma source(%dma_start3A_77 : memref<128xi32, #tpu.memory_space<hbm>>) target(%arg11 : memref<128xi32, #tpu.memory_space<vmem>>) target_semaphore(%run_scoped3A : memref<!tpu.dma_semaphore, #tpu.memory_space<semaphore_mem>>)
              %dma_wait3A_78 = tpu.memref_slice %arg5[%multiple_of3A] : memref<327680xi32, #tpu.memory_space<hbm>> -> memref<128xi32, #tpu.memory_space<hbm>>
              %dma_wait3A_79 = tpu.memref_slice %arg5[%multiple_of3A] : memref<327680xi32, #tpu.memory_space<hbm>> -> memref<128xi32, #tpu.memory_space<hbm>>
              tpu.wait_dma2 semaphore(%run_scoped3A : memref<!tpu.dma_semaphore, #tpu.memory_space<semaphore_mem>>) src(%dma_wait3A_79 : memref<128xi32, #tpu.memory_space<hbm>>) dst(%arg11 : memref<128xi32, #tpu.memory_space<vmem>>)
              tpu.yield
            }) : () -> ()
            "tpu.region"() ({
              %run_scoped3A = tpu.sem_alloc : memref<!tpu.dma_semaphore, #tpu.memory_space<semaphore_mem>>
              %dma_start3A_76 = tpu.memref_slice %arg6[%multiple_of3A] : memref<327680xi32, #tpu.memory_space<hbm>> -> memref<128xi32, #tpu.memory_space<hbm>>
              %dma_start3A_77 = tpu.memref_slice %arg6[%multiple_of3A] : memref<327680xi32, #tpu.memory_space<hbm>> -> memref<128xi32, #tpu.memory_space<hbm>>
              tpu.enqueue_dma source(%dma_start3A_77 : memref<128xi32, #tpu.memory_space<hbm>>) target(%arg12 : memref<128xi32, #tpu.memory_space<vmem>>) target_semaphore(%run_scoped3A : memref<!tpu.dma_semaphore, #tpu.memory_space<semaphore_mem>>)
              %dma_wait3A_78 = tpu.memref_slice %arg6[%multiple_of3A] : memref<327680xi32, #tpu.memory_space<hbm>> -> memref<128xi32, #tpu.memory_space<hbm>>
              %dma_wait3A_79 = tpu.memref_slice %arg6[%multiple_of3A] : memref<327680xi32, #tpu.memory_space<hbm>> -> memref<128xi32, #tpu.memory_space<hbm>>
              tpu.wait_dma2 semaphore(%run_scoped3A : memref<!tpu.dma_semaphore, #tpu.memory_space<semaphore_mem>>) src(%dma_wait3A_79 : memref<128xi32, #tpu.memory_space<hbm>>) dst(%arg12 : memref<128xi32, #tpu.memory_space<vmem>>)
              tpu.yield
            }) : () -> ()
            %dma_start3A = arith.constant 0 : i32
            %dma_start3A_74 = arith.constant 0 : i32
            %dma_start3A_75 = tpu.memref_slice %arg3[%dma_start3A, %dma_start3A_74] : memref<10112x128xf32, #tpu.memory_space<hbm>> -> memref<10112x128xf32, #tpu.memory_space<hbm>>
            tpu.enqueue_indirect_dma source(%dma_start3A_75 : memref<10112x128xf32, #tpu.memory_space<hbm>>) target(%arg15 : memref<128x128xf32, #tpu.memory_space<vmem>>) offsets(%arg11 : memref<128xi32, #tpu.memory_space<vmem>>) semaphore(%arg17 : memref<!tpu.dma_semaphore, #tpu.memory_space<semaphore_mem>>)
          } else {
          }
          %dma_wait3A = arith.constant 0 : i32
          %dma_wait3A_67 = arith.constant 0 : i32
          %dma_wait3A_68 = tpu.memref_slice %arg3[%dma_wait3A, %dma_wait3A_67] : memref<10112x128xf32, #tpu.memory_space<hbm>> -> memref<10112x128xf32, #tpu.memory_space<hbm>>
          tpu.wait_indirect_dma semaphore(%arg18 : memref<!tpu.dma_semaphore, #tpu.memory_space<semaphore_mem>>) src(%dma_wait3A_68 : memref<10112x128xf32, #tpu.memory_space<hbm>>) dst(%arg16 : memref<128x128xf32, #tpu.memory_space<vmem>>)
          "tpu.region"() ({
            %run_scoped3A = tpu.sem_alloc : memref<!tpu.dma_semaphore, #tpu.memory_space<semaphore_mem>>
            %dma_start3A = arith.constant 0 : i32
            %dma_start3A_69 = arith.constant 0 : i32
            %dma_start3A_70 = tpu.memref_slice %arg19[%dma_start3A, %dma_start3A_69] : memref<10112x128xf32, #tpu.memory_space<vmem_shared>> -> memref<10112x128xf32, #tpu.memory_space<vmem_shared>>
            tpu.enqueue_indirect_dma source(%arg16 : memref<128x128xf32, #tpu.memory_space<vmem>>) target(%dma_start3A_70 : memref<10112x128xf32, #tpu.memory_space<vmem_shared>>) offsets(%arg14 : memref<128xi32, #tpu.memory_space<vmem>>) semaphore(%run_scoped3A : memref<!tpu.dma_semaphore, #tpu.memory_space<semaphore_mem>>) {add = true}
            %dma_wait3A_71 = arith.constant 0 : i32
            %dma_wait3A_72 = arith.constant 0 : i32
            %dma_wait3A_73 = tpu.memref_slice %arg19[%dma_wait3A_71, %dma_wait3A_72] : memref<10112x128xf32, #tpu.memory_space<vmem_shared>> -> memref<10112x128xf32, #tpu.memory_space<vmem_shared>>
            tpu.wait_indirect_dma semaphore(%run_scoped3A : memref<!tpu.dma_semaphore, #tpu.memory_space<semaphore_mem>>) src(%arg16 : memref<128x128xf32, #tpu.memory_space<vmem>>) dst(%dma_wait3A_73 : memref<10112x128xf32, #tpu.memory_space<vmem_shared>>)
            tpu.yield
          }) : () -> ()
        } else {
        }
      }
      %while3A_24 = arith.constant 1 : i32
      scf.for %while3A_25 = %while3A_22 to %while3A_18 step %while3A_24  : i32 {
        %jit3A = arith.constant 2 : i32
        %eq3A_26 = arith.constant 0 : i32
        %eq3A_27 = arith.cmpi eq, %jit3A, %eq3A_26 : i32
        %jit3A_28 = arith.constant 1 : i32
        %select_n3A = arith.select %eq3A_27, %jit3A_28, %jit3A : i32
        %rem3A = arith.remsi %while3A_25, %select_n3A : i32
        %ne3A = arith.constant 0 : i32
        %ne3A_29 = arith.cmpi ne, %rem3A, %ne3A : i32
        %lt3A = arith.constant 0 : i32
        %lt3A_30 = arith.cmpi slt, %rem3A, %lt3A : i32
        %lt3A_31 = arith.constant 0 : i32
        %lt3A_32 = arith.cmpi slt, %select_n3A, %lt3A_31 : i32
        %ne3A_33 = arith.xori %lt3A_30, %lt3A_32 : i1
        %and3A = arith.andi %ne3A_33, %ne3A_29 : i1
        %add3A = arith.addi %rem3A, %select_n3A : i32
        %select_n3A_34 = arith.select %and3A, %add3A, %rem3A : i32
        %eq3A_35 = arith.constant 0 : i32
        %eq3A_36 = arith.cmpi eq, %select_n3A_34, %eq3A_35 : i32
        %convert_element_type3A_37 = arith.extui %eq3A_36 : i1 to i32
        %cond3A_38 = arith.constant 0 : i32
        %cond3A_39 = arith.cmpi ne, %convert_element_type3A_37, %cond3A_38 : i32
        scf.if %cond3A_39 {
          %add3A_61 = arith.constant 1 : i32
          %add3A_62 = arith.addi %while3A_25, %add3A_61 : i32
          %lt3A_63 = arith.cmpi slt, %add3A_62, %squeeze3A_3 : i32
          %convert_element_type3A_64 = arith.extui %lt3A_63 : i1 to i32
          %cond3A_65 = arith.constant 0 : i32
          %cond3A_66 = arith.cmpi ne, %convert_element_type3A_64, %cond3A_65 : i32
          scf.if %cond3A_66 {
            %add3A_69 = arith.constant 1 : i32
            %add3A_70 = arith.addi %while3A_25, %add3A_69 : i32
            %add3A_71 = arith.addi %squeeze3A, %add3A_70 : i32
            %mul3A_72 = arith.constant 128 : i32
            %mul3A_73 = arith.muli %add3A_71, %mul3A_72 : i32
            %multiple_of3A = tpu.assume_multiple %mul3A_73, 8 : i32
            "tpu.region"() ({
              %run_scoped3A = tpu.sem_alloc : memref<!tpu.dma_semaphore, #tpu.memory_space<semaphore_mem>>
              %dma_start3A_76 = tpu.memref_slice %arg5[%multiple_of3A] : memref<327680xi32, #tpu.memory_space<hbm>> -> memref<128xi32, #tpu.memory_space<hbm>>
              %dma_start3A_77 = tpu.memref_slice %arg5[%multiple_of3A] : memref<327680xi32, #tpu.memory_space<hbm>> -> memref<128xi32, #tpu.memory_space<hbm>>
              tpu.enqueue_dma source(%dma_start3A_77 : memref<128xi32, #tpu.memory_space<hbm>>) target(%arg13 : memref<128xi32, #tpu.memory_space<vmem>>) target_semaphore(%run_scoped3A : memref<!tpu.dma_semaphore, #tpu.memory_space<semaphore_mem>>)
              %dma_wait3A_78 = tpu.memref_slice %arg5[%multiple_of3A] : memref<327680xi32, #tpu.memory_space<hbm>> -> memref<128xi32, #tpu.memory_space<hbm>>
              %dma_wait3A_79 = tpu.memref_slice %arg5[%multiple_of3A] : memref<327680xi32, #tpu.memory_space<hbm>> -> memref<128xi32, #tpu.memory_space<hbm>>
              tpu.wait_dma2 semaphore(%run_scoped3A : memref<!tpu.dma_semaphore, #tpu.memory_space<semaphore_mem>>) src(%dma_wait3A_79 : memref<128xi32, #tpu.memory_space<hbm>>) dst(%arg13 : memref<128xi32, #tpu.memory_space<vmem>>)
              tpu.yield
            }) : () -> ()
            "tpu.region"() ({
              %run_scoped3A = tpu.sem_alloc : memref<!tpu.dma_semaphore, #tpu.memory_space<semaphore_mem>>
              %dma_start3A_76 = tpu.memref_slice %arg6[%multiple_of3A] : memref<327680xi32, #tpu.memory_space<hbm>> -> memref<128xi32, #tpu.memory_space<hbm>>
              %dma_start3A_77 = tpu.memref_slice %arg6[%multiple_of3A] : memref<327680xi32, #tpu.memory_space<hbm>> -> memref<128xi32, #tpu.memory_space<hbm>>
              tpu.enqueue_dma source(%dma_start3A_77 : memref<128xi32, #tpu.memory_space<hbm>>) target(%arg14 : memref<128xi32, #tpu.memory_space<vmem>>) target_semaphore(%run_scoped3A : memref<!tpu.dma_semaphore, #tpu.memory_space<semaphore_mem>>)
              %dma_wait3A_78 = tpu.memref_slice %arg6[%multiple_of3A] : memref<327680xi32, #tpu.memory_space<hbm>> -> memref<128xi32, #tpu.memory_space<hbm>>
              %dma_wait3A_79 = tpu.memref_slice %arg6[%multiple_of3A] : memref<327680xi32, #tpu.memory_space<hbm>> -> memref<128xi32, #tpu.memory_space<hbm>>
              tpu.wait_dma2 semaphore(%run_scoped3A : memref<!tpu.dma_semaphore, #tpu.memory_space<semaphore_mem>>) src(%dma_wait3A_79 : memref<128xi32, #tpu.memory_space<hbm>>) dst(%arg14 : memref<128xi32, #tpu.memory_space<vmem>>)
              tpu.yield
            }) : () -> ()
            %dma_start3A = arith.constant 0 : i32
            %dma_start3A_74 = arith.constant 0 : i32
            %dma_start3A_75 = tpu.memref_slice %arg3[%dma_start3A, %dma_start3A_74] : memref<10112x128xf32, #tpu.memory_space<hbm>> -> memref<10112x128xf32, #tpu.memory_space<hbm>>
            tpu.enqueue_indirect_dma source(%dma_start3A_75 : memref<10112x128xf32, #tpu.memory_space<hbm>>) target(%arg16 : memref<128x128xf32, #tpu.memory_space<vmem>>) offsets(%arg13 : memref<128xi32, #tpu.memory_space<vmem>>) semaphore(%arg18 : memref<!tpu.dma_semaphore, #tpu.memory_space<semaphore_mem>>)
          } else {
          }
          %dma_wait3A = arith.constant 0 : i32
          %dma_wait3A_67 = arith.constant 0 : i32
          %dma_wait3A_68 = tpu.memref_slice %arg3[%dma_wait3A, %dma_wait3A_67] : memref<10112x128xf32, #tpu.memory_space<hbm>> -> memref<10112x128xf32, #tpu.memory_space<hbm>>
          tpu.wait_indirect_dma semaphore(%arg17 : memref<!tpu.dma_semaphore, #tpu.memory_space<semaphore_mem>>) src(%dma_wait3A_68 : memref<10112x128xf32, #tpu.memory_space<hbm>>) dst(%arg15 : memref<128x128xf32, #tpu.memory_space<vmem>>)
          "tpu.region"() ({
            %run_scoped3A = tpu.sem_alloc : memref<!tpu.dma_semaphore, #tpu.memory_space<semaphore_mem>>
            %dma_start3A = arith.constant 0 : i32
            %dma_start3A_69 = arith.constant 0 : i32
            %dma_start3A_70 = tpu.memref_slice %arg19[%dma_start3A, %dma_start3A_69] : memref<10112x128xf32, #tpu.memory_space<vmem_shared>> -> memref<10112x128xf32, #tpu.memory_space<vmem_shared>>
            tpu.enqueue_indirect_dma source(%arg15 : memref<128x128xf32, #tpu.memory_space<vmem>>) target(%dma_start3A_70 : memref<10112x128xf32, #tpu.memory_space<vmem_shared>>) offsets(%arg12 : memref<128xi32, #tpu.memory_space<vmem>>) semaphore(%run_scoped3A : memref<!tpu.dma_semaphore, #tpu.memory_space<semaphore_mem>>) {add = true}
            %dma_wait3A_71 = arith.constant 0 : i32
            %dma_wait3A_72 = arith.constant 0 : i32
            %dma_wait3A_73 = tpu.memref_slice %arg19[%dma_wait3A_71, %dma_wait3A_72] : memref<10112x128xf32, #tpu.memory_space<vmem_shared>> -> memref<10112x128xf32, #tpu.memory_space<vmem_shared>>
            tpu.wait_indirect_dma semaphore(%run_scoped3A : memref<!tpu.dma_semaphore, #tpu.memory_space<semaphore_mem>>) src(%arg15 : memref<128x128xf32, #tpu.memory_space<vmem>>) dst(%dma_wait3A_73 : memref<10112x128xf32, #tpu.memory_space<vmem_shared>>)
            tpu.yield
          }) : () -> ()
        } else {
        }
        %jit3A_40 = arith.constant 2 : i32
        %eq3A_41 = arith.constant 0 : i32
        %eq3A_42 = arith.cmpi eq, %jit3A_40, %eq3A_41 : i32
        %jit3A_43 = arith.constant 1 : i32
        %select_n3A_44 = arith.select %eq3A_42, %jit3A_43, %jit3A_40 : i32
        %rem3A_45 = arith.remsi %while3A_25, %select_n3A_44 : i32
        %ne3A_46 = arith.constant 0 : i32
        %ne3A_47 = arith.cmpi ne, %rem3A_45, %ne3A_46 : i32
        %lt3A_48 = arith.constant 0 : i32
        %lt3A_49 = arith.cmpi slt, %rem3A_45, %lt3A_48 : i32
        %lt3A_50 = arith.constant 0 : i32
        %lt3A_51 = arith.cmpi slt, %select_n3A_44, %lt3A_50 : i32
        %ne3A_52 = arith.xori %lt3A_49, %lt3A_51 : i1
        %and3A_53 = arith.andi %ne3A_52, %ne3A_47 : i1
        %add3A_54 = arith.addi %rem3A_45, %select_n3A_44 : i32
        %select_n3A_55 = arith.select %and3A_53, %add3A_54, %rem3A_45 : i32
        %eq3A_56 = arith.constant 1 : i32
        %eq3A_57 = arith.cmpi eq, %select_n3A_55, %eq3A_56 : i32
        %convert_element_type3A_58 = arith.extui %eq3A_57 : i1 to i32
        %cond3A_59 = arith.constant 0 : i32
        %cond3A_60 = arith.cmpi ne, %convert_element_type3A_58, %cond3A_59 : i32
        scf.if %cond3A_60 {
          %add3A_61 = arith.constant 1 : i32
          %add3A_62 = arith.addi %while3A_25, %add3A_61 : i32
          %lt3A_63 = arith.cmpi slt, %add3A_62, %squeeze3A_3 : i32
          %convert_element_type3A_64 = arith.extui %lt3A_63 : i1 to i32
          %cond3A_65 = arith.constant 0 : i32
          %cond3A_66 = arith.cmpi ne, %convert_element_type3A_64, %cond3A_65 : i32
          scf.if %cond3A_66 {
            %add3A_69 = arith.constant 1 : i32
            %add3A_70 = arith.addi %while3A_25, %add3A_69 : i32
            %add3A_71 = arith.addi %squeeze3A, %add3A_70 : i32
            %mul3A_72 = arith.constant 128 : i32
            %mul3A_73 = arith.muli %add3A_71, %mul3A_72 : i32
            %multiple_of3A = tpu.assume_multiple %mul3A_73, 8 : i32
            "tpu.region"() ({
              %run_scoped3A = tpu.sem_alloc : memref<!tpu.dma_semaphore, #tpu.memory_space<semaphore_mem>>
              %dma_start3A_76 = tpu.memref_slice %arg5[%multiple_of3A] : memref<327680xi32, #tpu.memory_space<hbm>> -> memref<128xi32, #tpu.memory_space<hbm>>
              %dma_start3A_77 = tpu.memref_slice %arg5[%multiple_of3A] : memref<327680xi32, #tpu.memory_space<hbm>> -> memref<128xi32, #tpu.memory_space<hbm>>
              tpu.enqueue_dma source(%dma_start3A_77 : memref<128xi32, #tpu.memory_space<hbm>>) target(%arg11 : memref<128xi32, #tpu.memory_space<vmem>>) target_semaphore(%run_scoped3A : memref<!tpu.dma_semaphore, #tpu.memory_space<semaphore_mem>>)
              %dma_wait3A_78 = tpu.memref_slice %arg5[%multiple_of3A] : memref<327680xi32, #tpu.memory_space<hbm>> -> memref<128xi32, #tpu.memory_space<hbm>>
              %dma_wait3A_79 = tpu.memref_slice %arg5[%multiple_of3A] : memref<327680xi32, #tpu.memory_space<hbm>> -> memref<128xi32, #tpu.memory_space<hbm>>
              tpu.wait_dma2 semaphore(%run_scoped3A : memref<!tpu.dma_semaphore, #tpu.memory_space<semaphore_mem>>) src(%dma_wait3A_79 : memref<128xi32, #tpu.memory_space<hbm>>) dst(%arg11 : memref<128xi32, #tpu.memory_space<vmem>>)
              tpu.yield
            }) : () -> ()
            "tpu.region"() ({
              %run_scoped3A = tpu.sem_alloc : memref<!tpu.dma_semaphore, #tpu.memory_space<semaphore_mem>>
              %dma_start3A_76 = tpu.memref_slice %arg6[%multiple_of3A] : memref<327680xi32, #tpu.memory_space<hbm>> -> memref<128xi32, #tpu.memory_space<hbm>>
              %dma_start3A_77 = tpu.memref_slice %arg6[%multiple_of3A] : memref<327680xi32, #tpu.memory_space<hbm>> -> memref<128xi32, #tpu.memory_space<hbm>>
              tpu.enqueue_dma source(%dma_start3A_77 : memref<128xi32, #tpu.memory_space<hbm>>) target(%arg12 : memref<128xi32, #tpu.memory_space<vmem>>) target_semaphore(%run_scoped3A : memref<!tpu.dma_semaphore, #tpu.memory_space<semaphore_mem>>)
              %dma_wait3A_78 = tpu.memref_slice %arg6[%multiple_of3A] : memref<327680xi32, #tpu.memory_space<hbm>> -> memref<128xi32, #tpu.memory_space<hbm>>
              %dma_wait3A_79 = tpu.memref_slice %arg6[%multiple_of3A] : memref<327680xi32, #tpu.memory_space<hbm>> -> memref<128xi32, #tpu.memory_space<hbm>>
              tpu.wait_dma2 semaphore(%run_scoped3A : memref<!tpu.dma_semaphore, #tpu.memory_space<semaphore_mem>>) src(%dma_wait3A_79 : memref<128xi32, #tpu.memory_space<hbm>>) dst(%arg12 : memref<128xi32, #tpu.memory_space<vmem>>)
              tpu.yield
            }) : () -> ()
            %dma_start3A = arith.constant 0 : i32
            %dma_start3A_74 = arith.constant 0 : i32
            %dma_start3A_75 = tpu.memref_slice %arg3[%dma_start3A, %dma_start3A_74] : memref<10112x128xf32, #tpu.memory_space<hbm>> -> memref<10112x128xf32, #tpu.memory_space<hbm>>
            tpu.enqueue_indirect_dma source(%dma_start3A_75 : memref<10112x128xf32, #tpu.memory_space<hbm>>) target(%arg15 : memref<128x128xf32, #tpu.memory_space<vmem>>) offsets(%arg11 : memref<128xi32, #tpu.memory_space<vmem>>) semaphore(%arg17 : memref<!tpu.dma_semaphore, #tpu.memory_space<semaphore_mem>>)
          } else {
          }
          %dma_wait3A = arith.constant 0 : i32
          %dma_wait3A_67 = arith.constant 0 : i32
          %dma_wait3A_68 = tpu.memref_slice %arg3[%dma_wait3A, %dma_wait3A_67] : memref<10112x128xf32, #tpu.memory_space<hbm>> -> memref<10112x128xf32, #tpu.memory_space<hbm>>
          tpu.wait_indirect_dma semaphore(%arg18 : memref<!tpu.dma_semaphore, #tpu.memory_space<semaphore_mem>>) src(%dma_wait3A_68 : memref<10112x128xf32, #tpu.memory_space<hbm>>) dst(%arg16 : memref<128x128xf32, #tpu.memory_space<vmem>>)
          "tpu.region"() ({
            %run_scoped3A = tpu.sem_alloc : memref<!tpu.dma_semaphore, #tpu.memory_space<semaphore_mem>>
            %dma_start3A = arith.constant 0 : i32
            %dma_start3A_69 = arith.constant 0 : i32
            %dma_start3A_70 = tpu.memref_slice %arg19[%dma_start3A, %dma_start3A_69] : memref<10112x128xf32, #tpu.memory_space<vmem_shared>> -> memref<10112x128xf32, #tpu.memory_space<vmem_shared>>
            tpu.enqueue_indirect_dma source(%arg16 : memref<128x128xf32, #tpu.memory_space<vmem>>) target(%dma_start3A_70 : memref<10112x128xf32, #tpu.memory_space<vmem_shared>>) offsets(%arg14 : memref<128xi32, #tpu.memory_space<vmem>>) semaphore(%run_scoped3A : memref<!tpu.dma_semaphore, #tpu.memory_space<semaphore_mem>>) {add = true}
            %dma_wait3A_71 = arith.constant 0 : i32
            %dma_wait3A_72 = arith.constant 0 : i32
            %dma_wait3A_73 = tpu.memref_slice %arg19[%dma_wait3A_71, %dma_wait3A_72] : memref<10112x128xf32, #tpu.memory_space<vmem_shared>> -> memref<10112x128xf32, #tpu.memory_space<vmem_shared>>
            tpu.wait_indirect_dma semaphore(%run_scoped3A : memref<!tpu.dma_semaphore, #tpu.memory_space<semaphore_mem>>) src(%arg16 : memref<128x128xf32, #tpu.memory_space<vmem>>) dst(%dma_wait3A_73 : memref<10112x128xf32, #tpu.memory_space<vmem_shared>>)
            tpu.yield
          }) : () -> ()
        } else {
        }
      }
      "tpu.region"() ({
        %run_scoped3A = tpu.sem_alloc : memref<!tpu.dma_semaphore, #tpu.memory_space<semaphore_mem>>
        %dma_start3A = arith.constant 0 : i32
        %dma_start3A_25 = tpu.memref_slice %arg9[%mul3A_4, %dma_start3A] : memref<10112x128xf32, #tpu.memory_space<hbm>> -> memref<632x128xf32, #tpu.memory_space<hbm>>
        %dma_start3A_26 = arith.constant 0 : i32
        %dma_start3A_27 = tpu.memref_slice %arg19[%mul3A_4, %dma_start3A_26] : memref<10112x128xf32, #tpu.memory_space<vmem_shared>> -> memref<632x128xf32, #tpu.memory_space<vmem_shared>>
        tpu.enqueue_dma source(%dma_start3A_27 : memref<632x128xf32, #tpu.memory_space<vmem_shared>>) target(%dma_start3A_25 : memref<632x128xf32, #tpu.memory_space<hbm>>) target_semaphore(%run_scoped3A : memref<!tpu.dma_semaphore, #tpu.memory_space<semaphore_mem>>)
        %dma_wait3A = arith.constant 0 : i32
        %dma_wait3A_28 = tpu.memref_slice %arg9[%mul3A_4, %dma_wait3A] : memref<10112x128xf32, #tpu.memory_space<hbm>> -> memref<632x128xf32, #tpu.memory_space<hbm>>
        %dma_wait3A_29 = arith.constant 0 : i32
        %dma_wait3A_30 = tpu.memref_slice %arg19[%mul3A_4, %dma_wait3A_29] : memref<10112x128xf32, #tpu.memory_space<vmem_shared>> -> memref<632x128xf32, #tpu.memory_space<vmem_shared>>
        tpu.wait_dma2 semaphore(%run_scoped3A : memref<!tpu.dma_semaphore, #tpu.memory_space<semaphore_mem>>) src(%dma_wait3A_30 : memref<632x128xf32, #tpu.memory_space<vmem_shared>>) dst(%dma_wait3A_28 : memref<632x128xf32, #tpu.memory_space<hbm>>)
        tpu.yield
      }) : () -> ()
    } else {
    }
    return
  }
}

</mosaic_0001>

<sc_bundles>
// kernel: gather_offload_async_start.1
scs
__scs_entry_jumppad:
0x0: {  	(pc) =	sbr.rel $0x88, $3  }
0x1: {  	(tag) =	ssettag $0x0;
	lr =	simm.s32 $0x1  }
0x2: {  	[smem:$0x3F81] =	sst lr;
	_ =	strace $0xD0000000  }
0x3: {  	_ = 	snop  }
0x4: {  	_ = 	snop  }
0x5: {  	_ = 	snop  }
0x6: {  	_ = 	snop  }
0x7: {  	_ = 	snop  }
__scs_overlays_trampoline_lowered:
0x8: {  	[smem:$0x3F90] =	sst s0  }
0x9: {  	[smem:$0x3F91] =	sst s1  }
0xa: {  	[smem:$0x3F92] =	sst s2  }
0xb: {  	[smem:$0x3F93] =	sst s3  }
0xc: {  	[smem:$0x3F94] =	sst s4  }
0xd: {  	[smem:$0x3F95] =	sst s5  }
0xe: {  	[smem:$0x3F96] =	sst s6  }
0xf: {  	[smem:$0x3F97] =	sst s7  }
0x10: {  	[smem:$0x3F98] =	sst s8  }
0x11: {  	[smem:$0x3F99] =	sst s9;
	s0 =	simm.s32 @!p0 $0x0  }
0x12: {  	s1 =	sld [smem:$0x3F7F];
	s0 =	simm.s32 @p0 $0x1  }
0x13: {  	[smem:$0x3F9A] =	sst s0;
	s0 =	simm.s32 @!p1 $0x0  }
0x14: {  	s2 =	sld [smem:$0x3F7E];
	s0 =	simm.s32 @p1 $0x1  }
0x15: {  	[smem:$0x3F9B] =	sst s0;
	s0 =	simm.s32 @!p2 $0x0  }
0x16: {  	s3 =	sld [smem:$0x3FDB];
	s0 =	simm.s32 @p2 $0x1  }
0x17: {  	s4 =	simm.s32 $0x1BF5;
	[smem:$0x3F9D] =	sst s0  }
0x18: {  	s0 =	sld [smem:$0x3F80];
	_ =	swait.ge [sflag:s4], $0x0  }
0x19: {  	s7 =	sld [smem:$0x3F81]  }
0x1a: {  	s8 =	sadd.s32 $0xFFFFE003, lr  }
0x1b: {  	s9 =	sadd.s32 $0xFFFFFEF7, lr;
	s5 =	simm.s32 $0xFFFFFFFF;
	p2 =	slt.u32 s8, $0xFFFFF086  }
0x1c: {  	p1 =	slt.u32 s9, $0xF7A;
	s5 =	simm.s32 @!p2 $0x0  }
0x1d: {  	s5 =	simm.s32 @p1 $0x1;
	p0 =	seq.s32 s7, s2  }
0x1e: {  	s7 =	smul.u32 @!p0 $0xF7A, s2;
	p2 =	seq.s32 @!p0 s5, $0x0  }
0x1f: {  	s9 =	smul.u32 $0xF7A, s1;
	s8 =	simm.s32 @!p0 $0x1BF5;
	p2 =	por !p2, p0  }
0x20: {  	[sflag:s8] =	ssyncset.s32 @!p0 $0xFFFFF086;
	s6 =	sadd.s32 @!p0 s3, s7;
	s7 =	simm.s32 @!p0 $0x108  }
0x21: {  	s3 =	sadd.s32 s3, s9;
	s6 =	sadd.s32 @!p0 $0x88, s6;
	s7 =	simm.s32 @p2 $0x1082  }
0x22: {  	[simem:s7], [sflag:s8] =	dma.local @!p0 [hbm:s6], $0xF7A  }
0x23: {  	s9 =	sor.u32 $0xD0000000, s2;
	s6 =	simm.s32 $0x108;
	_ =	swait.ge @!p0 [sflag:s8], $0x0  }
0x24: {  	s3 =	sadd.s32 $0x88, s3;
	s6 =	simm.s32 @!p1 $0x1082;
	[sflag:s4] =	ssyncset.s32 $0xFFFFF086  }
0x25: {  	[simem:s6], [sflag:s4] =	dma.local [hbm:s3], $0xF7A  }
0x26: {  	[smem:$0x3F81] =	sst s1;
	(tag) =	ssettag s2;
	_ =	strace s9  }
0x27: {  	s1 =	sld [smem:$0x3F91]  }
0x28: {  	s2 =	sld [smem:$0x3F92]  }
0x29: {  	s4 =	sld [smem:$0x3F94]  }
0x2a: {  	p0 =	seq.s32 s5, $0x0;
	s5 =	sld [smem:$0x3F95]  }
0x2b: {  	s6 =	sld [smem:$0x3F96]  }
0x2c: {  	s7 =	sld [smem:$0x3F97]  }
0x2d: {  	s3 =	simm.s32 $0x108;
	s8 =	sld [smem:$0x3F98]  }
0x2e: {  	s3 =	simm.s32 @!p0 $0x1082;
	s9 =	sld [smem:$0x3F99]  }
0x2f: {  	lr =	sadd.s32 s0, s3;
	s0 =	sld [smem:$0x3F90]  }
0x30: {  	s3 =	sld [smem:$0x3F93]  }
0x31: {  	[smem:$0x3F9C] =	sst s10  }
0x32: {  	s10 =	sld [smem:$0x3F9A];
	_ =	sdelay $0x3  }
0x33: {  	p0 =	seq.s32 s10, $0x1;
	s10 =	sld [smem:$0x3F9C];
	_ =	sdelay $0x3  }
0x34: {  	[smem:$0x3F9C] =	sst s10  }
0x35: {  	s10 =	sld [smem:$0x3F9B];
	_ =	sdelay $0x3  }
0x36: {  	p1 =	seq.s32 s10, $0x1;
	s10 =	sld [smem:$0x3F9C];
	_ =	sdelay $0x3  }
0x37: {  	[smem:$0x3F9C] =	sst s10  }
0x38: {  	s10 =	sld [smem:$0x3F9D]  }
0x39: {  	_ = 	snop;
	(pc) =	sbr.ind lr, $3  }
0x3a: {  	_ = 	snop  }
0x3b: {  	_ = 	snop  }
0x3c: {  	p2 =	seq.s32 s10, $0x1;
	s10 =	sld [smem:$0x3F9C]  }
0x3d: {  	_ =	shalt  }
0x3e: {  	_ =	shalt  }
0x3f: {  	_ =	shalt  }
0x40: {  	_ =	shalt  }
0x41: {  	_ =	shalt  }
0x42: {  	_ =	shalt  }
0x43: {  	_ =	shalt  }
0x44: {  	_ =	shalt  }
0x45: {  	_ =	shalt  }
0x46: {  	_ =	shalt  }
0x47: {  	_ =	shalt  }
0x48: {  	_ =	shalt  }
0x49: {  	_ =	shalt  }
0x4a: {  	_ =	shalt  }
0x4b: {  	_ =	shalt  }
0x4c: {  	_ =	shalt  }
0x4d: {  	_ =	shalt  }
0x4e: {  	_ =	shalt  }
0x4f: {  	_ =	shalt  }
0x50: {  	_ =	shalt  }
0x51: {  	_ =	shalt  }
0x52: {  	_ =	shalt  }
0x53: {  	_ =	shalt  }
0x54: {  	_ =	shalt  }
0x55: {  	_ =	shalt  }
0x56: {  	_ =	shalt  }
0x57: {  	_ =	shalt  }
0x58: {  	_ =	shalt  }
0x59: {  	_ =	shalt  }
0x5a: {  	_ =	shalt  }
0x5b: {  	_ =	shalt  }
0x5c: {  	_ =	shalt  }
0x5d: {  	_ =	shalt  }
0x5e: {  	_ =	shalt  }
0x5f: {  	_ =	shalt  }
0x60: {  	_ =	shalt  }
0x61: {  	_ =	shalt  }
0x62: {  	_ =	shalt  }
0x63: {  	_ =	shalt  }
0x64: {  	_ =	shalt  }
0x65: {  	_ =	shalt  }
0x66: {  	_ =	shalt  }
0x67: {  	_ =	shalt  }
0x68: {  	_ =	shalt  }
0x69: {  	_ =	shalt  }
0x6a: {  	_ =	shalt  }
0x6b: {  	_ =	shalt  }
0x6c: {  	_ =	shalt  }
0x6d: {  	_ =	shalt  }
0x6e: {  	_ =	shalt  }
0x6f: {  	_ =	shalt  }
0x70: {  	_ =	shalt  }
0x71: {  	_ =	shalt  }
0x72: {  	_ =	shalt  }
0x73: {  	_ =	shalt  }
0x74: {  	_ =	shalt  }
0x75: {  	_ =	shalt  }
0x76: {  	_ =	shalt  }
0x77: {  	_ =	shalt  }
0x78: {  	_ =	shalt  }
0x79: {  	_ =	shalt  }
0x7a: {  	_ =	shalt  }
0x7b: {  	_ =	shalt  }
0x7c: {  	_ =	shalt  }
0x7d: {  	_ =	shalt  }
0x7e: {  	_ =	shalt  }
0x7f: {  	_ =	shalt  }
0x80: {  	_ =	shalt  }
0x81: {  	_ =	shalt  }
0x82: {  	_ =	shalt  }
0x83: {  	_ =	shalt  }
0x84: {  	_ =	shalt  }
0x85: {  	_ =	shalt  }
0x86: {  	_ =	shalt  }
0x87: {  	_ =	shalt  }
.Lfunc_end0:
.L_simem_size_0:
called_computation.4_lowered:
.L_overlay_start_0:
0x88: {  	s2 =	sld [smem:$0x3FD9]  }
0x89: {  	s3 =	sld [smem:$0x3FFE];
	_ =	sdelay $0x1  }
0x8a: {  	s1 =	srdreg.scid  }
0x8b: {  	s0 =	sand.u32 $0x1, s1  }
0x8c: {  	s16 =	sshll.u32 s0, $0xA;
	s2 =	sadd.s32 s3, s2  }
0x8d: {  	s2 =	sadd.s32 s2, s16  }
0x8e: {  	[smem:$0x3FA8] =	sst s2  }
0x8f: {  	_ = 	snop  }
0x90: {  	(tm) =	ssettm $0x1  }
0x91: {  	s17 =	sld [smem:$0x3FFB];
	_ =	sdelay $0x3  }
0x92: {  	_ =	strace s17  }
0x93: {  	s2 =	sld [smem:$0x3FFC];
	_ =	sdelay $0x3  }
0x94: {  	_ =	strace s2  }
0x95: {  	s2 =	sld [smem:$0x3FFD];
	_ =	sdelay $0x3  }
0x96: {  	_ =	strace s2  }
0x97: {  	_ =	strace $0x8FFFFFFF  }
0x98: {  	s18 =	sld [smem:$0x3FDB];
	_ =	sdelay $0x1  }
0x99: {  	s19 =	simm.s32 $_scs_section_size  }
0x9a: {  	s4 =	simm.s32 $_size__tile_overlayer_lowered;
	s5 =	simm.s32 $_tile_overlayer_lowered  }
0x9b: {  	s22 =	simm.s32 $0x1BFF;
	s21 =	sshll.u32 s5, $0x1;
	s2 =	sadd.s32 s19, s18  }
0x9c: {  	s6 =	simm.s32 $0x0;
	s20 =	sshll.u32 s4, $0x1;
	s4 =	sadd.s32 s21, s2  }
0x9d: {  	[timem:s6], [sflag:s22] =	dma.local [hbm:s4], s20  }
0x9e: {  	_ =	swait.ge [sflag:s22], s20  }
0x9f: {  	s3 =	ssub.s32 $0x0, s20;
	[sflag:s22] =	ssyncset.done $0x0  }
0xa0: {  	[sflag:s22] =	ssyncadd.s32 s3;
	_ =	sdelay $0x1  }
0xa1: {  	s23 =	simm.s32 $0x1B8B  }
0xa2: {  	_ =	swait.ge [sflag:s23], $0x1  }
0xa3: {  	[sflag:s23] =	ssyncset.done $0x0  }
0xa4: {  	s25 =	simm.s32 $0x1B8E;
	s24 =	sld [smem:$0x3FFE];
	[sflag:s23] =	ssyncadd.s32 $0xFFFFFFFF  }
0xa5: {  	s26 =	simm.s32 $execute0_lowered;
	[smem:$0x3FD2] =	sst s25  }
0xa6: {  	s4 =	sshll.u32 s26, $0x1;
	_ =	strace $0x80000046;
	[dreg:$0x1] =	wrdreg $0xFFFFFFFF  }
0xa7: {  	s28 =	simm.s32 $_size_execute0_lowered;
	s2 =	sadd.s32 s2, s4;
	[dreg:$0x0] =	wrdreg $0x0  }
0xa8: {  	s4 =	sshll.u32 s28, $0x1;
	[dreg:$0x2] =	wrdreg s2  }
0xa9: {  	[dreg:$0x3] =	wrdreg s4  }
0xaa: {  	[dreg:$0x4] =	wrdreg $0xC0  }
0xab: {  	_ =	task [dreg:s6], $0x5FFFF  }
0xac: {  	[dreg:$0x1] =	wrdreg $0xFFFFFFFF  }
0xad: {  	[dreg:$0x0] =	wrdreg $0x60  }
0xae: {  	[dreg:$0x2] =	wrdreg s24  }
0xaf: {  	[dreg:$0x3] =	wrdreg $0x9  }
0xb0: {  	_ =	task.clear_ibuf [dreg:s6], $0x4FFFF;
	_ =	strace $0x90000046  }
0xb1: {  	s29 =	simm.s32 $0x9;
	_ =	strace $0x80000048  }
0xb2: {  	_ =	swait.ge [sflag:s29], $0x1  }
0xb3: {  	[sflag:s29] =	ssyncadd.s32 $0xFFFFFFFF  }
0xb4: {  	_ =	strace $0x90000048  }
0xb5: {  	_ =	sfence  }
0xb6: {  	s30 =	sld [smem:$0x0];
	_ =	sdelay $0x2  }
0xb7: {  	s31 =	sshll.u32 s1, $0xD;
	s1 =	sshrl.u32 s1, $0x2  }
0xb8: {  	s3 =	sand.u32 $0x4000, s31;
	s1 =	sadd.s32 s1, s30  }
0xb9: {  	s0 =	sor.u32 s3, s0;
	s1 =	sshll.u32 s1, $0x11  }
0xba: {  	s0 =	sor.u32 s1, s0  }
0xbb: {  	s0 =	sadd.s32 $0x8F2B, s0  }
0xbc: {  	[sflag:s0] =	ssyncadd.remote.s32 $0x1  }
0xbd: {  	_ =	sfence.sel $0xFFFF  }
0xbe: {  	[dreg:$0x0] =	wrdreg $0xFFFFFFFF;
	(pc) =	sbr.abs _section_cstart, $3  }
0xbf: {  	[dreg:$0x1] =	wrdreg $0xFFFFFFFF  }
0xc0: {  	_ =	task.clear_ibuf [dreg:s6], $0x2FFFF;
	_ =	strace $0x9FFFFFFF  }
0xc1: {  	(tm) =	ssettm $0x7FFFFFFF  }
tec
execute0_lowered:
.L_overlay_start_1:
0x0: {  	(tag) =	ssettag $0x1  }
0x1: {  	s8 =	rddreg [dreg:$0x0]  }
0x2: {  	s0 =	rddreg [dreg:$0x1];
	_ =	strace $0x80000047;
	s1 =	stileid.u32  }
0x3: {  	s3 =	srdreg.scid;
	s4 =	simm.s32 $0x1;
	s7 =	simm.s32 $0x1  }
0x4: {  	s9 =	simm.s32 $0x1;
	s10 =	simm.s32 $0x3;
	s13 =	simm.s32 $0x0  }
0x5: {  	s12 =	simm.s32 $0x0;
	s5 =	sand.u32 $0x1, s3;
	s6 =	sshll.u32 s1, $0x1  }
0x6: {  	s2 =	sadd.s32 $0x13E800, s8;
	s3 =	sadd.s32 $0x13E00, s8;
	s5 =	sor.u32 s6, s5  }
.Ltmp0:
0x7: {  	[sflag:s4] =	ssyncpa.u1 $0x0;
	p0 =	slt.u32 s5, $0x9;
	(pc) =	sbr.rel .LBB2_1-.Ltmp0, $4  }
0x8: {  	s6 =	simm.s32 $0x2;
	s7 =	simm.s32 @!p0 $0x0;
	p0 =	sne.s32 s5, $0x8  }
0x9: {  	[sflag:s6] =	ssyncpa.u1 $0x0;
	s5 =	smul.u32 $0x1F40, s5;
	s9 =	simm.s32 @!p0 $0x0  }
0xa: {  	s8 =	sadd.s32 $0xC9C00, s8;
	[sflag:s10] =	ssyncpa.u1 $0x0;
	s7 =	sadd.s32 s9, s7  }
0xb: {  	vm0 =	vmmov $0xffff;
	s10 =	simm.s32 $0x0;
	s11 =	smov.u32 s5;
	s9 =	sadd.s32 $0x1, s7  }
.LBB2_4:
0xc: {  	vm2 =	veq.s32 v2, $0x80000000;
	v4 =	vand.u32 $0xF, v4;
	v5 =	vor.u32 v6, v5  }
0xd: {  	v1 =	vand.u32 $0x7FFFF, v1;
	v7 =	vshrl.u32 v2, $0x13;
	v56 =	vand.u32 $0x7FFFF, v2  }
0xe: {  	v4 =	vsel vm1, $0xFFFFFFFF, v4;
	v3 =	vor.u32 v3, v5;
	v1 =	vsel vm1, $0xFFFFFFFF, v1  }
0xf: {  	vm1 =	vmmov vm2;
	v7 =	vand.u32 $0xF, v7;
	v54 =	vshrl.u32 v4, $0x3  }
0x10: {  	v4 =	vshll.u32 v4, $0x7;
	v55 =	vshll.u32 v1, $0x3;
	v57 =	vsel vm1, $0xFFFFFFFF, v7  }
0x11: {  	v2 =	vsel vm1, $0xFFFFFFFF, v56;
	v1 =	vand.u32 $0x7F, v1;
	v5 =	vmul.u32 $0x271000, v54  }
0x12: {  	v6 =	vand.u32 $0xFFFFFC00, v55;
	v4 =	vand.u32 $0x380, v4;
	v7 =	vshrl.u32 v57, $0x3  }
0x13: {  	v59 =	vshll.u32 v2, $0x3;
	v58 =	vmul.u32 $0x271000, v7;
	v5 =	vadd.s32 v6, v5  }
0x14: {  	v7 =	vand.u32 $0xFFFFFC00, v59;
	v6 =	vshll.u32 v57, $0x7;
	v4 =	vor.u32 v4, v5  }
0x15: {  	v60 =	vadd.s32 v7, v58;
	v61 =	vand.u32 $0x380, v6;
	v1 =	vor.u32 v1, v4  }
0x16: {  	[tilespmem:s16], [sflag:$0x1] =	stream.indirect_vreg.gather [hbm4b:s2+s10], $0x1, v0, vm0, $0x4038;
	v62 =	vand.u32 $0x7F, v2;
	v63 =	vor.u32 v61, v60;
	[tilespmem:$0x7D00] =	vst v63  }
0x17: {  	(ifvalue) =	ssetifvalue $0x7FFFFFFF;
	v0 =	vor.u32 v62, v63  }
0x18: {  	[tilespmem:s15], [sflag:$0x1] =	stream.indirect_vreg.gather [hbm4b:s2+s10], $0x1, v3, vm0, $0x4038;
	[tilespmem:$0x7D00] =	vst v63  }
0x19: {  	s29 =	sadd.s32 $0x10, s15;
	(ifvalue) =	ssetifvalue $0x7FFFFFFF  }
0x1a: {  	[tilespmem:s29], [sflag:$0x1] =	stream.indirect_vreg.gather [hbm4b:s2+s10], $0x1, v1, vm0, $0x4038;
	[tilespmem:$0x7D00] =	vst v63  }
0x1b: {  	s15 =	sadd.s32 $0x10, s29;
	(ifvalue) =	ssetifvalue $0x7FFFFFFF  }
0x1c: {  	[tilespmem:s15], [sflag:$0x1] =	stream.indirect_vreg.gather [hbm4b:s2+s10], $0x1, v0, vm0, $0x4038;
	[tilespmem:$0x7D00] =	vst v63  }
0x1d: {  	_ =	swait.ge [sflag:s4], $0x1F40  }
0x1e: {  	s30 =	sshrl.u32 s13, $0x3;
	[sflag:s4] =	ssyncset.done $0x0  }
0x1f: {  	s31 =	sand.u32 $0x7, s13;
	s15 =	sadd.s32 s8, s30;
	[sflag:s4] =	ssyncadd.s32 $0xFFFFE0C0  }
0x20: {  	[hbm4b:s15+s31] =	stream.linear.scatter [tilespmem:s14], [sflag:$0x3], $0x1F40, $0x38;
	[tilespmem:$0x7D00] =	vst v63  }
.LBB2_5:
0x21: {  	s15 =	sadd.s32 $0x3E800, s11  }
0x22: {  	p1 =	sgt.s32 s15, $0x4E1FF  }
0x23: {  	s15 =	smov.u32 @p1 s5;
	p1 =	sne.s32 s12, s9  }
.Ltmp1:
0x24: {  	p0 =	slt.u32 s12, $0x2;
	(pc) =	sbr.rel @!p1 .LBB2_6-.Ltmp1, $4  }
0x25: {  	s14 =	simm.s32 @!p0 $0x3  }
0x26: {  	_ =	swait.ge @!p0 [sflag:s14], $0x1F40  }
0x27: {  	s16 =	sadd.s32 $0x1, s12;
	s13 =	smov.u32 s11;
	[sflag:s14] =	ssyncset.done @!p0 $0x0  }
0x28: {  	s12 =	smov.u32 s16;
	s11 =	smov.u32 s15;
	[sflag:s14] =	ssyncadd.s32 @!p0 $0xFFFFE0C0  }
.LBB2_1:
0x29: {  	p0 =	sge.u32 s12, s7  }
0x2a: {  	s14 =	sxor.u32 @!p0 $0x1, s12  }
0x2b: {  	s14 =	smul.u32 @!p0 $0x7D00, s14  }
0x2c: {  	s31 =	sadd.s32 $0xFFFFFFFF, s12;
	s15 =	sshrl.u32 @!p0 s11, $0x3  }
0x2d: {  	s16 =	sand.u32 @!p0 $0x7, s11;
	s15 =	sadd.s32 @!p0 s3, s15;
	s14 =	sshra.s32 @!p0 s14, $0x2  }
0x2e: {  	[tilespmem:s14], [sflag:$0x2] =	stream.linear.gather @!p0 [hbm4b:s15+s16], $0x1F40, $0x38;
	[tilespmem:$0x7D00] =	vst v63  }
0x2f: {  	p0 =	sge.u32 s31, s7  }
.Ltmp2:
0x30: {  	_ = 	snop;
	(pc) =	sbr.rel @p0 .LBB2_5-.Ltmp2, $1  }
0x31: {  	_ =	sdelay $0x3  }
0x32: {  	s14 =	sand.u32 $0x1, s12  }
0x33: {  	_ =	swait.ge [sflag:s6], $0x1F40;
	p0 =	seq.s32 s14, $0x1;
	s14 =	simm.s32 $0x1F40  }
0x34: {  	[sflag:s6] =	ssyncset.done $0x0;
	s14 =	simm.s32 @!p0 $0x0  }
0x35: {  	[sflag:s6] =	ssyncadd.s32 $0xFFFFE0C0;
	(ifvalue) =	ssetifvalue $0x7FFFFFFF;
	v0 =	vld.msk [tilespmem:s14+$0x0 ss:$0x1], $0xffff;
	_ =	sdelay $0x2  }
0x36: {  	s15 =	sadd.s32 $0x10, s14  }
0x37: {  	v2 =	vld.msk [tilespmem:s15+$0x0 ss:$0x1], $0xffff  }
0x38: {  	vm1 =	veq.s32 v0, $0x80000000;
	v1 =	vshrl.u32 v0, $0x13  }
0x39: {  	vm1 =	vmmov vm1;
	v3 =	vand.u32 $0xF, v1  }
0x3a: {  	v0 =	vand.u32 $0x7FFFF, v0;
	v3 =	vsel vm1, $0xFFFFFFFF, v3  }
0x3b: {  	s15 =	sadd.s32 $0x10, s15;
	v0 =	vsel vm1, $0xFFFFFFFF, v0;
	v4 =	vshrl.u32 v3, $0x3  }
0x3c: {  	v1 =	vld.msk [tilespmem:s15+$0x0 ss:$0x1], $0xffff;
	v6 =	vshrl.u32 v2, $0x13;
	v5 =	vshll.u32 v0, $0x3;
	v4 =	vmul.u32 $0x271000, v4  }
0x3d: {  	vm1 =	veq.s32 v2, $0x80000000;
	v3 =	vshll.u32 v3, $0x7;
	v5 =	vand.u32 $0xFFFFFC00, v5  }
0x3e: {  	v0 =	vand.u32 $0x7F, v0;
	v3 =	vand.u32 $0x380, v3;
	v4 =	vadd.s32 v5, v4  }
0x3f: {  	vm1 =	vmmov vm1;
	v5 =	vand.u32 $0xF, v6;
	v3 =	vor.u32 v3, v4  }
0x40: {  	v2 =	vand.u32 $0x7FFFF, v2;
	v4 =	vsel vm1, $0xFFFFFFFF, v5;
	v0 =	vor.u32 v0, v3  }
0x41: {  	s15 =	sadd.s32 $0x10, s15;
	vm2 =	veq.s32 v1, $0x80000000;
	v3 =	vsel vm1, $0xFFFFFFFF, v2;
	v2 =	vshrl.u32 v4, $0x3  }
0x42: {  	s14 =	sadd.s32 $0x3E80, s14;
	v6 =	vshll.u32 v4, $0x7;
	v5 =	vmul.u32 $0x271000, v2;
	v4 =	vshll.u32 v3, $0x3;
	v2 =	vld.msk [tilespmem:s15+$0x0 ss:$0x1], $0xffff  }
0x43: {  	s17 =	simm.s32 $0x30;
	s16 =	smov.u32 s14;
	vm1 =	vmmov vm2;
	v3 =	vand.u32 $0x7F, v3;
	v7 =	vand.u32 $0xFFFFFC00, v4  }
0x44: {  	s18 =	sadd.s32 $0x10, s15;
	v6 =	vand.u32 $0x380, v6;
	(ifvalue) =	ssetifvalue $0x7FFFFFFF;
	s15 =	sadd.s32 $0x10, s14;
	v4 =	vshrl.u32 v1, $0x13;
	v5 =	vadd.s32 v7, v5  }
.LBB2_3:
0x45: {  	[tilespmem:s16], [sflag:$0x1] =	stream.indirect_vreg.gather [hbm4b:s2+s10], $0x1, v0, vm0, $0x4038;
	[tilespmem:$0x7D00] =	vst v63  }
0x46: {  	s17 =	sadd.s32 $0x10, s17  }
0x47: {  	vm2 =	veq.s32 v2, $0x80000000;
	v4 =	vand.u32 $0xF, v4;
	v5 =	vor.u32 v6, v5;
	v6 =	vmovc v2;
	v2 =	vld.msk [tilespmem:s18+$0x0 ss:$0x1], $0xffff;
	p0 =	slt.u32 s17, $0x1F30  }
.Ltmp3:
0x48: {  	v7 =	vand.u32 $0x7FFFF, v1;
	s16 =	smov.u32 s15;
	v4 =	vsel vm1, $0xFFFFFFFF, v4;
	v0 =	vor.u32 v3, v5;
	v1 =	vmovc v6;
	(pc) =	sbr.rel @p0 .LBB2_3-.Ltmp3, $4  }
0x49: {  	v5 =	vsel vm1, $0xFFFFFFFF, v7;
	v6 =	vshrl.u32 v4, $0x3;
	v7 =	vshll.u32 v4, $0x7  }
0x4a: {  	v3 =	vand.u32 $0x7F, v5;
	v4 =	vshll.u32 v5, $0x3;
	v6 =	vmul.u32 $0x271000, v6  }
0x4b: {  	vm1 =	vmmov vm2;
	v5 =	vand.u32 $0xFFFFFC00, v4  }
0x4c: {  	s18 =	sadd.s32 $0x10, s18;
	s15 =	sadd.s32 $0x10, s15;
	v4 =	vshrl.u32 v1, $0x13;
	v5 =	vadd.s32 v5, v6;
	v6 =	vand.u32 $0x380, v7;
	(ifvalue) =	ssetifvalue $0x7FFFFFFF  }
.Ltmp4:
0x4d: {  	_ = 	snop;
	(pc) =	sbr.rel .LBB2_4-.Ltmp4, $1  }
0x4e: {  	_ =	sdelay $0x3  }
.LBB2_6:
0x4f: {  	_ =	sfence.sel $0x180000  }
0x50: {  	s2 =	simm.s32 $0x2;
	[bflag:$0x0] =	sbarrier.arrive $0xFFFF  }
0x51: {  	s30 =	simm.s32 $0x3;
	[sflag:s2] =	ssyncpa.u1 $0x1  }
0x52: {  	s31 =	simm.s32 $0x1;
	[sflag:s30] =	ssyncpa.u1 $0x1  }
0x53: {  	[sflag:s31] =	ssyncpa.u1 $0x1  }
0x54: {  	p0 =	sne.s32 s1, $0x0;
	_ =	strace $0x90000047  }
0x55: {  	s0 =	sadd.s32 @!p0 $0x100000, s0;
	[bflag:$0x2] =	sbarrier.arrive $0xFFFF  }
0x56: {  	[sflag:s0] =	ssyncadd.tile.s32 @!p0 $0x1;
	_ =	shalt  }
.Lfunc_end2:
_tile_overlayer_lowered:
.L_overlay_start_2:
0x57: {  	(tag) =	ssettag $0x2  }
0x58: {  	s0 =	rddreg [dreg:$0x0];
	s2 =	stileid.u32  }
0x59: {  	s1 =	rddreg [dreg:$0x1];
	p0 =	sne.s32 s2, $0x0  }
0x5a: {  	s3 =	rddreg [dreg:$0x2];
	[bflag:$0x3] =	sbarrier.arrive $0xFFFF;
	s2 =	simm.s32 @!p0 $0x1C01  }
0x5b: {  	[timem:s3], [sflag:s2] =	dma.local @!p0 [hbm:s0], s1  }
0x5c: {  	s0 =	simm.s32 @!p0 $0x1  }
0x5d: {  	_ =	swait.ge @!p0 [sflag:s0], s1  }
0x5e: {  	s1 =	ssub.s32 @!p0 $0x0, s1;
	[sflag:s0] =	ssyncset.done @!p0 $0x0  }
0x5f: {  	[sflag:s0] =	ssyncadd.s32 @!p0 s1  }
0x60: {  	[bflag:$0x3] =	sbarrier.arrive $0xFFFF  }
0x61: {  	_ =	shalt  }

// kernel: gather_offload_async_start
scs
__scs_entry_jumppad:
0x0: {  	(pc) =	sbr.rel $0x88, $3  }
0x1: {  	(tag) =	ssettag $0x0;
	lr =	simm.s32 $0x1  }
0x2: {  	[smem:$0x3F81] =	sst lr;
	_ =	strace $0xD0000000  }
0x3: {  	_ = 	snop  }
0x4: {  	_ = 	snop  }
0x5: {  	_ = 	snop  }
0x6: {  	_ = 	snop  }
0x7: {  	_ = 	snop  }
__scs_overlays_trampoline_lowered:
0x8: {  	[smem:$0x3F90] =	sst s0  }
0x9: {  	[smem:$0x3F91] =	sst s1  }
0xa: {  	[smem:$0x3F92] =	sst s2  }
0xb: {  	[smem:$0x3F93] =	sst s3  }
0xc: {  	[smem:$0x3F94] =	sst s4  }
0xd: {  	[smem:$0x3F95] =	sst s5  }
0xe: {  	[smem:$0x3F96] =	sst s6  }
0xf: {  	[smem:$0x3F97] =	sst s7  }
0x10: {  	[smem:$0x3F98] =	sst s8  }
0x11: {  	[smem:$0x3F99] =	sst s9;
	s0 =	simm.s32 @!p0 $0x0  }
0x12: {  	s1 =	sld [smem:$0x3F7F];
	s0 =	simm.s32 @p0 $0x1  }
0x13: {  	[smem:$0x3F9A] =	sst s0;
	s0 =	simm.s32 @!p1 $0x0  }
0x14: {  	s2 =	sld [smem:$0x3F7E];
	s0 =	simm.s32 @p1 $0x1  }
0x15: {  	[smem:$0x3F9B] =	sst s0;
	s0 =	simm.s32 @!p2 $0x0  }
0x16: {  	s3 =	sld [smem:$0x3FDB];
	s0 =	simm.s32 @p2 $0x1  }
0x17: {  	s4 =	simm.s32 $0x1BF5;
	[smem:$0x3F9D] =	sst s0  }
0x18: {  	s0 =	sld [smem:$0x3F80];
	_ =	swait.ge [sflag:s4], $0x0  }
0x19: {  	s7 =	sld [smem:$0x3F81]  }
0x1a: {  	s8 =	sadd.s32 $0xFFFFE003, lr  }
0x1b: {  	s9 =	sadd.s32 $0xFFFFFEF7, lr;
	s5 =	simm.s32 $0xFFFFFFFF;
	p2 =	slt.u32 s8, $0xFFFFF086  }
0x1c: {  	p1 =	slt.u32 s9, $0xF7A;
	s5 =	simm.s32 @!p2 $0x0  }
0x1d: {  	s5 =	simm.s32 @p1 $0x1;
	p0 =	seq.s32 s7, s2  }
0x1e: {  	s7 =	smul.u32 @!p0 $0xF7A, s2;
	p2 =	seq.s32 @!p0 s5, $0x0  }
0x1f: {  	s9 =	smul.u32 $0xF7A, s1;
	s8 =	simm.s32 @!p0 $0x1BF5;
	p2 =	por !p2, p0  }
0x20: {  	[sflag:s8] =	ssyncset.s32 @!p0 $0xFFFFF086;
	s6 =	sadd.s32 @!p0 s3, s7;
	s7 =	simm.s32 @!p0 $0x108  }
0x21: {  	s3 =	sadd.s32 s3, s9;
	s6 =	sadd.s32 @!p0 $0x88, s6;
	s7 =	simm.s32 @p2 $0x1082  }
0x22: {  	[simem:s7], [sflag:s8] =	dma.local @!p0 [hbm:s6], $0xF7A  }
0x23: {  	s9 =	sor.u32 $0xD0000000, s2;
	s6 =	simm.s32 $0x108;
	_ =	swait.ge @!p0 [sflag:s8], $0x0  }
0x24: {  	s3 =	sadd.s32 $0x88, s3;
	s6 =	simm.s32 @!p1 $0x1082;
	[sflag:s4] =	ssyncset.s32 $0xFFFFF086  }
0x25: {  	[simem:s6], [sflag:s4] =	dma.local [hbm:s3], $0xF7A  }
0x26: {  	[smem:$0x3F81] =	sst s1;
	(tag) =	ssettag s2;
	_ =	strace s9  }
0x27: {  	s1 =	sld [smem:$0x3F91]  }
0x28: {  	s2 =	sld [smem:$0x3F92]  }
0x29: {  	s4 =	sld [smem:$0x3F94]  }
0x2a: {  	p0 =	seq.s32 s5, $0x0;
	s5 =	sld [smem:$0x3F95]  }
0x2b: {  	s6 =	sld [smem:$0x3F96]  }
0x2c: {  	s7 =	sld [smem:$0x3F97]  }
0x2d: {  	s3 =	simm.s32 $0x108;
	s8 =	sld [smem:$0x3F98]  }
0x2e: {  	s3 =	simm.s32 @!p0 $0x1082;
	s9 =	sld [smem:$0x3F99]  }
0x2f: {  	lr =	sadd.s32 s0, s3;
	s0 =	sld [smem:$0x3F90]  }
0x30: {  	s3 =	sld [smem:$0x3F93]  }
0x31: {  	[smem:$0x3F9C] =	sst s10  }
0x32: {  	s10 =	sld [smem:$0x3F9A];
	_ =	sdelay $0x3  }
0x33: {  	p0 =	seq.s32 s10, $0x1;
	s10 =	sld [smem:$0x3F9C];
	_ =	sdelay $0x3  }
0x34: {  	[smem:$0x3F9C] =	sst s10  }
0x35: {  	s10 =	sld [smem:$0x3F9B];
	_ =	sdelay $0x3  }
0x36: {  	p1 =	seq.s32 s10, $0x1;
	s10 =	sld [smem:$0x3F9C];
	_ =	sdelay $0x3  }
0x37: {  	[smem:$0x3F9C] =	sst s10  }
0x38: {  	s10 =	sld [smem:$0x3F9D]  }
0x39: {  	_ = 	snop;
	(pc) =	sbr.ind lr, $3  }
0x3a: {  	_ = 	snop  }
0x3b: {  	_ = 	snop  }
0x3c: {  	p2 =	seq.s32 s10, $0x1;
	s10 =	sld [smem:$0x3F9C]  }
0x3d: {  	_ =	shalt  }
0x3e: {  	_ =	shalt  }
0x3f: {  	_ =	shalt  }
0x40: {  	_ =	shalt  }
0x41: {  	_ =	shalt  }
0x42: {  	_ =	shalt  }
0x43: {  	_ =	shalt  }
0x44: {  	_ =	shalt  }
0x45: {  	_ =	shalt  }
0x46: {  	_ =	shalt  }
0x47: {  	_ =	shalt  }
0x48: {  	_ =	shalt  }
0x49: {  	_ =	shalt  }
0x4a: {  	_ =	shalt  }
0x4b: {  	_ =	shalt  }
0x4c: {  	_ =	shalt  }
0x4d: {  	_ =	shalt  }
0x4e: {  	_ =	shalt  }
0x4f: {  	_ =	shalt  }
0x50: {  	_ =	shalt  }
0x51: {  	_ =	shalt  }
0x52: {  	_ =	shalt  }
0x53: {  	_ =	shalt  }
0x54: {  	_ =	shalt  }
0x55: {  	_ =	shalt  }
0x56: {  	_ =	shalt  }
0x57: {  	_ =	shalt  }
0x58: {  	_ =	shalt  }
0x59: {  	_ =	shalt  }
0x5a: {  	_ =	shalt  }
0x5b: {  	_ =	shalt  }
0x5c: {  	_ =	shalt  }
0x5d: {  	_ =	shalt  }
0x5e: {  	_ =	shalt  }
0x5f: {  	_ =	shalt  }
0x60: {  	_ =	shalt  }
0x61: {  	_ =	shalt  }
0x62: {  	_ =	shalt  }
0x63: {  	_ =	shalt  }
0x64: {  	_ =	shalt  }
0x65: {  	_ =	shalt  }
0x66: {  	_ =	shalt  }
0x67: {  	_ =	shalt  }
0x68: {  	_ =	shalt  }
0x69: {  	_ =	shalt  }
0x6a: {  	_ =	shalt  }
0x6b: {  	_ =	shalt  }
0x6c: {  	_ =	shalt  }
0x6d: {  	_ =	shalt  }
0x6e: {  	_ =	shalt  }
0x6f: {  	_ =	shalt  }
0x70: {  	_ =	shalt  }
0x71: {  	_ =	shalt  }
0x72: {  	_ =	shalt  }
0x73: {  	_ =	shalt  }
0x74: {  	_ =	shalt  }
0x75: {  	_ =	shalt  }
0x76: {  	_ =	shalt  }
0x77: {  	_ =	shalt  }
0x78: {  	_ =	shalt  }
0x79: {  	_ =	shalt  }
0x7a: {  	_ =	shalt  }
0x7b: {  	_ =	shalt  }
0x7c: {  	_ =	shalt  }
0x7d: {  	_ =	shalt  }
0x7e: {  	_ =	shalt  }
0x7f: {  	_ =	shalt  }
0x80: {  	_ =	shalt  }
0x81: {  	_ =	shalt  }
0x82: {  	_ =	shalt  }
0x83: {  	_ =	shalt  }
0x84: {  	_ =	shalt  }
0x85: {  	_ =	shalt  }
0x86: {  	_ =	shalt  }
0x87: {  	_ =	shalt  }
.Lfunc_end0:
.L_simem_size_0:
called_computation.3_lowered:
.L_overlay_start_0:
0x88: {  	s2 =	sld [smem:$0x3FD9]  }
0x89: {  	s3 =	sld [smem:$0x3FFE];
	_ =	sdelay $0x1  }
0x8a: {  	s1 =	srdreg.scid  }
0x8b: {  	s0 =	sand.u32 $0x1, s1  }
0x8c: {  	s16 =	sshll.u32 s0, $0xA;
	s2 =	sadd.s32 s3, s2  }
0x8d: {  	s2 =	sadd.s32 s2, s16  }
0x8e: {  	[smem:$0x3FA8] =	sst s2  }
0x8f: {  	_ = 	snop  }
0x90: {  	(tm) =	ssettm $0x1  }
0x91: {  	s17 =	sld [smem:$0x3FFB];
	_ =	sdelay $0x3  }
0x92: {  	_ =	strace s17  }
0x93: {  	s2 =	sld [smem:$0x3FFC];
	_ =	sdelay $0x3  }
0x94: {  	_ =	strace s2  }
0x95: {  	s2 =	sld [smem:$0x3FFD];
	_ =	sdelay $0x3  }
0x96: {  	_ =	strace s2  }
0x97: {  	_ =	strace $0x8FFFFFFF  }
0x98: {  	s18 =	sld [smem:$0x3FDB];
	_ =	sdelay $0x1  }
0x99: {  	s19 =	simm.s32 $_scs_section_size  }
0x9a: {  	s4 =	simm.s32 $_size__tile_overlayer_lowered;
	s5 =	simm.s32 $_tile_overlayer_lowered  }
0x9b: {  	s22 =	simm.s32 $0x1BFF;
	s21 =	sshll.u32 s5, $0x1;
	s2 =	sadd.s32 s19, s18  }
0x9c: {  	s6 =	simm.s32 $0x0;
	s20 =	sshll.u32 s4, $0x1;
	s4 =	sadd.s32 s21, s2  }
0x9d: {  	[timem:s6], [sflag:s22] =	dma.local [hbm:s4], s20  }
0x9e: {  	_ =	swait.ge [sflag:s22], s20  }
0x9f: {  	s3 =	ssub.s32 $0x0, s20;
	[sflag:s22] =	ssyncset.done $0x0  }
0xa0: {  	[sflag:s22] =	ssyncadd.s32 s3;
	_ =	sdelay $0x1  }
0xa1: {  	s23 =	simm.s32 $0x1B8B  }
0xa2: {  	_ =	swait.ge [sflag:s23], $0x1  }
0xa3: {  	[sflag:s23] =	ssyncset.done $0x0  }
0xa4: {  	s25 =	simm.s32 $0x1B8E;
	s24 =	sld [smem:$0x3FFE];
	[sflag:s23] =	ssyncadd.s32 $0xFFFFFFFF  }
0xa5: {  	s26 =	simm.s32 $execute0_lowered;
	[smem:$0x3FD2] =	sst s25  }
0xa6: {  	s4 =	sshll.u32 s26, $0x1;
	_ =	strace $0x80000049;
	[dreg:$0x1] =	wrdreg $0xFFFFFFFF  }
0xa7: {  	s28 =	simm.s32 $_size_execute0_lowered;
	s2 =	sadd.s32 s2, s4;
	[dreg:$0x0] =	wrdreg $0x0  }
0xa8: {  	s4 =	sshll.u32 s28, $0x1;
	[dreg:$0x2] =	wrdreg s2  }
0xa9: {  	[dreg:$0x3] =	wrdreg s4  }
0xaa: {  	[dreg:$0x4] =	wrdreg $0xC0  }
0xab: {  	_ =	task [dreg:s6], $0x5FFFF  }
0xac: {  	[dreg:$0x1] =	wrdreg $0xFFFFFFFF  }
0xad: {  	[dreg:$0x0] =	wrdreg $0x60  }
0xae: {  	[dreg:$0x2] =	wrdreg s24  }
0xaf: {  	[dreg:$0x3] =	wrdreg $0xA  }
0xb0: {  	_ =	task.clear_ibuf [dreg:s6], $0x4FFFF;
	_ =	strace $0x90000049  }
0xb1: {  	s29 =	simm.s32 $0xA;
	_ =	strace $0x8000004B  }
0xb2: {  	_ =	swait.ge [sflag:s29], $0x1  }
0xb3: {  	[sflag:s29] =	ssyncadd.s32 $0xFFFFFFFF  }
0xb4: {  	_ =	strace $0x9000004B  }
0xb5: {  	_ =	sfence  }
0xb6: {  	s30 =	sld [smem:$0x0];
	_ =	sdelay $0x2  }
0xb7: {  	s31 =	sshll.u32 s1, $0xD;
	s1 =	sshrl.u32 s1, $0x2  }
0xb8: {  	s3 =	sand.u32 $0x4000, s31;
	s1 =	sadd.s32 s1, s30  }
0xb9: {  	s0 =	sor.u32 s3, s0;
	s1 =	sshll.u32 s1, $0x11  }
0xba: {  	s0 =	sor.u32 s1, s0  }
0xbb: {  	s0 =	sadd.s32 $0x8F2B, s0  }
0xbc: {  	[sflag:s0] =	ssyncadd.remote.s32 $0x1  }
0xbd: {  	_ =	sfence.sel $0xFFFF  }
0xbe: {  	[dreg:$0x0] =	wrdreg $0xFFFFFFFF;
	(pc) =	sbr.abs _section_cstart, $3  }
0xbf: {  	[dreg:$0x1] =	wrdreg $0xFFFFFFFF  }
0xc0: {  	_ =	task.clear_ibuf [dreg:s6], $0x2FFFF;
	_ =	strace $0x9FFFFFFF  }
0xc1: {  	(tm) =	ssettm $0x7FFFFFFF  }
tec
execute0_lowered:
.L_overlay_start_1:
0x0: {  	(tag) =	ssettag $0x1  }
0x1: {  	s8 =	rddreg [dreg:$0x0]  }
0x2: {  	s0 =	rddreg [dreg:$0x1];
	_ =	strace $0x8000004A;
	s1 =	stileid.u32  }
0x3: {  	s3 =	srdreg.scid;
	s4 =	simm.s32 $0x1;
	s7 =	simm.s32 $0x1  }
0x4: {  	s9 =	simm.s32 $0x1;
	s10 =	simm.s32 $0x3;
	s13 =	simm.s32 $0x0  }
0x5: {  	s12 =	simm.s32 $0x0;
	s5 =	sand.u32 $0x1, s3;
	s6 =	sshll.u32 s1, $0x1  }
0x6: {  	s2 =	sadd.s32 $0x1F600, s8;
	s3 =	sadd.s32 $0x29600, s8;
	s5 =	sor.u32 s6, s5  }
.Ltmp0:
0x7: {  	[sflag:s4] =	ssyncpa.u1 $0x0;
	p0 =	slt.u32 s5, $0x9;
	(pc) =	sbr.rel .LBB2_1-.Ltmp0, $4  }
0x8: {  	s6 =	simm.s32 $0x2;
	s7 =	simm.s32 @!p0 $0x0;
	p0 =	sne.s32 s5, $0x8  }
0x9: {  	[sflag:s6] =	ssyncpa.u1 $0x0;
	s5 =	smul.u32 $0x1F40, s5;
	s9 =	simm.s32 @!p0 $0x0  }
0xa: {  	s8 =	sadd.s32 $0x33400, s8;
	[sflag:s10] =	ssyncpa.u1 $0x0;
	s7 =	sadd.s32 s9, s7  }
0xb: {  	vm0 =	vmmov $0xffff;
	s10 =	simm.s32 $0x0;
	s11 =	smov.u32 s5;
	s9 =	sadd.s32 $0x1, s7  }
.LBB2_4:
0xc: {  	v2 =	vnsel vm1, $0x0, v2  }
0xd: {  	vm1 =	vgt.s32 v0, $0x0;
	v2 =	vmin.u32 v2, $0x4FFFF  }
0xe: {  	v0 =	vnsel vm1, $0x0, v0  }
0xf: {  	v0 =	vmin.u32 v0, $0x4FFFF  }
0x10: {  	[tilespmem:s18], [sflag:$0x1] =	stream.indirect_vreg.gather [hbm4b:s2+s10], $0x1, v1, vm0, $0x4038;
	[tilespmem:$0x7D00] =	vst v63  }
0x11: {  	(ifvalue) =	ssetifvalue $0x7FFFFFFF  }
0x12: {  	[tilespmem:s15], [sflag:$0x1] =	stream.indirect_vreg.gather [hbm4b:s2+s10], $0x1, v2, vm0, $0x4038;
	[tilespmem:$0x7D00] =	vst v63  }
0x13: {  	s29 =	sadd.s32 $0x10, s15;
	(ifvalue) =	ssetifvalue $0x7FFFFFFF  }
0x14: {  	[tilespmem:s29], [sflag:$0x1] =	stream.indirect_vreg.gather [hbm4b:s2+s10], $0x1, v0, vm0, $0x4038;
	[tilespmem:$0x7D00] =	vst v63  }
0x15: {  	_ =	swait.ge [sflag:s4], $0x1F40  }
0x16: {  	s30 =	sshrl.u32 s13, $0x3;
	[sflag:s4] =	ssyncset.done $0x0  }
0x17: {  	s31 =	sand.u32 $0x7, s13;
	s15 =	sadd.s32 s8, s30;
	[sflag:s4] =	ssyncadd.s32 $0xFFFFE0C0  }
0x18: {  	[hbm4b:s15+s31] =	stream.linear.scatter [tilespmem:s14], [sflag:$0x3], $0x1F40, $0x38;
	[tilespmem:$0x7D00] =	vst v63  }
.LBB2_5:
0x19: {  	s15 =	sadd.s32 $0x3E800, s11  }
0x1a: {  	p1 =	sgt.s32 s15, $0x4E1FF  }
0x1b: {  	s15 =	smov.u32 @p1 s5;
	p1 =	sne.s32 s12, s9  }
.Ltmp1:
0x1c: {  	p0 =	slt.u32 s12, $0x2;
	(pc) =	sbr.rel @!p1 .LBB2_6-.Ltmp1, $4  }
0x1d: {  	s14 =	simm.s32 @!p0 $0x3  }
0x1e: {  	_ =	swait.ge @!p0 [sflag:s14], $0x1F40  }
0x1f: {  	s16 =	sadd.s32 $0x1, s12;
	s13 =	smov.u32 s11;
	[sflag:s14] =	ssyncset.done @!p0 $0x0  }
0x20: {  	s12 =	smov.u32 s16;
	s11 =	smov.u32 s15;
	[sflag:s14] =	ssyncadd.s32 @!p0 $0xFFFFE0C0  }
.LBB2_1:
0x21: {  	p0 =	sge.u32 s12, s7  }
0x22: {  	s14 =	sxor.u32 @!p0 $0x1, s12  }
0x23: {  	s14 =	smul.u32 @!p0 $0x7D00, s14  }
0x24: {  	s31 =	sadd.s32 $0xFFFFFFFF, s12;
	s15 =	sshrl.u32 @!p0 s11, $0x3  }
0x25: {  	s16 =	sand.u32 @!p0 $0x7, s11;
	s15 =	sadd.s32 @!p0 s3, s15;
	s14 =	sshra.s32 @!p0 s14, $0x2  }
0x26: {  	[tilespmem:s14], [sflag:$0x2] =	stream.linear.gather @!p0 [hbm4b:s15+s16], $0x1F40, $0x38;
	[tilespmem:$0x7D00] =	vst v63  }
0x27: {  	p0 =	sge.u32 s31, s7  }
.Ltmp2:
0x28: {  	_ = 	snop;
	(pc) =	sbr.rel @p0 .LBB2_5-.Ltmp2, $1  }
0x29: {  	_ =	sdelay $0x3  }
0x2a: {  	s14 =	sand.u32 $0x1, s12  }
0x2b: {  	_ =	swait.ge [sflag:s6], $0x1F40;
	p0 =	seq.s32 s14, $0x1;
	s14 =	simm.s32 $0x1F40  }
0x2c: {  	[sflag:s6] =	ssyncset.done $0x0;
	s14 =	simm.s32 @!p0 $0x0  }
0x2d: {  	[sflag:s6] =	ssyncadd.s32 $0xFFFFE0C0;
	(ifvalue) =	ssetifvalue $0x7FFFFFFF;
	v0 =	vld.msk [tilespmem:s14+$0x0 ss:$0x1], $0xffff;
	_ =	sdelay $0x4  }
0x2e: {  	s15 =	sadd.s32 $0x10, s14;
	vm1 =	vgt.s32 v0, $0x0  }
0x2f: {  	v2 =	vld.msk [tilespmem:s15+$0x0 ss:$0x1], $0xffff;
	v1 =	vnsel vm1, $0x0, v0  }
0x30: {  	v1 =	vmin.u32 v1, $0x4FFFF;
	_ =	sdelay $0x2  }
0x31: {  	s17 =	simm.s32 $0x20;
	s14 =	sadd.s32 $0x3E80, s14;
	s16 =	sadd.s32 $0x10, s15  }
0x32: {  	s15 =	sadd.s32 $0x10, s14;
	s18 =	smov.u32 s14;
	v0 =	vld.msk [tilespmem:s16+$0x0 ss:$0x1], $0xffff;
	vm1 =	vgt.s32 v2, $0x0;
	(ifvalue) =	ssetifvalue $0x7FFFFFFF  }
.LBB2_3:
0x33: {  	[tilespmem:s18], [sflag:$0x1] =	stream.indirect_vreg.gather [hbm4b:s2+s10], $0x1, v1, vm0, $0x4038;
	[tilespmem:$0x7D00] =	vst v63  }
0x34: {  	s17 =	sadd.s32 $0x10, s17  }
0x35: {  	v2 =	vnsel vm1, $0x0, v2;
	p0 =	slt.u32 s17, $0x1F30  }
.Ltmp3:
0x36: {  	s18 =	smov.u32 s15;
	v1 =	vmin.u32 v2, $0x4FFFF;
	(pc) =	sbr.rel @p0 .LBB2_3-.Ltmp3, $3  }
0x37: {  	_ =	sdelay $0x1  }
0x38: {  	s16 =	sadd.s32 $0x10, s16  }
0x39: {  	vm1 =	vgt.s32 v0, $0x0;
	s15 =	sadd.s32 $0x10, s15;
	v2 =	vmov v0;
	(ifvalue) =	ssetifvalue $0x7FFFFFFF;
	v0 =	vld.msk [tilespmem:s16+$0x0 ss:$0x1], $0xffff  }
.Ltmp4:
0x3a: {  	_ = 	snop;
	(pc) =	sbr.rel .LBB2_4-.Ltmp4, $1  }
0x3b: {  	_ =	sdelay $0x3  }
.LBB2_6:
0x3c: {  	_ =	sfence.sel $0x180000  }
0x3d: {  	s2 =	simm.s32 $0x2;
	[bflag:$0x0] =	sbarrier.arrive $0xFFFF  }
0x3e: {  	s30 =	simm.s32 $0x3;
	[sflag:s2] =	ssyncpa.u1 $0x1  }
0x3f: {  	s31 =	simm.s32 $0x1;
	[sflag:s30] =	ssyncpa.u1 $0x1  }
0x40: {  	[sflag:s31] =	ssyncpa.u1 $0x1  }
0x41: {  	p0 =	sne.s32 s1, $0x0;
	_ =	strace $0x9000004A  }
0x42: {  	s0 =	sadd.s32 @!p0 $0x100000, s0;
	[bflag:$0x2] =	sbarrier.arrive $0xFFFF  }
0x43: {  	[sflag:s0] =	ssyncadd.tile.s32 @!p0 $0x1;
	_ =	shalt  }
.Lfunc_end2:
_tile_overlayer_lowered:
.L_overlay_start_2:
0x44: {  	(tag) =	ssettag $0x2  }
0x45: {  	s0 =	rddreg [dreg:$0x0];
	s2 =	stileid.u32  }
0x46: {  	s1 =	rddreg [dreg:$0x1];
	p0 =	sne.s32 s2, $0x0  }
0x47: {  	s3 =	rddreg [dreg:$0x2];
	[bflag:$0x3] =	sbarrier.arrive $0xFFFF;
	s2 =	simm.s32 @!p0 $0x1C01  }
0x48: {  	[timem:s3], [sflag:s2] =	dma.local @!p0 [hbm:s0], s1  }
0x49: {  	s0 =	simm.s32 @!p0 $0x1  }
0x4a: {  	_ =	swait.ge @!p0 [sflag:s0], s1  }
0x4b: {  	s1 =	ssub.s32 @!p0 $0x0, s1;
	[sflag:s0] =	ssyncset.done @!p0 $0x0  }
0x4c: {  	[sflag:s0] =	ssyncadd.s32 @!p0 s1  }
0x4d: {  	[bflag:$0x3] =	sbarrier.arrive $0xFFFF  }
0x4e: {  	_ =	shalt  }

// kernel: kernel.4.cloned.1.call-start
scs
__scs_entry_jumppad:
0x0: {  	(pc) =	sbr.rel $0x88, $3  }
0x1: {  	(tag) =	ssettag $0x0;
	lr =	simm.s32 $0x1  }
0x2: {  	[smem:$0x3F81] =	sst lr;
	_ =	strace $0xD0000000  }
0x3: {  	_ = 	snop  }
0x4: {  	_ = 	snop  }
0x5: {  	_ = 	snop  }
0x6: {  	_ = 	snop  }
0x7: {  	_ = 	snop  }
__scs_overlays_trampoline_lowered:
0x8: {  	[smem:$0x3F90] =	sst s0  }
0x9: {  	[smem:$0x3F91] =	sst s1  }
0xa: {  	[smem:$0x3F92] =	sst s2  }
0xb: {  	[smem:$0x3F93] =	sst s3  }
0xc: {  	[smem:$0x3F94] =	sst s4  }
0xd: {  	[smem:$0x3F95] =	sst s5  }
0xe: {  	[smem:$0x3F96] =	sst s6  }
0xf: {  	[smem:$0x3F97] =	sst s7  }
0x10: {  	[smem:$0x3F98] =	sst s8  }
0x11: {  	[smem:$0x3F99] =	sst s9;
	s0 =	simm.s32 @!p0 $0x0  }
0x12: {  	s1 =	sld [smem:$0x3F7F];
	s0 =	simm.s32 @p0 $0x1  }
0x13: {  	[smem:$0x3F9A] =	sst s0;
	s0 =	simm.s32 @!p1 $0x0  }
0x14: {  	s2 =	sld [smem:$0x3F7E];
	s0 =	simm.s32 @p1 $0x1  }
0x15: {  	[smem:$0x3F9B] =	sst s0;
	s0 =	simm.s32 @!p2 $0x0  }
0x16: {  	s3 =	sld [smem:$0x3FDB];
	s0 =	simm.s32 @p2 $0x1  }
0x17: {  	s4 =	simm.s32 $0x1BF5;
	[smem:$0x3F9D] =	sst s0  }
0x18: {  	s0 =	sld [smem:$0x3F80];
	_ =	swait.ge [sflag:s4], $0x0  }
0x19: {  	s7 =	sld [smem:$0x3F81]  }
0x1a: {  	s8 =	sadd.s32 $0xFFFFE003, lr  }
0x1b: {  	s9 =	sadd.s32 $0xFFFFFEF7, lr;
	s5 =	simm.s32 $0xFFFFFFFF;
	p2 =	slt.u32 s8, $0xFFFFF086  }
0x1c: {  	p1 =	slt.u32 s9, $0xF7A;
	s5 =	simm.s32 @!p2 $0x0  }
0x1d: {  	s5 =	simm.s32 @p1 $0x1;
	p0 =	seq.s32 s7, s2  }
0x1e: {  	s7 =	smul.u32 @!p0 $0xF7A, s2;
	p2 =	seq.s32 @!p0 s5, $0x0  }
0x1f: {  	s9 =	smul.u32 $0xF7A, s1;
	s8 =	simm.s32 @!p0 $0x1BF5;
	p2 =	por !p2, p0  }
0x20: {  	[sflag:s8] =	ssyncset.s32 @!p0 $0xFFFFF086;
	s6 =	sadd.s32 @!p0 s3, s7;
	s7 =	simm.s32 @!p0 $0x108  }
0x21: {  	s3 =	sadd.s32 s3, s9;
	s6 =	sadd.s32 @!p0 $0x88, s6;
	s7 =	simm.s32 @p2 $0x1082  }
0x22: {  	[simem:s7], [sflag:s8] =	dma.local @!p0 [hbm:s6], $0xF7A  }
0x23: {  	s9 =	sor.u32 $0xD0000000, s2;
	s6 =	simm.s32 $0x108;
	_ =	swait.ge @!p0 [sflag:s8], $0x0  }
0x24: {  	s3 =	sadd.s32 $0x88, s3;
	s6 =	simm.s32 @!p1 $0x1082;
	[sflag:s4] =	ssyncset.s32 $0xFFFFF086  }
0x25: {  	[simem:s6], [sflag:s4] =	dma.local [hbm:s3], $0xF7A  }
0x26: {  	[smem:$0x3F81] =	sst s1;
	(tag) =	ssettag s2;
	_ =	strace s9  }
0x27: {  	s1 =	sld [smem:$0x3F91]  }
0x28: {  	s2 =	sld [smem:$0x3F92]  }
0x29: {  	s4 =	sld [smem:$0x3F94]  }
0x2a: {  	p0 =	seq.s32 s5, $0x0;
	s5 =	sld [smem:$0x3F95]  }
0x2b: {  	s6 =	sld [smem:$0x3F96]  }
0x2c: {  	s7 =	sld [smem:$0x3F97]  }
0x2d: {  	s3 =	simm.s32 $0x108;
	s8 =	sld [smem:$0x3F98]  }
0x2e: {  	s3 =	simm.s32 @!p0 $0x1082;
	s9 =	sld [smem:$0x3F99]  }
0x2f: {  	lr =	sadd.s32 s0, s3;
	s0 =	sld [smem:$0x3F90]  }
0x30: {  	s3 =	sld [smem:$0x3F93]  }
0x31: {  	[smem:$0x3F9C] =	sst s10  }
0x32: {  	s10 =	sld [smem:$0x3F9A];
	_ =	sdelay $0x3  }
0x33: {  	p0 =	seq.s32 s10, $0x1;
	s10 =	sld [smem:$0x3F9C];
	_ =	sdelay $0x3  }
0x34: {  	[smem:$0x3F9C] =	sst s10  }
0x35: {  	s10 =	sld [smem:$0x3F9B];
	_ =	sdelay $0x3  }
0x36: {  	p1 =	seq.s32 s10, $0x1;
	s10 =	sld [smem:$0x3F9C];
	_ =	sdelay $0x3  }
0x37: {  	[smem:$0x3F9C] =	sst s10  }
0x38: {  	s10 =	sld [smem:$0x3F9D]  }
0x39: {  	_ = 	snop;
	(pc) =	sbr.ind lr, $3  }
0x3a: {  	_ = 	snop  }
0x3b: {  	_ = 	snop  }
0x3c: {  	p2 =	seq.s32 s10, $0x1;
	s10 =	sld [smem:$0x3F9C]  }
0x3d: {  	_ =	shalt  }
0x3e: {  	_ =	shalt  }
0x3f: {  	_ =	shalt  }
0x40: {  	_ =	shalt  }
0x41: {  	_ =	shalt  }
0x42: {  	_ =	shalt  }
0x43: {  	_ =	shalt  }
0x44: {  	_ =	shalt  }
0x45: {  	_ =	shalt  }
0x46: {  	_ =	shalt  }
0x47: {  	_ =	shalt  }
0x48: {  	_ =	shalt  }
0x49: {  	_ =	shalt  }
0x4a: {  	_ =	shalt  }
0x4b: {  	_ =	shalt  }
0x4c: {  	_ =	shalt  }
0x4d: {  	_ =	shalt  }
0x4e: {  	_ =	shalt  }
0x4f: {  	_ =	shalt  }
0x50: {  	_ =	shalt  }
0x51: {  	_ =	shalt  }
0x52: {  	_ =	shalt  }
0x53: {  	_ =	shalt  }
0x54: {  	_ =	shalt  }
0x55: {  	_ =	shalt  }
0x56: {  	_ =	shalt  }
0x57: {  	_ =	shalt  }
0x58: {  	_ =	shalt  }
0x59: {  	_ =	shalt  }
0x5a: {  	_ =	shalt  }
0x5b: {  	_ =	shalt  }
0x5c: {  	_ =	shalt  }
0x5d: {  	_ =	shalt  }
0x5e: {  	_ =	shalt  }
0x5f: {  	_ =	shalt  }
0x60: {  	_ =	shalt  }
0x61: {  	_ =	shalt  }
0x62: {  	_ =	shalt  }
0x63: {  	_ =	shalt  }
0x64: {  	_ =	shalt  }
0x65: {  	_ =	shalt  }
0x66: {  	_ =	shalt  }
0x67: {  	_ =	shalt  }
0x68: {  	_ =	shalt  }
0x69: {  	_ =	shalt  }
0x6a: {  	_ =	shalt  }
0x6b: {  	_ =	shalt  }
0x6c: {  	_ =	shalt  }
0x6d: {  	_ =	shalt  }
0x6e: {  	_ =	shalt  }
0x6f: {  	_ =	shalt  }
0x70: {  	_ =	shalt  }
0x71: {  	_ =	shalt  }
0x72: {  	_ =	shalt  }
0x73: {  	_ =	shalt  }
0x74: {  	_ =	shalt  }
0x75: {  	_ =	shalt  }
0x76: {  	_ =	shalt  }
0x77: {  	_ =	shalt  }
0x78: {  	_ =	shalt  }
0x79: {  	_ =	shalt  }
0x7a: {  	_ =	shalt  }
0x7b: {  	_ =	shalt  }
0x7c: {  	_ =	shalt  }
0x7d: {  	_ =	shalt  }
0x7e: {  	_ =	shalt  }
0x7f: {  	_ =	shalt  }
0x80: {  	_ =	shalt  }
0x81: {  	_ =	shalt  }
0x82: {  	_ =	shalt  }
0x83: {  	_ =	shalt  }
0x84: {  	_ =	shalt  }
0x85: {  	_ =	shalt  }
0x86: {  	_ =	shalt  }
0x87: {  	_ =	shalt  }
.Lfunc_end0:
.L_simem_size_0:
called_computation.5_lowered:
.L_overlay_start_0:
0x88: {  	s2 =	sld [smem:$0x3FD9]  }
0x89: {  	s3 =	sld [smem:$0x3FFE];
	_ =	sdelay $0x1  }
0x8a: {  	s1 =	srdreg.scid  }
0x8b: {  	s0 =	sand.u32 $0x1, s1  }
0x8c: {  	s16 =	sshll.u32 s0, $0xA;
	s2 =	sadd.s32 s3, s2  }
0x8d: {  	s2 =	sadd.s32 s2, s16  }
0x8e: {  	[smem:$0x3FA8] =	sst s2  }
0x8f: {  	_ = 	snop  }
0x90: {  	(tm) =	ssettm $0x1  }
0x91: {  	s17 =	sld [smem:$0x3FFB];
	_ =	sdelay $0x3  }
0x92: {  	_ =	strace s17  }
0x93: {  	s2 =	sld [smem:$0x3FFC];
	_ =	sdelay $0x3  }
0x94: {  	_ =	strace s2  }
0x95: {  	s2 =	sld [smem:$0x3FFD];
	_ =	sdelay $0x3  }
0x96: {  	_ =	strace s2  }
0x97: {  	_ =	strace $0x8FFFFFFF  }
0x98: {  	s18 =	sld [smem:$0x3FDB];
	_ =	sdelay $0x1  }
0x99: {  	s19 =	simm.s32 $_scs_section_size  }
0x9a: {  	s4 =	simm.s32 $_size__tile_overlayer_lowered;
	s5 =	simm.s32 $_tile_overlayer_lowered  }
0x9b: {  	s22 =	simm.s32 $0x1BFF;
	s21 =	sshll.u32 s5, $0x1;
	s2 =	sadd.s32 s19, s18  }
0x9c: {  	s6 =	simm.s32 $0x0;
	s20 =	sshll.u32 s4, $0x1;
	s4 =	sadd.s32 s21, s2  }
0x9d: {  	[timem:s6], [sflag:s22] =	dma.local [hbm:s4], s20  }
0x9e: {  	_ =	swait.ge [sflag:s22], s20  }
0x9f: {  	s3 =	ssub.s32 $0x0, s20;
	[sflag:s22] =	ssyncset.done $0x0  }
0xa0: {  	[sflag:s22] =	ssyncadd.s32 s3;
	_ =	sdelay $0x1  }
0xa1: {  	s23 =	simm.s32 $0x1B8B  }
0xa2: {  	_ =	swait.ge [sflag:s23], $0x1  }
0xa3: {  	[sflag:s23] =	ssyncset.done $0x0  }
0xa4: {  	s25 =	simm.s32 $0x1B8E;
	s24 =	sld [smem:$0x3FFE];
	[sflag:s23] =	ssyncadd.s32 $0xFFFFFFFF  }
0xa5: {  	s26 =	simm.s32 $execute0_lowered;
	[smem:$0x3FD2] =	sst s25  }
0xa6: {  	s4 =	sshll.u32 s26, $0x1;
	_ =	strace $0x80000052;
	[dreg:$0x1] =	wrdreg $0xFFFFFFFF  }
0xa7: {  	s28 =	simm.s32 $_size_execute0_lowered;
	s2 =	sadd.s32 s2, s4;
	[dreg:$0x0] =	wrdreg $0x0  }
0xa8: {  	s4 =	sshll.u32 s28, $0x1;
	[dreg:$0x2] =	wrdreg s2  }
0xa9: {  	[dreg:$0x3] =	wrdreg s4  }
0xaa: {  	[dreg:$0x4] =	wrdreg $0xC0  }
0xab: {  	_ =	task [dreg:s6], $0x5FFFF  }
0xac: {  	[dreg:$0x1] =	wrdreg $0xFFFFFFFF  }
0xad: {  	[dreg:$0x0] =	wrdreg $0x60  }
0xae: {  	[dreg:$0x2] =	wrdreg s24  }
0xaf: {  	[dreg:$0x3] =	wrdreg $0x82800  }
0xb0: {  	[dreg:$0x4] =	wrdreg $0x9  }
0xb1: {  	_ =	task.clear_ibuf [dreg:s6], $0x5FFFF;
	_ =	strace $0x90000052  }
0xb2: {  	s29 =	simm.s32 $0x9;
	_ =	strace $0x80000054  }
0xb3: {  	_ =	swait.ge [sflag:s29], $0x1  }
0xb4: {  	[sflag:s29] =	ssyncadd.s32 $0xFFFFFFFF  }
0xb5: {  	_ =	strace $0x90000054  }
0xb6: {  	_ =	sfence  }
0xb7: {  	s30 =	sld [smem:$0x0];
	_ =	sdelay $0x2  }
0xb8: {  	s31 =	sshll.u32 s1, $0xD;
	s1 =	sshrl.u32 s1, $0x2  }
0xb9: {  	s3 =	sand.u32 $0x4000, s31;
	s1 =	sadd.s32 s1, s30  }
0xba: {  	s0 =	sor.u32 s3, s0;
	s1 =	sshll.u32 s1, $0x11  }
0xbb: {  	s0 =	sor.u32 s1, s0  }
0xbc: {  	s0 =	sadd.s32 $0x8F2B, s0  }
0xbd: {  	[sflag:s0] =	ssyncadd.remote.s32 $0x1  }
0xbe: {  	_ =	sfence.sel $0xFFFF  }
0xbf: {  	[dreg:$0x0] =	wrdreg $0xFFFFFFFF;
	(pc) =	sbr.abs _section_cstart, $3  }
0xc0: {  	[dreg:$0x1] =	wrdreg $0xFFFFFFFF  }
0xc1: {  	_ =	task.clear_ibuf [dreg:s6], $0x2FFFF;
	_ =	strace $0x9FFFFFFF  }
0xc2: {  	(tm) =	ssettm $0x7FFFFFFF  }
0xc3: {  	_ =	shalt  }
tec
execute0_lowered:
.L_overlay_start_1:
0x0: {  	(tag) =	ssettag $0x1  }
0x1: {  	s10 =	rddreg [dreg:$0x0]  }
0x2: {  	s2 =	rddreg [dreg:$0x1]  }
0x3: {  	s0 =	rddreg [dreg:$0x2];
	s3 =	simm.s32 $0x0;
	s1 =	stileid.u32  }
0x4: {  	s9 =	srdreg.scid;
	s17 =	simm.s32 $0x80;
	s18 =	simm.s32 $0x100  }
0x5: {  	s19 =	simm.s32 $0x280;
	s20 =	simm.s32 $0x0;
	[smem:$0x7FF] =	sst s3  }
0x6: {  	s4 =	smul.u32 $0x2780, s1;
	s5 =	sadd.s32 $0x7AC00, s10;
	s6 =	sadd.s32 $0xA2400, s10  }
0x7: {  	s7 =	sadd.s32 $0x3D200, s10;
	s8 =	sadd.s32 $0x1F600, s10;
	s11 =	sshll.u32 s1, $0x4  }
0x8: {  	s13 =	sand.u32 $0x1, s9;
	s15 =	smul.u32 $0x4F000, s1;
	s9 =	sadd.s32 $0xF1400, s10  }
0x9: {  	s31 =	sshll.u32 s1, $0x6;
	_ =	strace $0x80000053;
	s11 =	sadd.s32 s11, s10  }
.Ltmp0:
0xa: {  	s14 =	ssub.s32 $0x2, s13;
	p0 =	seq.s32 s13, $0x1;
	(pc) =	sbr.rel .LBB2_1-.Ltmp0, $4  }
0xb: {  	s12 =	sadd.s32 s4, s10;
	s10 =	sadd.s32 $0x118C00, s10;
	s16 =	sshrl.u32 s14, $0x1  }
0xc: {  	s11 =	sadd.s32 $0x1DC00, s11;
	s15 =	sshrl.u32 s15, $0x2;
	s14 =	ssub.s32 s14, s16  }
0xd: {  	s30 =	sadd.s32 s15, s2;
	s12 =	sadd.s32 $0xC9C00, s12;
	s15 =	sor.u32 $0x1C03, s31  }
0xe: {  	s13 =	smax.u32 s14, $0x1;
	s14 =	simm.s32 $0x3;
	s16 =	sshrl.u32 s30, $0x3  }
.LBB2_9:
0xf: {  	s23 =	smov.u32 s10  }
.LBB2_10:
0x10: {  	s20 =	sadd.s32 $0x1, s20  }
0x11: {  	p1 =	sne.s32 s20, s13  }
.Ltmp1:
0x12: {  	s21 =	sadd.s32 s23, s4;
	(pc) =	sbr.rel @!p1 .LBB2_11-.Ltmp1, $4  }
0x13: {  	[hbm:s21], [sflag:s15] =	dma.local [spmem:s16], $0x2780  }
0x14: {  	_ =	swait.ge [sflag:s14], $0x2780  }
0x15: {  	[sflag:s14] =	ssyncset.done $0x0  }
0x16: {  	[sflag:s14] =	ssyncadd.s32 $0xFFFFD880  }
.LBB2_1:
0x17: {  	[tilespmem:s3], [sflag:$0x3] =	stream.linear.gather [hbm4b:s11+s3], $0x80, $0x38;
	[tilespmem:$0x1BE80] =	vst v63  }
0x18: {  	_ =	swait.ge [sflag:s14], $0x80  }
0x19: {  	[sflag:s14] =	ssyncset.done $0x0  }
0x1a: {  	[sflag:s14] =	ssyncadd.s32 $0xFFFFFF80  }
0x1b: {  	v0 =	vld [tilespmem:$0x0];
	_ =	sdelay $0x4  }
0x1c: {  	(v2sf) =	vpush v0, $0x0  }
0x1d: {  	(v2sf) =	vpush v0, $0x1;
	_ =	sdelay $0xd  }
0x1e: {  	s21 =	spop (v2sf)  }
.Ltmp2:
0x1f: {  	s22 =	spop (v2sf);
	(pc) =	sbr.rel @!p0 .LBB2_2-.Ltmp2, $4  }
0x20: {  	[spmem:s16], [sflag:s15] =	dma.local [hbm:s12], $0x2780  }
0x21: {  	_ =	swait.ge [sflag:s14], $0x2780  }
0x22: {  	[sflag:s14] =	ssyncset.done $0x0  }
0x23: {  	p1 =	slt.s32 s22, $0x1;
	[sflag:s14] =	ssyncadd.s32 $0xFFFFD880  }
.Ltmp3:
0x24: {  	(pc) =	sbr.rel @p1 .LBB2_10-.Ltmp3, $2  }
0x25: {  	_ =	sdelay $0x2  }
0x26: {  	s23 =	smov.u32 s10  }
0x27: {  	s23 =	sshll.u32 s21, $0x4  }
0x28: {  	s24 =	sand.u32 $0x1FFFFFF0, s23  }
0x29: {  	s23 =	simm.s32 $0x0;
	s25 =	sadd.s32 s7, s24  }
0x2a: {  	[tilespmem:s17], [sflag:$0x3] =	stream.linear.gather [hbm4b:s25+s23], $0x80, $0x38;
	[tilespmem:$0x1BE80] =	vst v63  }
0x2b: {  	_ =	swait.ge [sflag:s14], $0x80  }
0x2c: {  	[sflag:s14] =	ssyncset.done $0x0  }
0x2d: {  	s24 =	sadd.s32 s8, s24;
	[sflag:s14] =	ssyncadd.s32 $0xFFFFFF80  }
0x2e: {  	[tilespmem:s18], [sflag:$0x3] =	stream.linear.gather [hbm4b:s24+s23], $0x80, $0x38;
	[tilespmem:$0x1BE80] =	vst v63  }
0x2f: {  	_ =	swait.ge [sflag:s14], $0x80  }
0x30: {  	[sflag:s14] =	ssyncset.done $0x0  }
0x31: {  	[sflag:s14] =	ssyncadd.s32 $0xFFFFFF80  }
0x32: {  	[tilespmem:s19], [sflag:$0x1] =	stream.indirect.gather [hbm4b:s6+s17], $0x80, s17, s17, $0xb8;
	[tilespmem:$0x1BE80] =	vst v63  }
.LBB2_8:
0x33: {  	s24 =	sand.u32 $0x1, s23  }
0x34: {  	p1 =	seq.s32 s24, $0x1  }
0x35: {  	s24 =	sadd.s32 @p1 $0x1, s23  }
0x36: {  	p2 =	sge.s32 @p1 s24, s22  }
0x37: {  	p2 =	por p2, !p1  }
0x38: {  	s25 =	sadd.s32 @!p2 s21, s24  }
0x39: {  	s25 =	sshll.u32 @!p2 s25, $0x4  }
0x3a: {  	s25 =	sand.u32 @!p2 $0x1FFFFFF0, s25  }
0x3b: {  	s28 =	simm.s32 @!p2 $0x0;
	s29 =	simm.s32 @!p2 $0x80;
	s26 =	sadd.s32 @!p2 s7, s25  }
0x3c: {  	[tilespmem:s29], [sflag:$0x4] =	stream.linear.gather @!p2 [hbm4b:s26+s28], $0x80, $0x38;
	[tilespmem:$0x1BE80] =	vst v63  }
0x3d: {  	s26 =	simm.s32 @!p2 $0x4  }
0x3e: {  	_ =	swait.ge @!p2 [sflag:s26], $0x80  }
0x3f: {  	[sflag:s26] =	ssyncset.done @!p2 $0x0  }
0x40: {  	s30 =	simm.s32 @!p2 $0x100;
	s25 =	sadd.s32 @!p2 s8, s25;
	[sflag:s26] =	ssyncadd.s32 @!p2 $0xFFFFFF80  }
0x41: {  	[tilespmem:s30], [sflag:$0x4] =	stream.linear.gather @!p2 [hbm4b:s25+s28], $0x80, $0x38;
	[tilespmem:$0x1BE80] =	vst v63  }
0x42: {  	_ =	swait.ge @!p2 [sflag:s26], $0x80  }
0x43: {  	[sflag:s26] =	ssyncset.done @!p2 $0x0  }
0x44: {  	s25 =	simm.s32 @!p2 $0x280;
	[sflag:s26] =	ssyncadd.s32 @!p2 $0xFFFFFF80  }
0x45: {  	[tilespmem:s25], [sflag:$0x1] =	stream.indirect.gather @!p2 [hbm4b:s6+s29], $0x80, s29, s29, $0xb8;
	[tilespmem:$0x1BE80] =	vst v63  }
0x46: {  	s25 =	simm.s32 @p1 $0x2  }
0x47: {  	s23 =	sor.u32 @!p1 $0x1, s23;
	_ =	swait.ge @p1 [sflag:s25], $0x4000  }
0x48: {  	s28 =	simm.s32 @p1 $0x4280;
	s26 =	simm.s32 @p1 $0x200;
	[sflag:s25] =	ssyncset.done @p1 $0x0  }
0x49: {  	p2 =	sge.s32 @!p1 s23, s22;
	[sflag:s25] =	ssyncadd.s32 @p1 $0xFFFFC000;
	s25 =	simm.s32 @p1 $0x80  }
0x4a: {  	[spmem:s2] =	stream.indirect.scatter.add.f32 @p1 [tilespmem:s28], [sflag:$0x3], $0x80, s26, s25, $0xb8;
	[tilespmem:$0x1BE80] =	vst v63  }
0x4b: {  	p2 =	por p2, p1;
	s25 =	simm.s32 @p1 $0x3  }
0x4c: {  	s26 =	sadd.s32 @!p2 s21, s23;
	_ =	swait.ge @p1 [sflag:s25], $0x4000  }
0x4d: {  	s26 =	sshll.u32 @!p2 s26, $0x4;
	[sflag:s25] =	ssyncset.done @p1 $0x0  }
0x4e: {  	[sflag:s25] =	ssyncadd.s32 @p1 $0xFFFFC000;
	s25 =	sand.u32 @!p2 $0x1FFFFFF0, s26  }
0x4f: {  	s29 =	simm.s32 @!p2 $0x180;
	s28 =	simm.s32 @!p2 $0x0;
	s26 =	sadd.s32 @!p2 s7, s25  }
0x50: {  	[tilespmem:s29], [sflag:$0x4] =	stream.linear.gather @!p2 [hbm4b:s26+s28], $0x80, $0x38;
	[tilespmem:$0x1BE80] =	vst v63  }
0x51: {  	s26 =	simm.s32 @!p2 $0x4  }
0x52: {  	_ =	swait.ge @!p2 [sflag:s26], $0x80  }
0x53: {  	[sflag:s26] =	ssyncset.done @!p2 $0x0  }
0x54: {  	s30 =	simm.s32 @!p2 $0x200;
	s25 =	sadd.s32 @!p2 s8, s25;
	[sflag:s26] =	ssyncadd.s32 @!p2 $0xFFFFFF80  }
0x55: {  	[tilespmem:s30], [sflag:$0x4] =	stream.linear.gather @!p2 [hbm4b:s25+s28], $0x80, $0x38;
	[tilespmem:$0x1BE80] =	vst v63  }
0x56: {  	_ =	swait.ge @!p2 [sflag:s26], $0x80  }
0x57: {  	[sflag:s26] =	ssyncset.done @!p2 $0x0  }
0x58: {  	s25 =	simm.s32 @!p2 $0x80;
	[sflag:s26] =	ssyncadd.s32 @!p2 $0xFFFFFF80;
	s26 =	simm.s32 @!p2 $0x4280  }
0x59: {  	[tilespmem:s26], [sflag:$0x2] =	stream.indirect.gather @!p2 [hbm4b:s6+s25], $0x80, s29, s25, $0xb8;
	[tilespmem:$0x1BE80] =	vst v63  }
0x5a: {  	s25 =	simm.s32 @!p1 $0x1  }
0x5b: {  	s23 =	smov.u32 @p1 s24;
	_ =	swait.ge @!p1 [sflag:s25], $0x4000  }
0x5c: {  	s28 =	simm.s32 @!p1 $0x280;
	s26 =	simm.s32 @!p1 $0x100;
	[sflag:s25] =	ssyncset.done @!p1 $0x0  }
0x5d: {  	p2 =	sne.s32 s23, s22;
	[sflag:s25] =	ssyncadd.s32 @!p1 $0xFFFFC000;
	s25 =	simm.s32 @!p1 $0x80  }
0x5e: {  	[spmem:s2] =	stream.indirect.scatter.add.f32 @!p1 [tilespmem:s28], [sflag:$0x4], $0x80, s26, s25, $0xb8;
	[tilespmem:$0x1BE80] =	vst v63  }
.Ltmp4:
0x5f: {  	_ = 	snop;
	(pc) =	sbr.rel @p2 .LBB2_8-.Ltmp4, $4  }
0x60: {  	s25 =	simm.s32 @!p1 $0x4  }
0x61: {  	_ =	swait.ge @!p1 [sflag:s25], $0x4000  }
0x62: {  	[sflag:s25] =	ssyncset.done @!p1 $0x0  }
0x63: {  	[sflag:s25] =	ssyncadd.s32 @!p1 $0xFFFFC000  }
.Ltmp5:
0x64: {  	_ = 	snop;
	(pc) =	sbr.rel .LBB2_9-.Ltmp5, $1  }
0x65: {  	_ =	sdelay $0x3  }
.LBB2_2:
.Ltmp6:
0x66: {  	(pc) =	sbr.rel @p1 .LBB2_10-.Ltmp6, $2  }
0x67: {  	_ =	sdelay $0x2  }
0x68: {  	s23 =	smov.u32 s9  }
0x69: {  	s23 =	sshll.u32 s21, $0x4  }
0x6a: {  	s24 =	sand.u32 $0x1FFFFFF0, s23  }
0x6b: {  	s23 =	simm.s32 $0x0;
	s25 =	sadd.s32 s7, s24  }
0x6c: {  	[tilespmem:s17], [sflag:$0x3] =	stream.linear.gather [hbm4b:s25+s23], $0x80, $0x38;
	[tilespmem:$0x1BE80] =	vst v63  }
0x6d: {  	_ =	swait.ge [sflag:s14], $0x80  }
0x6e: {  	[sflag:s14] =	ssyncset.done $0x0  }
0x6f: {  	s24 =	sadd.s32 s8, s24;
	[sflag:s14] =	ssyncadd.s32 $0xFFFFFF80  }
0x70: {  	[tilespmem:s18], [sflag:$0x3] =	stream.linear.gather [hbm4b:s24+s23], $0x80, $0x38;
	[tilespmem:$0x1BE80] =	vst v63  }
0x71: {  	_ =	swait.ge [sflag:s14], $0x80  }
0x72: {  	[sflag:s14] =	ssyncset.done $0x0  }
0x73: {  	[sflag:s14] =	ssyncadd.s32 $0xFFFFFF80  }
0x74: {  	[tilespmem:s19], [sflag:$0x1] =	stream.indirect.gather [hbm4b:s5+s17], $0x80, s17, s17, $0xb8;
	[tilespmem:$0x1BE80] =	vst v63  }
.LBB2_4:
0x75: {  	s24 =	sand.u32 $0x1, s23  }
0x76: {  	p1 =	seq.s32 s24, $0x1  }
0x77: {  	s24 =	sadd.s32 @p1 $0x1, s23  }
0x78: {  	p2 =	sge.s32 @p1 s24, s22  }
0x79: {  	p2 =	por p2, !p1  }
0x7a: {  	s25 =	sadd.s32 @!p2 s21, s24  }
0x7b: {  	s25 =	sshll.u32 @!p2 s25, $0x4  }
0x7c: {  	s25 =	sand.u32 @!p2 $0x1FFFFFF0, s25  }
0x7d: {  	s28 =	simm.s32 @!p2 $0x0;
	s29 =	simm.s32 @!p2 $0x80;
	s26 =	sadd.s32 @!p2 s7, s25  }
0x7e: {  	[tilespmem:s29], [sflag:$0x4] =	stream.linear.gather @!p2 [hbm4b:s26+s28], $0x80, $0x38;
	[tilespmem:$0x1BE80] =	vst v63  }
0x7f: {  	s26 =	simm.s32 @!p2 $0x4  }
0x80: {  	_ =	swait.ge @!p2 [sflag:s26], $0x80  }
0x81: {  	[sflag:s26] =	ssyncset.done @!p2 $0x0  }
0x82: {  	s30 =	simm.s32 @!p2 $0x100;
	s25 =	sadd.s32 @!p2 s8, s25;
	[sflag:s26] =	ssyncadd.s32 @!p2 $0xFFFFFF80  }
0x83: {  	[tilespmem:s30], [sflag:$0x4] =	stream.linear.gather @!p2 [hbm4b:s25+s28], $0x80, $0x38;
	[tilespmem:$0x1BE80] =	vst v63  }
0x84: {  	_ =	swait.ge @!p2 [sflag:s26], $0x80  }
0x85: {  	[sflag:s26] =	ssyncset.done @!p2 $0x0  }
0x86: {  	s25 =	simm.s32 @!p2 $0x280;
	[sflag:s26] =	ssyncadd.s32 @!p2 $0xFFFFFF80  }
0x87: {  	[tilespmem:s25], [sflag:$0x1] =	stream.indirect.gather @!p2 [hbm4b:s5+s29], $0x80, s29, s29, $0xb8;
	[tilespmem:$0x1BE80] =	vst v63  }
0x88: {  	s25 =	simm.s32 @p1 $0x2  }
0x89: {  	s23 =	sor.u32 @!p1 $0x1, s23;
	_ =	swait.ge @p1 [sflag:s25], $0x4000  }
0x8a: {  	s28 =	simm.s32 @p1 $0x4280;
	s26 =	simm.s32 @p1 $0x200;
	[sflag:s25] =	ssyncset.done @p1 $0x0  }
0x8b: {  	p2 =	sge.s32 @!p1 s23, s22;
	[sflag:s25] =	ssyncadd.s32 @p1 $0xFFFFC000;
	s25 =	simm.s32 @p1 $0x80  }
0x8c: {  	[spmem:s2] =	stream.indirect.scatter.add.f32 @p1 [tilespmem:s28], [sflag:$0x3], $0x80, s26, s25, $0xb8;
	[tilespmem:$0x1BE80] =	vst v63  }
0x8d: {  	p2 =	por p2, p1;
	s25 =	simm.s32 @p1 $0x3  }
0x8e: {  	s26 =	sadd.s32 @!p2 s21, s23;
	_ =	swait.ge @p1 [sflag:s25], $0x4000  }
0x8f: {  	s26 =	sshll.u32 @!p2 s26, $0x4;
	[sflag:s25] =	ssyncset.done @p1 $0x0  }
0x90: {  	[sflag:s25] =	ssyncadd.s32 @p1 $0xFFFFC000;
	s25 =	sand.u32 @!p2 $0x1FFFFFF0, s26  }
0x91: {  	s29 =	simm.s32 @!p2 $0x180;
	s28 =	simm.s32 @!p2 $0x0;
	s26 =	sadd.s32 @!p2 s7, s25  }
0x92: {  	[tilespmem:s29], [sflag:$0x4] =	stream.linear.gather @!p2 [hbm4b:s26+s28], $0x80, $0x38;
	[tilespmem:$0x1BE80] =	vst v63  }
0x93: {  	s26 =	simm.s32 @!p2 $0x4  }
0x94: {  	_ =	swait.ge @!p2 [sflag:s26], $0x80  }
0x95: {  	[sflag:s26] =	ssyncset.done @!p2 $0x0  }
0x96: {  	s30 =	simm.s32 @!p2 $0x200;
	s25 =	sadd.s32 @!p2 s8, s25;
	[sflag:s26] =	ssyncadd.s32 @!p2 $0xFFFFFF80  }
0x97: {  	[tilespmem:s30], [sflag:$0x4] =	stream.linear.gather @!p2 [hbm4b:s25+s28], $0x80, $0x38;
	[tilespmem:$0x1BE80] =	vst v63  }
0x98: {  	_ =	swait.ge @!p2 [sflag:s26], $0x80  }
0x99: {  	[sflag:s26] =	ssyncset.done @!p2 $0x0  }
0x9a: {  	s25 =	simm.s32 @!p2 $0x80;
	[sflag:s26] =	ssyncadd.s32 @!p2 $0xFFFFFF80;
	s26 =	simm.s32 @!p2 $0x4280  }
0x9b: {  	[tilespmem:s26], [sflag:$0x2] =	stream.indirect.gather @!p2 [hbm4b:s5+s25], $0x80, s29, s25, $0xb8;
	[tilespmem:$0x1BE80] =	vst v63  }
0x9c: {  	s25 =	simm.s32 @!p1 $0x1  }
0x9d: {  	s23 =	smov.u32 @p1 s24;
	_ =	swait.ge @!p1 [sflag:s25], $0x4000  }
0x9e: {  	s28 =	simm.s32 @!p1 $0x280;
	s26 =	simm.s32 @!p1 $0x100;
	[sflag:s25] =	ssyncset.done @!p1 $0x0  }
0x9f: {  	p2 =	seq.s32 s23, s22;
	[sflag:s25] =	ssyncadd.s32 @!p1 $0xFFFFC000;
	s25 =	simm.s32 @!p1 $0x80  }
0xa0: {  	[spmem:s2] =	stream.indirect.scatter.add.f32 @!p1 [tilespmem:s28], [sflag:$0x4], $0x80, s26, s25, $0xb8;
	[tilespmem:$0x1BE80] =	vst v63  }
.Ltmp7:
0xa1: {  	_ = 	snop;
	(pc) =	sbr.rel @!p2 .LBB2_4-.Ltmp7, $4  }
0xa2: {  	s25 =	simm.s32 @!p1 $0x4  }
0xa3: {  	_ =	swait.ge @!p1 [sflag:s25], $0x4000  }
0xa4: {  	[sflag:s25] =	ssyncset.done @!p1 $0x0  }
0xa5: {  	[sflag:s25] =	ssyncadd.s32 @!p1 $0xFFFFC000  }
.Ltmp8:
0xa6: {  	(pc) =	sbr.rel .LBB2_10-.Ltmp8, $2  }
0xa7: {  	_ =	sdelay $0x2  }
0xa8: {  	s23 =	smov.u32 s9  }
.LBB2_11:
0xa9: {  	_ =	sfence.sel $0x180000  }
0xaa: {  	[bflag:$0x0] =	sbarrier.arrive $0xFFFF  }
0xab: {  	p0 =	sne.s32 s1, $0x0;
	_ =	strace $0x90000053  }
0xac: {  	s0 =	sadd.s32 @!p0 $0x100000, s0;
	[bflag:$0x2] =	sbarrier.arrive $0xFFFF  }
0xad: {  	[sflag:s0] =	ssyncadd.tile.s32 @!p0 $0x1;
	_ =	shalt  }
.Lfunc_end2:
_tile_overlayer_lowered:
.L_overlay_start_2:
0xae: {  	(tag) =	ssettag $0x2  }
0xaf: {  	s0 =	rddreg [dreg:$0x0];
	s2 =	stileid.u32  }
0xb0: {  	s1 =	rddreg [dreg:$0x1];
	p0 =	sne.s32 s2, $0x0  }
0xb1: {  	s3 =	rddreg [dreg:$0x2];
	[bflag:$0x3] =	sbarrier.arrive $0xFFFF;
	s2 =	simm.s32 @!p0 $0x1C03  }
0xb2: {  	[timem:s3], [sflag:s2] =	dma.local @!p0 [hbm:s0], s1  }
0xb3: {  	s0 =	simm.s32 @!p0 $0x3  }
0xb4: {  	_ =	swait.ge @!p0 [sflag:s0], s1  }
0xb5: {  	s1 =	ssub.s32 @!p0 $0x0, s1;
	[sflag:s0] =	ssyncset.done @!p0 $0x0  }
0xb6: {  	[sflag:s0] =	ssyncadd.s32 @!p0 s1  }
0xb7: {  	[bflag:$0x3] =	sbarrier.arrive $0xFFFF  }
0xb8: {  	_ =	shalt  }

// kernel: kernel.7.cloned.1.call-start
scs
__scs_entry_jumppad:
0x0: {  	(pc) =	sbr.rel $0x88, $3  }
0x1: {  	(tag) =	ssettag $0x0;
	lr =	simm.s32 $0x1  }
0x2: {  	[smem:$0x3F81] =	sst lr;
	_ =	strace $0xD0000000  }
0x3: {  	_ = 	snop  }
0x4: {  	_ = 	snop  }
0x5: {  	_ = 	snop  }
0x6: {  	_ = 	snop  }
0x7: {  	_ = 	snop  }
__scs_overlays_trampoline_lowered:
0x8: {  	[smem:$0x3F90] =	sst s0  }
0x9: {  	[smem:$0x3F91] =	sst s1  }
0xa: {  	[smem:$0x3F92] =	sst s2  }
0xb: {  	[smem:$0x3F93] =	sst s3  }
0xc: {  	[smem:$0x3F94] =	sst s4  }
0xd: {  	[smem:$0x3F95] =	sst s5  }
0xe: {  	[smem:$0x3F96] =	sst s6  }
0xf: {  	[smem:$0x3F97] =	sst s7  }
0x10: {  	[smem:$0x3F98] =	sst s8  }
0x11: {  	[smem:$0x3F99] =	sst s9;
	s0 =	simm.s32 @!p0 $0x0  }
0x12: {  	s1 =	sld [smem:$0x3F7F];
	s0 =	simm.s32 @p0 $0x1  }
0x13: {  	[smem:$0x3F9A] =	sst s0;
	s0 =	simm.s32 @!p1 $0x0  }
0x14: {  	s2 =	sld [smem:$0x3F7E];
	s0 =	simm.s32 @p1 $0x1  }
0x15: {  	[smem:$0x3F9B] =	sst s0;
	s0 =	simm.s32 @!p2 $0x0  }
0x16: {  	s3 =	sld [smem:$0x3FDB];
	s0 =	simm.s32 @p2 $0x1  }
0x17: {  	s4 =	simm.s32 $0x1BF5;
	[smem:$0x3F9D] =	sst s0  }
0x18: {  	s0 =	sld [smem:$0x3F80];
	_ =	swait.ge [sflag:s4], $0x0  }
0x19: {  	s7 =	sld [smem:$0x3F81]  }
0x1a: {  	s8 =	sadd.s32 $0xFFFFE003, lr  }
0x1b: {  	s9 =	sadd.s32 $0xFFFFFEF7, lr;
	s5 =	simm.s32 $0xFFFFFFFF;
	p2 =	slt.u32 s8, $0xFFFFF086  }
0x1c: {  	p1 =	slt.u32 s9, $0xF7A;
	s5 =	simm.s32 @!p2 $0x0  }
0x1d: {  	s5 =	simm.s32 @p1 $0x1;
	p0 =	seq.s32 s7, s2  }
0x1e: {  	s7 =	smul.u32 @!p0 $0xF7A, s2;
	p2 =	seq.s32 @!p0 s5, $0x0  }
0x1f: {  	s9 =	smul.u32 $0xF7A, s1;
	s8 =	simm.s32 @!p0 $0x1BF5;
	p2 =	por !p2, p0  }
0x20: {  	[sflag:s8] =	ssyncset.s32 @!p0 $0xFFFFF086;
	s6 =	sadd.s32 @!p0 s3, s7;
	s7 =	simm.s32 @!p0 $0x108  }
0x21: {  	s3 =	sadd.s32 s3, s9;
	s6 =	sadd.s32 @!p0 $0x88, s6;
	s7 =	simm.s32 @p2 $0x1082  }
0x22: {  	[simem:s7], [sflag:s8] =	dma.local @!p0 [hbm:s6], $0xF7A  }
0x23: {  	s9 =	sor.u32 $0xD0000000, s2;
	s6 =	simm.s32 $0x108;
	_ =	swait.ge @!p0 [sflag:s8], $0x0  }
0x24: {  	s3 =	sadd.s32 $0x88, s3;
	s6 =	simm.s32 @!p1 $0x1082;
	[sflag:s4] =	ssyncset.s32 $0xFFFFF086  }
0x25: {  	[simem:s6], [sflag:s4] =	dma.local [hbm:s3], $0xF7A  }
0x26: {  	[smem:$0x3F81] =	sst s1;
	(tag) =	ssettag s2;
	_ =	strace s9  }
0x27: {  	s1 =	sld [smem:$0x3F91]  }
0x28: {  	s2 =	sld [smem:$0x3F92]  }
0x29: {  	s4 =	sld [smem:$0x3F94]  }
0x2a: {  	p0 =	seq.s32 s5, $0x0;
	s5 =	sld [smem:$0x3F95]  }
0x2b: {  	s6 =	sld [smem:$0x3F96]  }
0x2c: {  	s7 =	sld [smem:$0x3F97]  }
0x2d: {  	s3 =	simm.s32 $0x108;
	s8 =	sld [smem:$0x3F98]  }
0x2e: {  	s3 =	simm.s32 @!p0 $0x1082;
	s9 =	sld [smem:$0x3F99]  }
0x2f: {  	lr =	sadd.s32 s0, s3;
	s0 =	sld [smem:$0x3F90]  }
0x30: {  	s3 =	sld [smem:$0x3F93]  }
0x31: {  	[smem:$0x3F9C] =	sst s10  }
0x32: {  	s10 =	sld [smem:$0x3F9A];
	_ =	sdelay $0x3  }
0x33: {  	p0 =	seq.s32 s10, $0x1;
	s10 =	sld [smem:$0x3F9C];
	_ =	sdelay $0x3  }
0x34: {  	[smem:$0x3F9C] =	sst s10  }
0x35: {  	s10 =	sld [smem:$0x3F9B];
	_ =	sdelay $0x3  }
0x36: {  	p1 =	seq.s32 s10, $0x1;
	s10 =	sld [smem:$0x3F9C];
	_ =	sdelay $0x3  }
0x37: {  	[smem:$0x3F9C] =	sst s10  }
0x38: {  	s10 =	sld [smem:$0x3F9D]  }
0x39: {  	_ = 	snop;
	(pc) =	sbr.ind lr, $3  }
0x3a: {  	_ = 	snop  }
0x3b: {  	_ = 	snop  }
0x3c: {  	p2 =	seq.s32 s10, $0x1;
	s10 =	sld [smem:$0x3F9C]  }
0x3d: {  	_ =	shalt  }
0x3e: {  	_ =	shalt  }
0x3f: {  	_ =	shalt  }
0x40: {  	_ =	shalt  }
0x41: {  	_ =	shalt  }
0x42: {  	_ =	shalt  }
0x43: {  	_ =	shalt  }
0x44: {  	_ =	shalt  }
0x45: {  	_ =	shalt  }
0x46: {  	_ =	shalt  }
0x47: {  	_ =	shalt  }
0x48: {  	_ =	shalt  }
0x49: {  	_ =	shalt  }
0x4a: {  	_ =	shalt  }
0x4b: {  	_ =	shalt  }
0x4c: {  	_ =	shalt  }
0x4d: {  	_ =	shalt  }
0x4e: {  	_ =	shalt  }
0x4f: {  	_ =	shalt  }
0x50: {  	_ =	shalt  }
0x51: {  	_ =	shalt  }
0x52: {  	_ =	shalt  }
0x53: {  	_ =	shalt  }
0x54: {  	_ =	shalt  }
0x55: {  	_ =	shalt  }
0x56: {  	_ =	shalt  }
0x57: {  	_ =	shalt  }
0x58: {  	_ =	shalt  }
0x59: {  	_ =	shalt  }
0x5a: {  	_ =	shalt  }
0x5b: {  	_ =	shalt  }
0x5c: {  	_ =	shalt  }
0x5d: {  	_ =	shalt  }
0x5e: {  	_ =	shalt  }
0x5f: {  	_ =	shalt  }
0x60: {  	_ =	shalt  }
0x61: {  	_ =	shalt  }
0x62: {  	_ =	shalt  }
0x63: {  	_ =	shalt  }
0x64: {  	_ =	shalt  }
0x65: {  	_ =	shalt  }
0x66: {  	_ =	shalt  }
0x67: {  	_ =	shalt  }
0x68: {  	_ =	shalt  }
0x69: {  	_ =	shalt  }
0x6a: {  	_ =	shalt  }
0x6b: {  	_ =	shalt  }
0x6c: {  	_ =	shalt  }
0x6d: {  	_ =	shalt  }
0x6e: {  	_ =	shalt  }
0x6f: {  	_ =	shalt  }
0x70: {  	_ =	shalt  }
0x71: {  	_ =	shalt  }
0x72: {  	_ =	shalt  }
0x73: {  	_ =	shalt  }
0x74: {  	_ =	shalt  }
0x75: {  	_ =	shalt  }
0x76: {  	_ =	shalt  }
0x77: {  	_ =	shalt  }
0x78: {  	_ =	shalt  }
0x79: {  	_ =	shalt  }
0x7a: {  	_ =	shalt  }
0x7b: {  	_ =	shalt  }
0x7c: {  	_ =	shalt  }
0x7d: {  	_ =	shalt  }
0x7e: {  	_ =	shalt  }
0x7f: {  	_ =	shalt  }
0x80: {  	_ =	shalt  }
0x81: {  	_ =	shalt  }
0x82: {  	_ =	shalt  }
0x83: {  	_ =	shalt  }
0x84: {  	_ =	shalt  }
0x85: {  	_ =	shalt  }
0x86: {  	_ =	shalt  }
0x87: {  	_ =	shalt  }
.Lfunc_end0:
.L_simem_size_0:
called_computation.6_lowered:
.L_overlay_start_0:
0x88: {  	s2 =	sld [smem:$0x3FD9]  }
0x89: {  	s3 =	sld [smem:$0x3FFE];
	_ =	sdelay $0x1  }
0x8a: {  	s1 =	srdreg.scid  }
0x8b: {  	s0 =	sand.u32 $0x1, s1  }
0x8c: {  	s17 =	sshll.u32 s0, $0xA;
	s2 =	sadd.s32 s3, s2  }
0x8d: {  	s2 =	sadd.s32 s2, s17  }
0x8e: {  	[smem:$0x3FA8] =	sst s2  }
0x8f: {  	_ = 	snop  }
0x90: {  	(tm) =	ssettm $0x1  }
0x91: {  	s18 =	sld [smem:$0x3FFB];
	_ =	sdelay $0x3  }
0x92: {  	_ =	strace s18  }
0x93: {  	s2 =	sld [smem:$0x3FFC];
	_ =	sdelay $0x3  }
0x94: {  	_ =	strace s2  }
0x95: {  	s2 =	sld [smem:$0x3FFD];
	_ =	sdelay $0x3  }
0x96: {  	_ =	strace s2  }
0x97: {  	_ =	strace $0x8FFFFFFF  }
0x98: {  	s19 =	sld [smem:$0x3FDB];
	_ =	sdelay $0x1  }
0x99: {  	s20 =	simm.s32 $_scs_section_size  }
0x9a: {  	s4 =	simm.s32 $_size__tile_overlayer_lowered;
	s5 =	simm.s32 $_tile_overlayer_lowered  }
0x9b: {  	s6 =	simm.s32 $0x1BFF;
	s21 =	sshll.u32 s5, $0x1;
	s3 =	sadd.s32 s20, s19  }
0x9c: {  	s22 =	simm.s32 $0x0;
	s4 =	sshll.u32 s4, $0x1;
	s5 =	sadd.s32 s21, s3  }
0x9d: {  	[timem:s22], [sflag:s6] =	dma.local [hbm:s5], s4  }
0x9e: {  	_ =	swait.ge [sflag:s6], s4  }
0x9f: {  	s4 =	ssub.s32 $0x0, s4;
	[sflag:s6] =	ssyncset.done $0x0  }
0xa0: {  	[sflag:s6] =	ssyncadd.s32 s4;
	_ =	sdelay $0x1  }
0xa1: {  	s23 =	simm.s32 $0x1B8B  }
0xa2: {  	_ =	swait.ge [sflag:s23], $0x1  }
0xa3: {  	[sflag:s23] =	ssyncset.done $0x0  }
0xa4: {  	[sflag:s23] =	ssyncadd.s32 $0xFFFFFFFF  }
0xa5: {  	s4 =	sld [smem:$0x0]  }
0xa6: {  	s5 =	sand.u32 $0xFFFFFFFE, s1  }
0xa7: {  	p0 =	sne.s32 s1, s5  }
0xa8: {  	s5 =	sshll.u32 @p0 s5, $0xE  }
0xa9: {  	s5 =	sadd.s32 @p0 $0x11B8D, s5;
	s6 =	sshll.u32 @p0 s4, $0x11  }
0xaa: {  	s5 =	sor.u32 @p0 s6, s5  }
0xab: {  	[sflag:s5] =	ssyncadd.remote.s32 @p0 $0x1;
	_ =	sdelay $0x1  }
0xac: {  	s5 =	simm.s32 @p0 $0x1B8D  }
0xad: {  	_ =	swait.eq @p0 [sflag:s5], $0x1  }
0xae: {  	[sflag:s5] =	ssyncadd.s32 @p0 $0xFFFFFFFF  }
0xaf: {  	s6 =	sshll.u32 @!p0 s1, $0xE  }
0xb0: {  	s6 =	sor.u32 @!p0 $0x4000, s6;
	s5 =	simm.s32 @!p0 $0x1B8D  }
0xb1: {  	s4 =	sshll.u32 @!p0 s4, $0x11;
	s6 =	sadd.s32 @!p0 $0x11B8D, s6;
	_ =	swait.eq @!p0 [sflag:s5], $0x1  }
0xb2: {  	s4 =	sor.u32 @!p0 s4, s6;
	[sflag:s5] =	ssyncadd.s32 @!p0 $0xFFFFFFFF  }
0xb3: {  	s25 =	simm.s32 $0x1B8E;
	s24 =	sld [smem:$0x3FFE];
	[sflag:s4] =	ssyncadd.remote.s32 @!p0 $0x1  }
0xb4: {  	s26 =	simm.s32 $execute0_lowered;
	[smem:$0x3FD2] =	sst s25  }
0xb5: {  	s5 =	sshll.u32 s26, $0x1;
	_ =	strace $0x80000058;
	[dreg:$0x1] =	wrdreg $0xFFFFFFFF  }
0xb6: {  	s28 =	simm.s32 $_size_execute0_lowered;
	s3 =	sadd.s32 s3, s5;
	[dreg:$0x0] =	wrdreg $0x0  }
0xb7: {  	s5 =	sshll.u32 s28, $0x1;
	[dreg:$0x2] =	wrdreg s3  }
0xb8: {  	[dreg:$0x3] =	wrdreg s5  }
0xb9: {  	[dreg:$0x4] =	wrdreg $0xC0  }
0xba: {  	_ =	task [dreg:s22], $0x5FFFF  }
0xbb: {  	[dreg:$0x1] =	wrdreg $0xFFFFFFFF  }
0xbc: {  	[dreg:$0x0] =	wrdreg $0x60  }
0xbd: {  	[dreg:$0x2] =	wrdreg s24  }
0xbe: {  	[dreg:$0x3] =	wrdreg $0x82800  }
0xbf: {  	[dreg:$0x4] =	wrdreg $0xA  }
0xc0: {  	_ =	task.clear_ibuf [dreg:s22], $0x5FFFF;
	_ =	strace $0x90000058  }
0xc1: {  	s29 =	simm.s32 $0xA;
	_ =	strace $0x8000005A  }
0xc2: {  	_ =	swait.ge [sflag:s29], $0x1  }
0xc3: {  	[sflag:s29] =	ssyncadd.s32 $0xFFFFFFFF  }
0xc4: {  	_ =	strace $0x9000005A  }
0xc5: {  	_ =	sfence  }
0xc6: {  	s30 =	sld [smem:$0x0];
	_ =	sdelay $0x2  }
0xc7: {  	s31 =	sshll.u32 s1, $0xD;
	s1 =	sshrl.u32 s1, $0x2  }
0xc8: {  	s4 =	sand.u32 $0x4000, s31;
	s1 =	sadd.s32 s1, s30  }
0xc9: {  	s0 =	sor.u32 s4, s0;
	s1 =	sshll.u32 s1, $0x11  }
0xca: {  	s0 =	sor.u32 s1, s0  }
0xcb: {  	s0 =	sadd.s32 $0x8F2B, s0  }
0xcc: {  	[sflag:s0] =	ssyncadd.remote.s32 $0x1  }
0xcd: {  	_ =	sfence.sel $0xFFFF  }
0xce: {  	[dreg:$0x0] =	wrdreg $0xFFFFFFFF;
	(pc) =	sbr.abs _section_cstart, $3  }
0xcf: {  	[dreg:$0x1] =	wrdreg $0xFFFFFFFF  }
0xd0: {  	_ =	task.clear_ibuf [dreg:s22], $0x2FFFF;
	_ =	strace $0x9FFFFFFF  }
0xd1: {  	(tm) =	ssettm $0x7FFFFFFF  }
tec
execute0_lowered:
.L_overlay_start_1:
0x0: {  	(tag) =	ssettag $0x1  }
0x1: {  	s10 =	rddreg [dreg:$0x0]  }
0x2: {  	s2 =	rddreg [dreg:$0x1]  }
0x3: {  	s0 =	rddreg [dreg:$0x2];
	s3 =	simm.s32 $0x0;
	s1 =	stileid.u32  }
0x4: {  	s9 =	srdreg.scid;
	s17 =	simm.s32 $0x80;
	s18 =	simm.s32 $0x100  }
0x5: {  	s19 =	simm.s32 $0x280;
	s20 =	simm.s32 $0x0;
	[smem:$0x7FF] =	sst s3  }
0x6: {  	s4 =	smul.u32 $0x2780, s1;
	s5 =	sadd.s32 $0x6EA00, s10;
	s6 =	sadd.s32 $0x47200, s10  }
0x7: {  	s7 =	sadd.s32 $0x3D200, s10;
	s8 =	sadd.s32 $0x1F600, s10;
	s11 =	sshll.u32 s1, $0x4  }
0x8: {  	s13 =	sand.u32 $0x1, s9;
	s15 =	smul.u32 $0x4F000, s1;
	s9 =	sadd.s32 $0x96200, s10  }
0x9: {  	s31 =	sshll.u32 s1, $0x6;
	_ =	strace $0x80000059;
	s11 =	sadd.s32 s11, s10  }
.Ltmp0:
0xa: {  	s14 =	ssub.s32 $0x2, s13;
	p0 =	seq.s32 s13, $0x1;
	(pc) =	sbr.rel .LBB2_1-.Ltmp0, $4  }
0xb: {  	s12 =	sadd.s32 s4, s10;
	s10 =	sadd.s32 $0xF1400, s10;
	s16 =	sshrl.u32 s14, $0x1  }
0xc: {  	s11 =	sadd.s32 $0x1DC00, s11;
	s15 =	sshrl.u32 s15, $0x2;
	s14 =	ssub.s32 s14, s16  }
0xd: {  	s30 =	sadd.s32 s15, s2;
	s12 =	sadd.s32 $0xC9C00, s12;
	s15 =	sor.u32 $0x1C03, s31  }
0xe: {  	s13 =	smax.u32 s14, $0x1;
	s14 =	simm.s32 $0x3;
	s16 =	sshrl.u32 s30, $0x3  }
.LBB2_9:
0xf: {  	s23 =	smov.u32 s10  }
.LBB2_10:
0x10: {  	s20 =	sadd.s32 $0x1, s20  }
0x11: {  	p1 =	sne.s32 s20, s13  }
.Ltmp1:
0x12: {  	s21 =	sadd.s32 s23, s4;
	(pc) =	sbr.rel @!p1 .LBB2_11-.Ltmp1, $4  }
0x13: {  	[hbm:s21], [sflag:s15] =	dma.local [spmem:s16], $0x2780  }
0x14: {  	_ =	swait.ge [sflag:s14], $0x2780  }
0x15: {  	[sflag:s14] =	ssyncset.done $0x0  }
0x16: {  	[sflag:s14] =	ssyncadd.s32 $0xFFFFD880  }
.LBB2_1:
0x17: {  	[tilespmem:s3], [sflag:$0x3] =	stream.linear.gather [hbm4b:s11+s3], $0x80, $0x38;
	[tilespmem:$0x1BE80] =	vst v63  }
0x18: {  	_ =	swait.ge [sflag:s14], $0x80  }
0x19: {  	[sflag:s14] =	ssyncset.done $0x0  }
0x1a: {  	[sflag:s14] =	ssyncadd.s32 $0xFFFFFF80  }
0x1b: {  	v0 =	vld [tilespmem:$0x0];
	_ =	sdelay $0x4  }
0x1c: {  	(v2sf) =	vpush v0, $0x0  }
0x1d: {  	(v2sf) =	vpush v0, $0x1;
	_ =	sdelay $0xd  }
0x1e: {  	s21 =	spop (v2sf)  }
.Ltmp2:
0x1f: {  	s22 =	spop (v2sf);
	(pc) =	sbr.rel @!p0 .LBB2_2-.Ltmp2, $4  }
0x20: {  	[spmem:s16], [sflag:s15] =	dma.local [hbm:s12], $0x2780  }
0x21: {  	_ =	swait.ge [sflag:s14], $0x2780  }
0x22: {  	[sflag:s14] =	ssyncset.done $0x0  }
0x23: {  	p1 =	slt.s32 s22, $0x1;
	[sflag:s14] =	ssyncadd.s32 $0xFFFFD880  }
.Ltmp3:
0x24: {  	(pc) =	sbr.rel @p1 .LBB2_10-.Ltmp3, $2  }
0x25: {  	_ =	sdelay $0x2  }
0x26: {  	s23 =	smov.u32 s10  }
0x27: {  	s23 =	sshll.u32 s21, $0x4  }
0x28: {  	s24 =	sand.u32 $0x1FFFFFF0, s23  }
0x29: {  	s23 =	simm.s32 $0x0;
	s25 =	sadd.s32 s7, s24  }
0x2a: {  	[tilespmem:s17], [sflag:$0x3] =	stream.linear.gather [hbm4b:s25+s23], $0x80, $0x38;
	[tilespmem:$0x1BE80] =	vst v63  }
0x2b: {  	_ =	swait.ge [sflag:s14], $0x80  }
0x2c: {  	[sflag:s14] =	ssyncset.done $0x0  }
0x2d: {  	s24 =	sadd.s32 s8, s24;
	[sflag:s14] =	ssyncadd.s32 $0xFFFFFF80  }
0x2e: {  	[tilespmem:s18], [sflag:$0x3] =	stream.linear.gather [hbm4b:s24+s23], $0x80, $0x38;
	[tilespmem:$0x1BE80] =	vst v63  }
0x2f: {  	_ =	swait.ge [sflag:s14], $0x80  }
0x30: {  	[sflag:s14] =	ssyncset.done $0x0  }
0x31: {  	[sflag:s14] =	ssyncadd.s32 $0xFFFFFF80  }
0x32: {  	[tilespmem:s19], [sflag:$0x1] =	stream.indirect.gather [hbm4b:s6+s17], $0x80, s17, s17, $0xb8;
	[tilespmem:$0x1BE80] =	vst v63  }
.LBB2_8:
0x33: {  	s24 =	sand.u32 $0x1, s23  }
0x34: {  	p1 =	seq.s32 s24, $0x1  }
0x35: {  	s24 =	sadd.s32 @p1 $0x1, s23  }
0x36: {  	p2 =	sge.s32 @p1 s24, s22  }
0x37: {  	p2 =	por p2, !p1  }
0x38: {  	s25 =	sadd.s32 @!p2 s21, s24  }
0x39: {  	s25 =	sshll.u32 @!p2 s25, $0x4  }
0x3a: {  	s25 =	sand.u32 @!p2 $0x1FFFFFF0, s25  }
0x3b: {  	s28 =	simm.s32 @!p2 $0x0;
	s29 =	simm.s32 @!p2 $0x80;
	s26 =	sadd.s32 @!p2 s7, s25  }
0x3c: {  	[tilespmem:s29], [sflag:$0x4] =	stream.linear.gather @!p2 [hbm4b:s26+s28], $0x80, $0x38;
	[tilespmem:$0x1BE80] =	vst v63  }
0x3d: {  	s26 =	simm.s32 @!p2 $0x4  }
0x3e: {  	_ =	swait.ge @!p2 [sflag:s26], $0x80  }
0x3f: {  	[sflag:s26] =	ssyncset.done @!p2 $0x0  }
0x40: {  	s30 =	simm.s32 @!p2 $0x100;
	s25 =	sadd.s32 @!p2 s8, s25;
	[sflag:s26] =	ssyncadd.s32 @!p2 $0xFFFFFF80  }
0x41: {  	[tilespmem:s30], [sflag:$0x4] =	stream.linear.gather @!p2 [hbm4b:s25+s28], $0x80, $0x38;
	[tilespmem:$0x1BE80] =	vst v63  }
0x42: {  	_ =	swait.ge @!p2 [sflag:s26], $0x80  }
0x43: {  	[sflag:s26] =	ssyncset.done @!p2 $0x0  }
0x44: {  	s25 =	simm.s32 @!p2 $0x280;
	[sflag:s26] =	ssyncadd.s32 @!p2 $0xFFFFFF80  }
0x45: {  	[tilespmem:s25], [sflag:$0x1] =	stream.indirect.gather @!p2 [hbm4b:s6+s29], $0x80, s29, s29, $0xb8;
	[tilespmem:$0x1BE80] =	vst v63  }
0x46: {  	s25 =	simm.s32 @p1 $0x2  }
0x47: {  	s23 =	sor.u32 @!p1 $0x1, s23;
	_ =	swait.ge @p1 [sflag:s25], $0x4000  }
0x48: {  	s28 =	simm.s32 @p1 $0x4280;
	s26 =	simm.s32 @p1 $0x200;
	[sflag:s25] =	ssyncset.done @p1 $0x0  }
0x49: {  	p2 =	sge.s32 @!p1 s23, s22;
	[sflag:s25] =	ssyncadd.s32 @p1 $0xFFFFC000;
	s25 =	simm.s32 @p1 $0x80  }
0x4a: {  	[spmem:s2] =	stream.indirect.scatter.add.f32 @p1 [tilespmem:s28], [sflag:$0x3], $0x80, s26, s25, $0xb8;
	[tilespmem:$0x1BE80] =	vst v63  }
0x4b: {  	p2 =	por p2, p1;
	s25 =	simm.s32 @p1 $0x3  }
0x4c: {  	s26 =	sadd.s32 @!p2 s21, s23;
	_ =	swait.ge @p1 [sflag:s25], $0x4000  }
0x4d: {  	s26 =	sshll.u32 @!p2 s26, $0x4;
	[sflag:s25] =	ssyncset.done @p1 $0x0  }
0x4e: {  	[sflag:s25] =	ssyncadd.s32 @p1 $0xFFFFC000;
	s25 =	sand.u32 @!p2 $0x1FFFFFF0, s26  }
0x4f: {  	s29 =	simm.s32 @!p2 $0x180;
	s28 =	simm.s32 @!p2 $0x0;
	s26 =	sadd.s32 @!p2 s7, s25  }
0x50: {  	[tilespmem:s29], [sflag:$0x4] =	stream.linear.gather @!p2 [hbm4b:s26+s28], $0x80, $0x38;
	[tilespmem:$0x1BE80] =	vst v63  }
0x51: {  	s26 =	simm.s32 @!p2 $0x4  }
0x52: {  	_ =	swait.ge @!p2 [sflag:s26], $0x80  }
0x53: {  	[sflag:s26] =	ssyncset.done @!p2 $0x0  }
0x54: {  	s30 =	simm.s32 @!p2 $0x200;
	s25 =	sadd.s32 @!p2 s8, s25;
	[sflag:s26] =	ssyncadd.s32 @!p2 $0xFFFFFF80  }
0x55: {  	[tilespmem:s30], [sflag:$0x4] =	stream.linear.gather @!p2 [hbm4b:s25+s28], $0x80, $0x38;
	[tilespmem:$0x1BE80] =	vst v63  }
0x56: {  	_ =	swait.ge @!p2 [sflag:s26], $0x80  }
0x57: {  	[sflag:s26] =	ssyncset.done @!p2 $0x0  }
0x58: {  	s25 =	simm.s32 @!p2 $0x80;
	[sflag:s26] =	ssyncadd.s32 @!p2 $0xFFFFFF80;
	s26 =	simm.s32 @!p2 $0x4280  }
0x59: {  	[tilespmem:s26], [sflag:$0x2] =	stream.indirect.gather @!p2 [hbm4b:s6+s25], $0x80, s29, s25, $0xb8;
	[tilespmem:$0x1BE80] =	vst v63  }
0x5a: {  	s25 =	simm.s32 @!p1 $0x1  }
0x5b: {  	s23 =	smov.u32 @p1 s24;
	_ =	swait.ge @!p1 [sflag:s25], $0x4000  }
0x5c: {  	s28 =	simm.s32 @!p1 $0x280;
	s26 =	simm.s32 @!p1 $0x100;
	[sflag:s25] =	ssyncset.done @!p1 $0x0  }
0x5d: {  	p2 =	sne.s32 s23, s22;
	[sflag:s25] =	ssyncadd.s32 @!p1 $0xFFFFC000;
	s25 =	simm.s32 @!p1 $0x80  }
0x5e: {  	[spmem:s2] =	stream.indirect.scatter.add.f32 @!p1 [tilespmem:s28], [sflag:$0x4], $0x80, s26, s25, $0xb8;
	[tilespmem:$0x1BE80] =	vst v63  }
.Ltmp4:
0x5f: {  	_ = 	snop;
	(pc) =	sbr.rel @p2 .LBB2_8-.Ltmp4, $4  }
0x60: {  	s25 =	simm.s32 @!p1 $0x4  }
0x61: {  	_ =	swait.ge @!p1 [sflag:s25], $0x4000  }
0x62: {  	[sflag:s25] =	ssyncset.done @!p1 $0x0  }
0x63: {  	[sflag:s25] =	ssyncadd.s32 @!p1 $0xFFFFC000  }
.Ltmp5:
0x64: {  	_ = 	snop;
	(pc) =	sbr.rel .LBB2_9-.Ltmp5, $1  }
0x65: {  	_ =	sdelay $0x3  }
.LBB2_2:
.Ltmp6:
0x66: {  	(pc) =	sbr.rel @p1 .LBB2_10-.Ltmp6, $2  }
0x67: {  	_ =	sdelay $0x2  }
0x68: {  	s23 =	smov.u32 s9  }
0x69: {  	s23 =	sshll.u32 s21, $0x4  }
0x6a: {  	s24 =	sand.u32 $0x1FFFFFF0, s23  }
0x6b: {  	s23 =	simm.s32 $0x0;
	s25 =	sadd.s32 s7, s24  }
0x6c: {  	[tilespmem:s17], [sflag:$0x3] =	stream.linear.gather [hbm4b:s25+s23], $0x80, $0x38;
	[tilespmem:$0x1BE80] =	vst v63  }
0x6d: {  	_ =	swait.ge [sflag:s14], $0x80  }
0x6e: {  	[sflag:s14] =	ssyncset.done $0x0  }
0x6f: {  	s24 =	sadd.s32 s8, s24;
	[sflag:s14] =	ssyncadd.s32 $0xFFFFFF80  }
0x70: {  	[tilespmem:s18], [sflag:$0x3] =	stream.linear.gather [hbm4b:s24+s23], $0x80, $0x38;
	[tilespmem:$0x1BE80] =	vst v63  }
0x71: {  	_ =	swait.ge [sflag:s14], $0x80  }
0x72: {  	[sflag:s14] =	ssyncset.done $0x0  }
0x73: {  	[sflag:s14] =	ssyncadd.s32 $0xFFFFFF80  }
0x74: {  	[tilespmem:s19], [sflag:$0x1] =	stream.indirect.gather [hbm4b:s5+s17], $0x80, s17, s17, $0xb8;
	[tilespmem:$0x1BE80] =	vst v63  }
.LBB2_4:
0x75: {  	s24 =	sand.u32 $0x1, s23  }
0x76: {  	p1 =	seq.s32 s24, $0x1  }
0x77: {  	s24 =	sadd.s32 @p1 $0x1, s23  }
0x78: {  	p2 =	sge.s32 @p1 s24, s22  }
0x79: {  	p2 =	por p2, !p1  }
0x7a: {  	s25 =	sadd.s32 @!p2 s21, s24  }
0x7b: {  	s25 =	sshll.u32 @!p2 s25, $0x4  }
0x7c: {  	s25 =	sand.u32 @!p2 $0x1FFFFFF0, s25  }
0x7d: {  	s28 =	simm.s32 @!p2 $0x0;
	s29 =	simm.s32 @!p2 $0x80;
	s26 =	sadd.s32 @!p2 s7, s25  }
0x7e: {  	[tilespmem:s29], [sflag:$0x4] =	stream.linear.gather @!p2 [hbm4b:s26+s28], $0x80, $0x38;
	[tilespmem:$0x1BE80] =	vst v63  }
0x7f: {  	s26 =	simm.s32 @!p2 $0x4  }
0x80: {  	_ =	swait.ge @!p2 [sflag:s26], $0x80  }
0x81: {  	[sflag:s26] =	ssyncset.done @!p2 $0x0  }
0x82: {  	s30 =	simm.s32 @!p2 $0x100;
	s25 =	sadd.s32 @!p2 s8, s25;
	[sflag:s26] =	ssyncadd.s32 @!p2 $0xFFFFFF80  }
0x83: {  	[tilespmem:s30], [sflag:$0x4] =	stream.linear.gather @!p2 [hbm4b:s25+s28], $0x80, $0x38;
	[tilespmem:$0x1BE80] =	vst v63  }
0x84: {  	_ =	swait.ge @!p2 [sflag:s26], $0x80  }
0x85: {  	[sflag:s26] =	ssyncset.done @!p2 $0x0  }
0x86: {  	s25 =	simm.s32 @!p2 $0x280;
	[sflag:s26] =	ssyncadd.s32 @!p2 $0xFFFFFF80  }
0x87: {  	[tilespmem:s25], [sflag:$0x1] =	stream.indirect.gather @!p2 [hbm4b:s5+s29], $0x80, s29, s29, $0xb8;
	[tilespmem:$0x1BE80] =	vst v63  }
0x88: {  	s25 =	simm.s32 @p1 $0x2  }
0x89: {  	s23 =	sor.u32 @!p1 $0x1, s23;
	_ =	swait.ge @p1 [sflag:s25], $0x4000  }
0x8a: {  	s28 =	simm.s32 @p1 $0x4280;
	s26 =	simm.s32 @p1 $0x200;
	[sflag:s25] =	ssyncset.done @p1 $0x0  }
0x8b: {  	p2 =	sge.s32 @!p1 s23, s22;
	[sflag:s25] =	ssyncadd.s32 @p1 $0xFFFFC000;
	s25 =	simm.s32 @p1 $0x80  }
0x8c: {  	[spmem:s2] =	stream.indirect.scatter.add.f32 @p1 [tilespmem:s28], [sflag:$0x3], $0x80, s26, s25, $0xb8;
	[tilespmem:$0x1BE80] =	vst v63  }
0x8d: {  	p2 =	por p2, p1;
	s25 =	simm.s32 @p1 $0x3  }
0x8e: {  	s26 =	sadd.s32 @!p2 s21, s23;
	_ =	swait.ge @p1 [sflag:s25], $0x4000  }
0x8f: {  	s26 =	sshll.u32 @!p2 s26, $0x4;
	[sflag:s25] =	ssyncset.done @p1 $0x0  }
0x90: {  	[sflag:s25] =	ssyncadd.s32 @p1 $0xFFFFC000;
	s25 =	sand.u32 @!p2 $0x1FFFFFF0, s26  }
0x91: {  	s29 =	simm.s32 @!p2 $0x180;
	s28 =	simm.s32 @!p2 $0x0;
	s26 =	sadd.s32 @!p2 s7, s25  }
0x92: {  	[tilespmem:s29], [sflag:$0x4] =	stream.linear.gather @!p2 [hbm4b:s26+s28], $0x80, $0x38;
	[tilespmem:$0x1BE80] =	vst v63  }
0x93: {  	s26 =	simm.s32 @!p2 $0x4  }
0x94: {  	_ =	swait.ge @!p2 [sflag:s26], $0x80  }
0x95: {  	[sflag:s26] =	ssyncset.done @!p2 $0x0  }
0x96: {  	s30 =	simm.s32 @!p2 $0x200;
	s25 =	sadd.s32 @!p2 s8, s25;
	[sflag:s26] =	ssyncadd.s32 @!p2 $0xFFFFFF80  }
0x97: {  	[tilespmem:s30], [sflag:$0x4] =	stream.linear.gather @!p2 [hbm4b:s25+s28], $0x80, $0x38;
	[tilespmem:$0x1BE80] =	vst v63  }
0x98: {  	_ =	swait.ge @!p2 [sflag:s26], $0x80  }
0x99: {  	[sflag:s26] =	ssyncset.done @!p2 $0x0  }
0x9a: {  	s25 =	simm.s32 @!p2 $0x80;
	[sflag:s26] =	ssyncadd.s32 @!p2 $0xFFFFFF80;
	s26 =	simm.s32 @!p2 $0x4280  }
0x9b: {  	[tilespmem:s26], [sflag:$0x2] =	stream.indirect.gather @!p2 [hbm4b:s5+s25], $0x80, s29, s25, $0xb8;
	[tilespmem:$0x1BE80] =	vst v63  }
0x9c: {  	s25 =	simm.s32 @!p1 $0x1  }
0x9d: {  	s23 =	smov.u32 @p1 s24;
	_ =	swait.ge @!p1 [sflag:s25], $0x4000  }
0x9e: {  	s28 =	simm.s32 @!p1 $0x280;
	s26 =	simm.s32 @!p1 $0x100;
	[sflag:s25] =	ssyncset.done @!p1 $0x0  }
0x9f: {  	p2 =	seq.s32 s23, s22;
	[sflag:s25] =	ssyncadd.s32 @!p1 $0xFFFFC000;
	s25 =	simm.s32 @!p1 $0x80  }
0xa0: {  	[spmem:s2] =	stream.indirect.scatter.add.f32 @!p1 [tilespmem:s28], [sflag:$0x4], $0x80, s26, s25, $0xb8;
	[tilespmem:$0x1BE80] =	vst v63  }
.Ltmp7:
0xa1: {  	_ = 	snop;
	(pc) =	sbr.rel @!p2 .LBB2_4-.Ltmp7, $4  }
0xa2: {  	s25 =	simm.s32 @!p1 $0x4  }
0xa3: {  	_ =	swait.ge @!p1 [sflag:s25], $0x4000  }
0xa4: {  	[sflag:s25] =	ssyncset.done @!p1 $0x0  }
0xa5: {  	[sflag:s25] =	ssyncadd.s32 @!p1 $0xFFFFC000  }
.Ltmp8:
0xa6: {  	(pc) =	sbr.rel .LBB2_10-.Ltmp8, $2  }
0xa7: {  	_ =	sdelay $0x2  }
0xa8: {  	s23 =	smov.u32 s9  }
.LBB2_11:
0xa9: {  	_ =	sfence.sel $0x180000  }
0xaa: {  	[bflag:$0x0] =	sbarrier.arrive $0xFFFF  }
0xab: {  	p0 =	sne.s32 s1, $0x0;
	_ =	strace $0x90000059  }
0xac: {  	s0 =	sadd.s32 @!p0 $0x100000, s0;
	[bflag:$0x2] =	sbarrier.arrive $0xFFFF  }
0xad: {  	[sflag:s0] =	ssyncadd.tile.s32 @!p0 $0x1;
	_ =	shalt  }
.Lfunc_end2:
_tile_overlayer_lowered:
.L_overlay_start_2:
0xae: {  	(tag) =	ssettag $0x2  }
0xaf: {  	s0 =	rddreg [dreg:$0x0];
	s2 =	stileid.u32  }
0xb0: {  	s1 =	rddreg [dreg:$0x1];
	p0 =	sne.s32 s2, $0x0  }
0xb1: {  	s3 =	rddreg [dreg:$0x2];
	[bflag:$0x3] =	sbarrier.arrive $0xFFFF;
	s2 =	simm.s32 @!p0 $0x1C03  }
0xb2: {  	[timem:s3], [sflag:s2] =	dma.local @!p0 [hbm:s0], s1  }
0xb3: {  	s0 =	simm.s32 @!p0 $0x3  }
0xb4: {  	_ =	swait.ge @!p0 [sflag:s0], s1  }
0xb5: {  	s1 =	ssub.s32 @!p0 $0x0, s1;
	[sflag:s0] =	ssyncset.done @!p0 $0x0  }
0xb6: {  	[sflag:s0] =	ssyncadd.s32 @!p0 s1  }
0xb7: {  	[bflag:$0x3] =	sbarrier.arrive $0xFFFF  }
0xb8: {  	_ =	shalt  }

// kernel: scatter_offload_async_start.1
scs
__scs_entry_jumppad:
0x0: {  	(pc) =	sbr.rel $0x88, $3  }
0x1: {  	(tag) =	ssettag $0x0;
	lr =	simm.s32 $0x1  }
0x2: {  	[smem:$0x3F81] =	sst lr;
	_ =	strace $0xD0000000  }
0x3: {  	_ = 	snop  }
0x4: {  	_ = 	snop  }
0x5: {  	_ = 	snop  }
0x6: {  	_ = 	snop  }
0x7: {  	_ = 	snop  }
__scs_overlays_trampoline_lowered:
0x8: {  	[smem:$0x3F90] =	sst s0  }
0x9: {  	[smem:$0x3F91] =	sst s1  }
0xa: {  	[smem:$0x3F92] =	sst s2  }
0xb: {  	[smem:$0x3F93] =	sst s3  }
0xc: {  	[smem:$0x3F94] =	sst s4  }
0xd: {  	[smem:$0x3F95] =	sst s5  }
0xe: {  	[smem:$0x3F96] =	sst s6  }
0xf: {  	[smem:$0x3F97] =	sst s7  }
0x10: {  	[smem:$0x3F98] =	sst s8  }
0x11: {  	[smem:$0x3F99] =	sst s9;
	s0 =	simm.s32 @!p0 $0x0  }
0x12: {  	s1 =	sld [smem:$0x3F7F];
	s0 =	simm.s32 @p0 $0x1  }
0x13: {  	[smem:$0x3F9A] =	sst s0;
	s0 =	simm.s32 @!p1 $0x0  }
0x14: {  	s2 =	sld [smem:$0x3F7E];
	s0 =	simm.s32 @p1 $0x1  }
0x15: {  	[smem:$0x3F9B] =	sst s0;
	s0 =	simm.s32 @!p2 $0x0  }
0x16: {  	s3 =	sld [smem:$0x3FDB];
	s0 =	simm.s32 @p2 $0x1  }
0x17: {  	s4 =	simm.s32 $0x1BF5;
	[smem:$0x3F9D] =	sst s0  }
0x18: {  	s0 =	sld [smem:$0x3F80];
	_ =	swait.ge [sflag:s4], $0x0  }
0x19: {  	s7 =	sld [smem:$0x3F81]  }
0x1a: {  	s8 =	sadd.s32 $0xFFFFE003, lr  }
0x1b: {  	s9 =	sadd.s32 $0xFFFFFEF7, lr;
	s5 =	simm.s32 $0xFFFFFFFF;
	p2 =	slt.u32 s8, $0xFFFFF086  }
0x1c: {  	p1 =	slt.u32 s9, $0xF7A;
	s5 =	simm.s32 @!p2 $0x0  }
0x1d: {  	s5 =	simm.s32 @p1 $0x1;
	p0 =	seq.s32 s7, s2  }
0x1e: {  	s7 =	smul.u32 @!p0 $0xF7A, s2;
	p2 =	seq.s32 @!p0 s5, $0x0  }
0x1f: {  	s9 =	smul.u32 $0xF7A, s1;
	s8 =	simm.s32 @!p0 $0x1BF5;
	p2 =	por !p2, p0  }
0x20: {  	[sflag:s8] =	ssyncset.s32 @!p0 $0xFFFFF086;
	s6 =	sadd.s32 @!p0 s3, s7;
	s7 =	simm.s32 @!p0 $0x108  }
0x21: {  	s3 =	sadd.s32 s3, s9;
	s6 =	sadd.s32 @!p0 $0x88, s6;
	s7 =	simm.s32 @p2 $0x1082  }
0x22: {  	[simem:s7], [sflag:s8] =	dma.local @!p0 [hbm:s6], $0xF7A  }
0x23: {  	s9 =	sor.u32 $0xD0000000, s2;
	s6 =	simm.s32 $0x108;
	_ =	swait.ge @!p0 [sflag:s8], $0x0  }
0x24: {  	s3 =	sadd.s32 $0x88, s3;
	s6 =	simm.s32 @!p1 $0x1082;
	[sflag:s4] =	ssyncset.s32 $0xFFFFF086  }
0x25: {  	[simem:s6], [sflag:s4] =	dma.local [hbm:s3], $0xF7A  }
0x26: {  	[smem:$0x3F81] =	sst s1;
	(tag) =	ssettag s2;
	_ =	strace s9  }
0x27: {  	s1 =	sld [smem:$0x3F91]  }
0x28: {  	s2 =	sld [smem:$0x3F92]  }
0x29: {  	s4 =	sld [smem:$0x3F94]  }
0x2a: {  	p0 =	seq.s32 s5, $0x0;
	s5 =	sld [smem:$0x3F95]  }
0x2b: {  	s6 =	sld [smem:$0x3F96]  }
0x2c: {  	s7 =	sld [smem:$0x3F97]  }
0x2d: {  	s3 =	simm.s32 $0x108;
	s8 =	sld [smem:$0x3F98]  }
0x2e: {  	s3 =	simm.s32 @!p0 $0x1082;
	s9 =	sld [smem:$0x3F99]  }
0x2f: {  	lr =	sadd.s32 s0, s3;
	s0 =	sld [smem:$0x3F90]  }
0x30: {  	s3 =	sld [smem:$0x3F93]  }
0x31: {  	[smem:$0x3F9C] =	sst s10  }
0x32: {  	s10 =	sld [smem:$0x3F9A];
	_ =	sdelay $0x3  }
0x33: {  	p0 =	seq.s32 s10, $0x1;
	s10 =	sld [smem:$0x3F9C];
	_ =	sdelay $0x3  }
0x34: {  	[smem:$0x3F9C] =	sst s10  }
0x35: {  	s10 =	sld [smem:$0x3F9B];
	_ =	sdelay $0x3  }
0x36: {  	p1 =	seq.s32 s10, $0x1;
	s10 =	sld [smem:$0x3F9C];
	_ =	sdelay $0x3  }
0x37: {  	[smem:$0x3F9C] =	sst s10  }
0x38: {  	s10 =	sld [smem:$0x3F9D]  }
0x39: {  	_ = 	snop;
	(pc) =	sbr.ind lr, $3  }
0x3a: {  	_ = 	snop  }
0x3b: {  	_ = 	snop  }
0x3c: {  	p2 =	seq.s32 s10, $0x1;
	s10 =	sld [smem:$0x3F9C]  }
0x3d: {  	_ =	shalt  }
0x3e: {  	_ =	shalt  }
0x3f: {  	_ =	shalt  }
0x40: {  	_ =	shalt  }
0x41: {  	_ =	shalt  }
0x42: {  	_ =	shalt  }
0x43: {  	_ =	shalt  }
0x44: {  	_ =	shalt  }
0x45: {  	_ =	shalt  }
0x46: {  	_ =	shalt  }
0x47: {  	_ =	shalt  }
0x48: {  	_ =	shalt  }
0x49: {  	_ =	shalt  }
0x4a: {  	_ =	shalt  }
0x4b: {  	_ =	shalt  }
0x4c: {  	_ =	shalt  }
0x4d: {  	_ =	shalt  }
0x4e: {  	_ =	shalt  }
0x4f: {  	_ =	shalt  }
0x50: {  	_ =	shalt  }
0x51: {  	_ =	shalt  }
0x52: {  	_ =	shalt  }
0x53: {  	_ =	shalt  }
0x54: {  	_ =	shalt  }
0x55: {  	_ =	shalt  }
0x56: {  	_ =	shalt  }
0x57: {  	_ =	shalt  }
0x58: {  	_ =	shalt  }
0x59: {  	_ =	shalt  }
0x5a: {  	_ =	shalt  }
0x5b: {  	_ =	shalt  }
0x5c: {  	_ =	shalt  }
0x5d: {  	_ =	shalt  }
0x5e: {  	_ =	shalt  }
0x5f: {  	_ =	shalt  }
0x60: {  	_ =	shalt  }
0x61: {  	_ =	shalt  }
0x62: {  	_ =	shalt  }
0x63: {  	_ =	shalt  }
0x64: {  	_ =	shalt  }
0x65: {  	_ =	shalt  }
0x66: {  	_ =	shalt  }
0x67: {  	_ =	shalt  }
0x68: {  	_ =	shalt  }
0x69: {  	_ =	shalt  }
0x6a: {  	_ =	shalt  }
0x6b: {  	_ =	shalt  }
0x6c: {  	_ =	shalt  }
0x6d: {  	_ =	shalt  }
0x6e: {  	_ =	shalt  }
0x6f: {  	_ =	shalt  }
0x70: {  	_ =	shalt  }
0x71: {  	_ =	shalt  }
0x72: {  	_ =	shalt  }
0x73: {  	_ =	shalt  }
0x74: {  	_ =	shalt  }
0x75: {  	_ =	shalt  }
0x76: {  	_ =	shalt  }
0x77: {  	_ =	shalt  }
0x78: {  	_ =	shalt  }
0x79: {  	_ =	shalt  }
0x7a: {  	_ =	shalt  }
0x7b: {  	_ =	shalt  }
0x7c: {  	_ =	shalt  }
0x7d: {  	_ =	shalt  }
0x7e: {  	_ =	shalt  }
0x7f: {  	_ =	shalt  }
0x80: {  	_ =	shalt  }
0x81: {  	_ =	shalt  }
0x82: {  	_ =	shalt  }
0x83: {  	_ =	shalt  }
0x84: {  	_ =	shalt  }
0x85: {  	_ =	shalt  }
0x86: {  	_ =	shalt  }
0x87: {  	_ =	shalt  }
.Lfunc_end0:
.L_simem_size_0:
called_computation.1_lowered:
.L_overlay_start_0:
0x88: {  	s0 =	sld [smem:$0x3FD9]  }
0x89: {  	s1 =	sld [smem:$0x3FFE];
	_ =	sdelay $0x3  }
0x8a: {  	s0 =	sadd.s32 s1, s0  }
0x8b: {  	[smem:$0x3FA8] =	sst s0  }
0x8c: {  	_ = 	snop  }
0x8d: {  	(tm) =	ssettm $0x1  }
0x8e: {  	s15 =	sld [smem:$0x3FFB];
	_ =	sdelay $0x3  }
0x8f: {  	_ =	strace s15  }
0x90: {  	s0 =	sld [smem:$0x3FFC];
	_ =	sdelay $0x3  }
0x91: {  	_ =	strace s0  }
0x92: {  	s0 =	sld [smem:$0x3FFD];
	_ =	sdelay $0x3  }
0x93: {  	_ =	strace s0  }
0x94: {  	_ =	strace $0x8FFFFFFF  }
0x95: {  	s16 =	sld [smem:$0x3FDB];
	_ =	sdelay $0x1  }
0x96: {  	s17 =	simm.s32 $_scs_section_size  }
0x97: {  	s2 =	simm.s32 $_size__tile_overlayer_lowered;
	s3 =	simm.s32 $_tile_overlayer_lowered  }
0x98: {  	s20 =	simm.s32 $0x1BFF;
	s19 =	sshll.u32 s3, $0x1;
	s0 =	sadd.s32 s17, s16  }
0x99: {  	s4 =	simm.s32 $0x0;
	s18 =	sshll.u32 s2, $0x1;
	s2 =	sadd.s32 s19, s0  }
0x9a: {  	[timem:s4], [sflag:s20] =	dma.local [hbm:s2], s18  }
0x9b: {  	_ =	swait.ge [sflag:s20], s18  }
0x9c: {  	s1 =	ssub.s32 $0x0, s18;
	[sflag:s20] =	ssyncset.done $0x0  }
0x9d: {  	[sflag:s20] =	ssyncadd.s32 s1;
	_ =	sdelay $0x1  }
0x9e: {  	s21 =	simm.s32 $0x1B8B  }
0x9f: {  	_ =	swait.ge [sflag:s21], $0x1  }
0xa0: {  	[sflag:s21] =	ssyncset.done $0x0  }
0xa1: {  	s23 =	simm.s32 $0x1B8E;
	s22 =	sld [smem:$0x3FFE];
	[sflag:s21] =	ssyncadd.s32 $0xFFFFFFFF  }
0xa2: {  	s24 =	simm.s32 $execute0_lowered;
	[smem:$0x3FD2] =	sst s23  }
0xa3: {  	s2 =	sshll.u32 s24, $0x1;
	_ =	strace $0x8000004F;
	[dreg:$0x1] =	wrdreg $0xFFFFFFFF  }
0xa4: {  	s25 =	simm.s32 $_size_execute0_lowered;
	s0 =	sadd.s32 s0, s2;
	[dreg:$0x0] =	wrdreg $0x0  }
0xa5: {  	s2 =	sshll.u32 s25, $0x1;
	[dreg:$0x2] =	wrdreg s0  }
0xa6: {  	[dreg:$0x3] =	wrdreg s2  }
0xa7: {  	[dreg:$0x4] =	wrdreg $0xC0  }
0xa8: {  	_ =	task [dreg:s4], $0x5FFFF  }
0xa9: {  	[dreg:$0x1] =	wrdreg $0xFFFFFFFF  }
0xaa: {  	[dreg:$0x0] =	wrdreg $0x60  }
0xab: {  	[dreg:$0x2] =	wrdreg s22  }
0xac: {  	[dreg:$0x3] =	wrdreg $0xA  }
0xad: {  	_ =	task.clear_ibuf [dreg:s4], $0x4FFFF;
	_ =	strace $0x9000004F  }
0xae: {  	s26 =	simm.s32 $0xA;
	_ =	strace $0x80000051  }
0xaf: {  	_ =	swait.ge [sflag:s26], $0x1  }
0xb0: {  	[sflag:s26] =	ssyncadd.s32 $0xFFFFFFFF  }
0xb1: {  	_ =	strace $0x90000051  }
0xb2: {  	_ =	sfence  }
0xb3: {  	s28 =	sld [smem:$0x0];
	_ =	sdelay $0x1  }
0xb4: {  	s29 =	srdreg.scid  }
0xb5: {  	s30 =	sshll.u32 s29, $0xD;
	s31 =	sshrl.u32 s29, $0x2  }
0xb6: {  	s1 =	sand.u32 $0x1, s29;
	s2 =	sand.u32 $0x4000, s30;
	s0 =	sadd.s32 s31, s28  }
0xb7: {  	s1 =	sor.u32 s2, s1;
	s0 =	sshll.u32 s0, $0x11  }
0xb8: {  	s0 =	sor.u32 s0, s1  }
0xb9: {  	s0 =	sadd.s32 $0x8F2B, s0  }
0xba: {  	[sflag:s0] =	ssyncadd.remote.s32 $0x1  }
0xbb: {  	_ =	sfence.sel $0xFFFF  }
0xbc: {  	[dreg:$0x0] =	wrdreg $0xFFFFFFFF;
	(pc) =	sbr.abs _section_cstart, $3  }
0xbd: {  	[dreg:$0x1] =	wrdreg $0xFFFFFFFF  }
0xbe: {  	_ =	task.clear_ibuf [dreg:s4], $0x2FFFF;
	_ =	strace $0x9FFFFFFF  }
0xbf: {  	(tm) =	ssettm $0x7FFFFFFF  }
tec
execute0_lowered:
.L_overlay_start_1:
0x0: {  	(tag) =	ssettag $0x1  }
0x1: {  	s2 =	rddreg [dreg:$0x0]  }
0x2: {  	s0 =	rddreg [dreg:$0x1];
	_ =	strace $0x80000050  }
0x3: {  	s4 =	stileid.u32;
	s5 =	simm.s32 $0x3E;
	s1 =	sadd.s32 $0x1F600, s2  }
0x4: {  	p0 =	sne.s32 s4, $0x0;
	[sflag:s5] =	ssyncpa.u1 $0x0;
	s29 =	smin.u32 s4, $0x8  }
0x5: {  	s30 =	sshll.u32 s4, $0x1;
	s3 =	simm.s32 @!p0 $0x1C3E;
	s6 =	simm.s32 @!p0 $0x0  }
0x6: {  	[spmem:s6], [sflag:s3] =	dma.local @!p0 [hbm:s1], $0xA000  }
0x7: {  	s3 =	sadd.s32 s29, s30  }
0x8: {  	p1 =	slt.u32 s4, $0x8;
	s4 =	simm.s32 $0x5DC0;
	s3 =	smul.u32 $0x1F40, s3  }
0x9: {  	s4 =	simm.s32 @!p1 $0x3E80  }
0xa: {  	s4 =	sadd.s32 s4, s3  }
0xb: {  	s4 =	smin.u32 s4, $0x4E200  }
0xc: {  	s7 =	ssub.s32 s4, s3  }
0xd: {  	p1 =	sgt.s32 s7, $0x0  }
0xe: {  	s7 =	simm.s32 @!p1 $0x0  }
0xf: {  	s6 =	simm.s32 @!p0 $0x3E;
	s31 =	smulhi.u32 $0x10624DD3, s7  }
0x10: {  	_ =	swait.ge @!p0 [sflag:s6], $0xA000  }
0x11: {  	[sflag:s6] =	ssyncset.done @!p0 $0x0;
	s8 =	sshrl.u32 s31, $0x9  }
0x12: {  	s11 =	simm.s32 $0x0;
	[sflag:s6] =	ssyncadd.s32 @!p0 $0xFFFF6000;
	s9 =	smul.u32 $0x1F40, s8  }
.Ltmp0:
0x13: {  	s6 =	simm.s32 $0x2;
	[bflag:$0x0] =	sbarrier.arrive $0xFFFF;
	(pc) =	sbr.rel .LBB2_1-.Ltmp0, $4  }
0x14: {  	s10 =	smov.u32 s3;
	[sflag:s5] =	ssyncpa.u1 $0x1;
	s5 =	simm.s32 $0x1  }
0x15: {  	[sflag:s5] =	ssyncpa.u1 $0x0;
	p1 =	sne.s32 s7, s9;
	s9 =	simm.s32 $0x1  }
0x16: {  	(ifvalue) =	ssetifvalue $0x50000;
	[sflag:s6] =	ssyncpa.u1 $0x0;
	s9 =	simm.s32 @!p1 $0x0  }
0x17: {  	vm0 =	vmmov $0xffff;
	s7 =	sadd.s32 $0x13C00, s2;
	s8 =	sadd.s32 s9, s8;
	s9 =	simm.s32 $0x0  }
.LBB2_5:
0x18: {  	p2 =	sne.s32 s11, s8  }
.Ltmp1:
0x19: {  	_ = 	snop;
	(pc) =	sbr.rel @!p2 .LBB2_6-.Ltmp1, $4  }
0x1a: {  	_ = 	snop  }
0x1b: {  	s12 =	sadd.s32 $0x1F40, s10  }
0x1c: {  	s10 =	smov.u32 s3;
	s13 =	sadd.s32 $0x1, s11;
	p1 =	slt.s32 s12, s4  }
0x1d: {  	s11 =	smov.u32 s13;
	s10 =	smov.u32 @p1 s12  }
.LBB2_1:
0x1e: {  	p1 =	sge.u32 s11, s8  }
0x1f: {  	s12 =	sxor.u32 @!p1 $0xFFFFFFFF, s11  }
0x20: {  	s12 =	sand.u32 @!p1 $0x1, s12  }
0x21: {  	s12 =	smul.u32 @!p1 $0x1F40, s12  }
0x22: {  	s13 =	sshrl.u32 @!p1 s10, $0x3  }
0x23: {  	s16 =	sand.u32 @!p1 $0x7, s10;
	s14 =	sadd.s32 @!p1 s7, s13;
	s15 =	sadd.s32 @!p1 $0x5000, s12  }
0x24: {  	[tilespmem:s15], [sflag:$0x2] =	stream.linear.gather @!p1 [hbm4b:s14+s16], $0x1F40, $0x38;
	[tilespmem:$0xCD00] =	vst v63  }
0x25: {  	s13 =	sadd.s32 @!p1 s2, s13;
	s12 =	sadd.s32 @!p1 $0x8E80, s12  }
0x26: {  	[tilespmem:s12], [sflag:$0x2] =	stream.linear.gather @!p1 [hbm4b:s13+s16], $0x1F40, $0x38;
	[tilespmem:$0xCD00] =	vst v63  }
0x27: {  	p1 =	seq.s32 s11, $0x0  }
.Ltmp2:
0x28: {  	_ = 	snop;
	(pc) =	sbr.rel @p1 .LBB2_5-.Ltmp2, $1  }
0x29: {  	_ =	sdelay $0x3  }
0x2a: {  	s12 =	sand.u32 $0x1, s11  }
0x2b: {  	_ =	swait.ge [sflag:s6], $0x3E80;
	p1 =	seq.s32 s12, $0x1;
	s12 =	simm.s32 $0x1F40  }
0x2c: {  	[sflag:s6] =	ssyncset.done $0x0;
	s12 =	simm.s32 @!p1 $0x0  }
0x2d: {  	[sflag:s6] =	ssyncadd.s32 $0xFFFFC180;
	s14 =	sadd.s32 $0x5000, s12  }
0x2e: {  	v0 =	vld.msk [tilespmem:s14+$0x0 ss:$0x1], $0xffff;
	_ =	sdelay $0x4  }
0x2f: {  	v0 =	vmin.u32 v0, $0x50000;
	_ =	sdelay $0x3  }
0x30: {  	s13 =	simm.s32 $0x0;
	s12 =	sadd.s32 $0x8E80, s12;
	s14 =	sadd.s32 $0x10, s14  }
0x31: {  	[spmem:s9] =	stream.indirect_vreg.scatter.add.s32 [tilespmem:s12], [sflag:$0x1], $0x1, v0, vm0, $0x4038;
	[tilespmem:$0xCD00] =	vst v63  }
.LBB2_3:
0x32: {  	v0 =	vld.msk [tilespmem:s14+$0x0 ss:$0x1], $0xffff;
	s13 =	sadd.s32 $0x10, s13  }
0x33: {  	p1 =	slt.u32 s13, $0x1F30;
	_ =	sdelay $0x4  }
0x34: {  	v0 =	vmin.u32 v0, $0x50000  }
.Ltmp3:
0x35: {  	(pc) =	sbr.rel @p1 .LBB2_3-.Ltmp3, $3  }
0x36: {  	_ =	sdelay $0x1  }
0x37: {  	s14 =	sadd.s32 $0x10, s14;
	s12 =	sadd.s32 $0x10, s12  }
0x38: {  	[spmem:s9] =	stream.indirect_vreg.scatter.add.s32 [tilespmem:s12], [sflag:$0x1], $0x1, v0, vm0, $0x4038;
	[tilespmem:$0xCD00] =	vst v63  }
.Ltmp4:
0x39: {  	(pc) =	sbr.rel .LBB2_5-.Ltmp4, $4  }
0x3a: {  	_ = 	snop  }
0x3b: {  	_ =	swait.ge [sflag:s5], $0x1F40  }
0x3c: {  	[sflag:s5] =	ssyncset.done $0x0  }
0x3d: {  	[sflag:s5] =	ssyncadd.s32 $0xFFFFE0C0  }
.LBB2_6:
0x3e: {  	_ =	sfence.sel $0x180000  }
0x3f: {  	s2 =	simm.s32 $0x2;
	[bflag:$0x0] =	sbarrier.arrive $0xFFFF  }
0x40: {  	s30 =	simm.s32 $0x1;
	[sflag:s2] =	ssyncpa.u1 $0x1  }
0x41: {  	[sflag:s30] =	ssyncpa.u1 $0x1  }
0x42: {  	_ =	sfence.stream.spmem  }
0x43: {  	s31 =	simm.s32 $0x3D;
	[bflag:$0x0] =	sbarrier.arrive $0xFFFF  }
0x44: {  	s2 =	simm.s32 @p0 $0x3D;
	[sflag:s31] =	ssyncpa.u1 $0x0  }
0x45: {  	[sflag:s2] =	ssyncpa.u1 @p0 $0x1  }
0x46: {  	[bflag:$0x0] =	sbarrier.arrive @p0 $0xFFFF  }
0x47: {  	_ =	strace @p0 $0x90000050  }
0x48: {  	s3 =	simm.s32 @!p0 $0x1C3D;
	s2 =	simm.s32 @!p0 $0x0;
	[bflag:$0x2] =	sbarrier.arrive @p0 $0xFFFF  }
0x49: {  	[hbm:s1], [sflag:s3] =	dma.local @!p0 [spmem:s2], $0xA000  }
0x4a: {  	s1 =	simm.s32 @!p0 $0x3D  }
0x4b: {  	_ =	swait.ge @!p0 [sflag:s1], $0xA000  }
0x4c: {  	[sflag:s1] =	ssyncset.done @!p0 $0x0  }
0x4d: {  	[sflag:s1] =	ssyncadd.s32 @!p0 $0xFFFF6000  }
0x4e: {  	[sflag:s1] =	ssyncpa.u1 @!p0 $0x1  }
0x4f: {  	[bflag:$0x0] =	sbarrier.arrive @!p0 $0xFFFF  }
0x50: {  	_ =	strace @!p0 $0x90000050  }
0x51: {  	s0 =	sadd.s32 @!p0 $0x100000, s0;
	[bflag:$0x2] =	sbarrier.arrive @!p0 $0xFFFF  }
0x52: {  	[sflag:s0] =	ssyncadd.tile.s32 @!p0 $0x1;
	_ =	shalt  }
.Lfunc_end2:
_tile_overlayer_lowered:
.L_overlay_start_2:
0x53: {  	(tag) =	ssettag $0x2  }
0x54: {  	s0 =	rddreg [dreg:$0x0];
	s2 =	stileid.u32  }
0x55: {  	s1 =	rddreg [dreg:$0x1];
	p0 =	sne.s32 s2, $0x0  }
0x56: {  	s3 =	rddreg [dreg:$0x2];
	[bflag:$0x3] =	sbarrier.arrive $0xFFFF;
	s2 =	simm.s32 @!p0 $0x1C01  }
0x57: {  	[timem:s3], [sflag:s2] =	dma.local @!p0 [hbm:s0], s1  }
0x58: {  	s0 =	simm.s32 @!p0 $0x1  }
0x59: {  	_ =	swait.ge @!p0 [sflag:s0], s1  }
0x5a: {  	s1 =	ssub.s32 @!p0 $0x0, s1;
	[sflag:s0] =	ssyncset.done @!p0 $0x0  }
0x5b: {  	[sflag:s0] =	ssyncadd.s32 @!p0 s1  }
0x5c: {  	[bflag:$0x3] =	sbarrier.arrive $0xFFFF  }
0x5d: {  	_ =	shalt  }

// kernel: scatter_offload_async_start.2
scs
__scs_entry_jumppad:
0x0: {  	(pc) =	sbr.rel $0x88, $3  }
0x1: {  	(tag) =	ssettag $0x0;
	lr =	simm.s32 $0x1  }
0x2: {  	[smem:$0x3F81] =	sst lr;
	_ =	strace $0xD0000000  }
0x3: {  	_ = 	snop  }
0x4: {  	_ = 	snop  }
0x5: {  	_ = 	snop  }
0x6: {  	_ = 	snop  }
0x7: {  	_ = 	snop  }
__scs_overlays_trampoline_lowered:
0x8: {  	[smem:$0x3F90] =	sst s0  }
0x9: {  	[smem:$0x3F91] =	sst s1  }
0xa: {  	[smem:$0x3F92] =	sst s2  }
0xb: {  	[smem:$0x3F93] =	sst s3  }
0xc: {  	[smem:$0x3F94] =	sst s4  }
0xd: {  	[smem:$0x3F95] =	sst s5  }
0xe: {  	[smem:$0x3F96] =	sst s6  }
0xf: {  	[smem:$0x3F97] =	sst s7  }
0x10: {  	[smem:$0x3F98] =	sst s8  }
0x11: {  	[smem:$0x3F99] =	sst s9;
	s0 =	simm.s32 @!p0 $0x0  }
0x12: {  	s1 =	sld [smem:$0x3F7F];
	s0 =	simm.s32 @p0 $0x1  }
0x13: {  	[smem:$0x3F9A] =	sst s0;
	s0 =	simm.s32 @!p1 $0x0  }
0x14: {  	s2 =	sld [smem:$0x3F7E];
	s0 =	simm.s32 @p1 $0x1  }
0x15: {  	[smem:$0x3F9B] =	sst s0;
	s0 =	simm.s32 @!p2 $0x0  }
0x16: {  	s3 =	sld [smem:$0x3FDB];
	s0 =	simm.s32 @p2 $0x1  }
0x17: {  	s4 =	simm.s32 $0x1BF5;
	[smem:$0x3F9D] =	sst s0  }
0x18: {  	s0 =	sld [smem:$0x3F80];
	_ =	swait.ge [sflag:s4], $0x0  }
0x19: {  	s7 =	sld [smem:$0x3F81]  }
0x1a: {  	s8 =	sadd.s32 $0xFFFFE003, lr  }
0x1b: {  	s9 =	sadd.s32 $0xFFFFFEF7, lr;
	s5 =	simm.s32 $0xFFFFFFFF;
	p2 =	slt.u32 s8, $0xFFFFF086  }
0x1c: {  	p1 =	slt.u32 s9, $0xF7A;
	s5 =	simm.s32 @!p2 $0x0  }
0x1d: {  	s5 =	simm.s32 @p1 $0x1;
	p0 =	seq.s32 s7, s2  }
0x1e: {  	s7 =	smul.u32 @!p0 $0xF7A, s2;
	p2 =	seq.s32 @!p0 s5, $0x0  }
0x1f: {  	s9 =	smul.u32 $0xF7A, s1;
	s8 =	simm.s32 @!p0 $0x1BF5;
	p2 =	por !p2, p0  }
0x20: {  	[sflag:s8] =	ssyncset.s32 @!p0 $0xFFFFF086;
	s6 =	sadd.s32 @!p0 s3, s7;
	s7 =	simm.s32 @!p0 $0x108  }
0x21: {  	s3 =	sadd.s32 s3, s9;
	s6 =	sadd.s32 @!p0 $0x88, s6;
	s7 =	simm.s32 @p2 $0x1082  }
0x22: {  	[simem:s7], [sflag:s8] =	dma.local @!p0 [hbm:s6], $0xF7A  }
0x23: {  	s9 =	sor.u32 $0xD0000000, s2;
	s6 =	simm.s32 $0x108;
	_ =	swait.ge @!p0 [sflag:s8], $0x0  }
0x24: {  	s3 =	sadd.s32 $0x88, s3;
	s6 =	simm.s32 @!p1 $0x1082;
	[sflag:s4] =	ssyncset.s32 $0xFFFFF086  }
0x25: {  	[simem:s6], [sflag:s4] =	dma.local [hbm:s3], $0xF7A  }
0x26: {  	[smem:$0x3F81] =	sst s1;
	(tag) =	ssettag s2;
	_ =	strace s9  }
0x27: {  	s1 =	sld [smem:$0x3F91]  }
0x28: {  	s2 =	sld [smem:$0x3F92]  }
0x29: {  	s4 =	sld [smem:$0x3F94]  }
0x2a: {  	p0 =	seq.s32 s5, $0x0;
	s5 =	sld [smem:$0x3F95]  }
0x2b: {  	s6 =	sld [smem:$0x3F96]  }
0x2c: {  	s7 =	sld [smem:$0x3F97]  }
0x2d: {  	s3 =	simm.s32 $0x108;
	s8 =	sld [smem:$0x3F98]  }
0x2e: {  	s3 =	simm.s32 @!p0 $0x1082;
	s9 =	sld [smem:$0x3F99]  }
0x2f: {  	lr =	sadd.s32 s0, s3;
	s0 =	sld [smem:$0x3F90]  }
0x30: {  	s3 =	sld [smem:$0x3F93]  }
0x31: {  	[smem:$0x3F9C] =	sst s10  }
0x32: {  	s10 =	sld [smem:$0x3F9A];
	_ =	sdelay $0x3  }
0x33: {  	p0 =	seq.s32 s10, $0x1;
	s10 =	sld [smem:$0x3F9C];
	_ =	sdelay $0x3  }
0x34: {  	[smem:$0x3F9C] =	sst s10  }
0x35: {  	s10 =	sld [smem:$0x3F9B];
	_ =	sdelay $0x3  }
0x36: {  	p1 =	seq.s32 s10, $0x1;
	s10 =	sld [smem:$0x3F9C];
	_ =	sdelay $0x3  }
0x37: {  	[smem:$0x3F9C] =	sst s10  }
0x38: {  	s10 =	sld [smem:$0x3F9D]  }
0x39: {  	_ = 	snop;
	(pc) =	sbr.ind lr, $3  }
0x3a: {  	_ = 	snop  }
0x3b: {  	_ = 	snop  }
0x3c: {  	p2 =	seq.s32 s10, $0x1;
	s10 =	sld [smem:$0x3F9C]  }
0x3d: {  	_ =	shalt  }
0x3e: {  	_ =	shalt  }
0x3f: {  	_ =	shalt  }
0x40: {  	_ =	shalt  }
0x41: {  	_ =	shalt  }
0x42: {  	_ =	shalt  }
0x43: {  	_ =	shalt  }
0x44: {  	_ =	shalt  }
0x45: {  	_ =	shalt  }
0x46: {  	_ =	shalt  }
0x47: {  	_ =	shalt  }
0x48: {  	_ =	shalt  }
0x49: {  	_ =	shalt  }
0x4a: {  	_ =	shalt  }
0x4b: {  	_ =	shalt  }
0x4c: {  	_ =	shalt  }
0x4d: {  	_ =	shalt  }
0x4e: {  	_ =	shalt  }
0x4f: {  	_ =	shalt  }
0x50: {  	_ =	shalt  }
0x51: {  	_ =	shalt  }
0x52: {  	_ =	shalt  }
0x53: {  	_ =	shalt  }
0x54: {  	_ =	shalt  }
0x55: {  	_ =	shalt  }
0x56: {  	_ =	shalt  }
0x57: {  	_ =	shalt  }
0x58: {  	_ =	shalt  }
0x59: {  	_ =	shalt  }
0x5a: {  	_ =	shalt  }
0x5b: {  	_ =	shalt  }
0x5c: {  	_ =	shalt  }
0x5d: {  	_ =	shalt  }
0x5e: {  	_ =	shalt  }
0x5f: {  	_ =	shalt  }
0x60: {  	_ =	shalt  }
0x61: {  	_ =	shalt  }
0x62: {  	_ =	shalt  }
0x63: {  	_ =	shalt  }
0x64: {  	_ =	shalt  }
0x65: {  	_ =	shalt  }
0x66: {  	_ =	shalt  }
0x67: {  	_ =	shalt  }
0x68: {  	_ =	shalt  }
0x69: {  	_ =	shalt  }
0x6a: {  	_ =	shalt  }
0x6b: {  	_ =	shalt  }
0x6c: {  	_ =	shalt  }
0x6d: {  	_ =	shalt  }
0x6e: {  	_ =	shalt  }
0x6f: {  	_ =	shalt  }
0x70: {  	_ =	shalt  }
0x71: {  	_ =	shalt  }
0x72: {  	_ =	shalt  }
0x73: {  	_ =	shalt  }
0x74: {  	_ =	shalt  }
0x75: {  	_ =	shalt  }
0x76: {  	_ =	shalt  }
0x77: {  	_ =	shalt  }
0x78: {  	_ =	shalt  }
0x79: {  	_ =	shalt  }
0x7a: {  	_ =	shalt  }
0x7b: {  	_ =	shalt  }
0x7c: {  	_ =	shalt  }
0x7d: {  	_ =	shalt  }
0x7e: {  	_ =	shalt  }
0x7f: {  	_ =	shalt  }
0x80: {  	_ =	shalt  }
0x81: {  	_ =	shalt  }
0x82: {  	_ =	shalt  }
0x83: {  	_ =	shalt  }
0x84: {  	_ =	shalt  }
0x85: {  	_ =	shalt  }
0x86: {  	_ =	shalt  }
0x87: {  	_ =	shalt  }
.Lfunc_end0:
.L_simem_size_0:
called_computation.2_lowered:
.L_overlay_start_0:
0x88: {  	s0 =	sld [smem:$0x3FD9]  }
0x89: {  	s1 =	sld [smem:$0x3FFE];
	_ =	sdelay $0x3  }
0x8a: {  	s0 =	sadd.s32 s1, s0  }
0x8b: {  	[smem:$0x3FA8] =	sst s0  }
0x8c: {  	_ = 	snop  }
0x8d: {  	s0 =	sld [smem:$0x3FD0];
	_ =	sdelay $0x2  }
0x8e: {  	s13 =	simm.s32 $0xB;
	s2 =	simm.s32 $0x10  }
0x8f: {  	[smem:s2], [sflag:s13] =	dma.local [hbm:s0], $0x1  }
0x90: {  	_ =	swait.eq [sflag:s13], $0x1  }
0x91: {  	[sflag:s13] =	ssyncset.done $0x0  }
0x92: {  	s14 =	sld [smem:$0x11];
	[sflag:s13] =	ssyncadd.s32 $0xFFFFFFFF  }
0x93: {  	s15 =	sld [smem:$0x12];
	(tm) =	ssettm $0x1  }
0x94: {  	s16 =	sld [smem:$0x3FFB];
	_ =	sdelay $0x3  }
0x95: {  	_ =	strace s16  }
0x96: {  	s2 =	sld [smem:$0x3FFC];
	_ =	sdelay $0x3  }
0x97: {  	_ =	strace s2  }
0x98: {  	s2 =	sld [smem:$0x3FFD];
	_ =	sdelay $0x3  }
0x99: {  	_ =	strace s2  }
0x9a: {  	_ =	strace $0x8FFFFFFF  }
0x9b: {  	s17 =	sld [smem:$0x3FDB];
	_ =	sdelay $0x1  }
0x9c: {  	s3 =	simm.s32 $_scs_section_size  }
0x9d: {  	s4 =	simm.s32 $_size__tile_overlayer_lowered;
	s5 =	simm.s32 $_tile_overlayer_lowered  }
0x9e: {  	s20 =	simm.s32 $0x1BFF;
	s19 =	sshll.u32 s5, $0x1;
	s2 =	sadd.s32 s3, s17  }
0x9f: {  	s6 =	simm.s32 $0x0;
	s18 =	sshll.u32 s4, $0x1;
	s4 =	sadd.s32 s19, s2  }
0xa0: {  	[timem:s6], [sflag:s20] =	dma.local [hbm:s4], s18  }
0xa1: {  	_ =	swait.ge [sflag:s20], s18  }
0xa2: {  	s3 =	ssub.s32 $0x0, s18;
	[sflag:s20] =	ssyncset.done $0x0  }
0xa3: {  	[sflag:s20] =	ssyncadd.s32 s3;
	_ =	sdelay $0x1  }
0xa4: {  	s21 =	simm.s32 $0x1B8B  }
0xa5: {  	_ =	swait.ge [sflag:s21], $0x1  }
0xa6: {  	[sflag:s21] =	ssyncset.done $0x0  }
0xa7: {  	s23 =	simm.s32 $0x1B8E;
	s22 =	sld [smem:$0x3FFE];
	[sflag:s21] =	ssyncadd.s32 $0xFFFFFFFF  }
0xa8: {  	s24 =	simm.s32 $execute0_lowered;
	[smem:$0x3FD2] =	sst s23  }
0xa9: {  	s4 =	sshll.u32 s24, $0x1;
	_ =	strace $0x80000055;
	[dreg:$0x1] =	wrdreg $0xFFFFFFFF  }
0xaa: {  	s25 =	simm.s32 $_size_execute0_lowered;
	s2 =	sadd.s32 s2, s4;
	[dreg:$0x0] =	wrdreg $0x0  }
0xab: {  	s4 =	sshll.u32 s25, $0x1;
	[dreg:$0x2] =	wrdreg s2  }
0xac: {  	[dreg:$0x3] =	wrdreg s4  }
0xad: {  	[dreg:$0x4] =	wrdreg $0xC0  }
0xae: {  	_ =	task [dreg:s6], $0x5FFFF  }
0xaf: {  	[dreg:$0x1] =	wrdreg $0xFFFFFFFF  }
0xb0: {  	[dreg:$0x0] =	wrdreg $0x60  }
0xb1: {  	[dreg:$0x2] =	wrdreg s22  }
0xb2: {  	[dreg:$0x3] =	wrdreg s15  }
0xb3: {  	[dreg:$0x4] =	wrdreg s14  }
0xb4: {  	[dreg:$0x5] =	wrdreg $0x9  }
0xb5: {  	_ =	task.clear_ibuf [dreg:s6], $0x6FFFF;
	_ =	strace $0x90000055  }
0xb6: {  	s26 =	simm.s32 $0x9;
	_ =	strace $0x80000057  }
0xb7: {  	_ =	swait.ge [sflag:s26], $0x1  }
0xb8: {  	[sflag:s26] =	ssyncadd.s32 $0xFFFFFFFF  }
0xb9: {  	_ =	strace $0x90000057  }
0xba: {  	_ =	sfence  }
0xbb: {  	s28 =	sld [smem:$0x0];
	_ =	sdelay $0x1  }
0xbc: {  	s29 =	srdreg.scid  }
0xbd: {  	s30 =	sshll.u32 s29, $0xD;
	s31 =	sshrl.u32 s29, $0x2  }
0xbe: {  	s1 =	sand.u32 $0x1, s29;
	s2 =	sand.u32 $0x4000, s30;
	s0 =	sadd.s32 s31, s28  }
0xbf: {  	s1 =	sor.u32 s2, s1;
	s0 =	sshll.u32 s0, $0x11  }
0xc0: {  	s0 =	sor.u32 s0, s1  }
0xc1: {  	s0 =	sadd.s32 $0x8F2B, s0  }
0xc2: {  	[sflag:s0] =	ssyncadd.remote.s32 $0x1  }
0xc3: {  	_ =	sfence.sel $0xFFFF  }
0xc4: {  	[dreg:$0x0] =	wrdreg $0xFFFFFFFF;
	(pc) =	sbr.abs _section_cstart, $3  }
0xc5: {  	[dreg:$0x1] =	wrdreg $0xFFFFFFFF  }
0xc6: {  	_ =	task.clear_ibuf [dreg:s6], $0x2FFFF;
	_ =	strace $0x9FFFFFFF  }
0xc7: {  	(tm) =	ssettm $0x7FFFFFFF  }
tec
execute0_lowered:
.L_overlay_start_1:
0x0: {  	(tag) =	ssettag $0x1  }
0x1: {  	s0 =	rddreg [dreg:$0x0];
	s14 =	stileid.u32  }
0x2: {  	s3 =	rddreg [dreg:$0x1];
	_ =	strace $0x80000056;
	s1 =	smin.u32 s14, $0x9  }
0x3: {  	s2 =	simm.s32 $0x1;
	p0 =	slt.u32 s14, $0x9;
	s1 =	sadd.s32 s14, s1  }
0x4: {  	v1 =	vimm.s32 $0xFFFFFFFF;
	[sflag:s2] =	ssyncpa.u1 $0x0;
	s5 =	smul.u32 $0x190, s1;
	s1 =	simm.s32 $0x320  }
0x5: {  	[tilespmem:$0x10] =	vst v1;
	s1 =	simm.s32 @!p0 $0x190  }
0x6: {  	v0 =	vimm.f32 $0.0e+00;
	[tilespmem:$0x20] =	vst v1;
	s1 =	sadd.s32 s1, s5  }
0x7: {  	[tilespmem:$0x30] =	vst v0;
	s6 =	smin.u32 s1, $0x2710  }
0x8: {  	[tilespmem:$0x40] =	vst v0;
	s4 =	ssub.s32 s6, s5  }
0x9: {  	[tilespmem:$0x50] =	vst v0;
	p0 =	sgt.s32 s4, $0x0  }
0xa: {  	s7 =	simm.s32 $0x2;
	[tilespmem:$0x60] =	vst v1;
	s4 =	simm.s32 @!p0 $0x0  }
0xb: {  	s8 =	simm.s32 $0x8;
	s31 =	simm.s32 $0x9;
	[tilespmem:$0x70] =	vst v1;
	s30 =	sand.u32 $0xFFF0, s4  }
0xc: {  	s16 =	simm.s32 $0x0;
	s17 =	simm.s32 $0xF0;
	[tilespmem:$0x80] =	vst v1;
	s1 =	sshrl.u32 s30, $0x4  }
0xd: {  	s18 =	simm.s32 $0xFFFFFFFF;
	s19 =	simm.s32 $0xFFFFFDE0;
	v1 =	vimm.s32 $0x0;
	[tilespmem:$0xB0] =	vst v0;
	s1 =	smul.u32 $0xA3E, s1  }
0xe: {  	s20 =	simm.s32 $0xFFFFFFFE;
	s21 =	simm.s32 $0xF;
	s25 =	simm.s32 $0x0;
	[tilespmem:$0x90] =	vst v1  }
0xf: {  	[tilespmem:$0xA0] =	vst v1;
	[sflag:s7] =	ssyncpa.u1 $0x0;
	s7 =	simm.s32 $0x7;
	s9 =	sshrl.u32 s1, $0x10  }
0x10: {  	s24 =	simm.s32 $0x0;
	[sflag:s7] =	ssyncpa.u1 $0x0;
	s10 =	smul.u32 $0x190, s9  }
.Ltmp0:
0x11: {  	[sflag:s8] =	ssyncpa.u1 $0x0;
	s23 =	smov.u32 s5;
	(pc) =	sbr.rel .LBB2_1-.Ltmp0, $4  }
0x12: {  	[sflag:s31] =	ssyncpa.u1 $0x0;
	s1 =	sadd.s32 $0x1DE00, s0;
	p0 =	sne.s32 s4, s10  }
0x13: {  	s10 =	sshll.u32 s14, $0x1;
	s14 =	sshllo.u32 s14, $0x1;
	s2 =	simm.s32 @!p0 $0x0  }
0x14: {  	vm0 =	vmmov $0xffff;
	v2 =	vlaneseq.u32;
	s13 =	sor.u32 $0x81, s10;
	s15 =	sor.u32 $0x80, s10;
	s9 =	sadd.s32 s9, s2  }
0x15: {  	vm1 =	vmxor vm1, vm1;
	vm2 =	vmmov $0x1;
	vm3 =	vcmask $0x3F3C;
	p0 =	por $0x0, $0x0;
	s11 =	sadd.s32 $0x1, s9;
	s12 =	sadd.s32 $0x2, s9  }
.LBB2_9:
0x16: {  	p1 =	slt.u32 s24, $0x3  }
0x17: {  	s0 =	simm.s32 @!p1 $0x2  }
0x18: {  	_ =	swait.ge @!p1 [sflag:s0], $0x190  }
0x19: {  	[sflag:s0] =	ssyncset.done @!p1 $0x0  }
0x1a: {  	[sflag:s0] =	ssyncadd.s32 @!p1 $0xFFFFFE70;
	s0 =	simm.s32 @!p1 $0x9  }
0x1b: {  	_ =	swait.ge @!p1 [sflag:s0], $0x10  }
0x1c: {  	[sflag:s0] =	ssyncset.done @!p1 $0x0  }
0x1d: {  	[sflag:s0] =	ssyncadd.s32 @!p1 $0xFFFFFFF0;
	p1 =	sne.s32 s24, s12  }
.Ltmp1:
0x1e: {  	s2 =	sadd.s32 $0x190, s23;
	(pc) =	sbr.rel @!p1 .LBB2_10-.Ltmp1, $4  }
0x1f: {  	s4 =	smov.u32 s5;
	s31 =	sadd.s32 $0x1, s24;
	s17 =	sadd.s32 $0x190, s17  }
0x20: {  	s18 =	sadd.s32 $0x1, s18;
	s25 =	smov.u32 s23;
	p2 =	slt.s32 s2, s6  }
0x21: {  	p0 =	por !p0, !p0;
	s19 =	sadd.s32 $0x190, s19;
	s4 =	smov.u32 @p2 s2  }
0x22: {  	s20 =	sadd.s32 $0x1, s20;
	s23 =	smov.u32 s4;
	s24 =	smov.u32 s31  }
.LBB2_1:
0x23: {  	p1 =	sge.u32 s24, s9  }
0x24: {  	s0 =	smulhi.u32 @!p1 $0xAAAAAAAB, s24;
	_ =	sdelay $0x1  }
0x25: {  	s0 =	sshrl.u32 @!p1 s0, $0x1  }
0x26: {  	s0 =	smul.u32 @!p1 $0x3, s0;
	_ =	sdelay $0x1  }
0x27: {  	s0 =	ssub.s32 @!p1 s24, s0  }
0x28: {  	s0 =	smul.u32 @!p1 $0x640, s0;
	_ =	sdelay $0x1  }
0x29: {  	s2 =	sshrl.u32 @!p1 s23, $0x3;
	s0 =	sshrl.u32 @!p1 s0, $0x2  }
0x2a: {  	s4 =	sand.u32 @!p1 $0x7, s23;
	s2 =	sadd.s32 @!p1 s3, s2;
	s0 =	sadd.s32 @!p1 $0x100, s0  }
0x2b: {  	[tilespmem:s0], [sflag:$0x7] =	stream.linear.gather @!p1 [hbm4b:s2+s4], $0x190, $0x38;
	[tilespmem:$0xF30] =	vst v63  }
0x2c: {  	s0 =	sadd.s32 $0xFFFFFFFF, s24  }
0x2d: {  	p1 =	sge.u32 s0, s9  }
.Ltmp2:
0x2e: {  	_ = 	snop;
	(pc) =	sbr.rel @p1 .LBB2_5-.Ltmp2, $1  }
0x2f: {  	_ =	sdelay $0x3  }
0x30: {  	s2 =	smulhi.u32 $0xAAAAAAAB, s0;
	_ =	sdelay $0x1  }
0x31: {  	s2 =	sshrl.u32 s2, $0x1  }
0x32: {  	s2 =	smul.u32 $0x3, s2;
	_ =	sdelay $0x1  }
0x33: {  	s2 =	ssub.s32 s0, s2  }
0x34: {  	s2 =	smul.u32 $0x640, s2  }
0x35: {  	_ =	swait.ge [sflag:s7], $0x190  }
0x36: {  	[sflag:s7] =	ssyncset.done $0x0;
	s2 =	sshrl.u32 s2, $0x2  }
0x37: {  	[sflag:s7] =	ssyncadd.s32 $0xFFFFFE70;
	(ifvalue) =	ssetifvalue $0xFFFFFFFF;
	v3 =	vld.msk [tilespmem:s2+$0x100 ss:$0x1], $0xffff;
	_ =	sdelay $0x2  }
0x38: {  	s30 =	smulhi.u32 $0xAAAAAAAB, s18;
	p1 =	sne.s32 s24, $0x1  }
0x39: {  	v4 =	vimm.s32 @!p1 $0x0  }
0x3a: {  	s2 =	sshrl.u32 s30, $0x1;
	v4 =	vperm.xlane @!p1 v3, v4  }
0x3b: {  	s4 =	sshll.u32 s24, $0x4;
	s2 =	smul.u32 $0xFFFFED40, s2;
	vm4 =	vlt.u32 v3, $0x80  }
0x3c: {  	s4 =	sand.u32 $0x10, s4;
	v3 =	vnsel vm4, $0xFFFFFFFE, v3;
	vm4 =	vlt.u32 @!p1 v4, $0x80  }
0x3d: {  	s2 =	sshra.s32 s2, $0x2;
	[tilespmem:s4+$0x60] =	vst v3;
	v3 =	vnsel @!p1 vm4, $0xFFFFFFFE, v4  }
0x3e: {  	s28 =	sadd.s32 s2, s17;
	[tilespmem:$0x80] =	vst @!p1 v3  }
0x3f: {  	v3 =	vld.msk [tilespmem:s28+$0x0 ss:$0x1], $0xffff;
	_ =	sdelay $0x4  }
0x40: {  	(xrf1) =	vunique.msk.u32 $0xffff, v3;
	_ =	sdelay $0xd  }
0x41: {  	v4 =	vimm.s32 $0xFFFFFFFF;
	v5, _, _ =	vpop (xrf1)  }
0x42: {  	vm5 =	vne.s32 v3, v4;
	vm4 =	veq.s32 v5, v2  }
0x43: {  	vm6 =	vlt.u32 v3, $0x80;
	vm4 =	vmand vm5, vm4  }
0x44: {  	vm4 =	vmand vm6, vm4  }
0x45: {  	v4 =	vnsel vm4, $0xFFFFFFFF, v3  }
0x46: {  	s31 =	sand.u32 $0x1, s0  }
0x47: {  	s0 =	simm.s32 $0x190;
	p1 =	seq.s32 s31, $0x1  }
0x48: {  	s0 =	simm.s32 @!p1 $0x0  }
0x49: {  	s26 =	sadd.s32 $0x730, s0;
	(ifvalue) =	ssetifvalue $0xFFFFFFFF  }
0x4a: {  	v3 =	vperm.xlane v3, v1;
	[tilespmem:s26], [sflag:$0x8] =	stream.indirect_vreg.gather [hbm4b:s1+s16], $0x1, v4, vm0, $0x4038;
	v4 =	vnsel vm6, $0xFFFFFFFE, v4;
	[tilespmem:$0xF30] =	vst v63  }
0x4b: {  	s2 =	simm.s32 $0x0;
	s4 =	sadd.s32 $0xFFFFFFF0, s28;
	[tilespmem:s28+$0x0] =	vst v4  }
.LBB2_3:
0x4c: {  	v4 =	vld.msk [tilespmem:s4+$0x0 ss:$0x1], $0xffff;
	s2 =	sadd.s32 $0x10, s2;
	v5 =	vmov v3;
	s28 =	smov.u32 s4  }
0x4d: {  	p1 =	slt.u32 s2, $0x180;
	_ =	sdelay $0x4  }
0x4e: {  	v3 =	vperm.xlane v4, v1;
	(xrf1) =	vunique.msk.u32 $0xffff, v4;
	_ =	sdelay $0xd  }
0x4f: {  	v6, _, _ =	vpop (xrf1)  }
0x50: {  	vm5 =	vne.s32 v4, v5;
	vm4 =	veq.s32 v6, v2  }
0x51: {  	vm6 =	vlt.u32 v4, $0x80;
	vm4 =	vmand vm5, vm4  }
0x52: {  	vm4 =	vmand vm6, vm4  }
0x53: {  	v4 =	vnsel vm4, $0xFFFFFFFF, v4  }
.Ltmp3:
0x54: {  	v5 =	vnsel vm6, $0xFFFFFFFE, v4;
	(pc) =	sbr.rel @p1 .LBB2_3-.Ltmp3, $3  }
0x55: {  	_ =	sdelay $0x1  }
0x56: {  	s4 =	sadd.s32 $0xFFFFFFF0, s4;
	s26 =	sadd.s32 $0xFFFFFFF0, s26;
	(ifvalue) =	ssetifvalue $0xFFFFFFFF  }
0x57: {  	[tilespmem:s26], [sflag:$0x8] =	stream.indirect_vreg.gather [hbm4b:s1+s16], $0x1, v4, vm0, $0x4038;
	[tilespmem:s28+$0x0] =	vst v5  }
0x58: {  	s2 =	sshrl.u32 s25, $0x3;
	s4 =	rddreg [dreg:$0x2]  }
0x59: {  	s0 =	sadd.s32 $0x8D0, s0;
	s2 =	sadd.s32 s4, s2  }
0x5a: {  	[tilespmem:s0], [sflag:$0x8] =	stream.linear.gather [hbm:s2], $0x190, $0x38;
	[tilespmem:$0xF30] =	vst v63  }
.LBB2_5:
0x5b: {  	p1 =	slt.u32 s24, $0x2  }
0x5c: {  	p2 =	sge.u32 @!p1 s24, s12  }
0x5d: {  	p1 =	por p1, p2  }
.Ltmp4:
0x5e: {  	_ = 	snop;
	(pc) =	sbr.rel @p1 .LBB2_9-.Ltmp4, $1  }
0x5f: {  	_ =	sdelay $0x3  }
0x60: {  	s0 =	sadd.s32 $0xFFFFFFFE, s24  }
0x61: {  	s2 =	smulhi.u32 $0xAAAAAAAB, s0;
	_ =	sdelay $0x1  }
0x62: {  	s2 =	sshrl.u32 s2, $0x1  }
0x63: {  	s2 =	smul.u32 $0x3, s2;
	_ =	sdelay $0x1  }
0x64: {  	s0 =	ssub.s32 s0, s2  }
0x65: {  	_ =	swait.ge [sflag:s8], $0x320;
	s0 =	smul.u32 $0x190, s0  }
0x66: {  	p1 =	sne.s32 s24, s11;
	[sflag:s8] =	ssyncset.done $0x0  }
0x67: {  	[sflag:s8] =	ssyncadd.s32 $0xFFFFFCE0;
	s2 =	sadd.s32 @!p1 $0x28F, s0  }
0x68: {  	[spmem:s13] =	stream.linear.scatter @!p1 [tilespmem:s2], [sflag:$0x1], $0x1, $0x38;
	[tilespmem:$0xF30] =	vst v63  }
0x69: {  	s2 =	simm.s32 @!p1 $0x1  }
0x6a: {  	_ =	swait.ge @!p1 [sflag:s2], $0x1  }
0x6b: {  	s4 =	sshll.u32 s24, $0x4;
	[sflag:s2] =	ssyncset.done @!p1 $0x0  }
0x6c: {  	s25 =	sand.u32 $0x10, s4;
	[sflag:s2] =	ssyncadd.s32 @!p1 $0xFFFFFFFF  }
0x6d: {  	s2 =	sxor.u32 $0x10, s25;
	v4 =	vld [tilespmem:s25+$0x10]  }
0x6e: {  	v5 =	vld [tilespmem:s2+$0x60]  }
0x6f: {  	v3 =	vld [tilespmem:$0x80];
	_ =	sdelay $0x2  }
0x70: {  	(v2sf) =	vpush v4, $0x0  }
0x71: {  	(v2sf) =	vpush v5, $0x0  }
0x72: {  	(v2sf) =	vpush v3, $0x0;
	_ =	sdelay $0xc  }
0x73: {  	s22 =	spop (v2sf)  }
0x74: {  	s28 =	spop (v2sf)  }
0x75: {  	s26 =	spop (v2sf)  }
0x76: {  	p2 =	seq.s32 s22, s28;
	p3 =	seq.s32 s26, s22  }
0x77: {  	p3 =	por p2, p3  }
0x78: {  	s22 =	sand.u32 $0x1, s24;
	v4 =	vpsel p3, $0xFFFFFFFF, v4  }
0x79: {  	s28 =	smul.u32 $0x190, s22;
	[tilespmem:s25+$0x10] =	vst.msk $0x1, v4  }
0x7a: {  	v4 =	vld [tilespmem:$0x30]  }
0x7b: {  	v5 =	vld [tilespmem:s28+$0x8D0]  }
0x7c: {  	v6 =	vld [tilespmem:s25+$0x40];
	_ =	sdelay $0x3  }
0x7d: {  	vm4 =	vmmov vm1;
	v5 =	vadd.f32 v5, v4  }
0x7e: {  	vm5 =	vmmov vm2;
	vm4 =	vmmov @p2 vm2;
	v4 =	vadd.f32 v6, v4  }
0x7f: {  	s4 =	sshll.u32 s22, $0x4;
	vm5 =	vmmov @p3 vm1;
	[tilespmem:s28+$0x8D0] =	vst.msk vm4, v5  }
0x80: {  	[tilespmem:s4+$0xF10] =	vst.msk vm5, v4  }
0x81: {  	v4 =	vld [tilespmem:s28+$0x730];
	_ =	sdelay $0x3  }
0x82: {  	v5 =	vimm.f32 $0.0e+00  }
0x83: {  	v4 =	vshift.insert v4, v5, s21  }
0x84: {  	s29 =	sor.u32 $0x40, s2  }
0x85: {  	[tilespmem:s29+$0x0] =	vst.msk $0x1, v4  }
0x86: {  	[tilespmem:s28+$0x73F] =	vst.msk $0x1, v5  }
0x87: {  	v4 =	vld [tilespmem:s0+$0x280];
	_ =	sdelay $0x1  }
0x88: {  	s29 =	smulhi.u32 $0xAAAAAAAB, s20;
	s0 =	simm.s32 $0x1  }
0x89: {  	s0 =	simm.s32 @!p0 $0x0  }
0x8a: {  	s29 =	sshrl.u32 s29, $0x1;
	s0 =	smul.u32 $0x640, s0  }
0x8b: {  	s29 =	smul.u32 $0xFFFFED40, s29;
	v4 =	vshift.insert v4, v1, s21  }
0x8c: {  	s0 =	sshrl.u32 s0, $0x2  }
0x8d: {  	s29 =	sshra.s32 s29, $0x2;
	s30 =	sadd.s32 $0x8D0, s0;
	[tilespmem:s2+$0x10] =	vst.msk $0x1, v4  }
0x8e: {  	s22 =	sadd.s32 s29, s19;
	v6 =	vld [tilespmem:s30+$0x0]  }
0x8f: {  	v7 =	vld [tilespmem:s22+$0x0];
	_ =	sdelay $0x3  }
0x90: {  	v5 =	vadd.f32 v6, v5  }
0x91: {  	vm4 =	vne.s32 v7, $0xFFFFFFFF  }
0x92: {  	(xrf2) =	vadd.seg.scan.f32 vm4, v5;
	_ =	sdelay $0x3  }
0x93: {  	s31 =	sadd.s32 $0x5B0, s0;
	v5 =	vperm.xlane v4, v1  }
0x94: {  	v6 =	vld [tilespmem:s31+$0x0]  }
0x95: {  	vm5 =	veq.s32 v7, v3;
	vm6 =	veq.s32 v7, v5  }
0x96: {  	vm7 =	vgt.u32 v7, $0xFFFFFFFD;
	vm6 =	vmor vm6, vm5  }
0x97: {  	vm6 =	vmor vm6, vm7  }
0x98: {  	v9 =	vld [tilespmem:$0xA0];
	v7 =	vsel vm6, $0xFFFFFFFF, v7  }
0x99: {  	v10 =	vld [tilespmem:$0x90];
	v6 =	vsel vm5, $0x0, v6;
	v8, _, _ =	vpop (xrf2)  }
0x9a: {  	v6 =	vadd.f32 v8, v6  }
0x9b: {  	s0 =	sadd.s32 $0xBF0, s0  }
0x9c: {  	vm4 =	vmand vm4, vm3;
	[tilespmem:s0+$0x0] =	vst v6;
	(ifvalue) =	ssetifvalue $0xFFFFFFFF  }
0x9d: {  	vm6 =	veq.s32 v9, $0x1;
	[hbm4b:s1+s16] =	stream.indirect_vreg.scatter [tilespmem:s0], [sflag:$0x2], $0x1, v7, vm0, $0x4038;
	v7 =	vsel vm4, $0x0, v8;
	[tilespmem:$0xF30] =	vst v63  }
0x9e: {  	s29 =	sadd.s32 $0xF10, s4;
	s4 =	sadd.s32 $0x10, s22;
	s2 =	simm.s32 $0x0;
	vm4 =	vmor vm6, vm5;
	v6 =	vsel vm5, v8, v10;
	v7 =	vshift.insert v7, v0, s21  }
.LBB2_7:
0x9f: {  	v8 =	vld [tilespmem:s4+$0x0];
	s30 =	sadd.s32 $0x10, s30  }
0xa0: {  	s31 =	sadd.s32 $0x10, s31;
	v9 =	vld [tilespmem:s30+$0x0]  }
0xa1: {  	s2 =	sadd.s32 $0x10, s2;
	v10 =	vld [tilespmem:s31+$0x0]  }
0xa2: {  	p2 =	slt.u32 s2, $0x180;
	_ =	sdelay $0x2  }
0xa3: {  	v7 =	vadd.f32 v9, v7  }
0xa4: {  	vm5 =	vne.s32 v8, $0xFFFFFFFF  }
0xa5: {  	vm6 =	vmand vm5, vm3;
	(xrf2) =	vadd.seg.scan.f32 vm5, v7;
	_ =	sdelay $0x5  }
0xa6: {  	vm7 =	veq.s32 v8, v5;
	vm5 =	veq.s32 v8, v3  }
0xa7: {  	vm8 =	vgt.u32 v8, $0xFFFFFFFD;
	vm4 =	vmor vm4, vm5;
	vm7 =	vmor vm7, vm5  }
0xa8: {  	vm7 =	vmor vm7, vm8  }
0xa9: {  	v8 =	vsel vm7, $0xFFFFFFFF, v8  }
.Ltmp5:
0xaa: {  	v7 =	vsel vm5, $0x0, v10;
	v9, _, _ =	vpop (xrf2);
	(pc) =	sbr.rel @p2 .LBB2_7-.Ltmp5, $4  }
0xab: {  	v6 =	vsel vm5, v9, v6;
	v10 =	vadd.f32 v9, v7;
	v7 =	vsel vm6, $0x0, v9  }
0xac: {  	s0 =	sadd.s32 $0x10, s0;
	v7 =	vshift.insert v7, v0, s21  }
0xad: {  	s4 =	sadd.s32 $0x10, s4;
	[tilespmem:s0+$0x0] =	vst v10;
	(ifvalue) =	ssetifvalue $0xFFFFFFFF  }
0xae: {  	[hbm4b:s1+s16] =	stream.indirect_vreg.scatter [tilespmem:s0], [sflag:$0x2], $0x1, v8, vm0, $0x4038;
	[tilespmem:$0xF30] =	vst v63  }
0xaf: {  	v3 =	vld [tilespmem:s28+$0xD70];
	_ =	sdelay $0x4  }
0xb0: {  	v3 =	vshift.insert v3, v0, s21  }
0xb1: {  	s0 =	simm.s32 $0x30  }
0xb2: {  	[tilespmem:s0+$0x0] =	vst.msk $0x1, v3  }
0xb3: {  	v3 =	vsel vm4, $0x1, v1;
	[tilespmem:$0x90] =	vst v6  }
0xb4: {  	s0 =	sadd.s32 @!p1 $0xD7F, s28;
	[tilespmem:$0xA0] =	vst v3  }
0xb5: {  	[spmem:s14] =	stream.linear.scatter @!p1 [tilespmem:s0], [sflag:$0x1], $0x1, $0x38;
	[tilespmem:$0xF30] =	vst v63  }
0xb6: {  	s0 =	simm.s32 @!p1 $0x1  }
0xb7: {  	v3 =	vmctz.xlane @!p1 vm4;
	_ =	swait.ge @!p1 [sflag:s0], $0x1  }
0xb8: {  	(v2sf) =	vpush @!p1 v4, $0x0  }
0xb9: {  	(v2sf) =	vpush @!p1 v3, $0x0;
	_ =	sdelay $0xd  }
0xba: {  	s2 =	spop @!p1 (v2sf)  }
0xbb: {  	s4 =	spop @!p1 (v2sf)  }
0xbc: {  	p2 =	sne.s32 @!p1 s26, s2;
	p3 =	slt.s32 @!p1 s4, $0xF  }
0xbd: {  	[sflag:s0] =	ssyncset.done @!p1 $0x0;
	p2 =	por p2, p1;
	p3 =	por !p3, p1  }
0xbe: {  	[sflag:s0] =	ssyncadd.s32 @!p1 $0xFFFFFFFF;
	v3 =	vimm.s32 @!p2 $0xFFFFFFFF;
	s4 =	simm.s32 @p3 $0xF  }
0xbf: {  	[tilespmem:$0x80] =	vst @!p2 v3;
	s2 =	sadd.s32 @!p1 $0x90, s4  }
0xc0: {  	[spmem:s10] =	stream.linear.scatter @!p1 [tilespmem:s2], [sflag:$0x1], $0x1, $0x38;
	[tilespmem:$0xF30] =	vst v63  }
0xc1: {  	_ =	swait.ge @!p1 [sflag:s0], $0x1  }
0xc2: {  	[sflag:s0] =	ssyncset.done @!p1 $0x0  }
0xc3: {  	s2 =	simm.s32 @!p1 $0x80;
	[sflag:s0] =	ssyncadd.s32 @!p1 $0xFFFFFFFF  }
0xc4: {  	[spmem:s15] =	stream.linear.scatter @!p1 [tilespmem:s2], [sflag:$0x1], $0x1, $0x38;
	[tilespmem:$0xF30] =	vst v63  }
0xc5: {  	_ =	swait.ge @!p1 [sflag:s0], $0x1  }
0xc6: {  	[sflag:s0] =	ssyncset.done @!p1 $0x0  }
0xc7: {  	[sflag:s0] =	ssyncadd.s32 @!p1 $0xFFFFFFFF;
	(ifvalue) =	ssetifvalue $0xFFFFFFFF;
	v3 =	vld [tilespmem:s25+$0x10];
	_ =	sdelay $0x3  }
.Ltmp6:
0xc8: {  	_ = 	snop;
	(pc) =	sbr.rel .LBB2_9-.Ltmp6, $3  }
0xc9: {  	_ =	sdelay $0x1  }
0xca: {  	(ifvalue) =	ssetifvalue $0xFFFFFFFF  }
0xcb: {  	[hbm4b:s1+s16] =	stream.indirect_vreg.scatter [tilespmem:s29], [sflag:$0x9], $0x1, v3, vm0, $0x4038;
	[tilespmem:$0xF30] =	vst v63  }
.LBB2_10:
0xcc: {  	_ =	sfence.sel $0x180000  }
0xcd: {  	s0 =	simm.s32 $0x7;
	[bflag:$0x0] =	sbarrier.arrive $0xFFFF  }
0xce: {  	s26 =	simm.s32 $0x8;
	[sflag:s0] =	ssyncpa.u1 $0x1  }
0xcf: {  	s28 =	simm.s32 $0x9;
	[sflag:s26] =	ssyncpa.u1 $0x1  }
0xd0: {  	[sflag:s28] =	ssyncpa.u1 $0x1  }
0xd1: {  	_ =	sfence.stream.spmem  }
0xd2: {  	s29 =	simm.s32 $0x3;
	[bflag:$0x0] =	sbarrier.arrive $0xFFFF  }
0xd3: {  	s30 =	simm.s32 $0x4;
	[sflag:s29] =	ssyncpa.u1 $0x1  }
0xd4: {  	s31 =	simm.s32 $0x3C;
	s2 =	stileid.u32;
	[sflag:s30] =	ssyncpa.u1 $0x1  }
0xd5: {  	p0 =	sne.s32 s2, $0x0;
	[sflag:s31] =	ssyncpa.u1 $0x1  }
0xd6: {  	s0 =	simm.s32 @p0 $0x1;
	_ =	sfence @p0  }
0xd7: {  	[sflag:s0] =	ssyncpa.u1 @p0 $0x1;
	s0 =	simm.s32 @p0 $0x2  }
0xd8: {  	[sflag:s0] =	ssyncpa.u1 @p0 $0x1  }
0xd9: {  	_ =	strace @p0 $0x90000056  }
0xda: {  	[bflag:$0x2] =	sbarrier.arrive @p0 $0xFFFF  }
0xdb: {  	_ =	shalt @p0  }
.LBB2_11:
0xdc: {  	_ =	sfence.stream.spmem;
	s0 =	simm.s32 $0x5  }
0xdd: {  	s2 =	simm.s32 $0x80;
	s3 =	simm.s32 $0xC0;
	[sflag:s0] =	ssyncpa.u1 $0x0  }
0xde: {  	[tilespmem:s3], [sflag:$0x5] =	stream.linear.gather [spmem:s2], $0x20, $0x38;
	[tilespmem:$0xF30] =	vst v63  }
0xdf: {  	s2 =	simm.s32 $0x0;
	s3 =	simm.s32 $0xE0  }
0xe0: {  	[tilespmem:s3], [sflag:$0x5] =	stream.linear.gather [spmem:s2], $0x20, $0x38;
	[tilespmem:$0xF30] =	vst v63  }
.Ltmp7:
0xe1: {  	_ = 	snop;
	(pc) =	sbr.rel .LBB2_12-.Ltmp7, $4  }
0xe2: {  	_ =	swait.ge [sflag:s0], $0x40  }
0xe3: {  	[sflag:s0] =	ssyncset.done $0x0  }
0xe4: {  	s31 =	simm.s32 $0x6;
	[sflag:s0] =	ssyncadd.s32 $0xFFFFFFC0  }
0xe5: {  	s4 =	simm.s32 $0x0;
	[sflag:s31] =	ssyncpa.u1 $0x0  }
.LBB2_17:
0xe6: {  	p0 =	sgt.u32 s5, $0x7F  }
0xe7: {  	s0 =	sshrl.u32 @!p0 s5, $0x3  }
0xe8: {  	s5 =	sand.u32 @!p0 $0x7, s5;
	s6 =	simm.s32 @!p0 $0xB0;
	s0 =	sadd.s32 @!p0 s1, s0  }
0xe9: {  	[tilespmem:s6], [sflag:$0x6] =	stream.linear.gather @!p0 [hbm4b:s0+s5], $0x1, $0x38;
	[tilespmem:$0xF30] =	vst v63  }
0xea: {  	s0 =	simm.s32 @!p0 $0x6  }
0xeb: {  	_ =	swait.ge @!p0 [sflag:s0], $0x1  }
0xec: {  	[sflag:s0] =	ssyncset.done @!p0 $0x0  }
0xed: {  	[sflag:s0] =	ssyncadd.s32 @!p0 $0xFFFFFFFF  }
0xee: {  	v2 =	vmov @!p0 s4;
	v1 =	vld.msk @!p0 [tilespmem:$0xB0], $0x1;
	_ =	sdelay $0x3  }
0xef: {  	s0 =	simm.s32 @!p0 $0xE0  }
0xf0: {  	[tilespmem:v2+s0+$0x0], v1 =	vst.idx.ret.add.f32.msk @!p0 $0x1, v1  }
0xf1: {  	[tilespmem:s2+$0xC0] =	vst.msk $0x1, v0  }
0xf2: {  	v0 =	vld.msk [tilespmem:s4+$0xE0], $0x1;
	_ =	sdelay $0x4  }
0xf3: {  	[tilespmem:s2+$0xE0] =	vst.msk $0x1, v0;
	s2 =	sadd.s32 $0x1, s2  }
.LBB2_19:
0xf4: {  	s4 =	sadd.s32 $0x1, s4  }
0xf5: {  	p0 =	sne.s32 s4, $0x20  }
.Ltmp8:
0xf6: {  	_ = 	snop;
	(pc) =	sbr.rel @!p0 .LBB2_20-.Ltmp8, $1  }
0xf7: {  	_ =	sdelay $0x3  }
.LBB2_12:
0xf8: {  	v0 =	vld.msk [tilespmem:s4+$0xC0], $0x1;
	_ =	sdelay $0x4  }
0xf9: {  	(v2sf) =	vpush v0, $0x0;
	_ =	sdelay $0xe  }
0xfa: {  	s5 =	spop (v2sf)  }
0xfb: {  	p0 =	seq.s32 s5, $0xFFFFFFFF  }
.Ltmp9:
0xfc: {  	_ = 	snop;
	(pc) =	sbr.rel @p0 .LBB2_19-.Ltmp9, $1  }
0xfd: {  	_ =	sdelay $0x3  }
0xfe: {  	p0 =	slt.s32 s2, $0x1  }
.Ltmp10:
0xff: {  	_ = 	snop;
	(pc) =	sbr.rel @p0 .LBB2_17-.Ltmp10, $1  }
0x100: {  	_ =	sdelay $0x3  }
0x101: {  	s0 =	simm.s32 $0xC0;
	p0 =	por $0x0, $0x0  }
0x102: {  	v1 =	vld.msk @!p0 [tilespmem:s0+$0x0], $0x1;
	_ =	sdelay $0x4  }
0x103: {  	(v2sf) =	vpush @!p0 v1, $0x0;
	_ =	sdelay $0xd  }
0x104: {  	p2 =	sne.s32 s2, $0x1  }
.Ltmp11:
0x105: {  	s6 =	spop @!p0 (v2sf);
	(pc) =	sbr.rel @!p2 .LBB2_16-.Ltmp11, $4  }
0x106: {  	p1 =	seq.s32 @!p0 s5, s6  }
0x107: {  	s6 =	simm.s32 $0x0;
	p1 =	por !p1, p0  }
0x108: {  	s8 =	simm.s32 $0xFFFFFFFF;
	s6 =	simm.s32 @p1 $0xFFFFFFFF  }
0x109: {  	s7 =	simm.s32 $0x1;
	s6 =	smov.u32 @p0 s8  }
.LBB2_15:
0x10a: {  	s8 =	smov.u32 s6;
	p0 =	sne.s32 s6, $0xFFFFFFFF  }
0x10b: {  	s0 =	sadd.s32 $0x1, s0;
	s6 =	smov.u32 s7;
	s7 =	sadd.s32 $0x1, s7  }
0x10c: {  	p1 =	sne.s32 s2, s7;
	v1 =	vld.msk @!p0 [tilespmem:s0+$0x0], $0x1;
	_ =	sdelay $0x4  }
0x10d: {  	(v2sf) =	vpush @!p0 v1, $0x0;
	_ =	sdelay $0xe  }
.Ltmp12:
0x10e: {  	s9 =	spop @!p0 (v2sf);
	(pc) =	sbr.rel @p1 .LBB2_15-.Ltmp12, $4  }
0x10f: {  	p2 =	seq.s32 @!p0 s5, s9  }
0x110: {  	p2 =	por !p2, p0  }
0x111: {  	s6 =	simm.s32 @p2 $0xFFFFFFFF  }
0x112: {  	s6 =	smov.u32 @p0 s8  }
.LBB2_16:
0x113: {  	p0 =	sne.s32 s6, $0xFFFFFFFF  }
.Ltmp13:
0x114: {  	_ = 	snop;
	(pc) =	sbr.rel @!p0 .LBB2_17-.Ltmp13, $1  }
0x115: {  	_ =	sdelay $0x3  }
0x116: {  	v0 =	vld.msk [tilespmem:s4+$0xE0], $0x1;
	v1 =	vmov s6  }
.Ltmp14:
0x117: {  	_ = 	snop;
	(pc) =	sbr.rel .LBB2_19-.Ltmp14, $2  }
0x118: {  	_ =	sdelay $0x2  }
0x119: {  	[tilespmem:v1+s3+$0x0], v0 =	vst.idx.ret.add.f32.msk $0x1, v0  }
.LBB2_20:
0x11a: {  	p0 =	slt.s32 s2, $0x1  }
.Ltmp15:
0x11b: {  	_ = 	snop;
	(pc) =	sbr.rel @p0 .LBB2_24-.Ltmp15, $3  }
0x11c: {  	_ =	sdelay $0x1  }
0x11d: {  	s0 =	simm.s32 $0x6  }
0x11e: {  	s3 =	simm.s32 $0x0;
	[sflag:s0] =	ssyncpa.u1 $0x1  }
0x11f: {  	s0 =	simm.s32 $0xC0  }
0x120: {  	v0 =	vld.msk [tilespmem:s0+$0x0], $0x1;
	_ =	sdelay $0x4  }
0x121: {  	(v2sf) =	vpush v0, $0x0;
	_ =	sdelay $0xe  }
0x122: {  	s2 =	sadd.s32 $0xFFFFFFFF, s2;
	s4 =	spop (v2sf)  }
0x123: {  	p1 =	sne.s32 s2, $0x0;
	p0 =	sgt.u32 s4, $0x7F  }
.Ltmp16:
0x124: {  	s5 =	sshrl.u32 @!p0 s4, $0x3;
	(pc) =	sbr.rel @!p1 .LBB2_23-.Ltmp16, $4  }
0x125: {  	s0 =	simm.s32 $0xE0;
	s4 =	sand.u32 @!p0 $0x7, s4;
	s5 =	sadd.s32 @!p0 s1, s5  }
0x126: {  	[hbm4b:s5+s4] =	stream.linear.scatter @!p0 [tilespmem:s0], [sflag:$0x5], $0x1, $0x38;
	[tilespmem:$0xF30] =	vst v63  }
0x127: {  	s5 =	simm.s32 $0x0  }
0x128: {  	s4 =	simm.s32 $0xC1;
	s5 =	simm.s32 @!p0 $0x4  }
.LBB2_22:
0x129: {  	v0 =	vld.msk [tilespmem:s4+$0x0], $0x1;
	s2 =	sadd.s32 $0xFFFFFFFF, s2;
	s3 =	sadd.s32 s3, s5  }
0x12a: {  	p0 =	sne.s32 s2, $0x0;
	_ =	sdelay $0x3  }
0x12b: {  	(v2sf) =	vpush v0, $0x0;
	_ =	sdelay $0xe  }
.Ltmp17:
0x12c: {  	s6 =	spop (v2sf);
	(pc) =	sbr.rel @p0 .LBB2_22-.Ltmp17, $4  }
0x12d: {  	s5 =	simm.s32 $0x0;
	p1 =	sgt.u32 s6, $0x7F  }
0x12e: {  	s0 =	sadd.s32 $0x1, s0;
	s5 =	simm.s32 @!p1 $0x4;
	s7 =	sshrl.u32 @!p1 s6, $0x3  }
0x12f: {  	s4 =	sadd.s32 $0x1, s4;
	s6 =	sand.u32 @!p1 $0x7, s6;
	s7 =	sadd.s32 @!p1 s1, s7  }
0x130: {  	[hbm4b:s7+s6] =	stream.linear.scatter @!p1 [tilespmem:s0], [sflag:$0x5], $0x1, $0x38;
	[tilespmem:$0xF30] =	vst v63  }
.LBB2_23:
0x131: {  	s0 =	sadd.s32 s3, s5  }
0x132: {  	s3 =	sshrl.u32 s0, $0x2  }
.LBB2_24:
0x133: {  	s0 =	simm.s32 $0x5  }
0x134: {  	_ =	swait.ge [sflag:s0], s3  }
0x135: {  	s1 =	ssub.s32 $0x0, s3;
	[sflag:s0] =	ssyncset.done $0x0  }
0x136: {  	[sflag:s0] =	ssyncadd.s32 s1  }
0x137: {  	[sflag:s0] =	ssyncpa.u1 $0x1  }
0x138: {  	s29 =	simm.s32 $0x1;
	_ =	sfence  }
0x139: {  	s30 =	simm.s32 $0x2;
	[sflag:s29] =	ssyncpa.u1 $0x1  }
0x13a: {  	[sflag:s30] =	ssyncpa.u1 $0x1  }
0x13b: {  	_ =	strace $0x90000056  }
0x13c: {  	[bflag:$0x2] =	sbarrier.arrive $0xFFFF  }
0x13d: {  	s31 =	rddreg [dreg:$0x3]  }
0x13e: {  	s0 =	sadd.s32 $0x100000, s31  }
0x13f: {  	[sflag:s0] =	ssyncadd.tile.s32 $0x1;
	_ =	shalt  }
.Lfunc_end2:
_tile_overlayer_lowered:
.L_overlay_start_2:
0x140: {  	(tag) =	ssettag $0x2  }
0x141: {  	s0 =	rddreg [dreg:$0x0];
	s2 =	stileid.u32  }
0x142: {  	s1 =	rddreg [dreg:$0x1];
	p0 =	sne.s32 s2, $0x0  }
0x143: {  	s3 =	rddreg [dreg:$0x2];
	[bflag:$0x3] =	sbarrier.arrive $0xFFFF;
	s2 =	simm.s32 @!p0 $0x1C01  }
0x144: {  	[timem:s3], [sflag:s2] =	dma.local @!p0 [hbm:s0], s1  }
0x145: {  	s0 =	simm.s32 @!p0 $0x1  }
0x146: {  	_ =	swait.ge @!p0 [sflag:s0], s1  }
0x147: {  	s1 =	ssub.s32 @!p0 $0x0, s1;
	[sflag:s0] =	ssyncset.done @!p0 $0x0  }
0x148: {  	[sflag:s0] =	ssyncadd.s32 @!p0 s1  }
0x149: {  	[bflag:$0x3] =	sbarrier.arrive $0xFFFF  }
0x14a: {  	_ =	shalt  }

// kernel: scatter_offload_async_start
scs
__scs_entry_jumppad:
0x0: {  	(pc) =	sbr.rel $0x88, $3  }
0x1: {  	(tag) =	ssettag $0x0;
	lr =	simm.s32 $0x1  }
0x2: {  	[smem:$0x3F81] =	sst lr;
	_ =	strace $0xD0000000  }
0x3: {  	_ = 	snop  }
0x4: {  	_ = 	snop  }
0x5: {  	_ = 	snop  }
0x6: {  	_ = 	snop  }
0x7: {  	_ = 	snop  }
__scs_overlays_trampoline_lowered:
0x8: {  	[smem:$0x3F90] =	sst s0  }
0x9: {  	[smem:$0x3F91] =	sst s1  }
0xa: {  	[smem:$0x3F92] =	sst s2  }
0xb: {  	[smem:$0x3F93] =	sst s3  }
0xc: {  	[smem:$0x3F94] =	sst s4  }
0xd: {  	[smem:$0x3F95] =	sst s5  }
0xe: {  	[smem:$0x3F96] =	sst s6  }
0xf: {  	[smem:$0x3F97] =	sst s7  }
0x10: {  	[smem:$0x3F98] =	sst s8  }
0x11: {  	[smem:$0x3F99] =	sst s9;
	s0 =	simm.s32 @!p0 $0x0  }
0x12: {  	s1 =	sld [smem:$0x3F7F];
	s0 =	simm.s32 @p0 $0x1  }
0x13: {  	[smem:$0x3F9A] =	sst s0;
	s0 =	simm.s32 @!p1 $0x0  }
0x14: {  	s2 =	sld [smem:$0x3F7E];
	s0 =	simm.s32 @p1 $0x1  }
0x15: {  	[smem:$0x3F9B] =	sst s0;
	s0 =	simm.s32 @!p2 $0x0  }
0x16: {  	s3 =	sld [smem:$0x3FDB];
	s0 =	simm.s32 @p2 $0x1  }
0x17: {  	s4 =	simm.s32 $0x1BF5;
	[smem:$0x3F9D] =	sst s0  }
0x18: {  	s0 =	sld [smem:$0x3F80];
	_ =	swait.ge [sflag:s4], $0x0  }
0x19: {  	s7 =	sld [smem:$0x3F81]  }
0x1a: {  	s8 =	sadd.s32 $0xFFFFE003, lr  }
0x1b: {  	s9 =	sadd.s32 $0xFFFFFEF7, lr;
	s5 =	simm.s32 $0xFFFFFFFF;
	p2 =	slt.u32 s8, $0xFFFFF086  }
0x1c: {  	p1 =	slt.u32 s9, $0xF7A;
	s5 =	simm.s32 @!p2 $0x0  }
0x1d: {  	s5 =	simm.s32 @p1 $0x1;
	p0 =	seq.s32 s7, s2  }
0x1e: {  	s7 =	smul.u32 @!p0 $0xF7A, s2;
	p2 =	seq.s32 @!p0 s5, $0x0  }
0x1f: {  	s9 =	smul.u32 $0xF7A, s1;
	s8 =	simm.s32 @!p0 $0x1BF5;
	p2 =	por !p2, p0  }
0x20: {  	[sflag:s8] =	ssyncset.s32 @!p0 $0xFFFFF086;
	s6 =	sadd.s32 @!p0 s3, s7;
	s7 =	simm.s32 @!p0 $0x108  }
0x21: {  	s3 =	sadd.s32 s3, s9;
	s6 =	sadd.s32 @!p0 $0x88, s6;
	s7 =	simm.s32 @p2 $0x1082  }
0x22: {  	[simem:s7], [sflag:s8] =	dma.local @!p0 [hbm:s6], $0xF7A  }
0x23: {  	s9 =	sor.u32 $0xD0000000, s2;
	s6 =	simm.s32 $0x108;
	_ =	swait.ge @!p0 [sflag:s8], $0x0  }
0x24: {  	s3 =	sadd.s32 $0x88, s3;
	s6 =	simm.s32 @!p1 $0x1082;
	[sflag:s4] =	ssyncset.s32 $0xFFFFF086  }
0x25: {  	[simem:s6], [sflag:s4] =	dma.local [hbm:s3], $0xF7A  }
0x26: {  	[smem:$0x3F81] =	sst s1;
	(tag) =	ssettag s2;
	_ =	strace s9  }
0x27: {  	s1 =	sld [smem:$0x3F91]  }
0x28: {  	s2 =	sld [smem:$0x3F92]  }
0x29: {  	s4 =	sld [smem:$0x3F94]  }
0x2a: {  	p0 =	seq.s32 s5, $0x0;
	s5 =	sld [smem:$0x3F95]  }
0x2b: {  	s6 =	sld [smem:$0x3F96]  }
0x2c: {  	s7 =	sld [smem:$0x3F97]  }
0x2d: {  	s3 =	simm.s32 $0x108;
	s8 =	sld [smem:$0x3F98]  }
0x2e: {  	s3 =	simm.s32 @!p0 $0x1082;
	s9 =	sld [smem:$0x3F99]  }
0x2f: {  	lr =	sadd.s32 s0, s3;
	s0 =	sld [smem:$0x3F90]  }
0x30: {  	s3 =	sld [smem:$0x3F93]  }
0x31: {  	[smem:$0x3F9C] =	sst s10  }
0x32: {  	s10 =	sld [smem:$0x3F9A];
	_ =	sdelay $0x3  }
0x33: {  	p0 =	seq.s32 s10, $0x1;
	s10 =	sld [smem:$0x3F9C];
	_ =	sdelay $0x3  }
0x34: {  	[smem:$0x3F9C] =	sst s10  }
0x35: {  	s10 =	sld [smem:$0x3F9B];
	_ =	sdelay $0x3  }
0x36: {  	p1 =	seq.s32 s10, $0x1;
	s10 =	sld [smem:$0x3F9C];
	_ =	sdelay $0x3  }
0x37: {  	[smem:$0x3F9C] =	sst s10  }
0x38: {  	s10 =	sld [smem:$0x3F9D]  }
0x39: {  	_ = 	snop;
	(pc) =	sbr.ind lr, $3  }
0x3a: {  	_ = 	snop  }
0x3b: {  	_ = 	snop  }
0x3c: {  	p2 =	seq.s32 s10, $0x1;
	s10 =	sld [smem:$0x3F9C]  }
0x3d: {  	_ =	shalt  }
0x3e: {  	_ =	shalt  }
0x3f: {  	_ =	shalt  }
0x40: {  	_ =	shalt  }
0x41: {  	_ =	shalt  }
0x42: {  	_ =	shalt  }
0x43: {  	_ =	shalt  }
0x44: {  	_ =	shalt  }
0x45: {  	_ =	shalt  }
0x46: {  	_ =	shalt  }
0x47: {  	_ =	shalt  }
0x48: {  	_ =	shalt  }
0x49: {  	_ =	shalt  }
0x4a: {  	_ =	shalt  }
0x4b: {  	_ =	shalt  }
0x4c: {  	_ =	shalt  }
0x4d: {  	_ =	shalt  }
0x4e: {  	_ =	shalt  }
0x4f: {  	_ =	shalt  }
0x50: {  	_ =	shalt  }
0x51: {  	_ =	shalt  }
0x52: {  	_ =	shalt  }
0x53: {  	_ =	shalt  }
0x54: {  	_ =	shalt  }
0x55: {  	_ =	shalt  }
0x56: {  	_ =	shalt  }
0x57: {  	_ =	shalt  }
0x58: {  	_ =	shalt  }
0x59: {  	_ =	shalt  }
0x5a: {  	_ =	shalt  }
0x5b: {  	_ =	shalt  }
0x5c: {  	_ =	shalt  }
0x5d: {  	_ =	shalt  }
0x5e: {  	_ =	shalt  }
0x5f: {  	_ =	shalt  }
0x60: {  	_ =	shalt  }
0x61: {  	_ =	shalt  }
0x62: {  	_ =	shalt  }
0x63: {  	_ =	shalt  }
0x64: {  	_ =	shalt  }
0x65: {  	_ =	shalt  }
0x66: {  	_ =	shalt  }
0x67: {  	_ =	shalt  }
0x68: {  	_ =	shalt  }
0x69: {  	_ =	shalt  }
0x6a: {  	_ =	shalt  }
0x6b: {  	_ =	shalt  }
0x6c: {  	_ =	shalt  }
0x6d: {  	_ =	shalt  }
0x6e: {  	_ =	shalt  }
0x6f: {  	_ =	shalt  }
0x70: {  	_ =	shalt  }
0x71: {  	_ =	shalt  }
0x72: {  	_ =	shalt  }
0x73: {  	_ =	shalt  }
0x74: {  	_ =	shalt  }
0x75: {  	_ =	shalt  }
0x76: {  	_ =	shalt  }
0x77: {  	_ =	shalt  }
0x78: {  	_ =	shalt  }
0x79: {  	_ =	shalt  }
0x7a: {  	_ =	shalt  }
0x7b: {  	_ =	shalt  }
0x7c: {  	_ =	shalt  }
0x7d: {  	_ =	shalt  }
0x7e: {  	_ =	shalt  }
0x7f: {  	_ =	shalt  }
0x80: {  	_ =	shalt  }
0x81: {  	_ =	shalt  }
0x82: {  	_ =	shalt  }
0x83: {  	_ =	shalt  }
0x84: {  	_ =	shalt  }
0x85: {  	_ =	shalt  }
0x86: {  	_ =	shalt  }
0x87: {  	_ =	shalt  }
.Lfunc_end0:
.L_simem_size_0:
called_computation_lowered:
.L_overlay_start_0:
0x88: {  	s0 =	sld [smem:$0x3FD9]  }
0x89: {  	s1 =	sld [smem:$0x3FFE];
	_ =	sdelay $0x3  }
0x8a: {  	s0 =	sadd.s32 s1, s0  }
0x8b: {  	[smem:$0x3FA8] =	sst s0  }
0x8c: {  	_ = 	snop  }
0x8d: {  	(tm) =	ssettm $0x1  }
0x8e: {  	s15 =	sld [smem:$0x3FFB];
	_ =	sdelay $0x3  }
0x8f: {  	_ =	strace s15  }
0x90: {  	s0 =	sld [smem:$0x3FFC];
	_ =	sdelay $0x3  }
0x91: {  	_ =	strace s0  }
0x92: {  	s0 =	sld [smem:$0x3FFD];
	_ =	sdelay $0x3  }
0x93: {  	_ =	strace s0  }
0x94: {  	_ =	strace $0x8FFFFFFF  }
0x95: {  	s16 =	sld [smem:$0x3FDB];
	_ =	sdelay $0x1  }
0x96: {  	s17 =	simm.s32 $_scs_section_size  }
0x97: {  	s2 =	simm.s32 $_size__tile_overlayer_lowered;
	s3 =	simm.s32 $_tile_overlayer_lowered  }
0x98: {  	s20 =	simm.s32 $0x1BFF;
	s19 =	sshll.u32 s3, $0x1;
	s0 =	sadd.s32 s17, s16  }
0x99: {  	s4 =	simm.s32 $0x0;
	s18 =	sshll.u32 s2, $0x1;
	s2 =	sadd.s32 s19, s0  }
0x9a: {  	[timem:s4], [sflag:s20] =	dma.local [hbm:s2], s18  }
0x9b: {  	_ =	swait.ge [sflag:s20], s18  }
0x9c: {  	s1 =	ssub.s32 $0x0, s18;
	[sflag:s20] =	ssyncset.done $0x0  }
0x9d: {  	[sflag:s20] =	ssyncadd.s32 s1;
	_ =	sdelay $0x1  }
0x9e: {  	s21 =	simm.s32 $0x1B8B  }
0x9f: {  	_ =	swait.ge [sflag:s21], $0x1  }
0xa0: {  	[sflag:s21] =	ssyncset.done $0x0  }
0xa1: {  	s23 =	simm.s32 $0x1B8E;
	s22 =	sld [smem:$0x3FFE];
	[sflag:s21] =	ssyncadd.s32 $0xFFFFFFFF  }
0xa2: {  	s24 =	simm.s32 $execute0_lowered;
	[smem:$0x3FD2] =	sst s23  }
0xa3: {  	s2 =	sshll.u32 s24, $0x1;
	_ =	strace $0x8000004C;
	[dreg:$0x1] =	wrdreg $0xFFFFFFFF  }
0xa4: {  	s25 =	simm.s32 $_size_execute0_lowered;
	s0 =	sadd.s32 s0, s2;
	[dreg:$0x0] =	wrdreg $0x0  }
0xa5: {  	s2 =	sshll.u32 s25, $0x1;
	[dreg:$0x2] =	wrdreg s0  }
0xa6: {  	[dreg:$0x3] =	wrdreg s2  }
0xa7: {  	[dreg:$0x4] =	wrdreg $0xC0  }
0xa8: {  	_ =	task [dreg:s4], $0x5FFFF  }
0xa9: {  	[dreg:$0x1] =	wrdreg $0xFFFFFFFF  }
0xaa: {  	[dreg:$0x0] =	wrdreg $0x60  }
0xab: {  	[dreg:$0x2] =	wrdreg s22  }
0xac: {  	[dreg:$0x3] =	wrdreg $0x9  }
0xad: {  	_ =	task.clear_ibuf [dreg:s4], $0x4FFFF;
	_ =	strace $0x9000004C  }
0xae: {  	s26 =	simm.s32 $0x9;
	_ =	strace $0x8000004E  }
0xaf: {  	_ =	swait.ge [sflag:s26], $0x1  }
0xb0: {  	[sflag:s26] =	ssyncadd.s32 $0xFFFFFFFF  }
0xb1: {  	_ =	strace $0x9000004E  }
0xb2: {  	_ =	sfence  }
0xb3: {  	s28 =	sld [smem:$0x0];
	_ =	sdelay $0x1  }
0xb4: {  	s29 =	srdreg.scid  }
0xb5: {  	s30 =	sshll.u32 s29, $0xD;
	s31 =	sshrl.u32 s29, $0x2  }
0xb6: {  	s1 =	sand.u32 $0x1, s29;
	s2 =	sand.u32 $0x4000, s30;
	s0 =	sadd.s32 s31, s28  }
0xb7: {  	s1 =	sor.u32 s2, s1;
	s0 =	sshll.u32 s0, $0x11  }
0xb8: {  	s0 =	sor.u32 s0, s1  }
0xb9: {  	s0 =	sadd.s32 $0x8F2B, s0  }
0xba: {  	[sflag:s0] =	ssyncadd.remote.s32 $0x1  }
0xbb: {  	_ =	sfence.sel $0xFFFF  }
0xbc: {  	[dreg:$0x0] =	wrdreg $0xFFFFFFFF;
	(pc) =	sbr.abs _section_cstart, $3  }
0xbd: {  	[dreg:$0x1] =	wrdreg $0xFFFFFFFF  }
0xbe: {  	_ =	task.clear_ibuf [dreg:s4], $0x2FFFF;
	_ =	strace $0x9FFFFFFF  }
0xbf: {  	(tm) =	ssettm $0x7FFFFFFF  }
tec
execute0_lowered:
.L_overlay_start_1:
0x0: {  	(tag) =	ssettag $0x1  }
0x1: {  	s7 =	rddreg [dreg:$0x0]  }
0x2: {  	s0 =	rddreg [dreg:$0x1];
	_ =	strace $0x8000004D  }
0x3: {  	s3 =	stileid.u32;
	s4 =	simm.s32 $0x3E;
	s1 =	sadd.s32 $0x3D200, s7  }
0x4: {  	p0 =	sne.s32 s3, $0x0;
	[sflag:s4] =	ssyncpa.u1 $0x0;
	s29 =	smin.u32 s3, $0x8  }
0x5: {  	s30 =	sshll.u32 s3, $0x1;
	s2 =	simm.s32 @!p0 $0x1C3E;
	s5 =	simm.s32 @!p0 $0x0  }
0x6: {  	[spmem:s5], [sflag:s2] =	dma.local @!p0 [hbm:s1], $0xA000  }
0x7: {  	s2 =	sadd.s32 s29, s30  }
0x8: {  	p1 =	slt.u32 s3, $0x8;
	s3 =	simm.s32 $0x5DC0;
	s2 =	smul.u32 $0x1F40, s2  }
0x9: {  	s3 =	simm.s32 @!p1 $0x3E80  }
0xa: {  	s3 =	sadd.s32 s3, s2  }
0xb: {  	s3 =	smin.u32 s3, $0x4E200  }
0xc: {  	s8 =	ssub.s32 s3, s2  }
0xd: {  	p1 =	sgt.s32 s8, $0x0  }
0xe: {  	s8 =	simm.s32 @!p1 $0x0  }
0xf: {  	s5 =	simm.s32 @!p0 $0x3E;
	s31 =	smulhi.u32 $0x10624DD3, s8  }
0x10: {  	_ =	swait.ge @!p0 [sflag:s5], $0xA000  }
0x11: {  	s6 =	simm.s32 $0x2;
	[sflag:s5] =	ssyncset.done @!p0 $0x0;
	s9 =	sshrl.u32 s31, $0x9  }
0x12: {  	s11 =	simm.s32 $0x0;
	[sflag:s5] =	ssyncadd.s32 @!p0 $0xFFFF6000;
	s10 =	smul.u32 $0x1F40, s9  }
.Ltmp0:
0x13: {  	s5 =	sadd.s32 $0x13C00, s7;
	[bflag:$0x0] =	sbarrier.arrive $0xFFFF;
	(pc) =	sbr.rel .LBB2_1-.Ltmp0, $4  }
0x14: {  	s7 =	sadd.s32 $0x9E00, s7;
	[sflag:s4] =	ssyncpa.u1 $0x1;
	s4 =	simm.s32 $0x1  }
0x15: {  	[sflag:s4] =	ssyncpa.u1 $0x0;
	p1 =	sne.s32 s8, s10;
	s8 =	simm.s32 $0x1  }
0x16: {  	(ifvalue) =	ssetifvalue $0x50000;
	[sflag:s6] =	ssyncpa.u1 $0x0;
	s8 =	simm.s32 @!p1 $0x0  }
0x17: {  	vm0 =	vmmov $0xffff;
	s10 =	smov.u32 s2;
	s8 =	sadd.s32 s8, s9;
	s9 =	simm.s32 $0x0  }
.LBB2_5:
0x18: {  	p2 =	sne.s32 s11, s8  }
.Ltmp1:
0x19: {  	_ = 	snop;
	(pc) =	sbr.rel @!p2 .LBB2_6-.Ltmp1, $4  }
0x1a: {  	_ = 	snop  }
0x1b: {  	s12 =	sadd.s32 $0x1F40, s10  }
0x1c: {  	s10 =	smov.u32 s2;
	s13 =	sadd.s32 $0x1, s11;
	p1 =	slt.s32 s12, s3  }
0x1d: {  	s11 =	smov.u32 s13;
	s10 =	smov.u32 @p1 s12  }
.LBB2_1:
0x1e: {  	p1 =	sge.u32 s11, s8  }
0x1f: {  	s12 =	sxor.u32 @!p1 $0xFFFFFFFF, s11  }
0x20: {  	s12 =	sand.u32 @!p1 $0x1, s12  }
0x21: {  	s12 =	smul.u32 @!p1 $0x1F40, s12  }
0x22: {  	s13 =	sshrl.u32 @!p1 s10, $0x3  }
0x23: {  	s16 =	sand.u32 @!p1 $0x7, s10;
	s14 =	sadd.s32 @!p1 s5, s13;
	s15 =	sadd.s32 @!p1 $0x5000, s12  }
0x24: {  	[tilespmem:s15], [sflag:$0x2] =	stream.linear.gather @!p1 [hbm4b:s14+s16], $0x1F40, $0x38;
	[tilespmem:$0xCD00] =	vst v63  }
0x25: {  	s13 =	sadd.s32 @!p1 s7, s13;
	s12 =	sadd.s32 @!p1 $0x8E80, s12  }
0x26: {  	[tilespmem:s12], [sflag:$0x2] =	stream.linear.gather @!p1 [hbm4b:s13+s16], $0x1F40, $0x38;
	[tilespmem:$0xCD00] =	vst v63  }
0x27: {  	p1 =	seq.s32 s11, $0x0  }
.Ltmp2:
0x28: {  	_ = 	snop;
	(pc) =	sbr.rel @p1 .LBB2_5-.Ltmp2, $1  }
0x29: {  	_ =	sdelay $0x3  }
0x2a: {  	s12 =	sand.u32 $0x1, s11  }
0x2b: {  	_ =	swait.ge [sflag:s6], $0x3E80;
	p1 =	seq.s32 s12, $0x1;
	s12 =	simm.s32 $0x1F40  }
0x2c: {  	[sflag:s6] =	ssyncset.done $0x0;
	s12 =	simm.s32 @!p1 $0x0  }
0x2d: {  	[sflag:s6] =	ssyncadd.s32 $0xFFFFC180;
	s14 =	sadd.s32 $0x5000, s12  }
0x2e: {  	v0 =	vld.msk [tilespmem:s14+$0x0 ss:$0x1], $0xffff;
	_ =	sdelay $0x4  }
0x2f: {  	v0 =	vmin.u32 v0, $0x50000;
	_ =	sdelay $0x3  }
0x30: {  	s13 =	simm.s32 $0x0;
	s12 =	sadd.s32 $0x8E80, s12;
	s14 =	sadd.s32 $0x10, s14  }
0x31: {  	[spmem:s9] =	stream.indirect_vreg.scatter.add.s32 [tilespmem:s12], [sflag:$0x1], $0x1, v0, vm0, $0x4038;
	[tilespmem:$0xCD00] =	vst v63  }
.LBB2_3:
0x32: {  	v0 =	vld.msk [tilespmem:s14+$0x0 ss:$0x1], $0xffff;
	s13 =	sadd.s32 $0x10, s13  }
0x33: {  	p1 =	slt.u32 s13, $0x1F30;
	_ =	sdelay $0x4  }
0x34: {  	v0 =	vmin.u32 v0, $0x50000  }
.Ltmp3:
0x35: {  	(pc) =	sbr.rel @p1 .LBB2_3-.Ltmp3, $3  }
0x36: {  	_ =	sdelay $0x1  }
0x37: {  	s14 =	sadd.s32 $0x10, s14;
	s12 =	sadd.s32 $0x10, s12  }
0x38: {  	[spmem:s9] =	stream.indirect_vreg.scatter.add.s32 [tilespmem:s12], [sflag:$0x1], $0x1, v0, vm0, $0x4038;
	[tilespmem:$0xCD00] =	vst v63  }
.Ltmp4:
0x39: {  	(pc) =	sbr.rel .LBB2_5-.Ltmp4, $4  }
0x3a: {  	_ = 	snop  }
0x3b: {  	_ =	swait.ge [sflag:s4], $0x1F40  }
0x3c: {  	[sflag:s4] =	ssyncset.done $0x0  }
0x3d: {  	[sflag:s4] =	ssyncadd.s32 $0xFFFFE0C0  }
.LBB2_6:
0x3e: {  	_ =	sfence.sel $0x180000  }
0x3f: {  	s2 =	simm.s32 $0x2;
	[bflag:$0x0] =	sbarrier.arrive $0xFFFF  }
0x40: {  	s30 =	simm.s32 $0x1;
	[sflag:s2] =	ssyncpa.u1 $0x1  }
0x41: {  	[sflag:s30] =	ssyncpa.u1 $0x1  }
0x42: {  	_ =	sfence.stream.spmem  }
0x43: {  	s31 =	simm.s32 $0x3D;
	[bflag:$0x0] =	sbarrier.arrive $0xFFFF  }
0x44: {  	s2 =	simm.s32 @p0 $0x3D;
	[sflag:s31] =	ssyncpa.u1 $0x0  }
0x45: {  	[sflag:s2] =	ssyncpa.u1 @p0 $0x1  }
0x46: {  	[bflag:$0x0] =	sbarrier.arrive @p0 $0xFFFF  }
0x47: {  	_ =	strace @p0 $0x9000004D  }
0x48: {  	s3 =	simm.s32 @!p0 $0x1C3D;
	s2 =	simm.s32 @!p0 $0x0;
	[bflag:$0x2] =	sbarrier.arrive @p0 $0xFFFF  }
0x49: {  	[hbm:s1], [sflag:s3] =	dma.local @!p0 [spmem:s2], $0xA000  }
0x4a: {  	s1 =	simm.s32 @!p0 $0x3D  }
0x4b: {  	_ =	swait.ge @!p0 [sflag:s1], $0xA000  }
0x4c: {  	[sflag:s1] =	ssyncset.done @!p0 $0x0  }
0x4d: {  	[sflag:s1] =	ssyncadd.s32 @!p0 $0xFFFF6000  }
0x4e: {  	[sflag:s1] =	ssyncpa.u1 @!p0 $0x1  }
0x4f: {  	[bflag:$0x0] =	sbarrier.arrive @!p0 $0xFFFF  }
0x50: {  	_ =	strace @!p0 $0x9000004D  }
0x51: {  	s0 =	sadd.s32 @!p0 $0x100000, s0;
	[bflag:$0x2] =	sbarrier.arrive @!p0 $0xFFFF  }
0x52: {  	[sflag:s0] =	ssyncadd.tile.s32 @!p0 $0x1;
	_ =	shalt  }
.Lfunc_end2:
_tile_overlayer_lowered:
.L_overlay_start_2:
0x53: {  	(tag) =	ssettag $0x2  }
0x54: {  	s0 =	rddreg [dreg:$0x0];
	s2 =	stileid.u32  }
0x55: {  	s1 =	rddreg [dreg:$0x1];
	p0 =	sne.s32 s2, $0x0  }
0x56: {  	s3 =	rddreg [dreg:$0x2];
	[bflag:$0x3] =	sbarrier.arrive $0xFFFF;
	s2 =	simm.s32 @!p0 $0x1C01  }
0x57: {  	[timem:s3], [sflag:s2] =	dma.local @!p0 [hbm:s0], s1  }
0x58: {  	s0 =	simm.s32 @!p0 $0x1  }
0x59: {  	_ =	swait.ge @!p0 [sflag:s0], s1  }
0x5a: {  	s1 =	ssub.s32 @!p0 $0x0, s1;
	[sflag:s0] =	ssyncset.done @!p0 $0x0  }
0x5b: {  	[sflag:s0] =	ssyncadd.s32 @!p0 s1  }
0x5c: {  	[bflag:$0x3] =	sbarrier.arrive $0xFFFF  }
0x5d: {  	_ =	shalt  }

</sc_bundles>
